<compile_context>
chip_gen: v7x
topology: tpu7x:2x2x1
jax: 0.10.2.dev20260603
libtpu: 0.0.44.dev20260713+nightly
codegen_flags: <defaults>
</compile_context>

<pallas_src>
import functools

import jax
import jax.numpy as jnp
from jax import lax
from jax.experimental import pallas as pl
from jax.experimental.pallas import tpu as pltpu
from jax.experimental.pallas import tpu_sc as plsc

H = 128
F = 4096
N = 16384
E = 262144
NC = 2
NS = 16
NW = NC * NS

CC = 64
BB = 256


def _sc_mesh():
    return plsc.VectorSubcoreMesh(core_axis_name="c", subcore_axis_name="s")



def _make_deg_kernel():
    EPW = E // NW
    RR = N // NS

    @functools.partial(
        pl.kernel,
        mesh=_sc_mesh(),
        out_type=jax.ShapeDtypeStruct((NC * N,), jnp.float32),
        scratch_types=[
            pltpu.VMEM((EPW,), jnp.int32),
            pltpu.VMEM((N,), jnp.float32),
            pltpu.VMEM((NS, RR), jnp.float32),
            pltpu.VMEM((RR,), jnp.float32),
            pltpu.VMEM_SHARED((NS, N), jnp.float32),
        ],
        compiler_params=pltpu.CompilerParams(needs_layout_passes=False),
    )
    def deg_kernel(dst_hbm, zeros_hbm, out_hbm, didx, hist, tmp16, accv, stage):
        cid = lax.axis_index("c")
        sid = lax.axis_index("s")
        wid = cid * NS + sid
        pltpu.sync_copy(zeros_hbm, hist)
        pltpu.sync_copy(dst_hbm.at[pl.ds(wid * EPW, EPW)], didx)
        ones = jnp.ones((16,), jnp.float32)

        def hbody(j, carry):
            dvec = didx[pl.ds(j * 16, 16)]
            plsc.addupdate_scatter(hist, [dvec], ones)
            return carry

        lax.fori_loop(0, EPW // 16, hbody, 0)
        pltpu.sync_copy(hist, stage.at[sid])
        plsc.subcore_barrier()
        pltpu.sync_copy(stage.at[:, pl.ds(sid * RR, RR)], tmp16)

        def rbody(j, carry):
            s = tmp16[0, pl.ds(j * 16, 16)]
            for k in range(1, NS):
                s = s + tmp16[k, pl.ds(j * 16, 16)]
            accv[pl.ds(j * 16, 16)] = s
            return carry

        lax.fori_loop(0, RR // 16, rbody, 0)
        pltpu.sync_copy(accv, out_hbm.at[pl.ds(cid * N + sid * RR, RR)])

    return deg_kernel



def _make_scatter_kernel(nchunk):
    EPW = E // NW
    RZ = N // NS
    NB = EPW // BB

    @functools.partial(
        pl.kernel,
        mesh=_sc_mesh(),
        out_type=tuple(
            jax.ShapeDtypeStruct((NC * N, CC), jnp.float32)
            for _ in range(nchunk)
        ),
        scratch_types=[
            pltpu.VMEM((EPW,), jnp.int32),
            pltpu.VMEM((EPW,), jnp.int32),
            pltpu.VMEM((BB,), jnp.int32),
            pltpu.VMEM((BB,), jnp.int32),
            pltpu.VMEM((BB,), jnp.int32),
            pltpu.VMEM((BB,), jnp.int32),
            pltpu.VMEM((BB, CC), jnp.float32),
            pltpu.VMEM((BB, CC), jnp.float32),
            pltpu.VMEM_SHARED((N, CC), jnp.float32),
            pltpu.SemaphoreType.DMA,
            pltpu.SemaphoreType.DMA,
            pltpu.SemaphoreType.DMA,
        ],
        compiler_params=pltpu.CompilerParams(use_tc_tiling_on_sc=False),
    )
    def scatter_kernel(*refs):
        tables = refs[:nchunk]
        src_hbm, dst_hbm, zrows = refs[nchunk:nchunk + 3]
        outs = refs[nchunk + 3:2 * nchunk + 3]
        (sall, dall, sidxa, didxa, sidxb, didxb,
         msga, msgb, acc, sema, semb, sems) = refs[2 * nchunk + 3:]
        cid = lax.axis_index("c")
        sid = lax.axis_index("s")
        ebase = (cid * NS + sid) * EPW
        pltpu.sync_copy(src_hbm.at[pl.ds(ebase, EPW)], sall)
        pltpu.sync_copy(dst_hbm.at[pl.ds(ebase, EPW)], dall)

        def copy_idx(base, sdst, ddst):
            for i in range(BB // 16):
                sdst[pl.ds(i * 16, 16)] = sall[pl.ds(base + i * 16, 16)]
                ddst[pl.ds(i * 16, 16)] = dall[pl.ds(base + i * 16, 16)]

        for c in range(nchunk):
            pltpu.sync_copy(zrows, acc.at[pl.ds(sid * RZ, RZ)])
            plsc.subcore_barrier()

            def body2(t, carry):
                copy_idx(2 * t * BB, sidxa, didxa)
                ga = pltpu.async_copy(tables[c].at[sidxa], msga, sema)
                copy_idx((2 * t + 1) * BB, sidxb, didxb)
                gb = pltpu.async_copy(tables[c].at[sidxb], msgb, semb)
                ga.wait()
                sa = pltpu.async_copy(msga, acc.at[didxa], sems, add=True)
                gb.wait()
                sb = pltpu.async_copy(msgb, acc.at[didxb], sems, add=True)
                sa.wait()
                sb.wait()
                return carry

            lax.fori_loop(0, NB // 2, body2, 0)
            plsc.subcore_barrier()
            pltpu.sync_copy(
                acc.at[pl.ds(sid * RZ, RZ)],
                outs[c].at[pl.ds(cid * N + sid * RZ, RZ)],
            )

    return scatter_kernel



RB = 2048
KB = 512
KS = F // KB


def _mm_body(x_ref, w_ref, h_ref, w1h_ref, dis_ref,
             p0, p1, p2, p3, m2_ref, acc_ref):
    k = pl.program_id(1)

    @pl.when(k == 0)
    def _():
        acc_ref[...] = jnp.zeros_like(acc_ref)

    acc_ref[...] += jnp.dot(x_ref[...].astype(jnp.bfloat16), w_ref[...],
                            preferred_element_type=jnp.float32)

    @pl.when(k == KS - 1)
    def _():
        dis = dis_ref[...]
        m1 = acc_ref[:, :2 * H] + jnp.dot(h_ref[...], w1h_ref[...],
                                          preferred_element_type=jnp.float32)
        ps1 = m1 * dis
        p0[...] = ps1[:, 0:64]
        p1[...] = ps1[:, 64:128]
        p2[...] = ps1[:, 128:192]
        p3[...] = ps1[:, 192:256]
        m2_ref[...] = acc_ref[:, 2 * H:] * dis


def _mm_call(x, wcat, h, w1h, dis):
    return pl.pallas_call(
        _mm_body,
        grid=(N // RB, KS),
        in_specs=[
            pl.BlockSpec((RB, KB), lambda i, k: (i, k)),
            pl.BlockSpec((KB, 3 * H), lambda i, k: (k, 0)),
            pl.BlockSpec((RB, H), lambda i, k: (i, 0)),
            pl.BlockSpec((H, 2 * H), lambda i, k: (0, 0)),
            pl.BlockSpec((RB, 1), lambda i, k: (i, 0)),
        ],
        out_specs=[pl.BlockSpec((RB, 64), lambda i, k: (i, 0))] * 4
        + [pl.BlockSpec((RB, H), lambda i, k: (i, 0))],
        out_shape=[jax.ShapeDtypeStruct((N, 64), jnp.float32)] * 4
        + [jax.ShapeDtypeStruct((N, H), jnp.float32)],
        scratch_shapes=[pltpu.VMEM((RB, 3 * H), jnp.float32)],
        compiler_params=pltpu.CompilerParams(
            dimension_semantics=("parallel", "arbitrary")),
    )(x, wcat, h, w1h, dis)



RG = 512


def _gate1_body(sa0, sa1, sa2, sa3, sb0, sb1, sb2, sb3,
                p0, p1, p2, p3, dis_ref, b1_ref, ru_ref):
    dis = dis_ref[...]
    sas = (sa0, sa1, sa2, sa3)
    sbs = (sb0, sb1, sb2, sb3)
    ps = (p0, p1, p2, p3)
    for c in range(4):
        q = (sas[c][...] + sbs[c][...] + ps[c][...]) * dis
        q = q + b1_ref[0, c * 64:(c + 1) * 64][None, :]
        ru_ref[:, c * 64:(c + 1) * 64] = jax.nn.sigmoid(q)


def _gate1_call(s1, ps1, dis, b1r):
    blk = pl.BlockSpec((RG, 64), lambda i: (i, 0))
    blk_hi = pl.BlockSpec((RG, 64), lambda i: (i + N // RG, 0))
    return pl.pallas_call(
        _gate1_body,
        grid=(N // RG,),
        in_specs=[blk] * 4 + [blk_hi] * 4 + [blk] * 4
        + [pl.BlockSpec((RG, 1), lambda i: (i, 0)),
           pl.BlockSpec((1, 2 * H), lambda i: (0, 0))],
        out_specs=pl.BlockSpec((RG, 2 * H), lambda i: (i, 0)),
        out_shape=jax.ShapeDtypeStruct((N, 2 * H), jnp.float32),
        compiler_params=pltpu.CompilerParams(
            dimension_semantics=("parallel",)),
    )(*s1, *s1, *ps1, dis, b1r)



def _mm2_body(r_ref, h_ref, w2h_ref, m2s_ref, dis_ref, q0_ref, q1_ref):
    rh = r_ref[...] * h_ref[...]
    prod = jnp.dot(rh, w2h_ref[...], preferred_element_type=jnp.float32)
    ps2 = m2s_ref[...] + prod * dis_ref[...]
    q0_ref[...] = ps2[:, :64]
    q1_ref[...] = ps2[:, 64:]


def _mm2_call(r, h, w2h, m2s, dis):
    return pl.pallas_call(
        _mm2_body,
        grid=(N // RG,),
        in_specs=[
            pl.BlockSpec((RG, H), lambda i: (i, 0)),
            pl.BlockSpec((RG, H), lambda i: (i, 0)),
            pl.BlockSpec((H, H), lambda i: (0, 0)),
            pl.BlockSpec((RG, H), lambda i: (i, 0)),
            pl.BlockSpec((RG, 1), lambda i: (i, 0)),
        ],
        out_specs=[pl.BlockSpec((RG, 64), lambda i: (i, 0))] * 2,
        out_shape=[jax.ShapeDtypeStruct((N, 64), jnp.float32)] * 2,
        compiler_params=pltpu.CompilerParams(
            dimension_semantics=("parallel",)),
    )(r, h, w2h, m2s, dis)



def _gate2_body(sa0, sa1, sb0, sb1, p0, p1, dis_ref, b2_ref,
                u_ref, h_ref, out_ref):
    dis = dis_ref[...]
    u = u_ref[...]
    h = h_ref[...]
    sas = (sa0, sa1)
    sbs = (sb0, sb1)
    ps = (p0, p1)
    for c in range(2):
        q = (sas[c][...] + sbs[c][...] + ps[c][...]) * dis
        q = q + b2_ref[0, c * 64:(c + 1) * 64][None, :]
        cv = jnp.tanh(q)
        lo, hi = c * 64, (c + 1) * 64
        out_ref[:, lo:hi] = u[:, lo:hi] * h[:, lo:hi] + (1.0 - u[:, lo:hi]) * cv


def _gate2_call(s2, ps2, dis, b2r, u, h):
    blk = pl.BlockSpec((RG, 64), lambda i: (i, 0))
    blk_hi = pl.BlockSpec((RG, 64), lambda i: (i + N // RG, 0))
    blkh = pl.BlockSpec((RG, H), lambda i: (i, 0))
    return pl.pallas_call(
        _gate2_body,
        grid=(N // RG,),
        in_specs=[blk] * 2 + [blk_hi] * 2 + [blk] * 2
        + [pl.BlockSpec((RG, 1), lambda i: (i, 0)),
           pl.BlockSpec((1, H), lambda i: (0, 0)),
           blkh, blkh],
        out_specs=pl.BlockSpec((RG, H), lambda i: (i, 0)),
        out_shape=jax.ShapeDtypeStruct((N, H), jnp.float32),
        compiler_params=pltpu.CompilerParams(
            dimension_semantics=("parallel",)),
    )(*s2, *s2, *ps2, dis, b2r, u, h)


_deg_call = _make_deg_kernel()
_scatter4_call = _make_scatter_kernel(4)
_scatter2_call = _make_scatter_kernel(2)


def kernel(x, edge_index, hidden_state, W1, b1, W2, b2):
    src = edge_index[0]
    dst = edge_index[1]
    W1x, W1h = W1[:F], W1[F:]
    W2x, W2h = W2[:F], W2[F:]
    wcat = jnp.concatenate([W1x, W2x], axis=1).astype(jnp.bfloat16)
    zeros_n = jnp.zeros((N,), jnp.float32)
    zrows = jnp.zeros((N // NS, CC), jnp.float32)

    degp = _deg_call(dst, zeros_n)
    deg = 1.0 + degp[:N] + degp[N:]
    dis = lax.rsqrt(deg).reshape(N, 1)

    ps1 = _mm_call(x, wcat, hidden_state, W1h, dis)
    ps1c, m2s = ps1[:4], ps1[4]

    s1 = _scatter4_call(*ps1c, src, dst, zrows)

    ru = _gate1_call(s1, ps1c, dis, b1.reshape(1, 2 * H))

    ru3 = ru.reshape(N // F, 2, (F // 2) * 2 * H)
    r = ru3[:, 0].reshape(N, H)
    u = ru3[:, 1].reshape(N, H)

    ps2c = _mm2_call(r, hidden_state, W2h, m2s, dis)
    s2 = _scatter2_call(*ps2c, src, dst, zrows)

    return _gate2_call(s2, ps2c, dis, b2.reshape(1, H), u, hidden_state)

# --- scband reference (transcript-rebuilt; emitter-appended) ---
"""Pipeline reference for scband-tgcncell-60352880443527 (READ-ONLY COPY).

The authoritative reference and input builder live on the scoring server;
editing this copy changes nothing except your own understanding.
"""

import jax, jax.numpy as jnp
import numpy as np

HIDDEN = 128
INPUT_SIZE = 4096  # args.input_size: doubles as per-graph num_nodes and node feature dim in this module
N_TOTAL = 16384    # batch of 4 graphs x 4096 nodes
N_EDGES = 262144


def setup_inputs(seed: int = 0) -> dict:
    key = jax.random.key(seed)
    k1, k2, k3, k4, k5 = jax.random.split(key, 5)
    x = jax.random.normal(k1, (N_TOTAL, INPUT_SIZE), dtype=jnp.float32)
    edge_index = jax.random.randint(k2, (2, N_EDGES), 0, N_TOTAL, dtype=jnp.int32)
    hidden_state = jax.random.normal(k3, (N_TOTAL, HIDDEN), dtype=jnp.float32)
    in_ch = HIDDEN + INPUT_SIZE
    W1 = jax.random.normal(k4, (in_ch, 2 * HIDDEN), dtype=jnp.float32) * (1.0 / np.sqrt(in_ch))
    b1 = jnp.ones((2 * HIDDEN,), dtype=jnp.float32)  # reset_parameters: bias constant 1.0
    W2 = jax.random.normal(k5, (in_ch, HIDDEN), dtype=jnp.float32) * (1.0 / np.sqrt(in_ch))
    b2 = jnp.zeros((HIDDEN,), dtype=jnp.float32)
    return {"x": x, "edge_index": edge_index, "hidden_state": hidden_state,
            "W1": W1, "b1": b1, "W2": W2, "b2": b2}


def gcn_conv(x, src, dst, W, b, n):
    # PyG GCNConv: add self-loops, symmetric deg^-1/2 normalization, XW then scatter-add
    h = x @ W
    loop = jnp.arange(n, dtype=src.dtype)
    s = jnp.concatenate([src, loop])
    d = jnp.concatenate([dst, loop])
    deg = jnp.zeros((n,), dtype=h.dtype).at[d].add(1.0)
    dis = jnp.where(deg > 0, 1.0 / jnp.sqrt(deg), 0.0)
    norm = dis[s] * dis[d]
    msg = h[s] * norm[:, None]
    out = jnp.zeros((n, h.shape[1]), dtype=h.dtype).at[d].add(msg)
    return out + b


def reference(x, edge_index, hidden_state, W1, b1, W2, b2):
    n = x.shape[0]
    src, dst = edge_index[0], edge_index[1]
    ru_input = jnp.concatenate([x, hidden_state], axis=1)
    ru = jax.nn.sigmoid(gcn_conv(ru_input, src, dst, W1, b1, n))
    ru2 = ru.reshape(-1, INPUT_SIZE * 2 * HIDDEN)
    r, u = jnp.split(ru2, 2, axis=1)
    r = r.reshape(-1, HIDDEN)
    u = u.reshape(-1, HIDDEN)
    c_input = jnp.concatenate([x, r * hidden_state], axis=1)
    c = jnp.tanh(gcn_conv(c_input, src, dst, W2, b2, n))
    new_hidden_state = u * hidden_state + (1.0 - u) * c
    return new_hidden_state

if __name__ == "__main__":
    import jax
    _d = setup_inputs()
    print(jax.jit(kernel)(*tuple(_d.values())))

</pallas_src>

<mosaic_0001>
#map = affine_map<(d0, d1) -> (0)>
module attributes {stable_mosaic.version = 14 : i64} {
  func.func @deg_kernel(%arg0: i32, %arg1: i32, %arg2: memref<262144xi32, #tpu.memory_space<hbm>>, %arg3: memref<16384xf32, #tpu.memory_space<hbm>>, %arg4: memref<32768xf32, #tpu.memory_space<hbm>>, %arg5: memref<8192xi32, #tpu.memory_space<vmem>>, %arg6: memref<16384xf32, #tpu.memory_space<vmem>>, %arg7: memref<16x1024xf32, #tpu.memory_space<vmem>>, %arg8: memref<1024xf32, #tpu.memory_space<vmem>>, %arg9: memref<16x16384xf32, #tpu.memory_space<vmem_shared>>) attributes {dimension_semantics = [#tpu.dimension_semantics<core_parallel>, #tpu.dimension_semantics<subcore_parallel>], iteration_bounds = array<i64: 2, 16>, scalar_prefetch = 0 : i64, scratch_operands = 5 : i64, tpu.core_type = #tpu.core_type<sc_vector_subcore>, window_params = [{transform_indices = #map}, {transform_indices = #map}, {transform_indices = #map}]} {
    %mul3A = arith.constant 16 : i32
    %mul3A_0 = arith.muli %arg0, %mul3A : i32
    %add3A = arith.addi %mul3A_0, %arg1 : i32
    "tpu.region"() ({
      %run_scoped3A = tpu.sem_alloc : memref<!tpu.dma_semaphore, #tpu.memory_space<semaphore_mem>>
      tpu.enqueue_dma source(%arg3 : memref<16384xf32, #tpu.memory_space<hbm>>) target(%arg6 : memref<16384xf32, #tpu.memory_space<vmem>>) target_semaphore(%run_scoped3A : memref<!tpu.dma_semaphore, #tpu.memory_space<semaphore_mem>>)
      tpu.wait_dma2 semaphore(%run_scoped3A : memref<!tpu.dma_semaphore, #tpu.memory_space<semaphore_mem>>) src(%arg3 : memref<16384xf32, #tpu.memory_space<hbm>>) dst(%arg6 : memref<16384xf32, #tpu.memory_space<vmem>>)
      tpu.yield
    }) : () -> ()
    %mul3A_1 = arith.constant 8192 : i32
    %mul3A_2 = arith.muli %add3A, %mul3A_1 : i32
    "tpu.region"() ({
      %run_scoped3A = tpu.sem_alloc : memref<!tpu.dma_semaphore, #tpu.memory_space<semaphore_mem>>
      %dma_start3A = tpu.memref_slice %arg2[%mul3A_2] : memref<262144xi32, #tpu.memory_space<hbm>> -> memref<8192xi32, #tpu.memory_space<hbm>>
      %dma_start3A_22 = tpu.memref_slice %arg2[%mul3A_2] : memref<262144xi32, #tpu.memory_space<hbm>> -> memref<8192xi32, #tpu.memory_space<hbm>>
      tpu.enqueue_dma source(%dma_start3A_22 : memref<8192xi32, #tpu.memory_space<hbm>>) target(%arg5 : memref<8192xi32, #tpu.memory_space<vmem>>) target_semaphore(%run_scoped3A : memref<!tpu.dma_semaphore, #tpu.memory_space<semaphore_mem>>)
      %dma_wait3A = tpu.memref_slice %arg2[%mul3A_2] : memref<262144xi32, #tpu.memory_space<hbm>> -> memref<8192xi32, #tpu.memory_space<hbm>>
      %dma_wait3A_23 = tpu.memref_slice %arg2[%mul3A_2] : memref<262144xi32, #tpu.memory_space<hbm>> -> memref<8192xi32, #tpu.memory_space<hbm>>
      tpu.wait_dma2 semaphore(%run_scoped3A : memref<!tpu.dma_semaphore, #tpu.memory_space<semaphore_mem>>) src(%dma_wait3A_23 : memref<8192xi32, #tpu.memory_space<hbm>>) dst(%arg5 : memref<8192xi32, #tpu.memory_space<vmem>>)
      tpu.yield
    }) : () -> ()
    %broadcast_in_dim3A = arith.constant 1.000000e+00 : f32
    %broadcast_in_dim3A_3 = vector.broadcast %broadcast_in_dim3A : f32 to vector<16xf32>
    %scan3A = arith.constant 0 : i32
    %scan3A_4 = arith.constant 0 : i32
    %scan3A_5 = arith.constant 512 : i32
    %scan3A_6 = arith.addi %scan3A_4, %scan3A_5 : i32
    %scan3A_7 = arith.constant 1 : i32
    scf.for %scan3A_22 = %scan3A_4 to %scan3A_6 step %scan3A_7  : i32 {
      %mul3A_23 = arith.constant 16 : i32
      %mul3A_24 = arith.muli %scan3A_22, %mul3A_23 : i32
      %get3A = arith.index_cast %mul3A_24 : i32 to index
      %get3A_25 = tpu.vector_load %arg5[%get3A] {strides = array<i32>} : memref<8192xi32, #tpu.memory_space<vmem>>, vector<16xi32>,
      tpu.vector_store_idx %arg6[%get3A_25], %broadcast_in_dim3A_3 {add = true} : memref<16384xf32, #tpu.memory_space<vmem>>[vector<16xi32>], vector<16xf32>,
    }
    %scan3A_8 = arith.constant 512 : i32
    "tpu.region"() ({
      %run_scoped3A = tpu.sem_alloc : memref<!tpu.dma_semaphore, #tpu.memory_space<semaphore_mem>>
      %dma_start3A = arith.constant 0 : i32
      %dma_start3A_22 = tpu.memref_slice %arg9[%arg1, %dma_start3A] : memref<16x16384xf32, #tpu.memory_space<vmem_shared>> -> memref<1x16384xf32, #tpu.memory_space<vmem_shared>>
      %dma_start3A_23 = tpu.memref_squeeze %dma_start3A_22 : memref<1x16384xf32, #tpu.memory_space<vmem_shared>> -> memref<16384xf32, #tpu.memory_space<vmem_shared>>
      %dma_start3A_24 = arith.constant 0 : i32
      %dma_start3A_25 = tpu.memref_slice %arg9[%arg1, %dma_start3A_24] : memref<16x16384xf32, #tpu.memory_space<vmem_shared>> -> memref<1x16384xf32, #tpu.memory_space<vmem_shared>>
      %dma_start3A_26 = tpu.memref_squeeze %dma_start3A_25 : memref<1x16384xf32, #tpu.memory_space<vmem_shared>> -> memref<16384xf32, #tpu.memory_space<vmem_shared>>
      tpu.enqueue_dma source(%arg6 : memref<16384xf32, #tpu.memory_space<vmem>>) target(%dma_start3A_26 : memref<16384xf32, #tpu.memory_space<vmem_shared>>) target_semaphore(%run_scoped3A : memref<!tpu.dma_semaphore, #tpu.memory_space<semaphore_mem>>)
      %dma_wait3A = arith.constant 0 : i32
      %dma_wait3A_27 = tpu.memref_slice %arg9[%arg1, %dma_wait3A] : memref<16x16384xf32, #tpu.memory_space<vmem_shared>> -> memref<1x16384xf32, #tpu.memory_space<vmem_shared>>
      %dma_wait3A_28 = tpu.memref_squeeze %dma_wait3A_27 : memref<1x16384xf32, #tpu.memory_space<vmem_shared>> -> memref<16384xf32, #tpu.memory_space<vmem_shared>>
      %dma_wait3A_29 = arith.constant 0 : i32
      %dma_wait3A_30 = tpu.memref_slice %arg9[%arg1, %dma_wait3A_29] : memref<16x16384xf32, #tpu.memory_space<vmem_shared>> -> memref<1x16384xf32, #tpu.memory_space<vmem_shared>>
      %dma_wait3A_31 = tpu.memref_squeeze %dma_wait3A_30 : memref<1x16384xf32, #tpu.memory_space<vmem_shared>> -> memref<16384xf32, #tpu.memory_space<vmem_shared>>
      tpu.wait_dma2 semaphore(%run_scoped3A : memref<!tpu.dma_semaphore, #tpu.memory_space<semaphore_mem>>) src(%arg6 : memref<16384xf32, #tpu.memory_space<vmem>>) dst(%dma_wait3A_31 : memref<16384xf32, #tpu.memory_space<vmem_shared>>)
      tpu.yield
    }) : () -> ()
    %barrier3A = arith.constant 0 : index
    tpu.barrier barrier_id(%barrier3A)
    %mul3A_9 = arith.constant 1024 : i32
    %mul3A_10 = arith.muli %arg1, %mul3A_9 : i32
    "tpu.region"() ({
      %run_scoped3A = tpu.sem_alloc : memref<!tpu.dma_semaphore, #tpu.memory_space<semaphore_mem>>
      %dma_start3A = arith.constant 0 : i32
      %dma_start3A_22 = tpu.memref_slice %arg9[%dma_start3A, %mul3A_10] : memref<16x16384xf32, #tpu.memory_space<vmem_shared>> -> memref<16x1024xf32, #tpu.memory_space<vmem_shared>>
      %dma_start3A_23 = arith.constant 0 : i32
      %dma_start3A_24 = tpu.memref_slice %arg9[%dma_start3A_23, %mul3A_10] : memref<16x16384xf32, #tpu.memory_space<vmem_shared>> -> memref<16x1024xf32, #tpu.memory_space<vmem_shared>>
      tpu.enqueue_dma source(%dma_start3A_24 : memref<16x1024xf32, #tpu.memory_space<vmem_shared>>) target(%arg7 : memref<16x1024xf32, #tpu.memory_space<vmem>>) target_semaphore(%run_scoped3A : memref<!tpu.dma_semaphore, #tpu.memory_space<semaphore_mem>>)
      %dma_wait3A = arith.constant 0 : i32
      %dma_wait3A_25 = tpu.memref_slice %arg9[%dma_wait3A, %mul3A_10] : memref<16x16384xf32, #tpu.memory_space<vmem_shared>> -> memref<16x1024xf32, #tpu.memory_space<vmem_shared>>
      %dma_wait3A_26 = arith.constant 0 : i32
      %dma_wait3A_27 = tpu.memref_slice %arg9[%dma_wait3A_26, %mul3A_10] : memref<16x16384xf32, #tpu.memory_space<vmem_shared>> -> memref<16x1024xf32, #tpu.memory_space<vmem_shared>>
      tpu.wait_dma2 semaphore(%run_scoped3A : memref<!tpu.dma_semaphore, #tpu.memory_space<semaphore_mem>>) src(%dma_wait3A_27 : memref<16x1024xf32, #tpu.memory_space<vmem_shared>>) dst(%arg7 : memref<16x1024xf32, #tpu.memory_space<vmem>>)
      tpu.yield
    }) : () -> ()
    %scan3A_11 = arith.constant 0 : i32
    %scan3A_12 = arith.constant 0 : i32
    %scan3A_13 = arith.constant 64 : i32
    %scan3A_14 = arith.addi %scan3A_12, %scan3A_13 : i32
    %scan3A_15 = arith.constant 1 : i32
    scf.for %scan3A_22 = %scan3A_12 to %scan3A_14 step %scan3A_15  : i32 {
      %mul3A_23 = arith.constant 16 : i32
      %mul3A_24 = arith.muli %scan3A_22, %mul3A_23 : i32
      %get3A = arith.constant 0 : i32
      %get3A_25 = arith.index_cast %get3A : i32 to index
      %get3A_26 = arith.index_cast %mul3A_24 : i32 to index
      %get3A_27 = tpu.vector_load %arg7[%get3A_25, %get3A_26] {strides = array<i32>} : memref<16x1024xf32, #tpu.memory_space<vmem>>, vector<16xf32>,
      %mul3A_28 = arith.constant 16 : i32
      %mul3A_29 = arith.muli %scan3A_22, %mul3A_28 : i32
      %get3A_30 = arith.constant 1 : i32
      %get3A_31 = arith.index_cast %get3A_30 : i32 to index
      %get3A_32 = arith.index_cast %mul3A_29 : i32 to index
      %get3A_33 = tpu.vector_load %arg7[%get3A_31, %get3A_32] {strides = array<i32>} : memref<16x1024xf32, #tpu.memory_space<vmem>>, vector<16xf32>,
      %add3A_34 = arith.addf %get3A_27, %get3A_33 : vector<16xf32>
      %mul3A_35 = arith.constant 16 : i32
      %mul3A_36 = arith.muli %scan3A_22, %mul3A_35 : i32
      %get3A_37 = arith.constant 2 : i32
      %get3A_38 = arith.index_cast %get3A_37 : i32 to index
      %get3A_39 = arith.index_cast %mul3A_36 : i32 to index
      %get3A_40 = tpu.vector_load %arg7[%get3A_38, %get3A_39] {strides = array<i32>} : memref<16x1024xf32, #tpu.memory_space<vmem>>, vector<16xf32>,
      %add3A_41 = arith.addf %add3A_34, %get3A_40 : vector<16xf32>
      %mul3A_42 = arith.constant 16 : i32
      %mul3A_43 = arith.muli %scan3A_22, %mul3A_42 : i32
      %get3A_44 = arith.constant 3 : i32
      %get3A_45 = arith.index_cast %get3A_44 : i32 to index
      %get3A_46 = arith.index_cast %mul3A_43 : i32 to index
      %get3A_47 = tpu.vector_load %arg7[%get3A_45, %get3A_46] {strides = array<i32>} : memref<16x1024xf32, #tpu.memory_space<vmem>>, vector<16xf32>,
      %add3A_48 = arith.addf %add3A_41, %get3A_47 : vector<16xf32>
      %mul3A_49 = arith.constant 16 : i32
      %mul3A_50 = arith.muli %scan3A_22, %mul3A_49 : i32
      %get3A_51 = arith.constant 4 : i32
      %get3A_52 = arith.index_cast %get3A_51 : i32 to index
      %get3A_53 = arith.index_cast %mul3A_50 : i32 to index
      %get3A_54 = tpu.vector_load %arg7[%get3A_52, %get3A_53] {strides = array<i32>} : memref<16x1024xf32, #tpu.memory_space<vmem>>, vector<16xf32>,
      %add3A_55 = arith.addf %add3A_48, %get3A_54 : vector<16xf32>
      %mul3A_56 = arith.constant 16 : i32
      %mul3A_57 = arith.muli %scan3A_22, %mul3A_56 : i32
      %get3A_58 = arith.constant 5 : i32
      %get3A_59 = arith.index_cast %get3A_58 : i32 to index
      %get3A_60 = arith.index_cast %mul3A_57 : i32 to index
      %get3A_61 = tpu.vector_load %arg7[%get3A_59, %get3A_60] {strides = array<i32>} : memref<16x1024xf32, #tpu.memory_space<vmem>>, vector<16xf32>,
      %add3A_62 = arith.addf %add3A_55, %get3A_61 : vector<16xf32>
      %mul3A_63 = arith.constant 16 : i32
      %mul3A_64 = arith.muli %scan3A_22, %mul3A_63 : i32
      %get3A_65 = arith.constant 6 : i32
      %get3A_66 = arith.index_cast %get3A_65 : i32 to index
      %get3A_67 = arith.index_cast %mul3A_64 : i32 to index
      %get3A_68 = tpu.vector_load %arg7[%get3A_66, %get3A_67] {strides = array<i32>} : memref<16x1024xf32, #tpu.memory_space<vmem>>, vector<16xf32>,
      %add3A_69 = arith.addf %add3A_62, %get3A_68 : vector<16xf32>
      %mul3A_70 = arith.constant 16 : i32
      %mul3A_71 = arith.muli %scan3A_22, %mul3A_70 : i32
      %get3A_72 = arith.constant 7 : i32
      %get3A_73 = arith.index_cast %get3A_72 : i32 to index
      %get3A_74 = arith.index_cast %mul3A_71 : i32 to index
      %get3A_75 = tpu.vector_load %arg7[%get3A_73, %get3A_74] {strides = array<i32>} : memref<16x1024xf32, #tpu.memory_space<vmem>>, vector<16xf32>,
      %add3A_76 = arith.addf %add3A_69, %get3A_75 : vector<16xf32>
      %mul3A_77 = arith.constant 16 : i32
      %mul3A_78 = arith.muli %scan3A_22, %mul3A_77 : i32
      %get3A_79 = arith.constant 8 : i32
      %get3A_80 = arith.index_cast %get3A_79 : i32 to index
      %get3A_81 = arith.index_cast %mul3A_78 : i32 to index
      %get3A_82 = tpu.vector_load %arg7[%get3A_80, %get3A_81] {strides = array<i32>} : memref<16x1024xf32, #tpu.memory_space<vmem>>, vector<16xf32>,
      %add3A_83 = arith.addf %add3A_76, %get3A_82 : vector<16xf32>
      %mul3A_84 = arith.constant 16 : i32
      %mul3A_85 = arith.muli %scan3A_22, %mul3A_84 : i32
      %get3A_86 = arith.constant 9 : i32
      %get3A_87 = arith.index_cast %get3A_86 : i32 to index
      %get3A_88 = arith.index_cast %mul3A_85 : i32 to index
      %get3A_89 = tpu.vector_load %arg7[%get3A_87, %get3A_88] {strides = array<i32>} : memref<16x1024xf32, #tpu.memory_space<vmem>>, vector<16xf32>,
      %add3A_90 = arith.addf %add3A_83, %get3A_89 : vector<16xf32>
      %mul3A_91 = arith.constant 16 : i32
      %mul3A_92 = arith.muli %scan3A_22, %mul3A_91 : i32
      %get3A_93 = arith.constant 10 : i32
      %get3A_94 = arith.index_cast %get3A_93 : i32 to index
      %get3A_95 = arith.index_cast %mul3A_92 : i32 to index
      %get3A_96 = tpu.vector_load %arg7[%get3A_94, %get3A_95] {strides = array<i32>} : memref<16x1024xf32, #tpu.memory_space<vmem>>, vector<16xf32>,
      %add3A_97 = arith.addf %add3A_90, %get3A_96 : vector<16xf32>
      %mul3A_98 = arith.constant 16 : i32
      %mul3A_99 = arith.muli %scan3A_22, %mul3A_98 : i32
      %get3A_100 = arith.constant 11 : i32
      %get3A_101 = arith.index_cast %get3A_100 : i32 to index
      %get3A_102 = arith.index_cast %mul3A_99 : i32 to index
      %get3A_103 = tpu.vector_load %arg7[%get3A_101, %get3A_102] {strides = array<i32>} : memref<16x1024xf32, #tpu.memory_space<vmem>>, vector<16xf32>,
      %add3A_104 = arith.addf %add3A_97, %get3A_103 : vector<16xf32>
      %mul3A_105 = arith.constant 16 : i32
      %mul3A_106 = arith.muli %scan3A_22, %mul3A_105 : i32
      %get3A_107 = arith.constant 12 : i32
      %get3A_108 = arith.index_cast %get3A_107 : i32 to index
      %get3A_109 = arith.index_cast %mul3A_106 : i32 to index
      %get3A_110 = tpu.vector_load %arg7[%get3A_108, %get3A_109] {strides = array<i32>} : memref<16x1024xf32, #tpu.memory_space<vmem>>, vector<16xf32>,
      %add3A_111 = arith.addf %add3A_104, %get3A_110 : vector<16xf32>
      %mul3A_112 = arith.constant 16 : i32
      %mul3A_113 = arith.muli %scan3A_22, %mul3A_112 : i32
      %get3A_114 = arith.constant 13 : i32
      %get3A_115 = arith.index_cast %get3A_114 : i32 to index
      %get3A_116 = arith.index_cast %mul3A_113 : i32 to index
      %get3A_117 = tpu.vector_load %arg7[%get3A_115, %get3A_116] {strides = array<i32>} : memref<16x1024xf32, #tpu.memory_space<vmem>>, vector<16xf32>,
      %add3A_118 = arith.addf %add3A_111, %get3A_117 : vector<16xf32>
      %mul3A_119 = arith.constant 16 : i32
      %mul3A_120 = arith.muli %scan3A_22, %mul3A_119 : i32
      %get3A_121 = arith.constant 14 : i32
      %get3A_122 = arith.index_cast %get3A_121 : i32 to index
      %get3A_123 = arith.index_cast %mul3A_120 : i32 to index
      %get3A_124 = tpu.vector_load %arg7[%get3A_122, %get3A_123] {strides = array<i32>} : memref<16x1024xf32, #tpu.memory_space<vmem>>, vector<16xf32>,
      %add3A_125 = arith.addf %add3A_118, %get3A_124 : vector<16xf32>
      %mul3A_126 = arith.constant 16 : i32
      %mul3A_127 = arith.muli %scan3A_22, %mul3A_126 : i32
      %get3A_128 = arith.constant 15 : i32
      %get3A_129 = arith.index_cast %get3A_128 : i32 to index
      %get3A_130 = arith.index_cast %mul3A_127 : i32 to index
      %get3A_131 = tpu.vector_load %arg7[%get3A_129, %get3A_130] {strides = array<i32>} : memref<16x1024xf32, #tpu.memory_space<vmem>>, vector<16xf32>,
      %add3A_132 = arith.addf %add3A_125, %get3A_131 : vector<16xf32>
      %mul3A_133 = arith.constant 16 : i32
      %mul3A_134 = arith.muli %scan3A_22, %mul3A_133 : i32
      %swap3A = arith.index_cast %mul3A_134 : i32 to index
      %swap3A_135 = tpu.vector_load %arg8[%swap3A] {strides = array<i32>} : memref<1024xf32, #tpu.memory_space<vmem>>, vector<16xf32>,
      tpu.vector_store %arg8[%swap3A], %add3A_132 {strides = array<i32>} : memref<1024xf32, #tpu.memory_space<vmem>>, vector<16xf32>,
    }
    %scan3A_16 = arith.constant 64 : i32
    %mul3A_17 = arith.constant 16384 : i32
    %mul3A_18 = arith.muli %arg0, %mul3A_17 : i32
    %mul3A_19 = arith.constant 1024 : i32
    %mul3A_20 = arith.muli %arg1, %mul3A_19 : i32
    %add3A_21 = arith.addi %mul3A_18, %mul3A_20 : i32
    "tpu.region"() ({
      %run_scoped3A = tpu.sem_alloc : memref<!tpu.dma_semaphore, #tpu.memory_space<semaphore_mem>>
      %dma_start3A = tpu.memref_slice %arg4[%add3A_21] : memref<32768xf32, #tpu.memory_space<hbm>> -> memref<1024xf32, #tpu.memory_space<hbm>>
      %dma_start3A_22 = tpu.memref_slice %arg4[%add3A_21] : memref<32768xf32, #tpu.memory_space<hbm>> -> memref<1024xf32, #tpu.memory_space<hbm>>
      tpu.enqueue_dma source(%arg8 : memref<1024xf32, #tpu.memory_space<vmem>>) target(%dma_start3A_22 : memref<1024xf32, #tpu.memory_space<hbm>>) target_semaphore(%run_scoped3A : memref<!tpu.dma_semaphore, #tpu.memory_space<semaphore_mem>>)
      %dma_wait3A = tpu.memref_slice %arg4[%add3A_21] : memref<32768xf32, #tpu.memory_space<hbm>> -> memref<1024xf32, #tpu.memory_space<hbm>>
      %dma_wait3A_23 = tpu.memref_slice %arg4[%add3A_21] : memref<32768xf32, #tpu.memory_space<hbm>> -> memref<1024xf32, #tpu.memory_space<hbm>>
      tpu.wait_dma2 semaphore(%run_scoped3A : memref<!tpu.dma_semaphore, #tpu.memory_space<semaphore_mem>>) src(%arg8 : memref<1024xf32, #tpu.memory_space<vmem>>) dst(%dma_wait3A_23 : memref<1024xf32, #tpu.memory_space<hbm>>)
      tpu.yield
    }) : () -> ()
    return
  }
}

#map = affine_map<(d0, d1) -> (0, 0)>
#map1 = affine_map<(d0, d1) -> (0)>
module attributes {stable_mosaic.version = 14 : i64} {
  func.func @scatter_kernel(%arg0: i32, %arg1: i32, %arg2: memref<16384x64xf32, #tpu.memory_space<hbm>>, %arg3: memref<16384x64xf32, #tpu.memory_space<hbm>>, %arg4: memref<16384x64xf32, #tpu.memory_space<hbm>>, %arg5: memref<16384x64xf32, #tpu.memory_space<hbm>>, %arg6: memref<262144xi32, #tpu.memory_space<hbm>>, %arg7: memref<262144xi32, #tpu.memory_space<hbm>>, %arg8: memref<1024x64xf32, #tpu.memory_space<hbm>>, %arg9: memref<32768x64xf32, #tpu.memory_space<hbm>>, %arg10: memref<32768x64xf32, #tpu.memory_space<hbm>>, %arg11: memref<32768x64xf32, #tpu.memory_space<hbm>>, %arg12: memref<32768x64xf32, #tpu.memory_space<hbm>>, %arg13: memref<8192xi32, #tpu.memory_space<vmem>>, %arg14: memref<8192xi32, #tpu.memory_space<vmem>>, %arg15: memref<256xi32, #tpu.memory_space<vmem>>, %arg16: memref<256xi32, #tpu.memory_space<vmem>>, %arg17: memref<256xi32, #tpu.memory_space<vmem>>, %arg18: memref<256xi32, #tpu.memory_space<vmem>>, %arg19: memref<256x64xf32, #tpu.memory_space<vmem>>, %arg20: memref<256x64xf32, #tpu.memory_space<vmem>>, %arg21: memref<16384x64xf32, #tpu.memory_space<vmem_shared>>, %arg22: memref<!tpu.dma_semaphore, #tpu.memory_space<semaphore_mem>>, %arg23: memref<!tpu.dma_semaphore, #tpu.memory_space<semaphore_mem>>, %arg24: memref<!tpu.dma_semaphore, #tpu.memory_space<semaphore_mem>>) attributes {dimension_semantics = [#tpu.dimension_semantics<core_parallel>, #tpu.dimension_semantics<subcore_parallel>], iteration_bounds = array<i64: 2, 16>, scalar_prefetch = 0 : i64, scratch_operands = 12 : i64, tpu.core_type = #tpu.core_type<sc_vector_subcore>, window_params = [{transform_indices = #map}, {transform_indices = #map}, {transform_indices = #map}, {transform_indices = #map}, {transform_indices = #map1}, {transform_indices = #map1}, {transform_indices = #map}, {transform_indices = #map}, {transform_indices = #map}, {transform_indices = #map}, {transform_indices = #map}]} {
    %mul3A = arith.constant 16 : i32
    %mul3A_0 = arith.muli %arg0, %mul3A : i32
    %add3A = arith.addi %mul3A_0, %arg1 : i32
    %mul3A_1 = arith.constant 8192 : i32
    %mul3A_2 = arith.muli %add3A, %mul3A_1 : i32
    "tpu.region"() ({
      %run_scoped3A = tpu.sem_alloc : memref<!tpu.dma_semaphore, #tpu.memory_space<semaphore_mem>>
      %dma_start3A = tpu.memref_slice %arg6[%mul3A_2] : memref<262144xi32, #tpu.memory_space<hbm>> -> memref<8192xi32, #tpu.memory_space<hbm>>
      %dma_start3A_69 = tpu.memref_slice %arg6[%mul3A_2] : memref<262144xi32, #tpu.memory_space<hbm>> -> memref<8192xi32, #tpu.memory_space<hbm>>
      tpu.enqueue_dma source(%dma_start3A_69 : memref<8192xi32, #tpu.memory_space<hbm>>) target(%arg13 : memref<8192xi32, #tpu.memory_space<vmem>>) target_semaphore(%run_scoped3A : memref<!tpu.dma_semaphore, #tpu.memory_space<semaphore_mem>>)
      %dma_wait3A = tpu.memref_slice %arg6[%mul3A_2] : memref<262144xi32, #tpu.memory_space<hbm>> -> memref<8192xi32, #tpu.memory_space<hbm>>
      %dma_wait3A_70 = tpu.memref_slice %arg6[%mul3A_2] : memref<262144xi32, #tpu.memory_space<hbm>> -> memref<8192xi32, #tpu.memory_space<hbm>>
      tpu.wait_dma2 semaphore(%run_scoped3A : memref<!tpu.dma_semaphore, #tpu.memory_space<semaphore_mem>>) src(%dma_wait3A_70 : memref<8192xi32, #tpu.memory_space<hbm>>) dst(%arg13 : memref<8192xi32, #tpu.memory_space<vmem>>)
      tpu.yield
    }) : () -> ()
    "tpu.region"() ({
      %run_scoped3A = tpu.sem_alloc : memref<!tpu.dma_semaphore, #tpu.memory_space<semaphore_mem>>
      %dma_start3A = tpu.memref_slice %arg7[%mul3A_2] : memref<262144xi32, #tpu.memory_space<hbm>> -> memref<8192xi32, #tpu.memory_space<hbm>>
      %dma_start3A_69 = tpu.memref_slice %arg7[%mul3A_2] : memref<262144xi32, #tpu.memory_space<hbm>> -> memref<8192xi32, #tpu.memory_space<hbm>>
      tpu.enqueue_dma source(%dma_start3A_69 : memref<8192xi32, #tpu.memory_space<hbm>>) target(%arg14 : memref<8192xi32, #tpu.memory_space<vmem>>) target_semaphore(%run_scoped3A : memref<!tpu.dma_semaphore, #tpu.memory_space<semaphore_mem>>)
      %dma_wait3A = tpu.memref_slice %arg7[%mul3A_2] : memref<262144xi32, #tpu.memory_space<hbm>> -> memref<8192xi32, #tpu.memory_space<hbm>>
      %dma_wait3A_70 = tpu.memref_slice %arg7[%mul3A_2] : memref<262144xi32, #tpu.memory_space<hbm>> -> memref<8192xi32, #tpu.memory_space<hbm>>
      tpu.wait_dma2 semaphore(%run_scoped3A : memref<!tpu.dma_semaphore, #tpu.memory_space<semaphore_mem>>) src(%dma_wait3A_70 : memref<8192xi32, #tpu.memory_space<hbm>>) dst(%arg14 : memref<8192xi32, #tpu.memory_space<vmem>>)
      tpu.yield
    }) : () -> ()
    %mul3A_3 = arith.constant 1024 : i32
    %mul3A_4 = arith.muli %arg1, %mul3A_3 : i32
    "tpu.region"() ({
      %run_scoped3A = tpu.sem_alloc : memref<!tpu.dma_semaphore, #tpu.memory_space<semaphore_mem>>
      %dma_start3A = arith.constant 0 : i32
      %dma_start3A_69 = tpu.memref_slice %arg21[%mul3A_4, %dma_start3A] : memref<16384x64xf32, #tpu.memory_space<vmem_shared>> -> memref<1024x64xf32, #tpu.memory_space<vmem_shared>>
      tpu.enqueue_dma source(%arg8 : memref<1024x64xf32, #tpu.memory_space<hbm>>) target(%dma_start3A_69 : memref<1024x64xf32, #tpu.memory_space<vmem_shared>>) target_semaphore(%run_scoped3A : memref<!tpu.dma_semaphore, #tpu.memory_space<semaphore_mem>>)
      %dma_wait3A = arith.constant 0 : i32
      %dma_wait3A_70 = tpu.memref_slice %arg21[%mul3A_4, %dma_wait3A] : memref<16384x64xf32, #tpu.memory_space<vmem_shared>> -> memref<1024x64xf32, #tpu.memory_space<vmem_shared>>
      tpu.wait_dma2 semaphore(%run_scoped3A : memref<!tpu.dma_semaphore, #tpu.memory_space<semaphore_mem>>) src(%arg8 : memref<1024x64xf32, #tpu.memory_space<hbm>>) dst(%dma_wait3A_70 : memref<1024x64xf32, #tpu.memory_space<vmem_shared>>)
      tpu.yield
    }) : () -> ()
    %barrier3A = arith.constant 0 : index
    tpu.barrier barrier_id(%barrier3A)
    %scan3A = arith.constant 0 : i32
    %scan3A_5 = arith.constant 0 : i32
    %scan3A_6 = arith.constant 16 : i32
    %scan3A_7 = arith.addi %scan3A_5, %scan3A_6 : i32
    %scan3A_8 = arith.constant 1 : i32
    scf.for %scan3A_69 = %scan3A_5 to %scan3A_7 step %scan3A_8  : i32 {
      %mul3A_70 = arith.constant 2 : i32
      %mul3A_71 = arith.muli %mul3A_70, %scan3A_69 : i32
      %mul3A_72 = arith.constant 256 : i32
      %mul3A_73 = arith.muli %mul3A_71, %mul3A_72 : i32
      %add3A_74 = arith.constant 0 : i32
      %add3A_75 = arith.addi %mul3A_73, %add3A_74 : i32
      %get3A = arith.index_cast %add3A_75 : i32 to index
      %get3A_76 = tpu.vector_load %arg13[%get3A] {strides = array<i32>} : memref<8192xi32, #tpu.memory_space<vmem>>, vector<16xi32>,
      %swap3A = arith.constant 0 : index
      %swap3A_77 = tpu.vector_load %arg15[%swap3A] {strides = array<i32>} : memref<256xi32, #tpu.memory_space<vmem>>, vector<16xi32>,
      %swap3A_78 = vector.shape_cast %swap3A_77 : vector<16xi32> to vector<16xi32>
      %swap3A_79 = vector.shape_cast %get3A_76 : vector<16xi32> to vector<16xi32>
      tpu.vector_store %arg15[%swap3A], %swap3A_79 {strides = array<i32>} : memref<256xi32, #tpu.memory_space<vmem>>, vector<16xi32>,
      %add3A_80 = arith.constant 0 : i32
      %add3A_81 = arith.addi %mul3A_73, %add3A_80 : i32
      %get3A_82 = arith.index_cast %add3A_81 : i32 to index
      %get3A_83 = tpu.vector_load %arg14[%get3A_82] {strides = array<i32>} : memref<8192xi32, #tpu.memory_space<vmem>>, vector<16xi32>,
      %swap3A_84 = arith.constant 0 : index
      %swap3A_85 = tpu.vector_load %arg16[%swap3A_84] {strides = array<i32>} : memref<256xi32, #tpu.memory_space<vmem>>, vector<16xi32>,
      %swap3A_86 = vector.shape_cast %swap3A_85 : vector<16xi32> to vector<16xi32>
      %swap3A_87 = vector.shape_cast %get3A_83 : vector<16xi32> to vector<16xi32>
      tpu.vector_store %arg16[%swap3A_84], %swap3A_87 {strides = array<i32>} : memref<256xi32, #tpu.memory_space<vmem>>, vector<16xi32>,
      %add3A_88 = arith.constant 16 : i32
      %add3A_89 = arith.addi %mul3A_73, %add3A_88 : i32
      %get3A_90 = arith.index_cast %add3A_89 : i32 to index
      %get3A_91 = tpu.vector_load %arg13[%get3A_90] {strides = array<i32>} : memref<8192xi32, #tpu.memory_space<vmem>>, vector<16xi32>,
      %swap3A_92 = arith.constant 16 : index
      %swap3A_93 = tpu.vector_load %arg15[%swap3A_92] {strides = array<i32>} : memref<256xi32, #tpu.memory_space<vmem>>, vector<16xi32>,
      %swap3A_94 = vector.shape_cast %swap3A_93 : vector<16xi32> to vector<16xi32>
      %swap3A_95 = vector.shape_cast %get3A_91 : vector<16xi32> to vector<16xi32>
      tpu.vector_store %arg15[%swap3A_92], %swap3A_95 {strides = array<i32>} : memref<256xi32, #tpu.memory_space<vmem>>, vector<16xi32>,
      %add3A_96 = arith.constant 16 : i32
      %add3A_97 = arith.addi %mul3A_73, %add3A_96 : i32
      %get3A_98 = arith.index_cast %add3A_97 : i32 to index
      %get3A_99 = tpu.vector_load %arg14[%get3A_98] {strides = array<i32>} : memref<8192xi32, #tpu.memory_space<vmem>>, vector<16xi32>,
      %swap3A_100 = arith.constant 16 : index
      %swap3A_101 = tpu.vector_load %arg16[%swap3A_100] {strides = array<i32>} : memref<256xi32, #tpu.memory_space<vmem>>, vector<16xi32>,
      %swap3A_102 = vector.shape_cast %swap3A_101 : vector<16xi32> to vector<16xi32>
      %swap3A_103 = vector.shape_cast %get3A_99 : vector<16xi32> to vector<16xi32>
      tpu.vector_store %arg16[%swap3A_100], %swap3A_103 {strides = array<i32>} : memref<256xi32, #tpu.memory_space<vmem>>, vector<16xi32>,
      %add3A_104 = arith.constant 32 : i32
      %add3A_105 = arith.addi %mul3A_73, %add3A_104 : i32
      %get3A_106 = arith.index_cast %add3A_105 : i32 to index
      %get3A_107 = tpu.vector_load %arg13[%get3A_106] {strides = array<i32>} : memref<8192xi32, #tpu.memory_space<vmem>>, vector<16xi32>,
      %swap3A_108 = arith.constant 32 : index
      %swap3A_109 = tpu.vector_load %arg15[%swap3A_108] {strides = array<i32>} : memref<256xi32, #tpu.memory_space<vmem>>, vector<16xi32>,
      %swap3A_110 = vector.shape_cast %swap3A_109 : vector<16xi32> to vector<16xi32>
      %swap3A_111 = vector.shape_cast %get3A_107 : vector<16xi32> to vector<16xi32>
      tpu.vector_store %arg15[%swap3A_108], %swap3A_111 {strides = array<i32>} : memref<256xi32, #tpu.memory_space<vmem>>, vector<16xi32>,
      %add3A_112 = arith.constant 32 : i32
      %add3A_113 = arith.addi %mul3A_73, %add3A_112 : i32
      %get3A_114 = arith.index_cast %add3A_113 : i32 to index
      %get3A_115 = tpu.vector_load %arg14[%get3A_114] {strides = array<i32>} : memref<8192xi32, #tpu.memory_space<vmem>>, vector<16xi32>,
      %swap3A_116 = arith.constant 32 : index
      %swap3A_117 = tpu.vector_load %arg16[%swap3A_116] {strides = array<i32>} : memref<256xi32, #tpu.memory_space<vmem>>, vector<16xi32>,
      %swap3A_118 = vector.shape_cast %swap3A_117 : vector<16xi32> to vector<16xi32>
      %swap3A_119 = vector.shape_cast %get3A_115 : vector<16xi32> to vector<16xi32>
      tpu.vector_store %arg16[%swap3A_116], %swap3A_119 {strides = array<i32>} : memref<256xi32, #tpu.memory_space<vmem>>, vector<16xi32>,
      %add3A_120 = arith.constant 48 : i32
      %add3A_121 = arith.addi %mul3A_73, %add3A_120 : i32
      %get3A_122 = arith.index_cast %add3A_121 : i32 to index
      %get3A_123 = tpu.vector_load %arg13[%get3A_122] {strides = array<i32>} : memref<8192xi32, #tpu.memory_space<vmem>>, vector<16xi32>,
      %swap3A_124 = arith.constant 48 : index
      %swap3A_125 = tpu.vector_load %arg15[%swap3A_124] {strides = array<i32>} : memref<256xi32, #tpu.memory_space<vmem>>, vector<16xi32>,
      %swap3A_126 = vector.shape_cast %swap3A_125 : vector<16xi32> to vector<16xi32>
      %swap3A_127 = vector.shape_cast %get3A_123 : vector<16xi32> to vector<16xi32>
      tpu.vector_store %arg15[%swap3A_124], %swap3A_127 {strides = array<i32>} : memref<256xi32, #tpu.memory_space<vmem>>, vector<16xi32>,
      %add3A_128 = arith.constant 48 : i32
      %add3A_129 = arith.addi %mul3A_73, %add3A_128 : i32
      %get3A_130 = arith.index_cast %add3A_129 : i32 to index
      %get3A_131 = tpu.vector_load %arg14[%get3A_130] {strides = array<i32>} : memref<8192xi32, #tpu.memory_space<vmem>>, vector<16xi32>,
      %swap3A_132 = arith.constant 48 : index
      %swap3A_133 = tpu.vector_load %arg16[%swap3A_132] {strides = array<i32>} : memref<256xi32, #tpu.memory_space<vmem>>, vector<16xi32>,
      %swap3A_134 = vector.shape_cast %swap3A_133 : vector<16xi32> to vector<16xi32>
      %swap3A_135 = vector.shape_cast %get3A_131 : vector<16xi32> to vector<16xi32>
      tpu.vector_store %arg16[%swap3A_132], %swap3A_135 {strides = array<i32>} : memref<256xi32, #tpu.memory_space<vmem>>, vector<16xi32>,
      %add3A_136 = arith.constant 64 : i32
      %add3A_137 = arith.addi %mul3A_73, %add3A_136 : i32
      %get3A_138 = arith.index_cast %add3A_137 : i32 to index
      %get3A_139 = tpu.vector_load %arg13[%get3A_138] {strides = array<i32>} : memref<8192xi32, #tpu.memory_space<vmem>>, vector<16xi32>,
      %swap3A_140 = arith.constant 64 : index
      %swap3A_141 = tpu.vector_load %arg15[%swap3A_140] {strides = array<i32>} : memref<256xi32, #tpu.memory_space<vmem>>, vector<16xi32>,
      %swap3A_142 = vector.shape_cast %swap3A_141 : vector<16xi32> to vector<16xi32>
      %swap3A_143 = vector.shape_cast %get3A_139 : vector<16xi32> to vector<16xi32>
      tpu.vector_store %arg15[%swap3A_140], %swap3A_143 {strides = array<i32>} : memref<256xi32, #tpu.memory_space<vmem>>, vector<16xi32>,
      %add3A_144 = arith.constant 64 : i32
      %add3A_145 = arith.addi %mul3A_73, %add3A_144 : i32
      %get3A_146 = arith.index_cast %add3A_145 : i32 to index
      %get3A_147 = tpu.vector_load %arg14[%get3A_146] {strides = array<i32>} : memref<8192xi32, #tpu.memory_space<vmem>>, vector<16xi32>,
      %swap3A_148 = arith.constant 64 : index
      %swap3A_149 = tpu.vector_load %arg16[%swap3A_148] {strides = array<i32>} : memref<256xi32, #tpu.memory_space<vmem>>, vector<16xi32>,
      %swap3A_150 = vector.shape_cast %swap3A_149 : vector<16xi32> to vector<16xi32>
      %swap3A_151 = vector.shape_cast %get3A_147 : vector<16xi32> to vector<16xi32>
      tpu.vector_store %arg16[%swap3A_148], %swap3A_151 {strides = array<i32>} : memref<256xi32, #tpu.memory_space<vmem>>, vector<16xi32>,
      %add3A_152 = arith.constant 80 : i32
      %add3A_153 = arith.addi %mul3A_73, %add3A_152 : i32
      %get3A_154 = arith.index_cast %add3A_153 : i32 to index
      %get3A_155 = tpu.vector_load %arg13[%get3A_154] {strides = array<i32>} : memref<8192xi32, #tpu.memory_space<vmem>>, vector<16xi32>,
      %swap3A_156 = arith.constant 80 : index
      %swap3A_157 = tpu.vector_load %arg15[%swap3A_156] {strides = array<i32>} : memref<256xi32, #tpu.memory_space<vmem>>, vector<16xi32>,
      %swap3A_158 = vector.shape_cast %swap3A_157 : vector<16xi32> to vector<16xi32>
      %swap3A_159 = vector.shape_cast %get3A_155 : vector<16xi32> to vector<16xi32>
      tpu.vector_store %arg15[%swap3A_156], %swap3A_159 {strides = array<i32>} : memref<256xi32, #tpu.memory_space<vmem>>, vector<16xi32>,
      %add3A_160 = arith.constant 80 : i32
      %add3A_161 = arith.addi %mul3A_73, %add3A_160 : i32
      %get3A_162 = arith.index_cast %add3A_161 : i32 to index
      %get3A_163 = tpu.vector_load %arg14[%get3A_162] {strides = array<i32>} : memref<8192xi32, #tpu.memory_space<vmem>>, vector<16xi32>,
      %swap3A_164 = arith.constant 80 : index
      %swap3A_165 = tpu.vector_load %arg16[%swap3A_164] {strides = array<i32>} : memref<256xi32, #tpu.memory_space<vmem>>, vector<16xi32>,
      %swap3A_166 = vector.shape_cast %swap3A_165 : vector<16xi32> to vector<16xi32>
      %swap3A_167 = vector.shape_cast %get3A_163 : vector<16xi32> to vector<16xi32>
      tpu.vector_store %arg16[%swap3A_164], %swap3A_167 {strides = array<i32>} : memref<256xi32, #tpu.memory_space<vmem>>, vector<16xi32>,
      %add3A_168 = arith.constant 96 : i32
      %add3A_169 = arith.addi %mul3A_73, %add3A_168 : i32
      %get3A_170 = arith.index_cast %add3A_169 : i32 to index
      %get3A_171 = tpu.vector_load %arg13[%get3A_170] {strides = array<i32>} : memref<8192xi32, #tpu.memory_space<vmem>>, vector<16xi32>,
      %swap3A_172 = arith.constant 96 : index
      %swap3A_173 = tpu.vector_load %arg15[%swap3A_172] {strides = array<i32>} : memref<256xi32, #tpu.memory_space<vmem>>, vector<16xi32>,
      %swap3A_174 = vector.shape_cast %swap3A_173 : vector<16xi32> to vector<16xi32>
      %swap3A_175 = vector.shape_cast %get3A_171 : vector<16xi32> to vector<16xi32>
      tpu.vector_store %arg15[%swap3A_172], %swap3A_175 {strides = array<i32>} : memref<256xi32, #tpu.memory_space<vmem>>, vector<16xi32>,
      %add3A_176 = arith.constant 96 : i32
      %add3A_177 = arith.addi %mul3A_73, %add3A_176 : i32
      %get3A_178 = arith.index_cast %add3A_177 : i32 to index
      %get3A_179 = tpu.vector_load %arg14[%get3A_178] {strides = array<i32>} : memref<8192xi32, #tpu.memory_space<vmem>>, vector<16xi32>,
      %swap3A_180 = arith.constant 96 : index
      %swap3A_181 = tpu.vector_load %arg16[%swap3A_180] {strides = array<i32>} : memref<256xi32, #tpu.memory_space<vmem>>, vector<16xi32>,
      %swap3A_182 = vector.shape_cast %swap3A_181 : vector<16xi32> to vector<16xi32>
      %swap3A_183 = vector.shape_cast %get3A_179 : vector<16xi32> to vector<16xi32>
      tpu.vector_store %arg16[%swap3A_180], %swap3A_183 {strides = array<i32>} : memref<256xi32, #tpu.memory_space<vmem>>, vector<16xi32>,
      %add3A_184 = arith.constant 112 : i32
      %add3A_185 = arith.addi %mul3A_73, %add3A_184 : i32
      %get3A_186 = arith.index_cast %add3A_185 : i32 to index
      %get3A_187 = tpu.vector_load %arg13[%get3A_186] {strides = array<i32>} : memref<8192xi32, #tpu.memory_space<vmem>>, vector<16xi32>,
      %swap3A_188 = arith.constant 112 : index
      %swap3A_189 = tpu.vector_load %arg15[%swap3A_188] {strides = array<i32>} : memref<256xi32, #tpu.memory_space<vmem>>, vector<16xi32>,
      %swap3A_190 = vector.shape_cast %swap3A_189 : vector<16xi32> to vector<16xi32>
      %swap3A_191 = vector.shape_cast %get3A_187 : vector<16xi32> to vector<16xi32>
      tpu.vector_store %arg15[%swap3A_188], %swap3A_191 {strides = array<i32>} : memref<256xi32, #tpu.memory_space<vmem>>, vector<16xi32>,
      %add3A_192 = arith.constant 112 : i32
      %add3A_193 = arith.addi %mul3A_73, %add3A_192 : i32
      %get3A_194 = arith.index_cast %add3A_193 : i32 to index
      %get3A_195 = tpu.vector_load %arg14[%get3A_194] {strides = array<i32>} : memref<8192xi32, #tpu.memory_space<vmem>>, vector<16xi32>,
      %swap3A_196 = arith.constant 112 : index
      %swap3A_197 = tpu.vector_load %arg16[%swap3A_196] {strides = array<i32>} : memref<256xi32, #tpu.memory_space<vmem>>, vector<16xi32>,
      %swap3A_198 = vector.shape_cast %swap3A_197 : vector<16xi32> to vector<16xi32>
      %swap3A_199 = vector.shape_cast %get3A_195 : vector<16xi32> to vector<16xi32>
      tpu.vector_store %arg16[%swap3A_196], %swap3A_199 {strides = array<i32>} : memref<256xi32, #tpu.memory_space<vmem>>, vector<16xi32>,
      %add3A_200 = arith.constant 128 : i32
      %add3A_201 = arith.addi %mul3A_73, %add3A_200 : i32
      %get3A_202 = arith.index_cast %add3A_201 : i32 to index
      %get3A_203 = tpu.vector_load %arg13[%get3A_202] {strides = array<i32>} : memref<8192xi32, #tpu.memory_space<vmem>>, vector<16xi32>,
      %swap3A_204 = arith.constant 128 : index
      %swap3A_205 = tpu.vector_load %arg15[%swap3A_204] {strides = array<i32>} : memref<256xi32, #tpu.memory_space<vmem>>, vector<16xi32>,
      %swap3A_206 = vector.shape_cast %swap3A_205 : vector<16xi32> to vector<16xi32>
      %swap3A_207 = vector.shape_cast %get3A_203 : vector<16xi32> to vector<16xi32>
      tpu.vector_store %arg15[%swap3A_204], %swap3A_207 {strides = array<i32>} : memref<256xi32, #tpu.memory_space<vmem>>, vector<16xi32>,
      %add3A_208 = arith.constant 128 : i32
      %add3A_209 = arith.addi %mul3A_73, %add3A_208 : i32
      %get3A_210 = arith.index_cast %add3A_209 : i32 to index
      %get3A_211 = tpu.vector_load %arg14[%get3A_210] {strides = array<i32>} : memref<8192xi32, #tpu.memory_space<vmem>>, vector<16xi32>,
      %swap3A_212 = arith.constant 128 : index
      %swap3A_213 = tpu.vector_load %arg16[%swap3A_212] {strides = array<i32>} : memref<256xi32, #tpu.memory_space<vmem>>, vector<16xi32>,
      %swap3A_214 = vector.shape_cast %swap3A_213 : vector<16xi32> to vector<16xi32>
      %swap3A_215 = vector.shape_cast %get3A_211 : vector<16xi32> to vector<16xi32>
      tpu.vector_store %arg16[%swap3A_212], %swap3A_215 {strides = array<i32>} : memref<256xi32, #tpu.memory_space<vmem>>, vector<16xi32>,
      %add3A_216 = arith.constant 144 : i32
      %add3A_217 = arith.addi %mul3A_73, %add3A_216 : i32
      %get3A_218 = arith.index_cast %add3A_217 : i32 to index
      %get3A_219 = tpu.vector_load %arg13[%get3A_218] {strides = array<i32>} : memref<8192xi32, #tpu.memory_space<vmem>>, vector<16xi32>,
      %swap3A_220 = arith.constant 144 : index
      %swap3A_221 = tpu.vector_load %arg15[%swap3A_220] {strides = array<i32>} : memref<256xi32, #tpu.memory_space<vmem>>, vector<16xi32>,
      %swap3A_222 = vector.shape_cast %swap3A_221 : vector<16xi32> to vector<16xi32>
      %swap3A_223 = vector.shape_cast %get3A_219 : vector<16xi32> to vector<16xi32>
      tpu.vector_store %arg15[%swap3A_220], %swap3A_223 {strides = array<i32>} : memref<256xi32, #tpu.memory_space<vmem>>, vector<16xi32>,
      %add3A_224 = arith.constant 144 : i32
      %add3A_225 = arith.addi %mul3A_73, %add3A_224 : i32
      %get3A_226 = arith.index_cast %add3A_225 : i32 to index
      %get3A_227 = tpu.vector_load %arg14[%get3A_226] {strides = array<i32>} : memref<8192xi32, #tpu.memory_space<vmem>>, vector<16xi32>,
      %swap3A_228 = arith.constant 144 : index
      %swap3A_229 = tpu.vector_load %arg16[%swap3A_228] {strides = array<i32>} : memref<256xi32, #tpu.memory_space<vmem>>, vector<16xi32>,
      %swap3A_230 = vector.shape_cast %swap3A_229 : vector<16xi32> to vector<16xi32>
      %swap3A_231 = vector.shape_cast %get3A_227 : vector<16xi32> to vector<16xi32>
      tpu.vector_store %arg16[%swap3A_228], %swap3A_231 {strides = array<i32>} : memref<256xi32, #tpu.memory_space<vmem>>, vector<16xi32>,
      %add3A_232 = arith.constant 160 : i32
      %add3A_233 = arith.addi %mul3A_73, %add3A_232 : i32
      %get3A_234 = arith.index_cast %add3A_233 : i32 to index
      %get3A_235 = tpu.vector_load %arg13[%get3A_234] {strides = array<i32>} : memref<8192xi32, #tpu.memory_space<vmem>>, vector<16xi32>,
      %swap3A_236 = arith.constant 160 : index
      %swap3A_237 = tpu.vector_load %arg15[%swap3A_236] {strides = array<i32>} : memref<256xi32, #tpu.memory_space<vmem>>, vector<16xi32>,
      %swap3A_238 = vector.shape_cast %swap3A_237 : vector<16xi32> to vector<16xi32>
      %swap3A_239 = vector.shape_cast %get3A_235 : vector<16xi32> to vector<16xi32>
      tpu.vector_store %arg15[%swap3A_236], %swap3A_239 {strides = array<i32>} : memref<256xi32, #tpu.memory_space<vmem>>, vector<16xi32>,
      %add3A_240 = arith.constant 160 : i32
      %add3A_241 = arith.addi %mul3A_73, %add3A_240 : i32
      %get3A_242 = arith.index_cast %add3A_241 : i32 to index
      %get3A_243 = tpu.vector_load %arg14[%get3A_242] {strides = array<i32>} : memref<8192xi32, #tpu.memory_space<vmem>>, vector<16xi32>,
      %swap3A_244 = arith.constant 160 : index
      %swap3A_245 = tpu.vector_load %arg16[%swap3A_244] {strides = array<i32>} : memref<256xi32, #tpu.memory_space<vmem>>, vector<16xi32>,
      %swap3A_246 = vector.shape_cast %swap3A_245 : vector<16xi32> to vector<16xi32>
      %swap3A_247 = vector.shape_cast %get3A_243 : vector<16xi32> to vector<16xi32>
      tpu.vector_store %arg16[%swap3A_244], %swap3A_247 {strides = array<i32>} : memref<256xi32, #tpu.memory_space<vmem>>, vector<16xi32>,
      %add3A_248 = arith.constant 176 : i32
      %add3A_249 = arith.addi %mul3A_73, %add3A_248 : i32
      %get3A_250 = arith.index_cast %add3A_249 : i32 to index
      %get3A_251 = tpu.vector_load %arg13[%get3A_250] {strides = array<i32>} : memref<8192xi32, #tpu.memory_space<vmem>>, vector<16xi32>,
      %swap3A_252 = arith.constant 176 : index
      %swap3A_253 = tpu.vector_load %arg15[%swap3A_252] {strides = array<i32>} : memref<256xi32, #tpu.memory_space<vmem>>, vector<16xi32>,
      %swap3A_254 = vector.shape_cast %swap3A_253 : vector<16xi32> to vector<16xi32>
      %swap3A_255 = vector.shape_cast %get3A_251 : vector<16xi32> to vector<16xi32>
      tpu.vector_store %arg15[%swap3A_252], %swap3A_255 {strides = array<i32>} : memref<256xi32, #tpu.memory_space<vmem>>, vector<16xi32>,
      %add3A_256 = arith.constant 176 : i32
      %add3A_257 = arith.addi %mul3A_73, %add3A_256 : i32
      %get3A_258 = arith.index_cast %add3A_257 : i32 to index
      %get3A_259 = tpu.vector_load %arg14[%get3A_258] {strides = array<i32>} : memref<8192xi32, #tpu.memory_space<vmem>>, vector<16xi32>,
      %swap3A_260 = arith.constant 176 : index
      %swap3A_261 = tpu.vector_load %arg16[%swap3A_260] {strides = array<i32>} : memref<256xi32, #tpu.memory_space<vmem>>, vector<16xi32>,
      %swap3A_262 = vector.shape_cast %swap3A_261 : vector<16xi32> to vector<16xi32>
      %swap3A_263 = vector.shape_cast %get3A_259 : vector<16xi32> to vector<16xi32>
      tpu.vector_store %arg16[%swap3A_260], %swap3A_263 {strides = array<i32>} : memref<256xi32, #tpu.memory_space<vmem>>, vector<16xi32>,
      %add3A_264 = arith.constant 192 : i32
      %add3A_265 = arith.addi %mul3A_73, %add3A_264 : i32
      %get3A_266 = arith.index_cast %add3A_265 : i32 to index
      %get3A_267 = tpu.vector_load %arg13[%get3A_266] {strides = array<i32>} : memref<8192xi32, #tpu.memory_space<vmem>>, vector<16xi32>,
      %swap3A_268 = arith.constant 192 : index
      %swap3A_269 = tpu.vector_load %arg15[%swap3A_268] {strides = array<i32>} : memref<256xi32, #tpu.memory_space<vmem>>, vector<16xi32>,
      %swap3A_270 = vector.shape_cast %swap3A_269 : vector<16xi32> to vector<16xi32>
      %swap3A_271 = vector.shape_cast %get3A_267 : vector<16xi32> to vector<16xi32>
      tpu.vector_store %arg15[%swap3A_268], %swap3A_271 {strides = array<i32>} : memref<256xi32, #tpu.memory_space<vmem>>, vector<16xi32>,
      %add3A_272 = arith.constant 192 : i32
      %add3A_273 = arith.addi %mul3A_73, %add3A_272 : i32
      %get3A_274 = arith.index_cast %add3A_273 : i32 to index
      %get3A_275 = tpu.vector_load %arg14[%get3A_274] {strides = array<i32>} : memref<8192xi32, #tpu.memory_space<vmem>>, vector<16xi32>,
      %swap3A_276 = arith.constant 192 : index
      %swap3A_277 = tpu.vector_load %arg16[%swap3A_276] {strides = array<i32>} : memref<256xi32, #tpu.memory_space<vmem>>, vector<16xi32>,
      %swap3A_278 = vector.shape_cast %swap3A_277 : vector<16xi32> to vector<16xi32>
      %swap3A_279 = vector.shape_cast %get3A_275 : vector<16xi32> to vector<16xi32>
      tpu.vector_store %arg16[%swap3A_276], %swap3A_279 {strides = array<i32>} : memref<256xi32, #tpu.memory_space<vmem>>, vector<16xi32>,
      %add3A_280 = arith.constant 208 : i32
      %add3A_281 = arith.addi %mul3A_73, %add3A_280 : i32
      %get3A_282 = arith.index_cast %add3A_281 : i32 to index
      %get3A_283 = tpu.vector_load %arg13[%get3A_282] {strides = array<i32>} : memref<8192xi32, #tpu.memory_space<vmem>>, vector<16xi32>,
      %swap3A_284 = arith.constant 208 : index
      %swap3A_285 = tpu.vector_load %arg15[%swap3A_284] {strides = array<i32>} : memref<256xi32, #tpu.memory_space<vmem>>, vector<16xi32>,
      %swap3A_286 = vector.shape_cast %swap3A_285 : vector<16xi32> to vector<16xi32>
      %swap3A_287 = vector.shape_cast %get3A_283 : vector<16xi32> to vector<16xi32>
      tpu.vector_store %arg15[%swap3A_284], %swap3A_287 {strides = array<i32>} : memref<256xi32, #tpu.memory_space<vmem>>, vector<16xi32>,
      %add3A_288 = arith.constant 208 : i32
      %add3A_289 = arith.addi %mul3A_73, %add3A_288 : i32
      %get3A_290 = arith.index_cast %add3A_289 : i32 to index
      %get3A_291 = tpu.vector_load %arg14[%get3A_290] {strides = array<i32>} : memref<8192xi32, #tpu.memory_space<vmem>>, vector<16xi32>,
      %swap3A_292 = arith.constant 208 : index
      %swap3A_293 = tpu.vector_load %arg16[%swap3A_292] {strides = array<i32>} : memref<256xi32, #tpu.memory_space<vmem>>, vector<16xi32>,
      %swap3A_294 = vector.shape_cast %swap3A_293 : vector<16xi32> to vector<16xi32>
      %swap3A_295 = vector.shape_cast %get3A_291 : vector<16xi32> to vector<16xi32>
      tpu.vector_store %arg16[%swap3A_292], %swap3A_295 {strides = array<i32>} : memref<256xi32, #tpu.memory_space<vmem>>, vector<16xi32>,
      %add3A_296 = arith.constant 224 : i32
      %add3A_297 = arith.addi %mul3A_73, %add3A_296 : i32
      %get3A_298 = arith.index_cast %add3A_297 : i32 to index
      %get3A_299 = tpu.vector_load %arg13[%get3A_298] {strides = array<i32>} : memref<8192xi32, #tpu.memory_space<vmem>>, vector<16xi32>,
      %swap3A_300 = arith.constant 224 : index
      %swap3A_301 = tpu.vector_load %arg15[%swap3A_300] {strides = array<i32>} : memref<256xi32, #tpu.memory_space<vmem>>, vector<16xi32>,
      %swap3A_302 = vector.shape_cast %swap3A_301 : vector<16xi32> to vector<16xi32>
      %swap3A_303 = vector.shape_cast %get3A_299 : vector<16xi32> to vector<16xi32>
      tpu.vector_store %arg15[%swap3A_300], %swap3A_303 {strides = array<i32>} : memref<256xi32, #tpu.memory_space<vmem>>, vector<16xi32>,
      %add3A_304 = arith.constant 224 : i32
      %add3A_305 = arith.addi %mul3A_73, %add3A_304 : i32
      %get3A_306 = arith.index_cast %add3A_305 : i32 to index
      %get3A_307 = tpu.vector_load %arg14[%get3A_306] {strides = array<i32>} : memref<8192xi32, #tpu.memory_space<vmem>>, vector<16xi32>,
      %swap3A_308 = arith.constant 224 : index
      %swap3A_309 = tpu.vector_load %arg16[%swap3A_308] {strides = array<i32>} : memref<256xi32, #tpu.memory_space<vmem>>, vector<16xi32>,
      %swap3A_310 = vector.shape_cast %swap3A_309 : vector<16xi32> to vector<16xi32>
      %swap3A_311 = vector.shape_cast %get3A_307 : vector<16xi32> to vector<16xi32>
      tpu.vector_store %arg16[%swap3A_308], %swap3A_311 {strides = array<i32>} : memref<256xi32, #tpu.memory_space<vmem>>, vector<16xi32>,
      %add3A_312 = arith.constant 240 : i32
      %add3A_313 = arith.addi %mul3A_73, %add3A_312 : i32
      %get3A_314 = arith.index_cast %add3A_313 : i32 to index
      %get3A_315 = tpu.vector_load %arg13[%get3A_314] {strides = array<i32>} : memref<8192xi32, #tpu.memory_space<vmem>>, vector<16xi32>,
      %swap3A_316 = arith.constant 240 : index
      %swap3A_317 = tpu.vector_load %arg15[%swap3A_316] {strides = array<i32>} : memref<256xi32, #tpu.memory_space<vmem>>, vector<16xi32>,
      %swap3A_318 = vector.shape_cast %swap3A_317 : vector<16xi32> to vector<16xi32>
      %swap3A_319 = vector.shape_cast %get3A_315 : vector<16xi32> to vector<16xi32>
      tpu.vector_store %arg15[%swap3A_316], %swap3A_319 {strides = array<i32>} : memref<256xi32, #tpu.memory_space<vmem>>, vector<16xi32>,
      %add3A_320 = arith.constant 240 : i32
      %add3A_321 = arith.addi %mul3A_73, %add3A_320 : i32
      %get3A_322 = arith.index_cast %add3A_321 : i32 to index
      %get3A_323 = tpu.vector_load %arg14[%get3A_322] {strides = array<i32>} : memref<8192xi32, #tpu.memory_space<vmem>>, vector<16xi32>,
      %swap3A_324 = arith.constant 240 : index
      %swap3A_325 = tpu.vector_load %arg16[%swap3A_324] {strides = array<i32>} : memref<256xi32, #tpu.memory_space<vmem>>, vector<16xi32>,
      %swap3A_326 = vector.shape_cast %swap3A_325 : vector<16xi32> to vector<16xi32>
      %swap3A_327 = vector.shape_cast %get3A_323 : vector<16xi32> to vector<16xi32>
      tpu.vector_store %arg16[%swap3A_324], %swap3A_327 {strides = array<i32>} : memref<256xi32, #tpu.memory_space<vmem>>, vector<16xi32>,
      %dma_start3A = arith.constant 0 : i32
      %dma_start3A_328 = arith.constant 0 : i32
      %dma_start3A_329 = tpu.memref_slice %arg2[%dma_start3A, %dma_start3A_328] : memref<16384x64xf32, #tpu.memory_space<hbm>> -> memref<16384x64xf32, #tpu.memory_space<hbm>>
      tpu.enqueue_indirect_dma source(%dma_start3A_329 : memref<16384x64xf32, #tpu.memory_space<hbm>>) target(%arg19 : memref<256x64xf32, #tpu.memory_space<vmem>>) offsets(%arg15 : memref<256xi32, #tpu.memory_space<vmem>>) semaphore(%arg22 : memref<!tpu.dma_semaphore, #tpu.memory_space<semaphore_mem>>)
      %mul3A_330 = arith.constant 2 : i32
      %mul3A_331 = arith.muli %mul3A_330, %scan3A_69 : i32
      %add3A_332 = arith.constant 1 : i32
      %add3A_333 = arith.addi %mul3A_331, %add3A_332 : i32
      %mul3A_334 = arith.constant 256 : i32
      %mul3A_335 = arith.muli %add3A_333, %mul3A_334 : i32
      %add3A_336 = arith.constant 0 : i32
      %add3A_337 = arith.addi %mul3A_335, %add3A_336 : i32
      %get3A_338 = arith.index_cast %add3A_337 : i32 to index
      %get3A_339 = tpu.vector_load %arg13[%get3A_338] {strides = array<i32>} : memref<8192xi32, #tpu.memory_space<vmem>>, vector<16xi32>,
      %swap3A_340 = arith.constant 0 : index
      %swap3A_341 = tpu.vector_load %arg17[%swap3A_340] {strides = array<i32>} : memref<256xi32, #tpu.memory_space<vmem>>, vector<16xi32>,
      %swap3A_342 = vector.shape_cast %swap3A_341 : vector<16xi32> to vector<16xi32>
      %swap3A_343 = vector.shape_cast %get3A_339 : vector<16xi32> to vector<16xi32>
      tpu.vector_store %arg17[%swap3A_340], %swap3A_343 {strides = array<i32>} : memref<256xi32, #tpu.memory_space<vmem>>, vector<16xi32>,
      %add3A_344 = arith.constant 0 : i32
      %add3A_345 = arith.addi %mul3A_335, %add3A_344 : i32
      %get3A_346 = arith.index_cast %add3A_345 : i32 to index
      %get3A_347 = tpu.vector_load %arg14[%get3A_346] {strides = array<i32>} : memref<8192xi32, #tpu.memory_space<vmem>>, vector<16xi32>,
      %swap3A_348 = arith.constant 0 : index
      %swap3A_349 = tpu.vector_load %arg18[%swap3A_348] {strides = array<i32>} : memref<256xi32, #tpu.memory_space<vmem>>, vector<16xi32>,
      %swap3A_350 = vector.shape_cast %swap3A_349 : vector<16xi32> to vector<16xi32>
      %swap3A_351 = vector.shape_cast %get3A_347 : vector<16xi32> to vector<16xi32>
      tpu.vector_store %arg18[%swap3A_348], %swap3A_351 {strides = array<i32>} : memref<256xi32, #tpu.memory_space<vmem>>, vector<16xi32>,
      %add3A_352 = arith.constant 16 : i32
      %add3A_353 = arith.addi %mul3A_335, %add3A_352 : i32
      %get3A_354 = arith.index_cast %add3A_353 : i32 to index
      %get3A_355 = tpu.vector_load %arg13[%get3A_354] {strides = array<i32>} : memref<8192xi32, #tpu.memory_space<vmem>>, vector<16xi32>,
      %swap3A_356 = arith.constant 16 : index
      %swap3A_357 = tpu.vector_load %arg17[%swap3A_356] {strides = array<i32>} : memref<256xi32, #tpu.memory_space<vmem>>, vector<16xi32>,
      %swap3A_358 = vector.shape_cast %swap3A_357 : vector<16xi32> to vector<16xi32>
      %swap3A_359 = vector.shape_cast %get3A_355 : vector<16xi32> to vector<16xi32>
      tpu.vector_store %arg17[%swap3A_356], %swap3A_359 {strides = array<i32>} : memref<256xi32, #tpu.memory_space<vmem>>, vector<16xi32>,
      %add3A_360 = arith.constant 16 : i32
      %add3A_361 = arith.addi %mul3A_335, %add3A_360 : i32
      %get3A_362 = arith.index_cast %add3A_361 : i32 to index
      %get3A_363 = tpu.vector_load %arg14[%get3A_362] {strides = array<i32>} : memref<8192xi32, #tpu.memory_space<vmem>>, vector<16xi32>,
      %swap3A_364 = arith.constant 16 : index
      %swap3A_365 = tpu.vector_load %arg18[%swap3A_364] {strides = array<i32>} : memref<256xi32, #tpu.memory_space<vmem>>, vector<16xi32>,
      %swap3A_366 = vector.shape_cast %swap3A_365 : vector<16xi32> to vector<16xi32>
      %swap3A_367 = vector.shape_cast %get3A_363 : vector<16xi32> to vector<16xi32>
      tpu.vector_store %arg18[%swap3A_364], %swap3A_367 {strides = array<i32>} : memref<256xi32, #tpu.memory_space<vmem>>, vector<16xi32>,
      %add3A_368 = arith.constant 32 : i32
      %add3A_369 = arith.addi %mul3A_335, %add3A_368 : i32
      %get3A_370 = arith.index_cast %add3A_369 : i32 to index
      %get3A_371 = tpu.vector_load %arg13[%get3A_370] {strides = array<i32>} : memref<8192xi32, #tpu.memory_space<vmem>>, vector<16xi32>,
      %swap3A_372 = arith.constant 32 : index
      %swap3A_373 = tpu.vector_load %arg17[%swap3A_372] {strides = array<i32>} : memref<256xi32, #tpu.memory_space<vmem>>, vector<16xi32>,
      %swap3A_374 = vector.shape_cast %swap3A_373 : vector<16xi32> to vector<16xi32>
      %swap3A_375 = vector.shape_cast %get3A_371 : vector<16xi32> to vector<16xi32>
      tpu.vector_store %arg17[%swap3A_372], %swap3A_375 {strides = array<i32>} : memref<256xi32, #tpu.memory_space<vmem>>, vector<16xi32>,
      %add3A_376 = arith.constant 32 : i32
      %add3A_377 = arith.addi %mul3A_335, %add3A_376 : i32
      %get3A_378 = arith.index_cast %add3A_377 : i32 to index
      %get3A_379 = tpu.vector_load %arg14[%get3A_378] {strides = array<i32>} : memref<8192xi32, #tpu.memory_space<vmem>>, vector<16xi32>,
      %swap3A_380 = arith.constant 32 : index
      %swap3A_381 = tpu.vector_load %arg18[%swap3A_380] {strides = array<i32>} : memref<256xi32, #tpu.memory_space<vmem>>, vector<16xi32>,
      %swap3A_382 = vector.shape_cast %swap3A_381 : vector<16xi32> to vector<16xi32>
      %swap3A_383 = vector.shape_cast %get3A_379 : vector<16xi32> to vector<16xi32>
      tpu.vector_store %arg18[%swap3A_380], %swap3A_383 {strides = array<i32>} : memref<256xi32, #tpu.memory_space<vmem>>, vector<16xi32>,
      %add3A_384 = arith.constant 48 : i32
      %add3A_385 = arith.addi %mul3A_335, %add3A_384 : i32
      %get3A_386 = arith.index_cast %add3A_385 : i32 to index
      %get3A_387 = tpu.vector_load %arg13[%get3A_386] {strides = array<i32>} : memref<8192xi32, #tpu.memory_space<vmem>>, vector<16xi32>,
      %swap3A_388 = arith.constant 48 : index
      %swap3A_389 = tpu.vector_load %arg17[%swap3A_388] {strides = array<i32>} : memref<256xi32, #tpu.memory_space<vmem>>, vector<16xi32>,
      %swap3A_390 = vector.shape_cast %swap3A_389 : vector<16xi32> to vector<16xi32>
      %swap3A_391 = vector.shape_cast %get3A_387 : vector<16xi32> to vector<16xi32>
      tpu.vector_store %arg17[%swap3A_388], %swap3A_391 {strides = array<i32>} : memref<256xi32, #tpu.memory_space<vmem>>, vector<16xi32>,
      %add3A_392 = arith.constant 48 : i32
      %add3A_393 = arith.addi %mul3A_335, %add3A_392 : i32
      %get3A_394 = arith.index_cast %add3A_393 : i32 to index
      %get3A_395 = tpu.vector_load %arg14[%get3A_394] {strides = array<i32>} : memref<8192xi32, #tpu.memory_space<vmem>>, vector<16xi32>,
      %swap3A_396 = arith.constant 48 : index
      %swap3A_397 = tpu.vector_load %arg18[%swap3A_396] {strides = array<i32>} : memref<256xi32, #tpu.memory_space<vmem>>, vector<16xi32>,
      %swap3A_398 = vector.shape_cast %swap3A_397 : vector<16xi32> to vector<16xi32>
      %swap3A_399 = vector.shape_cast %get3A_395 : vector<16xi32> to vector<16xi32>
      tpu.vector_store %arg18[%swap3A_396], %swap3A_399 {strides = array<i32>} : memref<256xi32, #tpu.memory_space<vmem>>, vector<16xi32>,
      %add3A_400 = arith.constant 64 : i32
      %add3A_401 = arith.addi %mul3A_335, %add3A_400 : i32
      %get3A_402 = arith.index_cast %add3A_401 : i32 to index
      %get3A_403 = tpu.vector_load %arg13[%get3A_402] {strides = array<i32>} : memref<8192xi32, #tpu.memory_space<vmem>>, vector<16xi32>,
      %swap3A_404 = arith.constant 64 : index
      %swap3A_405 = tpu.vector_load %arg17[%swap3A_404] {strides = array<i32>} : memref<256xi32, #tpu.memory_space<vmem>>, vector<16xi32>,
      %swap3A_406 = vector.shape_cast %swap3A_405 : vector<16xi32> to vector<16xi32>
      %swap3A_407 = vector.shape_cast %get3A_403 : vector<16xi32> to vector<16xi32>
      tpu.vector_store %arg17[%swap3A_404], %swap3A_407 {strides = array<i32>} : memref<256xi32, #tpu.memory_space<vmem>>, vector<16xi32>,
      %add3A_408 = arith.constant 64 : i32
      %add3A_409 = arith.addi %mul3A_335, %add3A_408 : i32
      %get3A_410 = arith.index_cast %add3A_409 : i32 to index
      %get3A_411 = tpu.vector_load %arg14[%get3A_410] {strides = array<i32>} : memref<8192xi32, #tpu.memory_space<vmem>>, vector<16xi32>,
      %swap3A_412 = arith.constant 64 : index
      %swap3A_413 = tpu.vector_load %arg18[%swap3A_412] {strides = array<i32>} : memref<256xi32, #tpu.memory_space<vmem>>, vector<16xi32>,
      %swap3A_414 = vector.shape_cast %swap3A_413 : vector<16xi32> to vector<16xi32>
      %swap3A_415 = vector.shape_cast %get3A_411 : vector<16xi32> to vector<16xi32>
      tpu.vector_store %arg18[%swap3A_412], %swap3A_415 {strides = array<i32>} : memref<256xi32, #tpu.memory_space<vmem>>, vector<16xi32>,
      %add3A_416 = arith.constant 80 : i32
      %add3A_417 = arith.addi %mul3A_335, %add3A_416 : i32
      %get3A_418 = arith.index_cast %add3A_417 : i32 to index
      %get3A_419 = tpu.vector_load %arg13[%get3A_418] {strides = array<i32>} : memref<8192xi32, #tpu.memory_space<vmem>>, vector<16xi32>,
      %swap3A_420 = arith.constant 80 : index
      %swap3A_421 = tpu.vector_load %arg17[%swap3A_420] {strides = array<i32>} : memref<256xi32, #tpu.memory_space<vmem>>, vector<16xi32>,
      %swap3A_422 = vector.shape_cast %swap3A_421 : vector<16xi32> to vector<16xi32>
      %swap3A_423 = vector.shape_cast %get3A_419 : vector<16xi32> to vector<16xi32>
      tpu.vector_store %arg17[%swap3A_420], %swap3A_423 {strides = array<i32>} : memref<256xi32, #tpu.memory_space<vmem>>, vector<16xi32>,
      %add3A_424 = arith.constant 80 : i32
      %add3A_425 = arith.addi %mul3A_335, %add3A_424 : i32
      %get3A_426 = arith.index_cast %add3A_425 : i32 to index
      %get3A_427 = tpu.vector_load %arg14[%get3A_426] {strides = array<i32>} : memref<8192xi32, #tpu.memory_space<vmem>>, vector<16xi32>,
      %swap3A_428 = arith.constant 80 : index
      %swap3A_429 = tpu.vector_load %arg18[%swap3A_428] {strides = array<i32>} : memref<256xi32, #tpu.memory_space<vmem>>, vector<16xi32>,
      %swap3A_430 = vector.shape_cast %swap3A_429 : vector<16xi32> to vector<16xi32>
      %swap3A_431 = vector.shape_cast %get3A_427 : vector<16xi32> to vector<16xi32>
      tpu.vector_store %arg18[%swap3A_428], %swap3A_431 {strides = array<i32>} : memref<256xi32, #tpu.memory_space<vmem>>, vector<16xi32>,
      %add3A_432 = arith.constant 96 : i32
      %add3A_433 = arith.addi %mul3A_335, %add3A_432 : i32
      %get3A_434 = arith.index_cast %add3A_433 : i32 to index
      %get3A_435 = tpu.vector_load %arg13[%get3A_434] {strides = array<i32>} : memref<8192xi32, #tpu.memory_space<vmem>>, vector<16xi32>,
      %swap3A_436 = arith.constant 96 : index
      %swap3A_437 = tpu.vector_load %arg17[%swap3A_436] {strides = array<i32>} : memref<256xi32, #tpu.memory_space<vmem>>, vector<16xi32>,
      %swap3A_438 = vector.shape_cast %swap3A_437 : vector<16xi32> to vector<16xi32>
      %swap3A_439 = vector.shape_cast %get3A_435 : vector<16xi32> to vector<16xi32>
      tpu.vector_store %arg17[%swap3A_436], %swap3A_439 {strides = array<i32>} : memref<256xi32, #tpu.memory_space<vmem>>, vector<16xi32>,
      %add3A_440 = arith.constant 96 : i32
      %add3A_441 = arith.addi %mul3A_335, %add3A_440 : i32
      %get3A_442 = arith.index_cast %add3A_441 : i32 to index
      %get3A_443 = tpu.vector_load %arg14[%get3A_442] {strides = array<i32>} : memref<8192xi32, #tpu.memory_space<vmem>>, vector<16xi32>,
      %swap3A_444 = arith.constant 96 : index
      %swap3A_445 = tpu.vector_load %arg18[%swap3A_444] {strides = array<i32>} : memref<256xi32, #tpu.memory_space<vmem>>, vector<16xi32>,
      %swap3A_446 = vector.shape_cast %swap3A_445 : vector<16xi32> to vector<16xi32>
      %swap3A_447 = vector.shape_cast %get3A_443 : vector<16xi32> to vector<16xi32>
      tpu.vector_store %arg18[%swap3A_444], %swap3A_447 {strides = array<i32>} : memref<256xi32, #tpu.memory_space<vmem>>, vector<16xi32>,
      %add3A_448 = arith.constant 112 : i32
      %add3A_449 = arith.addi %mul3A_335, %add3A_448 : i32
      %get3A_450 = arith.index_cast %add3A_449 : i32 to index
      %get3A_451 = tpu.vector_load %arg13[%get3A_450] {strides = array<i32>} : memref<8192xi32, #tpu.memory_space<vmem>>, vector<16xi32>,
      %swap3A_452 = arith.constant 112 : index
      %swap3A_453 = tpu.vector_load %arg17[%swap3A_452] {strides = array<i32>} : memref<256xi32, #tpu.memory_space<vmem>>, vector<16xi32>,
      %swap3A_454 = vector.shape_cast %swap3A_453 : vector<16xi32> to vector<16xi32>
      %swap3A_455 = vector.shape_cast %get3A_451 : vector<16xi32> to vector<16xi32>
      tpu.vector_store %arg17[%swap3A_452], %swap3A_455 {strides = array<i32>} : memref<256xi32, #tpu.memory_space<vmem>>, vector<16xi32>,
      %add3A_456 = arith.constant 112 : i32
      %add3A_457 = arith.addi %mul3A_335, %add3A_456 : i32
      %get3A_458 = arith.index_cast %add3A_457 : i32 to index
      %get3A_459 = tpu.vector_load %arg14[%get3A_458] {strides = array<i32>} : memref<8192xi32, #tpu.memory_space<vmem>>, vector<16xi32>,
      %swap3A_460 = arith.constant 112 : index
      %swap3A_461 = tpu.vector_load %arg18[%swap3A_460] {strides = array<i32>} : memref<256xi32, #tpu.memory_space<vmem>>, vector<16xi32>,
      %swap3A_462 = vector.shape_cast %swap3A_461 : vector<16xi32> to vector<16xi32>
      %swap3A_463 = vector.shape_cast %get3A_459 : vector<16xi32> to vector<16xi32>
      tpu.vector_store %arg18[%swap3A_460], %swap3A_463 {strides = array<i32>} : memref<256xi32, #tpu.memory_space<vmem>>, vector<16xi32>,
      %add3A_464 = arith.constant 128 : i32
      %add3A_465 = arith.addi %mul3A_335, %add3A_464 : i32
      %get3A_466 = arith.index_cast %add3A_465 : i32 to index
      %get3A_467 = tpu.vector_load %arg13[%get3A_466] {strides = array<i32>} : memref<8192xi32, #tpu.memory_space<vmem>>, vector<16xi32>,
      %swap3A_468 = arith.constant 128 : index
      %swap3A_469 = tpu.vector_load %arg17[%swap3A_468] {strides = array<i32>} : memref<256xi32, #tpu.memory_space<vmem>>, vector<16xi32>,
      %swap3A_470 = vector.shape_cast %swap3A_469 : vector<16xi32> to vector<16xi32>
      %swap3A_471 = vector.shape_cast %get3A_467 : vector<16xi32> to vector<16xi32>
      tpu.vector_store %arg17[%swap3A_468], %swap3A_471 {strides = array<i32>} : memref<256xi32, #tpu.memory_space<vmem>>, vector<16xi32>,
      %add3A_472 = arith.constant 128 : i32
      %add3A_473 = arith.addi %mul3A_335, %add3A_472 : i32
      %get3A_474 = arith.index_cast %add3A_473 : i32 to index
      %get3A_475 = tpu.vector_load %arg14[%get3A_474] {strides = array<i32>} : memref<8192xi32, #tpu.memory_space<vmem>>, vector<16xi32>,
      %swap3A_476 = arith.constant 128 : index
      %swap3A_477 = tpu.vector_load %arg18[%swap3A_476] {strides = array<i32>} : memref<256xi32, #tpu.memory_space<vmem>>, vector<16xi32>,
      %swap3A_478 = vector.shape_cast %swap3A_477 : vector<16xi32> to vector<16xi32>
      %swap3A_479 = vector.shape_cast %get3A_475 : vector<16xi32> to vector<16xi32>
      tpu.vector_store %arg18[%swap3A_476], %swap3A_479 {strides = array<i32>} : memref<256xi32, #tpu.memory_space<vmem>>, vector<16xi32>,
      %add3A_480 = arith.constant 144 : i32
      %add3A_481 = arith.addi %mul3A_335, %add3A_480 : i32
      %get3A_482 = arith.index_cast %add3A_481 : i32 to index
      %get3A_483 = tpu.vector_load %arg13[%get3A_482] {strides = array<i32>} : memref<8192xi32, #tpu.memory_space<vmem>>, vector<16xi32>,
      %swap3A_484 = arith.constant 144 : index
      %swap3A_485 = tpu.vector_load %arg17[%swap3A_484] {strides = array<i32>} : memref<256xi32, #tpu.memory_space<vmem>>, vector<16xi32>,
      %swap3A_486 = vector.shape_cast %swap3A_485 : vector<16xi32> to vector<16xi32>
      %swap3A_487 = vector.shape_cast %get3A_483 : vector<16xi32> to vector<16xi32>
      tpu.vector_store %arg17[%swap3A_484], %swap3A_487 {strides = array<i32>} : memref<256xi32, #tpu.memory_space<vmem>>, vector<16xi32>,
      %add3A_488 = arith.constant 144 : i32
      %add3A_489 = arith.addi %mul3A_335, %add3A_488 : i32
      %get3A_490 = arith.index_cast %add3A_489 : i32 to index
      %get3A_491 = tpu.vector_load %arg14[%get3A_490] {strides = array<i32>} : memref<8192xi32, #tpu.memory_space<vmem>>, vector<16xi32>,
      %swap3A_492 = arith.constant 144 : index
      %swap3A_493 = tpu.vector_load %arg18[%swap3A_492] {strides = array<i32>} : memref<256xi32, #tpu.memory_space<vmem>>, vector<16xi32>,
      %swap3A_494 = vector.shape_cast %swap3A_493 : vector<16xi32> to vector<16xi32>
      %swap3A_495 = vector.shape_cast %get3A_491 : vector<16xi32> to vector<16xi32>
      tpu.vector_store %arg18[%swap3A_492], %swap3A_495 {strides = array<i32>} : memref<256xi32, #tpu.memory_space<vmem>>, vector<16xi32>,
      %add3A_496 = arith.constant 160 : i32
      %add3A_497 = arith.addi %mul3A_335, %add3A_496 : i32
      %get3A_498 = arith.index_cast %add3A_497 : i32 to index
      %get3A_499 = tpu.vector_load %arg13[%get3A_498] {strides = array<i32>} : memref<8192xi32, #tpu.memory_space<vmem>>, vector<16xi32>,
      %swap3A_500 = arith.constant 160 : index
      %swap3A_501 = tpu.vector_load %arg17[%swap3A_500] {strides = array<i32>} : memref<256xi32, #tpu.memory_space<vmem>>, vector<16xi32>,
      %swap3A_502 = vector.shape_cast %swap3A_501 : vector<16xi32> to vector<16xi32>
      %swap3A_503 = vector.shape_cast %get3A_499 : vector<16xi32> to vector<16xi32>
      tpu.vector_store %arg17[%swap3A_500], %swap3A_503 {strides = array<i32>} : memref<256xi32, #tpu.memory_space<vmem>>, vector<16xi32>,
      %add3A_504 = arith.constant 160 : i32
      %add3A_505 = arith.addi %mul3A_335, %add3A_504 : i32
      %get3A_506 = arith.index_cast %add3A_505 : i32 to index
      %get3A_507 = tpu.vector_load %arg14[%get3A_506] {strides = array<i32>} : memref<8192xi32, #tpu.memory_space<vmem>>, vector<16xi32>,
      %swap3A_508 = arith.constant 160 : index
      %swap3A_509 = tpu.vector_load %arg18[%swap3A_508] {strides = array<i32>} : memref<256xi32, #tpu.memory_space<vmem>>, vector<16xi32>,
      %swap3A_510 = vector.shape_cast %swap3A_509 : vector<16xi32> to vector<16xi32>
      %swap3A_511 = vector.shape_cast %get3A_507 : vector<16xi32> to vector<16xi32>
      tpu.vector_store %arg18[%swap3A_508], %swap3A_511 {strides = array<i32>} : memref<256xi32, #tpu.memory_space<vmem>>, vector<16xi32>,
      %add3A_512 = arith.constant 176 : i32
      %add3A_513 = arith.addi %mul3A_335, %add3A_512 : i32
      %get3A_514 = arith.index_cast %add3A_513 : i32 to index
      %get3A_515 = tpu.vector_load %arg13[%get3A_514] {strides = array<i32>} : memref<8192xi32, #tpu.memory_space<vmem>>, vector<16xi32>,
      %swap3A_516 = arith.constant 176 : index
      %swap3A_517 = tpu.vector_load %arg17[%swap3A_516] {strides = array<i32>} : memref<256xi32, #tpu.memory_space<vmem>>, vector<16xi32>,
      %swap3A_518 = vector.shape_cast %swap3A_517 : vector<16xi32> to vector<16xi32>
      %swap3A_519 = vector.shape_cast %get3A_515 : vector<16xi32> to vector<16xi32>
      tpu.vector_store %arg17[%swap3A_516], %swap3A_519 {strides = array<i32>} : memref<256xi32, #tpu.memory_space<vmem>>, vector<16xi32>,
      %add3A_520 = arith.constant 176 : i32
      %add3A_521 = arith.addi %mul3A_335, %add3A_520 : i32
      %get3A_522 = arith.index_cast %add3A_521 : i32 to index
      %get3A_523 = tpu.vector_load %arg14[%get3A_522] {strides = array<i32>} : memref<8192xi32, #tpu.memory_space<vmem>>, vector<16xi32>,
      %swap3A_524 = arith.constant 176 : index
      %swap3A_525 = tpu.vector_load %arg18[%swap3A_524] {strides = array<i32>} : memref<256xi32, #tpu.memory_space<vmem>>, vector<16xi32>,
      %swap3A_526 = vector.shape_cast %swap3A_525 : vector<16xi32> to vector<16xi32>
      %swap3A_527 = vector.shape_cast %get3A_523 : vector<16xi32> to vector<16xi32>
      tpu.vector_store %arg18[%swap3A_524], %swap3A_527 {strides = array<i32>} : memref<256xi32, #tpu.memory_space<vmem>>, vector<16xi32>,
      %add3A_528 = arith.constant 192 : i32
      %add3A_529 = arith.addi %mul3A_335, %add3A_528 : i32
      %get3A_530 = arith.index_cast %add3A_529 : i32 to index
      %get3A_531 = tpu.vector_load %arg13[%get3A_530] {strides = array<i32>} : memref<8192xi32, #tpu.memory_space<vmem>>, vector<16xi32>,
      %swap3A_532 = arith.constant 192 : index
      %swap3A_533 = tpu.vector_load %arg17[%swap3A_532] {strides = array<i32>} : memref<256xi32, #tpu.memory_space<vmem>>, vector<16xi32>,
      %swap3A_534 = vector.shape_cast %swap3A_533 : vector<16xi32> to vector<16xi32>
      %swap3A_535 = vector.shape_cast %get3A_531 : vector<16xi32> to vector<16xi32>
      tpu.vector_store %arg17[%swap3A_532], %swap3A_535 {strides = array<i32>} : memref<256xi32, #tpu.memory_space<vmem>>, vector<16xi32>,
      %add3A_536 = arith.constant 192 : i32
      %add3A_537 = arith.addi %mul3A_335, %add3A_536 : i32
      %get3A_538 = arith.index_cast %add3A_537 : i32 to index
      %get3A_539 = tpu.vector_load %arg14[%get3A_538] {strides = array<i32>} : memref<8192xi32, #tpu.memory_space<vmem>>, vector<16xi32>,
      %swap3A_540 = arith.constant 192 : index
      %swap3A_541 = tpu.vector_load %arg18[%swap3A_540] {strides = array<i32>} : memref<256xi32, #tpu.memory_space<vmem>>, vector<16xi32>,
      %swap3A_542 = vector.shape_cast %swap3A_541 : vector<16xi32> to vector<16xi32>
      %swap3A_543 = vector.shape_cast %get3A_539 : vector<16xi32> to vector<16xi32>
      tpu.vector_store %arg18[%swap3A_540], %swap3A_543 {strides = array<i32>} : memref<256xi32, #tpu.memory_space<vmem>>, vector<16xi32>,
      %add3A_544 = arith.constant 208 : i32
      %add3A_545 = arith.addi %mul3A_335, %add3A_544 : i32
      %get3A_546 = arith.index_cast %add3A_545 : i32 to index
      %get3A_547 = tpu.vector_load %arg13[%get3A_546] {strides = array<i32>} : memref<8192xi32, #tpu.memory_space<vmem>>, vector<16xi32>,
      %swap3A_548 = arith.constant 208 : index
      %swap3A_549 = tpu.vector_load %arg17[%swap3A_548] {strides = array<i32>} : memref<256xi32, #tpu.memory_space<vmem>>, vector<16xi32>,
      %swap3A_550 = vector.shape_cast %swap3A_549 : vector<16xi32> to vector<16xi32>
      %swap3A_551 = vector.shape_cast %get3A_547 : vector<16xi32> to vector<16xi32>
      tpu.vector_store %arg17[%swap3A_548], %swap3A_551 {strides = array<i32>} : memref<256xi32, #tpu.memory_space<vmem>>, vector<16xi32>,
      %add3A_552 = arith.constant 208 : i32
      %add3A_553 = arith.addi %mul3A_335, %add3A_552 : i32
      %get3A_554 = arith.index_cast %add3A_553 : i32 to index
      %get3A_555 = tpu.vector_load %arg14[%get3A_554] {strides = array<i32>} : memref<8192xi32, #tpu.memory_space<vmem>>, vector<16xi32>,
      %swap3A_556 = arith.constant 208 : index
      %swap3A_557 = tpu.vector_load %arg18[%swap3A_556] {strides = array<i32>} : memref<256xi32, #tpu.memory_space<vmem>>, vector<16xi32>,
      %swap3A_558 = vector.shape_cast %swap3A_557 : vector<16xi32> to vector<16xi32>
      %swap3A_559 = vector.shape_cast %get3A_555 : vector<16xi32> to vector<16xi32>
      tpu.vector_store %arg18[%swap3A_556], %swap3A_559 {strides = array<i32>} : memref<256xi32, #tpu.memory_space<vmem>>, vector<16xi32>,
      %add3A_560 = arith.constant 224 : i32
      %add3A_561 = arith.addi %mul3A_335, %add3A_560 : i32
      %get3A_562 = arith.index_cast %add3A_561 : i32 to index
      %get3A_563 = tpu.vector_load %arg13[%get3A_562] {strides = array<i32>} : memref<8192xi32, #tpu.memory_space<vmem>>, vector<16xi32>,
      %swap3A_564 = arith.constant 224 : index
      %swap3A_565 = tpu.vector_load %arg17[%swap3A_564] {strides = array<i32>} : memref<256xi32, #tpu.memory_space<vmem>>, vector<16xi32>,
      %swap3A_566 = vector.shape_cast %swap3A_565 : vector<16xi32> to vector<16xi32>
      %swap3A_567 = vector.shape_cast %get3A_563 : vector<16xi32> to vector<16xi32>
      tpu.vector_store %arg17[%swap3A_564], %swap3A_567 {strides = array<i32>} : memref<256xi32, #tpu.memory_space<vmem>>, vector<16xi32>,
      %add3A_568 = arith.constant 224 : i32
      %add3A_569 = arith.addi %mul3A_335, %add3A_568 : i32
      %get3A_570 = arith.index_cast %add3A_569 : i32 to index
      %get3A_571 = tpu.vector_load %arg14[%get3A_570] {strides = array<i32>} : memref<8192xi32, #tpu.memory_space<vmem>>, vector<16xi32>,
      %swap3A_572 = arith.constant 224 : index
      %swap3A_573 = tpu.vector_load %arg18[%swap3A_572] {strides = array<i32>} : memref<256xi32, #tpu.memory_space<vmem>>, vector<16xi32>,
      %swap3A_574 = vector.shape_cast %swap3A_573 : vector<16xi32> to vector<16xi32>
      %swap3A_575 = vector.shape_cast %get3A_571 : vector<16xi32> to vector<16xi32>
      tpu.vector_store %arg18[%swap3A_572], %swap3A_575 {strides = array<i32>} : memref<256xi32, #tpu.memory_space<vmem>>, vector<16xi32>,
      %add3A_576 = arith.constant 240 : i32
      %add3A_577 = arith.addi %mul3A_335, %add3A_576 : i32
      %get3A_578 = arith.index_cast %add3A_577 : i32 to index
      %get3A_579 = tpu.vector_load %arg13[%get3A_578] {strides = array<i32>} : memref<8192xi32, #tpu.memory_space<vmem>>, vector<16xi32>,
      %swap3A_580 = arith.constant 240 : index
      %swap3A_581 = tpu.vector_load %arg17[%swap3A_580] {strides = array<i32>} : memref<256xi32, #tpu.memory_space<vmem>>, vector<16xi32>,
      %swap3A_582 = vector.shape_cast %swap3A_581 : vector<16xi32> to vector<16xi32>
      %swap3A_583 = vector.shape_cast %get3A_579 : vector<16xi32> to vector<16xi32>
      tpu.vector_store %arg17[%swap3A_580], %swap3A_583 {strides = array<i32>} : memref<256xi32, #tpu.memory_space<vmem>>, vector<16xi32>,
      %add3A_584 = arith.constant 240 : i32
      %add3A_585 = arith.addi %mul3A_335, %add3A_584 : i32
      %get3A_586 = arith.index_cast %add3A_585 : i32 to index
      %get3A_587 = tpu.vector_load %arg14[%get3A_586] {strides = array<i32>} : memref<8192xi32, #tpu.memory_space<vmem>>, vector<16xi32>,
      %swap3A_588 = arith.constant 240 : index
      %swap3A_589 = tpu.vector_load %arg18[%swap3A_588] {strides = array<i32>} : memref<256xi32, #tpu.memory_space<vmem>>, vector<16xi32>,
      %swap3A_590 = vector.shape_cast %swap3A_589 : vector<16xi32> to vector<16xi32>
      %swap3A_591 = vector.shape_cast %get3A_587 : vector<16xi32> to vector<16xi32>
      tpu.vector_store %arg18[%swap3A_588], %swap3A_591 {strides = array<i32>} : memref<256xi32, #tpu.memory_space<vmem>>, vector<16xi32>,
      %dma_start3A_592 = arith.constant 0 : i32
      %dma_start3A_593 = arith.constant 0 : i32
      %dma_start3A_594 = tpu.memref_slice %arg2[%dma_start3A_592, %dma_start3A_593] : memref<16384x64xf32, #tpu.memory_space<hbm>> -> memref<16384x64xf32, #tpu.memory_space<hbm>>
      tpu.enqueue_indirect_dma source(%dma_start3A_594 : memref<16384x64xf32, #tpu.memory_space<hbm>>) target(%arg20 : memref<256x64xf32, #tpu.memory_space<vmem>>) offsets(%arg17 : memref<256xi32, #tpu.memory_space<vmem>>) semaphore(%arg23 : memref<!tpu.dma_semaphore, #tpu.memory_space<semaphore_mem>>)
      %dma_wait3A = arith.constant 0 : i32
      %dma_wait3A_595 = arith.constant 0 : i32
      %dma_wait3A_596 = tpu.memref_slice %arg2[%dma_wait3A, %dma_wait3A_595] : memref<16384x64xf32, #tpu.memory_space<hbm>> -> memref<16384x64xf32, #tpu.memory_space<hbm>>
      tpu.wait_indirect_dma semaphore(%arg22 : memref<!tpu.dma_semaphore, #tpu.memory_space<semaphore_mem>>) src(%dma_wait3A_596 : memref<16384x64xf32, #tpu.memory_space<hbm>>) dst(%arg19 : memref<256x64xf32, #tpu.memory_space<vmem>>)
      %dma_start3A_597 = arith.constant 0 : i32
      %dma_start3A_598 = arith.constant 0 : i32
      %dma_start3A_599 = tpu.memref_slice %arg21[%dma_start3A_597, %dma_start3A_598] : memref<16384x64xf32, #tpu.memory_space<vmem_shared>> -> memref<16384x64xf32, #tpu.memory_space<vmem_shared>>
      tpu.enqueue_indirect_dma source(%arg19 : memref<256x64xf32, #tpu.memory_space<vmem>>) target(%dma_start3A_599 : memref<16384x64xf32, #tpu.memory_space<vmem_shared>>) offsets(%arg16 : memref<256xi32, #tpu.memory_space<vmem>>) semaphore(%arg24 : memref<!tpu.dma_semaphore, #tpu.memory_space<semaphore_mem>>) {add = true}
      %dma_wait3A_600 = arith.constant 0 : i32
      %dma_wait3A_601 = arith.constant 0 : i32
      %dma_wait3A_602 = tpu.memref_slice %arg2[%dma_wait3A_600, %dma_wait3A_601] : memref<16384x64xf32, #tpu.memory_space<hbm>> -> memref<16384x64xf32, #tpu.memory_space<hbm>>
      tpu.wait_indirect_dma semaphore(%arg23 : memref<!tpu.dma_semaphore, #tpu.memory_space<semaphore_mem>>) src(%dma_wait3A_602 : memref<16384x64xf32, #tpu.memory_space<hbm>>) dst(%arg20 : memref<256x64xf32, #tpu.memory_space<vmem>>)
      %dma_start3A_603 = arith.constant 0 : i32
      %dma_start3A_604 = arith.constant 0 : i32
      %dma_start3A_605 = tpu.memref_slice %arg21[%dma_start3A_603, %dma_start3A_604] : memref<16384x64xf32, #tpu.memory_space<vmem_shared>> -> memref<16384x64xf32, #tpu.memory_space<vmem_shared>>
      tpu.enqueue_indirect_dma source(%arg20 : memref<256x64xf32, #tpu.memory_space<vmem>>) target(%dma_start3A_605 : memref<16384x64xf32, #tpu.memory_space<vmem_shared>>) offsets(%arg18 : memref<256xi32, #tpu.memory_space<vmem>>) semaphore(%arg24 : memref<!tpu.dma_semaphore, #tpu.memory_space<semaphore_mem>>) {add = true}
      %dma_wait3A_606 = arith.constant 0 : i32
      %dma_wait3A_607 = arith.constant 0 : i32
      %dma_wait3A_608 = tpu.memref_slice %arg21[%dma_wait3A_606, %dma_wait3A_607] : memref<16384x64xf32, #tpu.memory_space<vmem_shared>> -> memref<16384x64xf32, #tpu.memory_space<vmem_shared>>
      tpu.wait_indirect_dma semaphore(%arg24 : memref<!tpu.dma_semaphore, #tpu.memory_space<semaphore_mem>>) src(%arg19 : memref<256x64xf32, #tpu.memory_space<vmem>>) dst(%dma_wait3A_608 : memref<16384x64xf32, #tpu.memory_space<vmem_shared>>)
      %dma_wait3A_609 = arith.constant 0 : i32
      %dma_wait3A_610 = arith.constant 0 : i32
      %dma_wait3A_611 = tpu.memref_slice %arg21[%dma_wait3A_609, %dma_wait3A_610] : memref<16384x64xf32, #tpu.memory_space<vmem_shared>> -> memref<16384x64xf32, #tpu.memory_space<vmem_shared>>
      tpu.wait_indirect_dma semaphore(%arg24 : memref<!tpu.dma_semaphore, #tpu.memory_space<semaphore_mem>>) src(%arg20 : memref<256x64xf32, #tpu.memory_space<vmem>>) dst(%dma_wait3A_611 : memref<16384x64xf32, #tpu.memory_space<vmem_shared>>)
    }
    %scan3A_9 = arith.constant 16 : i32
    %barrier3A_10 = arith.constant 0 : index
    tpu.barrier barrier_id(%barrier3A_10)
    %mul3A_11 = arith.constant 1024 : i32
    %mul3A_12 = arith.muli %arg1, %mul3A_11 : i32
    %mul3A_13 = arith.constant 16384 : i32
    %mul3A_14 = arith.muli %arg0, %mul3A_13 : i32
    %mul3A_15 = arith.constant 1024 : i32
    %mul3A_16 = arith.muli %arg1, %mul3A_15 : i32
    %add3A_17 = arith.addi %mul3A_14, %mul3A_16 : i32
    "tpu.region"() ({
      %run_scoped3A = tpu.sem_alloc : memref<!tpu.dma_semaphore, #tpu.memory_space<semaphore_mem>>
      %dma_start3A = arith.constant 0 : i32
      %dma_start3A_69 = tpu.memref_slice %arg9[%add3A_17, %dma_start3A] : memref<32768x64xf32, #tpu.memory_space<hbm>> -> memref<1024x64xf32, #tpu.memory_space<hbm>>
      %dma_start3A_70 = arith.constant 0 : i32
      %dma_start3A_71 = tpu.memref_slice %arg21[%mul3A_12, %dma_start3A_70] : memref<16384x64xf32, #tpu.memory_space<vmem_shared>> -> memref<1024x64xf32, #tpu.memory_space<vmem_shared>>
      tpu.enqueue_dma source(%dma_start3A_71 : memref<1024x64xf32, #tpu.memory_space<vmem_shared>>) target(%dma_start3A_69 : memref<1024x64xf32, #tpu.memory_space<hbm>>) target_semaphore(%run_scoped3A : memref<!tpu.dma_semaphore, #tpu.memory_space<semaphore_mem>>)
      %dma_wait3A = arith.constant 0 : i32
      %dma_wait3A_72 = tpu.memref_slice %arg9[%add3A_17, %dma_wait3A] : memref<32768x64xf32, #tpu.memory_space<hbm>> -> memref<1024x64xf32, #tpu.memory_space<hbm>>
      %dma_wait3A_73 = arith.constant 0 : i32
      %dma_wait3A_74 = tpu.memref_slice %arg21[%mul3A_12, %dma_wait3A_73] : memref<16384x64xf32, #tpu.memory_space<vmem_shared>> -> memref<1024x64xf32, #tpu.memory_space<vmem_shared>>
      tpu.wait_dma2 semaphore(%run_scoped3A : memref<!tpu.dma_semaphore, #tpu.memory_space<semaphore_mem>>) src(%dma_wait3A_74 : memref<1024x64xf32, #tpu.memory_space<vmem_shared>>) dst(%dma_wait3A_72 : memref<1024x64xf32, #tpu.memory_space<hbm>>)
      tpu.yield
    }) : () -> ()
    %mul3A_18 = arith.constant 1024 : i32
    %mul3A_19 = arith.muli %arg1, %mul3A_18 : i32
    "tpu.region"() ({
      %run_scoped3A = tpu.sem_alloc : memref<!tpu.dma_semaphore, #tpu.memory_space<semaphore_mem>>
      %dma_start3A = arith.constant 0 : i32
      %dma_start3A_69 = tpu.memref_slice %arg21[%mul3A_19, %dma_start3A] : memref<16384x64xf32, #tpu.memory_space<vmem_shared>> -> memref<1024x64xf32, #tpu.memory_space<vmem_shared>>
      tpu.enqueue_dma source(%arg8 : memref<1024x64xf32, #tpu.memory_space<hbm>>) target(%dma_start3A_69 : memref<1024x64xf32, #tpu.memory_space<vmem_shared>>) target_semaphore(%run_scoped3A : memref<!tpu.dma_semaphore, #tpu.memory_space<semaphore_mem>>)
      %dma_wait3A = arith.constant 0 : i32
      %dma_wait3A_70 = tpu.memref_slice %arg21[%mul3A_19, %dma_wait3A] : memref<16384x64xf32, #tpu.memory_space<vmem_shared>> -> memref<1024x64xf32, #tpu.memory_space<vmem_shared>>
      tpu.wait_dma2 semaphore(%run_scoped3A : memref<!tpu.dma_semaphore, #tpu.memory_space<semaphore_mem>>) src(%arg8 : memref<1024x64xf32, #tpu.memory_space<hbm>>) dst(%dma_wait3A_70 : memref<1024x64xf32, #tpu.memory_space<vmem_shared>>)
      tpu.yield
    }) : () -> ()
    %barrier3A_20 = arith.constant 0 : index
    tpu.barrier barrier_id(%barrier3A_20)
    %scan3A_21 = arith.constant 0 : i32
    %scan3A_22 = arith.constant 0 : i32
    %scan3A_23 = arith.constant 16 : i32
    %scan3A_24 = arith.addi %scan3A_22, %scan3A_23 : i32
    %scan3A_25 = arith.constant 1 : i32
    scf.for %scan3A_69 = %scan3A_22 to %scan3A_24 step %scan3A_25  : i32 {
      %mul3A_70 = arith.constant 2 : i32
      %mul3A_71 = arith.muli %mul3A_70, %scan3A_69 : i32
      %mul3A_72 = arith.constant 256 : i32
      %mul3A_73 = arith.muli %mul3A_71, %mul3A_72 : i32
      %add3A_74 = arith.constant 0 : i32
      %add3A_75 = arith.addi %mul3A_73, %add3A_74 : i32
      %get3A = arith.index_cast %add3A_75 : i32 to index
      %get3A_76 = tpu.vector_load %arg13[%get3A] {strides = array<i32>} : memref<8192xi32, #tpu.memory_space<vmem>>, vector<16xi32>,
      %swap3A = arith.constant 0 : index
      %swap3A_77 = tpu.vector_load %arg15[%swap3A] {strides = array<i32>} : memref<256xi32, #tpu.memory_space<vmem>>, vector<16xi32>,
      %swap3A_78 = vector.shape_cast %swap3A_77 : vector<16xi32> to vector<16xi32>
      %swap3A_79 = vector.shape_cast %get3A_76 : vector<16xi32> to vector<16xi32>
      tpu.vector_store %arg15[%swap3A], %swap3A_79 {strides = array<i32>} : memref<256xi32, #tpu.memory_space<vmem>>, vector<16xi32>,
      %add3A_80 = arith.constant 0 : i32
      %add3A_81 = arith.addi %mul3A_73, %add3A_80 : i32
      %get3A_82 = arith.index_cast %add3A_81 : i32 to index
      %get3A_83 = tpu.vector_load %arg14[%get3A_82] {strides = array<i32>} : memref<8192xi32, #tpu.memory_space<vmem>>, vector<16xi32>,
      %swap3A_84 = arith.constant 0 : index
      %swap3A_85 = tpu.vector_load %arg16[%swap3A_84] {strides = array<i32>} : memref<256xi32, #tpu.memory_space<vmem>>, vector<16xi32>,
      %swap3A_86 = vector.shape_cast %swap3A_85 : vector<16xi32> to vector<16xi32>
      %swap3A_87 = vector.shape_cast %get3A_83 : vector<16xi32> to vector<16xi32>
      tpu.vector_store %arg16[%swap3A_84], %swap3A_87 {strides = array<i32>} : memref<256xi32, #tpu.memory_space<vmem>>, vector<16xi32>,
      %add3A_88 = arith.constant 16 : i32
      %add3A_89 = arith.addi %mul3A_73, %add3A_88 : i32
      %get3A_90 = arith.index_cast %add3A_89 : i32 to index
      %get3A_91 = tpu.vector_load %arg13[%get3A_90] {strides = array<i32>} : memref<8192xi32, #tpu.memory_space<vmem>>, vector<16xi32>,
      %swap3A_92 = arith.constant 16 : index
      %swap3A_93 = tpu.vector_load %arg15[%swap3A_92] {strides = array<i32>} : memref<256xi32, #tpu.memory_space<vmem>>, vector<16xi32>,
      %swap3A_94 = vector.shape_cast %swap3A_93 : vector<16xi32> to vector<16xi32>
      %swap3A_95 = vector.shape_cast %get3A_91 : vector<16xi32> to vector<16xi32>
      tpu.vector_store %arg15[%swap3A_92], %swap3A_95 {strides = array<i32>} : memref<256xi32, #tpu.memory_space<vmem>>, vector<16xi32>,
      %add3A_96 = arith.constant 16 : i32
      %add3A_97 = arith.addi %mul3A_73, %add3A_96 : i32
      %get3A_98 = arith.index_cast %add3A_97 : i32 to index
      %get3A_99 = tpu.vector_load %arg14[%get3A_98] {strides = array<i32>} : memref<8192xi32, #tpu.memory_space<vmem>>, vector<16xi32>,
      %swap3A_100 = arith.constant 16 : index
      %swap3A_101 = tpu.vector_load %arg16[%swap3A_100] {strides = array<i32>} : memref<256xi32, #tpu.memory_space<vmem>>, vector<16xi32>,
      %swap3A_102 = vector.shape_cast %swap3A_101 : vector<16xi32> to vector<16xi32>
      %swap3A_103 = vector.shape_cast %get3A_99 : vector<16xi32> to vector<16xi32>
      tpu.vector_store %arg16[%swap3A_100], %swap3A_103 {strides = array<i32>} : memref<256xi32, #tpu.memory_space<vmem>>, vector<16xi32>,
      %add3A_104 = arith.constant 32 : i32
      %add3A_105 = arith.addi %mul3A_73, %add3A_104 : i32
      %get3A_106 = arith.index_cast %add3A_105 : i32 to index
      %get3A_107 = tpu.vector_load %arg13[%get3A_106] {strides = array<i32>} : memref<8192xi32, #tpu.memory_space<vmem>>, vector<16xi32>,
      %swap3A_108 = arith.constant 32 : index
      %swap3A_109 = tpu.vector_load %arg15[%swap3A_108] {strides = array<i32>} : memref<256xi32, #tpu.memory_space<vmem>>, vector<16xi32>,
      %swap3A_110 = vector.shape_cast %swap3A_109 : vector<16xi32> to vector<16xi32>
      %swap3A_111 = vector.shape_cast %get3A_107 : vector<16xi32> to vector<16xi32>
      tpu.vector_store %arg15[%swap3A_108], %swap3A_111 {strides = array<i32>} : memref<256xi32, #tpu.memory_space<vmem>>, vector<16xi32>,
      %add3A_112 = arith.constant 32 : i32
      %add3A_113 = arith.addi %mul3A_73, %add3A_112 : i32
      %get3A_114 = arith.index_cast %add3A_113 : i32 to index
      %get3A_115 = tpu.vector_load %arg14[%get3A_114] {strides = array<i32>} : memref<8192xi32, #tpu.memory_space<vmem>>, vector<16xi32>,
      %swap3A_116 = arith.constant 32 : index
      %swap3A_117 = tpu.vector_load %arg16[%swap3A_116] {strides = array<i32>} : memref<256xi32, #tpu.memory_space<vmem>>, vector<16xi32>,
      %swap3A_118 = vector.shape_cast %swap3A_117 : vector<16xi32> to vector<16xi32>
      %swap3A_119 = vector.shape_cast %get3A_115 : vector<16xi32> to vector<16xi32>
      tpu.vector_store %arg16[%swap3A_116], %swap3A_119 {strides = array<i32>} : memref<256xi32, #tpu.memory_space<vmem>>, vector<16xi32>,
      %add3A_120 = arith.constant 48 : i32
      %add3A_121 = arith.addi %mul3A_73, %add3A_120 : i32
      %get3A_122 = arith.index_cast %add3A_121 : i32 to index
      %get3A_123 = tpu.vector_load %arg13[%get3A_122] {strides = array<i32>} : memref<8192xi32, #tpu.memory_space<vmem>>, vector<16xi32>,
      %swap3A_124 = arith.constant 48 : index
      %swap3A_125 = tpu.vector_load %arg15[%swap3A_124] {strides = array<i32>} : memref<256xi32, #tpu.memory_space<vmem>>, vector<16xi32>,
      %swap3A_126 = vector.shape_cast %swap3A_125 : vector<16xi32> to vector<16xi32>
      %swap3A_127 = vector.shape_cast %get3A_123 : vector<16xi32> to vector<16xi32>
      tpu.vector_store %arg15[%swap3A_124], %swap3A_127 {strides = array<i32>} : memref<256xi32, #tpu.memory_space<vmem>>, vector<16xi32>,
      %add3A_128 = arith.constant 48 : i32
      %add3A_129 = arith.addi %mul3A_73, %add3A_128 : i32
      %get3A_130 = arith.index_cast %add3A_129 : i32 to index
      %get3A_131 = tpu.vector_load %arg14[%get3A_130] {strides = array<i32>} : memref<8192xi32, #tpu.memory_space<vmem>>, vector<16xi32>,
      %swap3A_132 = arith.constant 48 : index
      %swap3A_133 = tpu.vector_load %arg16[%swap3A_132] {strides = array<i32>} : memref<256xi32, #tpu.memory_space<vmem>>, vector<16xi32>,
      %swap3A_134 = vector.shape_cast %swap3A_133 : vector<16xi32> to vector<16xi32>
      %swap3A_135 = vector.shape_cast %get3A_131 : vector<16xi32> to vector<16xi32>
      tpu.vector_store %arg16[%swap3A_132], %swap3A_135 {strides = array<i32>} : memref<256xi32, #tpu.memory_space<vmem>>, vector<16xi32>,
      %add3A_136 = arith.constant 64 : i32
      %add3A_137 = arith.addi %mul3A_73, %add3A_136 : i32
      %get3A_138 = arith.index_cast %add3A_137 : i32 to index
      %get3A_139 = tpu.vector_load %arg13[%get3A_138] {strides = array<i32>} : memref<8192xi32, #tpu.memory_space<vmem>>, vector<16xi32>,
      %swap3A_140 = arith.constant 64 : index
      %swap3A_141 = tpu.vector_load %arg15[%swap3A_140] {strides = array<i32>} : memref<256xi32, #tpu.memory_space<vmem>>, vector<16xi32>,
      %swap3A_142 = vector.shape_cast %swap3A_141 : vector<16xi32> to vector<16xi32>
      %swap3A_143 = vector.shape_cast %get3A_139 : vector<16xi32> to vector<16xi32>
      tpu.vector_store %arg15[%swap3A_140], %swap3A_143 {strides = array<i32>} : memref<256xi32, #tpu.memory_space<vmem>>, vector<16xi32>,
      %add3A_144 = arith.constant 64 : i32
      %add3A_145 = arith.addi %mul3A_73, %add3A_144 : i32
      %get3A_146 = arith.index_cast %add3A_145 : i32 to index
      %get3A_147 = tpu.vector_load %arg14[%get3A_146] {strides = array<i32>} : memref<8192xi32, #tpu.memory_space<vmem>>, vector<16xi32>,
      %swap3A_148 = arith.constant 64 : index
      %swap3A_149 = tpu.vector_load %arg16[%swap3A_148] {strides = array<i32>} : memref<256xi32, #tpu.memory_space<vmem>>, vector<16xi32>,
      %swap3A_150 = vector.shape_cast %swap3A_149 : vector<16xi32> to vector<16xi32>
      %swap3A_151 = vector.shape_cast %get3A_147 : vector<16xi32> to vector<16xi32>
      tpu.vector_store %arg16[%swap3A_148], %swap3A_151 {strides = array<i32>} : memref<256xi32, #tpu.memory_space<vmem>>, vector<16xi32>,
      %add3A_152 = arith.constant 80 : i32
      %add3A_153 = arith.addi %mul3A_73, %add3A_152 : i32
      %get3A_154 = arith.index_cast %add3A_153 : i32 to index
      %get3A_155 = tpu.vector_load %arg13[%get3A_154] {strides = array<i32>} : memref<8192xi32, #tpu.memory_space<vmem>>, vector<16xi32>,
      %swap3A_156 = arith.constant 80 : index
      %swap3A_157 = tpu.vector_load %arg15[%swap3A_156] {strides = array<i32>} : memref<256xi32, #tpu.memory_space<vmem>>, vector<16xi32>,
      %swap3A_158 = vector.shape_cast %swap3A_157 : vector<16xi32> to vector<16xi32>
      %swap3A_159 = vector.shape_cast %get3A_155 : vector<16xi32> to vector<16xi32>
      tpu.vector_store %arg15[%swap3A_156], %swap3A_159 {strides = array<i32>} : memref<256xi32, #tpu.memory_space<vmem>>, vector<16xi32>,
      %add3A_160 = arith.constant 80 : i32
      %add3A_161 = arith.addi %mul3A_73, %add3A_160 : i32
      %get3A_162 = arith.index_cast %add3A_161 : i32 to index
      %get3A_163 = tpu.vector_load %arg14[%get3A_162] {strides = array<i32>} : memref<8192xi32, #tpu.memory_space<vmem>>, vector<16xi32>,
      %swap3A_164 = arith.constant 80 : index
      %swap3A_165 = tpu.vector_load %arg16[%swap3A_164] {strides = array<i32>} : memref<256xi32, #tpu.memory_space<vmem>>, vector<16xi32>,
      %swap3A_166 = vector.shape_cast %swap3A_165 : vector<16xi32> to vector<16xi32>
      %swap3A_167 = vector.shape_cast %get3A_163 : vector<16xi32> to vector<16xi32>
      tpu.vector_store %arg16[%swap3A_164], %swap3A_167 {strides = array<i32>} : memref<256xi32, #tpu.memory_space<vmem>>, vector<16xi32>,
      %add3A_168 = arith.constant 96 : i32
      %add3A_169 = arith.addi %mul3A_73, %add3A_168 : i32
      %get3A_170 = arith.index_cast %add3A_169 : i32 to index
      %get3A_171 = tpu.vector_load %arg13[%get3A_170] {strides = array<i32>} : memref<8192xi32, #tpu.memory_space<vmem>>, vector<16xi32>,
      %swap3A_172 = arith.constant 96 : index
      %swap3A_173 = tpu.vector_load %arg15[%swap3A_172] {strides = array<i32>} : memref<256xi32, #tpu.memory_space<vmem>>, vector<16xi32>,
      %swap3A_174 = vector.shape_cast %swap3A_173 : vector<16xi32> to vector<16xi32>
      %swap3A_175 = vector.shape_cast %get3A_171 : vector<16xi32> to vector<16xi32>
      tpu.vector_store %arg15[%swap3A_172], %swap3A_175 {strides = array<i32>} : memref<256xi32, #tpu.memory_space<vmem>>, vector<16xi32>,
      %add3A_176 = arith.constant 96 : i32
      %add3A_177 = arith.addi %mul3A_73, %add3A_176 : i32
      %get3A_178 = arith.index_cast %add3A_177 : i32 to index
      %get3A_179 = tpu.vector_load %arg14[%get3A_178] {strides = array<i32>} : memref<8192xi32, #tpu.memory_space<vmem>>, vector<16xi32>,
      %swap3A_180 = arith.constant 96 : index
      %swap3A_181 = tpu.vector_load %arg16[%swap3A_180] {strides = array<i32>} : memref<256xi32, #tpu.memory_space<vmem>>, vector<16xi32>,
      %swap3A_182 = vector.shape_cast %swap3A_181 : vector<16xi32> to vector<16xi32>
      %swap3A_183 = vector.shape_cast %get3A_179 : vector<16xi32> to vector<16xi32>
      tpu.vector_store %arg16[%swap3A_180], %swap3A_183 {strides = array<i32>} : memref<256xi32, #tpu.memory_space<vmem>>, vector<16xi32>,
      %add3A_184 = arith.constant 112 : i32
      %add3A_185 = arith.addi %mul3A_73, %add3A_184 : i32
      %get3A_186 = arith.index_cast %add3A_185 : i32 to index
      %get3A_187 = tpu.vector_load %arg13[%get3A_186] {strides = array<i32>} : memref<8192xi32, #tpu.memory_space<vmem>>, vector<16xi32>,
      %swap3A_188 = arith.constant 112 : index
      %swap3A_189 = tpu.vector_load %arg15[%swap3A_188] {strides = array<i32>} : memref<256xi32, #tpu.memory_space<vmem>>, vector<16xi32>,
      %swap3A_190 = vector.shape_cast %swap3A_189 : vector<16xi32> to vector<16xi32>
      %swap3A_191 = vector.shape_cast %get3A_187 : vector<16xi32> to vector<16xi32>
      tpu.vector_store %arg15[%swap3A_188], %swap3A_191 {strides = array<i32>} : memref<256xi32, #tpu.memory_space<vmem>>, vector<16xi32>,
      %add3A_192 = arith.constant 112 : i32
      %add3A_193 = arith.addi %mul3A_73, %add3A_192 : i32
      %get3A_194 = arith.index_cast %add3A_193 : i32 to index
      %get3A_195 = tpu.vector_load %arg14[%get3A_194] {strides = array<i32>} : memref<8192xi32, #tpu.memory_space<vmem>>, vector<16xi32>,
      %swap3A_196 = arith.constant 112 : index
      %swap3A_197 = tpu.vector_load %arg16[%swap3A_196] {strides = array<i32>} : memref<256xi32, #tpu.memory_space<vmem>>, vector<16xi32>,
      %swap3A_198 = vector.shape_cast %swap3A_197 : vector<16xi32> to vector<16xi32>
      %swap3A_199 = vector.shape_cast %get3A_195 : vector<16xi32> to vector<16xi32>
      tpu.vector_store %arg16[%swap3A_196], %swap3A_199 {strides = array<i32>} : memref<256xi32, #tpu.memory_space<vmem>>, vector<16xi32>,
      %add3A_200 = arith.constant 128 : i32
      %add3A_201 = arith.addi %mul3A_73, %add3A_200 : i32
      %get3A_202 = arith.index_cast %add3A_201 : i32 to index
      %get3A_203 = tpu.vector_load %arg13[%get3A_202] {strides = array<i32>} : memref<8192xi32, #tpu.memory_space<vmem>>, vector<16xi32>,
      %swap3A_204 = arith.constant 128 : index
      %swap3A_205 = tpu.vector_load %arg15[%swap3A_204] {strides = array<i32>} : memref<256xi32, #tpu.memory_space<vmem>>, vector<16xi32>,
      %swap3A_206 = vector.shape_cast %swap3A_205 : vector<16xi32> to vector<16xi32>
      %swap3A_207 = vector.shape_cast %get3A_203 : vector<16xi32> to vector<16xi32>
      tpu.vector_store %arg15[%swap3A_204], %swap3A_207 {strides = array<i32>} : memref<256xi32, #tpu.memory_space<vmem>>, vector<16xi32>,
      %add3A_208 = arith.constant 128 : i32
      %add3A_209 = arith.addi %mul3A_73, %add3A_208 : i32
      %get3A_210 = arith.index_cast %add3A_209 : i32 to index
      %get3A_211 = tpu.vector_load %arg14[%get3A_210] {strides = array<i32>} : memref<8192xi32, #tpu.memory_space<vmem>>, vector<16xi32>,
      %swap3A_212 = arith.constant 128 : index
      %swap3A_213 = tpu.vector_load %arg16[%swap3A_212] {strides = array<i32>} : memref<256xi32, #tpu.memory_space<vmem>>, vector<16xi32>,
      %swap3A_214 = vector.shape_cast %swap3A_213 : vector<16xi32> to vector<16xi32>
      %swap3A_215 = vector.shape_cast %get3A_211 : vector<16xi32> to vector<16xi32>
      tpu.vector_store %arg16[%swap3A_212], %swap3A_215 {strides = array<i32>} : memref<256xi32, #tpu.memory_space<vmem>>, vector<16xi32>,
      %add3A_216 = arith.constant 144 : i32
      %add3A_217 = arith.addi %mul3A_73, %add3A_216 : i32
      %get3A_218 = arith.index_cast %add3A_217 : i32 to index
      %get3A_219 = tpu.vector_load %arg13[%get3A_218] {strides = array<i32>} : memref<8192xi32, #tpu.memory_space<vmem>>, vector<16xi32>,
      %swap3A_220 = arith.constant 144 : index
      %swap3A_221 = tpu.vector_load %arg15[%swap3A_220] {strides = array<i32>} : memref<256xi32, #tpu.memory_space<vmem>>, vector<16xi32>,
      %swap3A_222 = vector.shape_cast %swap3A_221 : vector<16xi32> to vector<16xi32>
      %swap3A_223 = vector.shape_cast %get3A_219 : vector<16xi32> to vector<16xi32>
      tpu.vector_store %arg15[%swap3A_220], %swap3A_223 {strides = array<i32>} : memref<256xi32, #tpu.memory_space<vmem>>, vector<16xi32>,
      %add3A_224 = arith.constant 144 : i32
      %add3A_225 = arith.addi %mul3A_73, %add3A_224 : i32
      %get3A_226 = arith.index_cast %add3A_225 : i32 to index
      %get3A_227 = tpu.vector_load %arg14[%get3A_226] {strides = array<i32>} : memref<8192xi32, #tpu.memory_space<vmem>>, vector<16xi32>,
      %swap3A_228 = arith.constant 144 : index
      %swap3A_229 = tpu.vector_load %arg16[%swap3A_228] {strides = array<i32>} : memref<256xi32, #tpu.memory_space<vmem>>, vector<16xi32>,
      %swap3A_230 = vector.shape_cast %swap3A_229 : vector<16xi32> to vector<16xi32>
      %swap3A_231 = vector.shape_cast %get3A_227 : vector<16xi32> to vector<16xi32>
      tpu.vector_store %arg16[%swap3A_228], %swap3A_231 {strides = array<i32>} : memref<256xi32, #tpu.memory_space<vmem>>, vector<16xi32>,
      %add3A_232 = arith.constant 160 : i32
      %add3A_233 = arith.addi %mul3A_73, %add3A_232 : i32
      %get3A_234 = arith.index_cast %add3A_233 : i32 to index
      %get3A_235 = tpu.vector_load %arg13[%get3A_234] {strides = array<i32>} : memref<8192xi32, #tpu.memory_space<vmem>>, vector<16xi32>,
      %swap3A_236 = arith.constant 160 : index
      %swap3A_237 = tpu.vector_load %arg15[%swap3A_236] {strides = array<i32>} : memref<256xi32, #tpu.memory_space<vmem>>, vector<16xi32>,
      %swap3A_238 = vector.shape_cast %swap3A_237 : vector<16xi32> to vector<16xi32>
      %swap3A_239 = vector.shape_cast %get3A_235 : vector<16xi32> to vector<16xi32>
      tpu.vector_store %arg15[%swap3A_236], %swap3A_239 {strides = array<i32>} : memref<256xi32, #tpu.memory_space<vmem>>, vector<16xi32>,
      %add3A_240 = arith.constant 160 : i32
      %add3A_241 = arith.addi %mul3A_73, %add3A_240 : i32
      %get3A_242 = arith.index_cast %add3A_241 : i32 to index
      %get3A_243 = tpu.vector_load %arg14[%get3A_242] {strides = array<i32>} : memref<8192xi32, #tpu.memory_space<vmem>>, vector<16xi32>,
      %swap3A_244 = arith.constant 160 : index
      %swap3A_245 = tpu.vector_load %arg16[%swap3A_244] {strides = array<i32>} : memref<256xi32, #tpu.memory_space<vmem>>, vector<16xi32>,
      %swap3A_246 = vector.shape_cast %swap3A_245 : vector<16xi32> to vector<16xi32>
      %swap3A_247 = vector.shape_cast %get3A_243 : vector<16xi32> to vector<16xi32>
      tpu.vector_store %arg16[%swap3A_244], %swap3A_247 {strides = array<i32>} : memref<256xi32, #tpu.memory_space<vmem>>, vector<16xi32>,
      %add3A_248 = arith.constant 176 : i32
      %add3A_249 = arith.addi %mul3A_73, %add3A_248 : i32
      %get3A_250 = arith.index_cast %add3A_249 : i32 to index
      %get3A_251 = tpu.vector_load %arg13[%get3A_250] {strides = array<i32>} : memref<8192xi32, #tpu.memory_space<vmem>>, vector<16xi32>,
      %swap3A_252 = arith.constant 176 : index
      %swap3A_253 = tpu.vector_load %arg15[%swap3A_252] {strides = array<i32>} : memref<256xi32, #tpu.memory_space<vmem>>, vector<16xi32>,
      %swap3A_254 = vector.shape_cast %swap3A_253 : vector<16xi32> to vector<16xi32>
      %swap3A_255 = vector.shape_cast %get3A_251 : vector<16xi32> to vector<16xi32>
      tpu.vector_store %arg15[%swap3A_252], %swap3A_255 {strides = array<i32>} : memref<256xi32, #tpu.memory_space<vmem>>, vector<16xi32>,
      %add3A_256 = arith.constant 176 : i32
      %add3A_257 = arith.addi %mul3A_73, %add3A_256 : i32
      %get3A_258 = arith.index_cast %add3A_257 : i32 to index
      %get3A_259 = tpu.vector_load %arg14[%get3A_258] {strides = array<i32>} : memref<8192xi32, #tpu.memory_space<vmem>>, vector<16xi32>,
      %swap3A_260 = arith.constant 176 : index
      %swap3A_261 = tpu.vector_load %arg16[%swap3A_260] {strides = array<i32>} : memref<256xi32, #tpu.memory_space<vmem>>, vector<16xi32>,
      %swap3A_262 = vector.shape_cast %swap3A_261 : vector<16xi32> to vector<16xi32>
      %swap3A_263 = vector.shape_cast %get3A_259 : vector<16xi32> to vector<16xi32>
      tpu.vector_store %arg16[%swap3A_260], %swap3A_263 {strides = array<i32>} : memref<256xi32, #tpu.memory_space<vmem>>, vector<16xi32>,
      %add3A_264 = arith.constant 192 : i32
      %add3A_265 = arith.addi %mul3A_73, %add3A_264 : i32
      %get3A_266 = arith.index_cast %add3A_265 : i32 to index
      %get3A_267 = tpu.vector_load %arg13[%get3A_266] {strides = array<i32>} : memref<8192xi32, #tpu.memory_space<vmem>>, vector<16xi32>,
      %swap3A_268 = arith.constant 192 : index
      %swap3A_269 = tpu.vector_load %arg15[%swap3A_268] {strides = array<i32>} : memref<256xi32, #tpu.memory_space<vmem>>, vector<16xi32>,
      %swap3A_270 = vector.shape_cast %swap3A_269 : vector<16xi32> to vector<16xi32>
      %swap3A_271 = vector.shape_cast %get3A_267 : vector<16xi32> to vector<16xi32>
      tpu.vector_store %arg15[%swap3A_268], %swap3A_271 {strides = array<i32>} : memref<256xi32, #tpu.memory_space<vmem>>, vector<16xi32>,
      %add3A_272 = arith.constant 192 : i32
      %add3A_273 = arith.addi %mul3A_73, %add3A_272 : i32
      %get3A_274 = arith.index_cast %add3A_273 : i32 to index
      %get3A_275 = tpu.vector_load %arg14[%get3A_274] {strides = array<i32>} : memref<8192xi32, #tpu.memory_space<vmem>>, vector<16xi32>,
      %swap3A_276 = arith.constant 192 : index
      %swap3A_277 = tpu.vector_load %arg16[%swap3A_276] {strides = array<i32>} : memref<256xi32, #tpu.memory_space<vmem>>, vector<16xi32>,
      %swap3A_278 = vector.shape_cast %swap3A_277 : vector<16xi32> to vector<16xi32>
      %swap3A_279 = vector.shape_cast %get3A_275 : vector<16xi32> to vector<16xi32>
      tpu.vector_store %arg16[%swap3A_276], %swap3A_279 {strides = array<i32>} : memref<256xi32, #tpu.memory_space<vmem>>, vector<16xi32>,
      %add3A_280 = arith.constant 208 : i32
      %add3A_281 = arith.addi %mul3A_73, %add3A_280 : i32
      %get3A_282 = arith.index_cast %add3A_281 : i32 to index
      %get3A_283 = tpu.vector_load %arg13[%get3A_282] {strides = array<i32>} : memref<8192xi32, #tpu.memory_space<vmem>>, vector<16xi32>,
      %swap3A_284 = arith.constant 208 : index
      %swap3A_285 = tpu.vector_load %arg15[%swap3A_284] {strides = array<i32>} : memref<256xi32, #tpu.memory_space<vmem>>, vector<16xi32>,
      %swap3A_286 = vector.shape_cast %swap3A_285 : vector<16xi32> to vector<16xi32>
      %swap3A_287 = vector.shape_cast %get3A_283 : vector<16xi32> to vector<16xi32>
      tpu.vector_store %arg15[%swap3A_284], %swap3A_287 {strides = array<i32>} : memref<256xi32, #tpu.memory_space<vmem>>, vector<16xi32>,
      %add3A_288 = arith.constant 208 : i32
      %add3A_289 = arith.addi %mul3A_73, %add3A_288 : i32
      %get3A_290 = arith.index_cast %add3A_289 : i32 to index
      %get3A_291 = tpu.vector_load %arg14[%get3A_290] {strides = array<i32>} : memref<8192xi32, #tpu.memory_space<vmem>>, vector<16xi32>,
      %swap3A_292 = arith.constant 208 : index
      %swap3A_293 = tpu.vector_load %arg16[%swap3A_292] {strides = array<i32>} : memref<256xi32, #tpu.memory_space<vmem>>, vector<16xi32>,
      %swap3A_294 = vector.shape_cast %swap3A_293 : vector<16xi32> to vector<16xi32>
      %swap3A_295 = vector.shape_cast %get3A_291 : vector<16xi32> to vector<16xi32>
      tpu.vector_store %arg16[%swap3A_292], %swap3A_295 {strides = array<i32>} : memref<256xi32, #tpu.memory_space<vmem>>, vector<16xi32>,
      %add3A_296 = arith.constant 224 : i32
      %add3A_297 = arith.addi %mul3A_73, %add3A_296 : i32
      %get3A_298 = arith.index_cast %add3A_297 : i32 to index
      %get3A_299 = tpu.vector_load %arg13[%get3A_298] {strides = array<i32>} : memref<8192xi32, #tpu.memory_space<vmem>>, vector<16xi32>,
      %swap3A_300 = arith.constant 224 : index
      %swap3A_301 = tpu.vector_load %arg15[%swap3A_300] {strides = array<i32>} : memref<256xi32, #tpu.memory_space<vmem>>, vector<16xi32>,
      %swap3A_302 = vector.shape_cast %swap3A_301 : vector<16xi32> to vector<16xi32>
      %swap3A_303 = vector.shape_cast %get3A_299 : vector<16xi32> to vector<16xi32>
      tpu.vector_store %arg15[%swap3A_300], %swap3A_303 {strides = array<i32>} : memref<256xi32, #tpu.memory_space<vmem>>, vector<16xi32>,
      %add3A_304 = arith.constant 224 : i32
      %add3A_305 = arith.addi %mul3A_73, %add3A_304 : i32
      %get3A_306 = arith.index_cast %add3A_305 : i32 to index
      %get3A_307 = tpu.vector_load %arg14[%get3A_306] {strides = array<i32>} : memref<8192xi32, #tpu.memory_space<vmem>>, vector<16xi32>,
      %swap3A_308 = arith.constant 224 : index
      %swap3A_309 = tpu.vector_load %arg16[%swap3A_308] {strides = array<i32>} : memref<256xi32, #tpu.memory_space<vmem>>, vector<16xi32>,
      %swap3A_310 = vector.shape_cast %swap3A_309 : vector<16xi32> to vector<16xi32>
      %swap3A_311 = vector.shape_cast %get3A_307 : vector<16xi32> to vector<16xi32>
      tpu.vector_store %arg16[%swap3A_308], %swap3A_311 {strides = array<i32>} : memref<256xi32, #tpu.memory_space<vmem>>, vector<16xi32>,
      %add3A_312 = arith.constant 240 : i32
      %add3A_313 = arith.addi %mul3A_73, %add3A_312 : i32
      %get3A_314 = arith.index_cast %add3A_313 : i32 to index
      %get3A_315 = tpu.vector_load %arg13[%get3A_314] {strides = array<i32>} : memref<8192xi32, #tpu.memory_space<vmem>>, vector<16xi32>,
      %swap3A_316 = arith.constant 240 : index
      %swap3A_317 = tpu.vector_load %arg15[%swap3A_316] {strides = array<i32>} : memref<256xi32, #tpu.memory_space<vmem>>, vector<16xi32>,
      %swap3A_318 = vector.shape_cast %swap3A_317 : vector<16xi32> to vector<16xi32>
      %swap3A_319 = vector.shape_cast %get3A_315 : vector<16xi32> to vector<16xi32>
      tpu.vector_store %arg15[%swap3A_316], %swap3A_319 {strides = array<i32>} : memref<256xi32, #tpu.memory_space<vmem>>, vector<16xi32>,
      %add3A_320 = arith.constant 240 : i32
      %add3A_321 = arith.addi %mul3A_73, %add3A_320 : i32
      %get3A_322 = arith.index_cast %add3A_321 : i32 to index
      %get3A_323 = tpu.vector_load %arg14[%get3A_322] {strides = array<i32>} : memref<8192xi32, #tpu.memory_space<vmem>>, vector<16xi32>,
      %swap3A_324 = arith.constant 240 : index
      %swap3A_325 = tpu.vector_load %arg16[%swap3A_324] {strides = array<i32>} : memref<256xi32, #tpu.memory_space<vmem>>, vector<16xi32>,
      %swap3A_326 = vector.shape_cast %swap3A_325 : vector<16xi32> to vector<16xi32>
      %swap3A_327 = vector.shape_cast %get3A_323 : vector<16xi32> to vector<16xi32>
      tpu.vector_store %arg16[%swap3A_324], %swap3A_327 {strides = array<i32>} : memref<256xi32, #tpu.memory_space<vmem>>, vector<16xi32>,
      %dma_start3A = arith.constant 0 : i32
      %dma_start3A_328 = arith.constant 0 : i32
      %dma_start3A_329 = tpu.memref_slice %arg3[%dma_start3A, %dma_start3A_328] : memref<16384x64xf32, #tpu.memory_space<hbm>> -> memref<16384x64xf32, #tpu.memory_space<hbm>>
      tpu.enqueue_indirect_dma source(%dma_start3A_329 : memref<16384x64xf32, #tpu.memory_space<hbm>>) target(%arg19 : memref<256x64xf32, #tpu.memory_space<vmem>>) offsets(%arg15 : memref<256xi32, #tpu.memory_space<vmem>>) semaphore(%arg22 : memref<!tpu.dma_semaphore, #tpu.memory_space<semaphore_mem>>)
      %mul3A_330 = arith.constant 2 : i32
      %mul3A_331 = arith.muli %mul3A_330, %scan3A_69 : i32
      %add3A_332 = arith.constant 1 : i32
      %add3A_333 = arith.addi %mul3A_331, %add3A_332 : i32
      %mul3A_334 = arith.constant 256 : i32
      %mul3A_335 = arith.muli %add3A_333, %mul3A_334 : i32
      %add3A_336 = arith.constant 0 : i32
      %add3A_337 = arith.addi %mul3A_335, %add3A_336 : i32
      %get3A_338 = arith.index_cast %add3A_337 : i32 to index
      %get3A_339 = tpu.vector_load %arg13[%get3A_338] {strides = array<i32>} : memref<8192xi32, #tpu.memory_space<vmem>>, vector<16xi32>,
      %swap3A_340 = arith.constant 0 : index
      %swap3A_341 = tpu.vector_load %arg17[%swap3A_340] {strides = array<i32>} : memref<256xi32, #tpu.memory_space<vmem>>, vector<16xi32>,
      %swap3A_342 = vector.shape_cast %swap3A_341 : vector<16xi32> to vector<16xi32>
      %swap3A_343 = vector.shape_cast %get3A_339 : vector<16xi32> to vector<16xi32>
      tpu.vector_store %arg17[%swap3A_340], %swap3A_343 {strides = array<i32>} : memref<256xi32, #tpu.memory_space<vmem>>, vector<16xi32>,
      %add3A_344 = arith.constant 0 : i32
      %add3A_345 = arith.addi %mul3A_335, %add3A_344 : i32
      %get3A_346 = arith.index_cast %add3A_345 : i32 to index
      %get3A_347 = tpu.vector_load %arg14[%get3A_346] {strides = array<i32>} : memref<8192xi32, #tpu.memory_space<vmem>>, vector<16xi32>,
      %swap3A_348 = arith.constant 0 : index
      %swap3A_349 = tpu.vector_load %arg18[%swap3A_348] {strides = array<i32>} : memref<256xi32, #tpu.memory_space<vmem>>, vector<16xi32>,
      %swap3A_350 = vector.shape_cast %swap3A_349 : vector<16xi32> to vector<16xi32>
      %swap3A_351 = vector.shape_cast %get3A_347 : vector<16xi32> to vector<16xi32>
      tpu.vector_store %arg18[%swap3A_348], %swap3A_351 {strides = array<i32>} : memref<256xi32, #tpu.memory_space<vmem>>, vector<16xi32>,
      %add3A_352 = arith.constant 16 : i32
      %add3A_353 = arith.addi %mul3A_335, %add3A_352 : i32
      %get3A_354 = arith.index_cast %add3A_353 : i32 to index
      %get3A_355 = tpu.vector_load %arg13[%get3A_354] {strides = array<i32>} : memref<8192xi32, #tpu.memory_space<vmem>>, vector<16xi32>,
      %swap3A_356 = arith.constant 16 : index
      %swap3A_357 = tpu.vector_load %arg17[%swap3A_356] {strides = array<i32>} : memref<256xi32, #tpu.memory_space<vmem>>, vector<16xi32>,
      %swap3A_358 = vector.shape_cast %swap3A_357 : vector<16xi32> to vector<16xi32>
      %swap3A_359 = vector.shape_cast %get3A_355 : vector<16xi32> to vector<16xi32>
      tpu.vector_store %arg17[%swap3A_356], %swap3A_359 {strides = array<i32>} : memref<256xi32, #tpu.memory_space<vmem>>, vector<16xi32>,
      %add3A_360 = arith.constant 16 : i32
      %add3A_361 = arith.addi %mul3A_335, %add3A_360 : i32
      %get3A_362 = arith.index_cast %add3A_361 : i32 to index
      %get3A_363 = tpu.vector_load %arg14[%get3A_362] {strides = array<i32>} : memref<8192xi32, #tpu.memory_space<vmem>>, vector<16xi32>,
      %swap3A_364 = arith.constant 16 : index
      %swap3A_365 = tpu.vector_load %arg18[%swap3A_364] {strides = array<i32>} : memref<256xi32, #tpu.memory_space<vmem>>, vector<16xi32>,
      %swap3A_366 = vector.shape_cast %swap3A_365 : vector<16xi32> to vector<16xi32>
      %swap3A_367 = vector.shape_cast %get3A_363 : vector<16xi32> to vector<16xi32>
      tpu.vector_store %arg18[%swap3A_364], %swap3A_367 {strides = array<i32>} : memref<256xi32, #tpu.memory_space<vmem>>, vector<16xi32>,
      %add3A_368 = arith.constant 32 : i32
      %add3A_369 = arith.addi %mul3A_335, %add3A_368 : i32
      %get3A_370 = arith.index_cast %add3A_369 : i32 to index
      %get3A_371 = tpu.vector_load %arg13[%get3A_370] {strides = array<i32>} : memref<8192xi32, #tpu.memory_space<vmem>>, vector<16xi32>,
      %swap3A_372 = arith.constant 32 : index
      %swap3A_373 = tpu.vector_load %arg17[%swap3A_372] {strides = array<i32>} : memref<256xi32, #tpu.memory_space<vmem>>, vector<16xi32>,
      %swap3A_374 = vector.shape_cast %swap3A_373 : vector<16xi32> to vector<16xi32>
      %swap3A_375 = vector.shape_cast %get3A_371 : vector<16xi32> to vector<16xi32>
      tpu.vector_store %arg17[%swap3A_372], %swap3A_375 {strides = array<i32>} : memref<256xi32, #tpu.memory_space<vmem>>, vector<16xi32>,
      %add3A_376 = arith.constant 32 : i32
      %add3A_377 = arith.addi %mul3A_335, %add3A_376 : i32
      %get3A_378 = arith.index_cast %add3A_377 : i32 to index
      %get3A_379 = tpu.vector_load %arg14[%get3A_378] {strides = array<i32>} : memref<8192xi32, #tpu.memory_space<vmem>>, vector<16xi32>,
      %swap3A_380 = arith.constant 32 : index
      %swap3A_381 = tpu.vector_load %arg18[%swap3A_380] {strides = array<i32>} : memref<256xi32, #tpu.memory_space<vmem>>, vector<16xi32>,
      %swap3A_382 = vector.shape_cast %swap3A_381 : vector<16xi32> to vector<16xi32>
      %swap3A_383 = vector.shape_cast %get3A_379 : vector<16xi32> to vector<16xi32>
      tpu.vector_store %arg18[%swap3A_380], %swap3A_383 {strides = array<i32>} : memref<256xi32, #tpu.memory_space<vmem>>, vector<16xi32>,
      %add3A_384 = arith.constant 48 : i32
      %add3A_385 = arith.addi %mul3A_335, %add3A_384 : i32
      %get3A_386 = arith.index_cast %add3A_385 : i32 to index
      %get3A_387 = tpu.vector_load %arg13[%get3A_386] {strides = array<i32>} : memref<8192xi32, #tpu.memory_space<vmem>>, vector<16xi32>,
      %swap3A_388 = arith.constant 48 : index
      %swap3A_389 = tpu.vector_load %arg17[%swap3A_388] {strides = array<i32>} : memref<256xi32, #tpu.memory_space<vmem>>, vector<16xi32>,
      %swap3A_390 = vector.shape_cast %swap3A_389 : vector<16xi32> to vector<16xi32>
      %swap3A_391 = vector.shape_cast %get3A_387 : vector<16xi32> to vector<16xi32>
      tpu.vector_store %arg17[%swap3A_388], %swap3A_391 {strides = array<i32>} : memref<256xi32, #tpu.memory_space<vmem>>, vector<16xi32>,
      %add3A_392 = arith.constant 48 : i32
      %add3A_393 = arith.addi %mul3A_335, %add3A_392 : i32
      %get3A_394 = arith.index_cast %add3A_393 : i32 to index
      %get3A_395 = tpu.vector_load %arg14[%get3A_394] {strides = array<i32>} : memref<8192xi32, #tpu.memory_space<vmem>>, vector<16xi32>,
      %swap3A_396 = arith.constant 48 : index
      %swap3A_397 = tpu.vector_load %arg18[%swap3A_396] {strides = array<i32>} : memref<256xi32, #tpu.memory_space<vmem>>, vector<16xi32>,
      %swap3A_398 = vector.shape_cast %swap3A_397 : vector<16xi32> to vector<16xi32>
      %swap3A_399 = vector.shape_cast %get3A_395 : vector<16xi32> to vector<16xi32>
      tpu.vector_store %arg18[%swap3A_396], %swap3A_399 {strides = array<i32>} : memref<256xi32, #tpu.memory_space<vmem>>, vector<16xi32>,
      %add3A_400 = arith.constant 64 : i32
      %add3A_401 = arith.addi %mul3A_335, %add3A_400 : i32
      %get3A_402 = arith.index_cast %add3A_401 : i32 to index
      %get3A_403 = tpu.vector_load %arg13[%get3A_402] {strides = array<i32>} : memref<8192xi32, #tpu.memory_space<vmem>>, vector<16xi32>,
      %swap3A_404 = arith.constant 64 : index
      %swap3A_405 = tpu.vector_load %arg17[%swap3A_404] {strides = array<i32>} : memref<256xi32, #tpu.memory_space<vmem>>, vector<16xi32>,
      %swap3A_406 = vector.shape_cast %swap3A_405 : vector<16xi32> to vector<16xi32>
      %swap3A_407 = vector.shape_cast %get3A_403 : vector<16xi32> to vector<16xi32>
      tpu.vector_store %arg17[%swap3A_404], %swap3A_407 {strides = array<i32>} : memref<256xi32, #tpu.memory_space<vmem>>, vector<16xi32>,
      %add3A_408 = arith.constant 64 : i32
      %add3A_409 = arith.addi %mul3A_335, %add3A_408 : i32
      %get3A_410 = arith.index_cast %add3A_409 : i32 to index
      %get3A_411 = tpu.vector_load %arg14[%get3A_410] {strides = array<i32>} : memref<8192xi32, #tpu.memory_space<vmem>>, vector<16xi32>,
      %swap3A_412 = arith.constant 64 : index
      %swap3A_413 = tpu.vector_load %arg18[%swap3A_412] {strides = array<i32>} : memref<256xi32, #tpu.memory_space<vmem>>, vector<16xi32>,
      %swap3A_414 = vector.shape_cast %swap3A_413 : vector<16xi32> to vector<16xi32>
      %swap3A_415 = vector.shape_cast %get3A_411 : vector<16xi32> to vector<16xi32>
      tpu.vector_store %arg18[%swap3A_412], %swap3A_415 {strides = array<i32>} : memref<256xi32, #tpu.memory_space<vmem>>, vector<16xi32>,
      %add3A_416 = arith.constant 80 : i32
      %add3A_417 = arith.addi %mul3A_335, %add3A_416 : i32
      %get3A_418 = arith.index_cast %add3A_417 : i32 to index
      %get3A_419 = tpu.vector_load %arg13[%get3A_418] {strides = array<i32>} : memref<8192xi32, #tpu.memory_space<vmem>>, vector<16xi32>,
      %swap3A_420 = arith.constant 80 : index
      %swap3A_421 = tpu.vector_load %arg17[%swap3A_420] {strides = array<i32>} : memref<256xi32, #tpu.memory_space<vmem>>, vector<16xi32>,
      %swap3A_422 = vector.shape_cast %swap3A_421 : vector<16xi32> to vector<16xi32>
      %swap3A_423 = vector.shape_cast %get3A_419 : vector<16xi32> to vector<16xi32>
      tpu.vector_store %arg17[%swap3A_420], %swap3A_423 {strides = array<i32>} : memref<256xi32, #tpu.memory_space<vmem>>, vector<16xi32>,
      %add3A_424 = arith.constant 80 : i32
      %add3A_425 = arith.addi %mul3A_335, %add3A_424 : i32
      %get3A_426 = arith.index_cast %add3A_425 : i32 to index
      %get3A_427 = tpu.vector_load %arg14[%get3A_426] {strides = array<i32>} : memref<8192xi32, #tpu.memory_space<vmem>>, vector<16xi32>,
      %swap3A_428 = arith.constant 80 : index
      %swap3A_429 = tpu.vector_load %arg18[%swap3A_428] {strides = array<i32>} : memref<256xi32, #tpu.memory_space<vmem>>, vector<16xi32>,
      %swap3A_430 = vector.shape_cast %swap3A_429 : vector<16xi32> to vector<16xi32>
      %swap3A_431 = vector.shape_cast %get3A_427 : vector<16xi32> to vector<16xi32>
      tpu.vector_store %arg18[%swap3A_428], %swap3A_431 {strides = array<i32>} : memref<256xi32, #tpu.memory_space<vmem>>, vector<16xi32>,
      %add3A_432 = arith.constant 96 : i32
      %add3A_433 = arith.addi %mul3A_335, %add3A_432 : i32
      %get3A_434 = arith.index_cast %add3A_433 : i32 to index
      %get3A_435 = tpu.vector_load %arg13[%get3A_434] {strides = array<i32>} : memref<8192xi32, #tpu.memory_space<vmem>>, vector<16xi32>,
      %swap3A_436 = arith.constant 96 : index
      %swap3A_437 = tpu.vector_load %arg17[%swap3A_436] {strides = array<i32>} : memref<256xi32, #tpu.memory_space<vmem>>, vector<16xi32>,
      %swap3A_438 = vector.shape_cast %swap3A_437 : vector<16xi32> to vector<16xi32>
      %swap3A_439 = vector.shape_cast %get3A_435 : vector<16xi32> to vector<16xi32>
      tpu.vector_store %arg17[%swap3A_436], %swap3A_439 {strides = array<i32>} : memref<256xi32, #tpu.memory_space<vmem>>, vector<16xi32>,
      %add3A_440 = arith.constant 96 : i32
      %add3A_441 = arith.addi %mul3A_335, %add3A_440 : i32
      %get3A_442 = arith.index_cast %add3A_441 : i32 to index
      %get3A_443 = tpu.vector_load %arg14[%get3A_442] {strides = array<i32>} : memref<8192xi32, #tpu.memory_space<vmem>>, vector<16xi32>,
      %swap3A_444 = arith.constant 96 : index
      %swap3A_445 = tpu.vector_load %arg18[%swap3A_444] {strides = array<i32>} : memref<256xi32, #tpu.memory_space<vmem>>, vector<16xi32>,
      %swap3A_446 = vector.shape_cast %swap3A_445 : vector<16xi32> to vector<16xi32>
      %swap3A_447 = vector.shape_cast %get3A_443 : vector<16xi32> to vector<16xi32>
      tpu.vector_store %arg18[%swap3A_444], %swap3A_447 {strides = array<i32>} : memref<256xi32, #tpu.memory_space<vmem>>, vector<16xi32>,
      %add3A_448 = arith.constant 112 : i32
      %add3A_449 = arith.addi %mul3A_335, %add3A_448 : i32
      %get3A_450 = arith.index_cast %add3A_449 : i32 to index
      %get3A_451 = tpu.vector_load %arg13[%get3A_450] {strides = array<i32>} : memref<8192xi32, #tpu.memory_space<vmem>>, vector<16xi32>,
      %swap3A_452 = arith.constant 112 : index
      %swap3A_453 = tpu.vector_load %arg17[%swap3A_452] {strides = array<i32>} : memref<256xi32, #tpu.memory_space<vmem>>, vector<16xi32>,
      %swap3A_454 = vector.shape_cast %swap3A_453 : vector<16xi32> to vector<16xi32>
      %swap3A_455 = vector.shape_cast %get3A_451 : vector<16xi32> to vector<16xi32>
      tpu.vector_store %arg17[%swap3A_452], %swap3A_455 {strides = array<i32>} : memref<256xi32, #tpu.memory_space<vmem>>, vector<16xi32>,
      %add3A_456 = arith.constant 112 : i32
      %add3A_457 = arith.addi %mul3A_335, %add3A_456 : i32
      %get3A_458 = arith.index_cast %add3A_457 : i32 to index
      %get3A_459 = tpu.vector_load %arg14[%get3A_458] {strides = array<i32>} : memref<8192xi32, #tpu.memory_space<vmem>>, vector<16xi32>,
      %swap3A_460 = arith.constant 112 : index
      %swap3A_461 = tpu.vector_load %arg18[%swap3A_460] {strides = array<i32>} : memref<256xi32, #tpu.memory_space<vmem>>, vector<16xi32>,
      %swap3A_462 = vector.shape_cast %swap3A_461 : vector<16xi32> to vector<16xi32>
      %swap3A_463 = vector.shape_cast %get3A_459 : vector<16xi32> to vector<16xi32>
      tpu.vector_store %arg18[%swap3A_460], %swap3A_463 {strides = array<i32>} : memref<256xi32, #tpu.memory_space<vmem>>, vector<16xi32>,
      %add3A_464 = arith.constant 128 : i32
      %add3A_465 = arith.addi %mul3A_335, %add3A_464 : i32
      %get3A_466 = arith.index_cast %add3A_465 : i32 to index
      %get3A_467 = tpu.vector_load %arg13[%get3A_466] {strides = array<i32>} : memref<8192xi32, #tpu.memory_space<vmem>>, vector<16xi32>,
      %swap3A_468 = arith.constant 128 : index
      %swap3A_469 = tpu.vector_load %arg17[%swap3A_468] {strides = array<i32>} : memref<256xi32, #tpu.memory_space<vmem>>, vector<16xi32>,
      %swap3A_470 = vector.shape_cast %swap3A_469 : vector<16xi32> to vector<16xi32>
      %swap3A_471 = vector.shape_cast %get3A_467 : vector<16xi32> to vector<16xi32>
      tpu.vector_store %arg17[%swap3A_468], %swap3A_471 {strides = array<i32>} : memref<256xi32, #tpu.memory_space<vmem>>, vector<16xi32>,
      %add3A_472 = arith.constant 128 : i32
      %add3A_473 = arith.addi %mul3A_335, %add3A_472 : i32
      %get3A_474 = arith.index_cast %add3A_473 : i32 to index
      %get3A_475 = tpu.vector_load %arg14[%get3A_474] {strides = array<i32>} : memref<8192xi32, #tpu.memory_space<vmem>>, vector<16xi32>,
      %swap3A_476 = arith.constant 128 : index
      %swap3A_477 = tpu.vector_load %arg18[%swap3A_476] {strides = array<i32>} : memref<256xi32, #tpu.memory_space<vmem>>, vector<16xi32>,
      %swap3A_478 = vector.shape_cast %swap3A_477 : vector<16xi32> to vector<16xi32>
      %swap3A_479 = vector.shape_cast %get3A_475 : vector<16xi32> to vector<16xi32>
      tpu.vector_store %arg18[%swap3A_476], %swap3A_479 {strides = array<i32>} : memref<256xi32, #tpu.memory_space<vmem>>, vector<16xi32>,
      %add3A_480 = arith.constant 144 : i32
      %add3A_481 = arith.addi %mul3A_335, %add3A_480 : i32
      %get3A_482 = arith.index_cast %add3A_481 : i32 to index
      %get3A_483 = tpu.vector_load %arg13[%get3A_482] {strides = array<i32>} : memref<8192xi32, #tpu.memory_space<vmem>>, vector<16xi32>,
      %swap3A_484 = arith.constant 144 : index
      %swap3A_485 = tpu.vector_load %arg17[%swap3A_484] {strides = array<i32>} : memref<256xi32, #tpu.memory_space<vmem>>, vector<16xi32>,
      %swap3A_486 = vector.shape_cast %swap3A_485 : vector<16xi32> to vector<16xi32>
      %swap3A_487 = vector.shape_cast %get3A_483 : vector<16xi32> to vector<16xi32>
      tpu.vector_store %arg17[%swap3A_484], %swap3A_487 {strides = array<i32>} : memref<256xi32, #tpu.memory_space<vmem>>, vector<16xi32>,
      %add3A_488 = arith.constant 144 : i32
      %add3A_489 = arith.addi %mul3A_335, %add3A_488 : i32
      %get3A_490 = arith.index_cast %add3A_489 : i32 to index
      %get3A_491 = tpu.vector_load %arg14[%get3A_490] {strides = array<i32>} : memref<8192xi32, #tpu.memory_space<vmem>>, vector<16xi32>,
      %swap3A_492 = arith.constant 144 : index
      %swap3A_493 = tpu.vector_load %arg18[%swap3A_492] {strides = array<i32>} : memref<256xi32, #tpu.memory_space<vmem>>, vector<16xi32>,
      %swap3A_494 = vector.shape_cast %swap3A_493 : vector<16xi32> to vector<16xi32>
      %swap3A_495 = vector.shape_cast %get3A_491 : vector<16xi32> to vector<16xi32>
      tpu.vector_store %arg18[%swap3A_492], %swap3A_495 {strides = array<i32>} : memref<256xi32, #tpu.memory_space<vmem>>, vector<16xi32>,
      %add3A_496 = arith.constant 160 : i32
      %add3A_497 = arith.addi %mul3A_335, %add3A_496 : i32
      %get3A_498 = arith.index_cast %add3A_497 : i32 to index
      %get3A_499 = tpu.vector_load %arg13[%get3A_498] {strides = array<i32>} : memref<8192xi32, #tpu.memory_space<vmem>>, vector<16xi32>,
      %swap3A_500 = arith.constant 160 : index
      %swap3A_501 = tpu.vector_load %arg17[%swap3A_500] {strides = array<i32>} : memref<256xi32, #tpu.memory_space<vmem>>, vector<16xi32>,
      %swap3A_502 = vector.shape_cast %swap3A_501 : vector<16xi32> to vector<16xi32>
      %swap3A_503 = vector.shape_cast %get3A_499 : vector<16xi32> to vector<16xi32>
      tpu.vector_store %arg17[%swap3A_500], %swap3A_503 {strides = array<i32>} : memref<256xi32, #tpu.memory_space<vmem>>, vector<16xi32>,
      %add3A_504 = arith.constant 160 : i32
      %add3A_505 = arith.addi %mul3A_335, %add3A_504 : i32
      %get3A_506 = arith.index_cast %add3A_505 : i32 to index
      %get3A_507 = tpu.vector_load %arg14[%get3A_506] {strides = array<i32>} : memref<8192xi32, #tpu.memory_space<vmem>>, vector<16xi32>,
      %swap3A_508 = arith.constant 160 : index
      %swap3A_509 = tpu.vector_load %arg18[%swap3A_508] {strides = array<i32>} : memref<256xi32, #tpu.memory_space<vmem>>, vector<16xi32>,
      %swap3A_510 = vector.shape_cast %swap3A_509 : vector<16xi32> to vector<16xi32>
      %swap3A_511 = vector.shape_cast %get3A_507 : vector<16xi32> to vector<16xi32>
      tpu.vector_store %arg18[%swap3A_508], %swap3A_511 {strides = array<i32>} : memref<256xi32, #tpu.memory_space<vmem>>, vector<16xi32>,
      %add3A_512 = arith.constant 176 : i32
      %add3A_513 = arith.addi %mul3A_335, %add3A_512 : i32
      %get3A_514 = arith.index_cast %add3A_513 : i32 to index
      %get3A_515 = tpu.vector_load %arg13[%get3A_514] {strides = array<i32>} : memref<8192xi32, #tpu.memory_space<vmem>>, vector<16xi32>,
      %swap3A_516 = arith.constant 176 : index
      %swap3A_517 = tpu.vector_load %arg17[%swap3A_516] {strides = array<i32>} : memref<256xi32, #tpu.memory_space<vmem>>, vector<16xi32>,
      %swap3A_518 = vector.shape_cast %swap3A_517 : vector<16xi32> to vector<16xi32>
      %swap3A_519 = vector.shape_cast %get3A_515 : vector<16xi32> to vector<16xi32>
      tpu.vector_store %arg17[%swap3A_516], %swap3A_519 {strides = array<i32>} : memref<256xi32, #tpu.memory_space<vmem>>, vector<16xi32>,
      %add3A_520 = arith.constant 176 : i32
      %add3A_521 = arith.addi %mul3A_335, %add3A_520 : i32
      %get3A_522 = arith.index_cast %add3A_521 : i32 to index
      %get3A_523 = tpu.vector_load %arg14[%get3A_522] {strides = array<i32>} : memref<8192xi32, #tpu.memory_space<vmem>>, vector<16xi32>,
      %swap3A_524 = arith.constant 176 : index
      %swap3A_525 = tpu.vector_load %arg18[%swap3A_524] {strides = array<i32>} : memref<256xi32, #tpu.memory_space<vmem>>, vector<16xi32>,
      %swap3A_526 = vector.shape_cast %swap3A_525 : vector<16xi32> to vector<16xi32>
      %swap3A_527 = vector.shape_cast %get3A_523 : vector<16xi32> to vector<16xi32>
      tpu.vector_store %arg18[%swap3A_524], %swap3A_527 {strides = array<i32>} : memref<256xi32, #tpu.memory_space<vmem>>, vector<16xi32>,
      %add3A_528 = arith.constant 192 : i32
      %add3A_529 = arith.addi %mul3A_335, %add3A_528 : i32
      %get3A_530 = arith.index_cast %add3A_529 : i32 to index
      %get3A_531 = tpu.vector_load %arg13[%get3A_530] {strides = array<i32>} : memref<8192xi32, #tpu.memory_space<vmem>>, vector<16xi32>,
      %swap3A_532 = arith.constant 192 : index
      %swap3A_533 = tpu.vector_load %arg17[%swap3A_532] {strides = array<i32>} : memref<256xi32, #tpu.memory_space<vmem>>, vector<16xi32>,
      %swap3A_534 = vector.shape_cast %swap3A_533 : vector<16xi32> to vector<16xi32>
      %swap3A_535 = vector.shape_cast %get3A_531 : vector<16xi32> to vector<16xi32>
      tpu.vector_store %arg17[%swap3A_532], %swap3A_535 {strides = array<i32>} : memref<256xi32, #tpu.memory_space<vmem>>, vector<16xi32>,
      %add3A_536 = arith.constant 192 : i32
      %add3A_537 = arith.addi %mul3A_335, %add3A_536 : i32
      %get3A_538 = arith.index_cast %add3A_537 : i32 to index
      %get3A_539 = tpu.vector_load %arg14[%get3A_538] {strides = array<i32>} : memref<8192xi32, #tpu.memory_space<vmem>>, vector<16xi32>,
      %swap3A_540 = arith.constant 192 : index
      %swap3A_541 = tpu.vector_load %arg18[%swap3A_540] {strides = array<i32>} : memref<256xi32, #tpu.memory_space<vmem>>, vector<16xi32>,
      %swap3A_542 = vector.shape_cast %swap3A_541 : vector<16xi32> to vector<16xi32>
      %swap3A_543 = vector.shape_cast %get3A_539 : vector<16xi32> to vector<16xi32>
      tpu.vector_store %arg18[%swap3A_540], %swap3A_543 {strides = array<i32>} : memref<256xi32, #tpu.memory_space<vmem>>, vector<16xi32>,
      %add3A_544 = arith.constant 208 : i32
      %add3A_545 = arith.addi %mul3A_335, %add3A_544 : i32
      %get3A_546 = arith.index_cast %add3A_545 : i32 to index
      %get3A_547 = tpu.vector_load %arg13[%get3A_546] {strides = array<i32>} : memref<8192xi32, #tpu.memory_space<vmem>>, vector<16xi32>,
      %swap3A_548 = arith.constant 208 : index
      %swap3A_549 = tpu.vector_load %arg17[%swap3A_548] {strides = array<i32>} : memref<256xi32, #tpu.memory_space<vmem>>, vector<16xi32>,
      %swap3A_550 = vector.shape_cast %swap3A_549 : vector<16xi32> to vector<16xi32>
      %swap3A_551 = vector.shape_cast %get3A_547 : vector<16xi32> to vector<16xi32>
      tpu.vector_store %arg17[%swap3A_548], %swap3A_551 {strides = array<i32>} : memref<256xi32, #tpu.memory_space<vmem>>, vector<16xi32>,
      %add3A_552 = arith.constant 208 : i32
      %add3A_553 = arith.addi %mul3A_335, %add3A_552 : i32
      %get3A_554 = arith.index_cast %add3A_553 : i32 to index
      %get3A_555 = tpu.vector_load %arg14[%get3A_554] {strides = array<i32>} : memref<8192xi32, #tpu.memory_space<vmem>>, vector<16xi32>,
      %swap3A_556 = arith.constant 208 : index
      %swap3A_557 = tpu.vector_load %arg18[%swap3A_556] {strides = array<i32>} : memref<256xi32, #tpu.memory_space<vmem>>, vector<16xi32>,
      %swap3A_558 = vector.shape_cast %swap3A_557 : vector<16xi32> to vector<16xi32>
      %swap3A_559 = vector.shape_cast %get3A_555 : vector<16xi32> to vector<16xi32>
      tpu.vector_store %arg18[%swap3A_556], %swap3A_559 {strides = array<i32>} : memref<256xi32, #tpu.memory_space<vmem>>, vector<16xi32>,
      %add3A_560 = arith.constant 224 : i32
      %add3A_561 = arith.addi %mul3A_335, %add3A_560 : i32
      %get3A_562 = arith.index_cast %add3A_561 : i32 to index
      %get3A_563 = tpu.vector_load %arg13[%get3A_562] {strides = array<i32>} : memref<8192xi32, #tpu.memory_space<vmem>>, vector<16xi32>,
      %swap3A_564 = arith.constant 224 : index
      %swap3A_565 = tpu.vector_load %arg17[%swap3A_564] {strides = array<i32>} : memref<256xi32, #tpu.memory_space<vmem>>, vector<16xi32>,
      %swap3A_566 = vector.shape_cast %swap3A_565 : vector<16xi32> to vector<16xi32>
      %swap3A_567 = vector.shape_cast %get3A_563 : vector<16xi32> to vector<16xi32>
      tpu.vector_store %arg17[%swap3A_564], %swap3A_567 {strides = array<i32>} : memref<256xi32, #tpu.memory_space<vmem>>, vector<16xi32>,
      %add3A_568 = arith.constant 224 : i32
      %add3A_569 = arith.addi %mul3A_335, %add3A_568 : i32
      %get3A_570 = arith.index_cast %add3A_569 : i32 to index
      %get3A_571 = tpu.vector_load %arg14[%get3A_570] {strides = array<i32>} : memref<8192xi32, #tpu.memory_space<vmem>>, vector<16xi32>,
      %swap3A_572 = arith.constant 224 : index
      %swap3A_573 = tpu.vector_load %arg18[%swap3A_572] {strides = array<i32>} : memref<256xi32, #tpu.memory_space<vmem>>, vector<16xi32>,
      %swap3A_574 = vector.shape_cast %swap3A_573 : vector<16xi32> to vector<16xi32>
      %swap3A_575 = vector.shape_cast %get3A_571 : vector<16xi32> to vector<16xi32>
      tpu.vector_store %arg18[%swap3A_572], %swap3A_575 {strides = array<i32>} : memref<256xi32, #tpu.memory_space<vmem>>, vector<16xi32>,
      %add3A_576 = arith.constant 240 : i32
      %add3A_577 = arith.addi %mul3A_335, %add3A_576 : i32
      %get3A_578 = arith.index_cast %add3A_577 : i32 to index
      %get3A_579 = tpu.vector_load %arg13[%get3A_578] {strides = array<i32>} : memref<8192xi32, #tpu.memory_space<vmem>>, vector<16xi32>,
      %swap3A_580 = arith.constant 240 : index
      %swap3A_581 = tpu.vector_load %arg17[%swap3A_580] {strides = array<i32>} : memref<256xi32, #tpu.memory_space<vmem>>, vector<16xi32>,
      %swap3A_582 = vector.shape_cast %swap3A_581 : vector<16xi32> to vector<16xi32>
      %swap3A_583 = vector.shape_cast %get3A_579 : vector<16xi32> to vector<16xi32>
      tpu.vector_store %arg17[%swap3A_580], %swap3A_583 {strides = array<i32>} : memref<256xi32, #tpu.memory_space<vmem>>, vector<16xi32>,
      %add3A_584 = arith.constant 240 : i32
      %add3A_585 = arith.addi %mul3A_335, %add3A_584 : i32
      %get3A_586 = arith.index_cast %add3A_585 : i32 to index
      %get3A_587 = tpu.vector_load %arg14[%get3A_586] {strides = array<i32>} : memref<8192xi32, #tpu.memory_space<vmem>>, vector<16xi32>,
      %swap3A_588 = arith.constant 240 : index
      %swap3A_589 = tpu.vector_load %arg18[%swap3A_588] {strides = array<i32>} : memref<256xi32, #tpu.memory_space<vmem>>, vector<16xi32>,
      %swap3A_590 = vector.shape_cast %swap3A_589 : vector<16xi32> to vector<16xi32>
      %swap3A_591 = vector.shape_cast %get3A_587 : vector<16xi32> to vector<16xi32>
      tpu.vector_store %arg18[%swap3A_588], %swap3A_591 {strides = array<i32>} : memref<256xi32, #tpu.memory_space<vmem>>, vector<16xi32>,
      %dma_start3A_592 = arith.constant 0 : i32
      %dma_start3A_593 = arith.constant 0 : i32
      %dma_start3A_594 = tpu.memref_slice %arg3[%dma_start3A_592, %dma_start3A_593] : memref<16384x64xf32, #tpu.memory_space<hbm>> -> memref<16384x64xf32, #tpu.memory_space<hbm>>
      tpu.enqueue_indirect_dma source(%dma_start3A_594 : memref<16384x64xf32, #tpu.memory_space<hbm>>) target(%arg20 : memref<256x64xf32, #tpu.memory_space<vmem>>) offsets(%arg17 : memref<256xi32, #tpu.memory_space<vmem>>) semaphore(%arg23 : memref<!tpu.dma_semaphore, #tpu.memory_space<semaphore_mem>>)
      %dma_wait3A = arith.constant 0 : i32
      %dma_wait3A_595 = arith.constant 0 : i32
      %dma_wait3A_596 = tpu.memref_slice %arg3[%dma_wait3A, %dma_wait3A_595] : memref<16384x64xf32, #tpu.memory_space<hbm>> -> memref<16384x64xf32, #tpu.memory_space<hbm>>
      tpu.wait_indirect_dma semaphore(%arg22 : memref<!tpu.dma_semaphore, #tpu.memory_space<semaphore_mem>>) src(%dma_wait3A_596 : memref<16384x64xf32, #tpu.memory_space<hbm>>) dst(%arg19 : memref<256x64xf32, #tpu.memory_space<vmem>>)
      %dma_start3A_597 = arith.constant 0 : i32
      %dma_start3A_598 = arith.constant 0 : i32
      %dma_start3A_599 = tpu.memref_slice %arg21[%dma_start3A_597, %dma_start3A_598] : memref<16384x64xf32, #tpu.memory_space<vmem_shared>> -> memref<16384x64xf32, #tpu.memory_space<vmem_shared>>
      tpu.enqueue_indirect_dma source(%arg19 : memref<256x64xf32, #tpu.memory_space<vmem>>) target(%dma_start3A_599 : memref<16384x64xf32, #tpu.memory_space<vmem_shared>>) offsets(%arg16 : memref<256xi32, #tpu.memory_space<vmem>>) semaphore(%arg24 : memref<!tpu.dma_semaphore, #tpu.memory_space<semaphore_mem>>) {add = true}
      %dma_wait3A_600 = arith.constant 0 : i32
      %dma_wait3A_601 = arith.constant 0 : i32
      %dma_wait3A_602 = tpu.memref_slice %arg3[%dma_wait3A_600, %dma_wait3A_601] : memref<16384x64xf32, #tpu.memory_space<hbm>> -> memref<16384x64xf32, #tpu.memory_space<hbm>>
      tpu.wait_indirect_dma semaphore(%arg23 : memref<!tpu.dma_semaphore, #tpu.memory_space<semaphore_mem>>) src(%dma_wait3A_602 : memref<16384x64xf32, #tpu.memory_space<hbm>>) dst(%arg20 : memref<256x64xf32, #tpu.memory_space<vmem>>)
      %dma_start3A_603 = arith.constant 0 : i32
      %dma_start3A_604 = arith.constant 0 : i32
      %dma_start3A_605 = tpu.memref_slice %arg21[%dma_start3A_603, %dma_start3A_604] : memref<16384x64xf32, #tpu.memory_space<vmem_shared>> -> memref<16384x64xf32, #tpu.memory_space<vmem_shared>>
      tpu.enqueue_indirect_dma source(%arg20 : memref<256x64xf32, #tpu.memory_space<vmem>>) target(%dma_start3A_605 : memref<16384x64xf32, #tpu.memory_space<vmem_shared>>) offsets(%arg18 : memref<256xi32, #tpu.memory_space<vmem>>) semaphore(%arg24 : memref<!tpu.dma_semaphore, #tpu.memory_space<semaphore_mem>>) {add = true}
      %dma_wait3A_606 = arith.constant 0 : i32
      %dma_wait3A_607 = arith.constant 0 : i32
      %dma_wait3A_608 = tpu.memref_slice %arg21[%dma_wait3A_606, %dma_wait3A_607] : memref<16384x64xf32, #tpu.memory_space<vmem_shared>> -> memref<16384x64xf32, #tpu.memory_space<vmem_shared>>
      tpu.wait_indirect_dma semaphore(%arg24 : memref<!tpu.dma_semaphore, #tpu.memory_space<semaphore_mem>>) src(%arg19 : memref<256x64xf32, #tpu.memory_space<vmem>>) dst(%dma_wait3A_608 : memref<16384x64xf32, #tpu.memory_space<vmem_shared>>)
      %dma_wait3A_609 = arith.constant 0 : i32
      %dma_wait3A_610 = arith.constant 0 : i32
      %dma_wait3A_611 = tpu.memref_slice %arg21[%dma_wait3A_609, %dma_wait3A_610] : memref<16384x64xf32, #tpu.memory_space<vmem_shared>> -> memref<16384x64xf32, #tpu.memory_space<vmem_shared>>
      tpu.wait_indirect_dma semaphore(%arg24 : memref<!tpu.dma_semaphore, #tpu.memory_space<semaphore_mem>>) src(%arg20 : memref<256x64xf32, #tpu.memory_space<vmem>>) dst(%dma_wait3A_611 : memref<16384x64xf32, #tpu.memory_space<vmem_shared>>)
    }
    %scan3A_26 = arith.constant 16 : i32
    %barrier3A_27 = arith.constant 0 : index
    tpu.barrier barrier_id(%barrier3A_27)
    %mul3A_28 = arith.constant 1024 : i32
    %mul3A_29 = arith.muli %arg1, %mul3A_28 : i32
    %mul3A_30 = arith.constant 16384 : i32
    %mul3A_31 = arith.muli %arg0, %mul3A_30 : i32
    %mul3A_32 = arith.constant 1024 : i32
    %mul3A_33 = arith.muli %arg1, %mul3A_32 : i32
    %add3A_34 = arith.addi %mul3A_31, %mul3A_33 : i32
    "tpu.region"() ({
      %run_scoped3A = tpu.sem_alloc : memref<!tpu.dma_semaphore, #tpu.memory_space<semaphore_mem>>
      %dma_start3A = arith.constant 0 : i32
      %dma_start3A_69 = tpu.memref_slice %arg10[%add3A_34, %dma_start3A] : memref<32768x64xf32, #tpu.memory_space<hbm>> -> memref<1024x64xf32, #tpu.memory_space<hbm>>
      %dma_start3A_70 = arith.constant 0 : i32
      %dma_start3A_71 = tpu.memref_slice %arg21[%mul3A_29, %dma_start3A_70] : memref<16384x64xf32, #tpu.memory_space<vmem_shared>> -> memref<1024x64xf32, #tpu.memory_space<vmem_shared>>
      tpu.enqueue_dma source(%dma_start3A_71 : memref<1024x64xf32, #tpu.memory_space<vmem_shared>>) target(%dma_start3A_69 : memref<1024x64xf32, #tpu.memory_space<hbm>>) target_semaphore(%run_scoped3A : memref<!tpu.dma_semaphore, #tpu.memory_space<semaphore_mem>>)
      %dma_wait3A = arith.constant 0 : i32
      %dma_wait3A_72 = tpu.memref_slice %arg10[%add3A_34, %dma_wait3A] : memref<32768x64xf32, #tpu.memory_space<hbm>> -> memref<1024x64xf32, #tpu.memory_space<hbm>>
      %dma_wait3A_73 = arith.constant 0 : i32
      %dma_wait3A_74 = tpu.memref_slice %arg21[%mul3A_29, %dma_wait3A_73] : memref<16384x64xf32, #tpu.memory_space<vmem_shared>> -> memref<1024x64xf32, #tpu.memory_space<vmem_shared>>
      tpu.wait_dma2 semaphore(%run_scoped3A : memref<!tpu.dma_semaphore, #tpu.memory_space<semaphore_mem>>) src(%dma_wait3A_74 : memref<1024x64xf32, #tpu.memory_space<vmem_shared>>) dst(%dma_wait3A_72 : memref<1024x64xf32, #tpu.memory_space<hbm>>)
      tpu.yield
    }) : () -> ()
    %mul3A_35 = arith.constant 1024 : i32
    %mul3A_36 = arith.muli %arg1, %mul3A_35 : i32
    "tpu.region"() ({
      %run_scoped3A = tpu.sem_alloc : memref<!tpu.dma_semaphore, #tpu.memory_space<semaphore_mem>>
      %dma_start3A = arith.constant 0 : i32
      %dma_start3A_69 = tpu.memref_slice %arg21[%mul3A_36, %dma_start3A] : memref<16384x64xf32, #tpu.memory_space<vmem_shared>> -> memref<1024x64xf32, #tpu.memory_space<vmem_shared>>
      tpu.enqueue_dma source(%arg8 : memref<1024x64xf32, #tpu.memory_space<hbm>>) target(%dma_start3A_69 : memref<1024x64xf32, #tpu.memory_space<vmem_shared>>) target_semaphore(%run_scoped3A : memref<!tpu.dma_semaphore, #tpu.memory_space<semaphore_mem>>)
      %dma_wait3A = arith.constant 0 : i32
      %dma_wait3A_70 = tpu.memref_slice %arg21[%mul3A_36, %dma_wait3A] : memref<16384x64xf32, #tpu.memory_space<vmem_shared>> -> memref<1024x64xf32, #tpu.memory_space<vmem_shared>>
      tpu.wait_dma2 semaphore(%run_scoped3A : memref<!tpu.dma_semaphore, #tpu.memory_space<semaphore_mem>>) src(%arg8 : memref<1024x64xf32, #tpu.memory_space<hbm>>) dst(%dma_wait3A_70 : memref<1024x64xf32, #tpu.memory_space<vmem_shared>>)
      tpu.yield
    }) : () -> ()
    %barrier3A_37 = arith.constant 0 : index
    tpu.barrier barrier_id(%barrier3A_37)
    %scan3A_38 = arith.constant 0 : i32
    %scan3A_39 = arith.constant 0 : i32
    %scan3A_40 = arith.constant 16 : i32
    %scan3A_41 = arith.addi %scan3A_39, %scan3A_40 : i32
    %scan3A_42 = arith.constant 1 : i32
    scf.for %scan3A_69 = %scan3A_39 to %scan3A_41 step %scan3A_42  : i32 {
      %mul3A_70 = arith.constant 2 : i32
      %mul3A_71 = arith.muli %mul3A_70, %scan3A_69 : i32
      %mul3A_72 = arith.constant 256 : i32
      %mul3A_73 = arith.muli %mul3A_71, %mul3A_72 : i32
      %add3A_74 = arith.constant 0 : i32
      %add3A_75 = arith.addi %mul3A_73, %add3A_74 : i32
      %get3A = arith.index_cast %add3A_75 : i32 to index
      %get3A_76 = tpu.vector_load %arg13[%get3A] {strides = array<i32>} : memref<8192xi32, #tpu.memory_space<vmem>>, vector<16xi32>,
      %swap3A = arith.constant 0 : index
      %swap3A_77 = tpu.vector_load %arg15[%swap3A] {strides = array<i32>} : memref<256xi32, #tpu.memory_space<vmem>>, vector<16xi32>,
      %swap3A_78 = vector.shape_cast %swap3A_77 : vector<16xi32> to vector<16xi32>
      %swap3A_79 = vector.shape_cast %get3A_76 : vector<16xi32> to vector<16xi32>
      tpu.vector_store %arg15[%swap3A], %swap3A_79 {strides = array<i32>} : memref<256xi32, #tpu.memory_space<vmem>>, vector<16xi32>,
      %add3A_80 = arith.constant 0 : i32
      %add3A_81 = arith.addi %mul3A_73, %add3A_80 : i32
      %get3A_82 = arith.index_cast %add3A_81 : i32 to index
      %get3A_83 = tpu.vector_load %arg14[%get3A_82] {strides = array<i32>} : memref<8192xi32, #tpu.memory_space<vmem>>, vector<16xi32>,
      %swap3A_84 = arith.constant 0 : index
      %swap3A_85 = tpu.vector_load %arg16[%swap3A_84] {strides = array<i32>} : memref<256xi32, #tpu.memory_space<vmem>>, vector<16xi32>,
      %swap3A_86 = vector.shape_cast %swap3A_85 : vector<16xi32> to vector<16xi32>
      %swap3A_87 = vector.shape_cast %get3A_83 : vector<16xi32> to vector<16xi32>
      tpu.vector_store %arg16[%swap3A_84], %swap3A_87 {strides = array<i32>} : memref<256xi32, #tpu.memory_space<vmem>>, vector<16xi32>,
      %add3A_88 = arith.constant 16 : i32
      %add3A_89 = arith.addi %mul3A_73, %add3A_88 : i32
      %get3A_90 = arith.index_cast %add3A_89 : i32 to index
      %get3A_91 = tpu.vector_load %arg13[%get3A_90] {strides = array<i32>} : memref<8192xi32, #tpu.memory_space<vmem>>, vector<16xi32>,
      %swap3A_92 = arith.constant 16 : index
      %swap3A_93 = tpu.vector_load %arg15[%swap3A_92] {strides = array<i32>} : memref<256xi32, #tpu.memory_space<vmem>>, vector<16xi32>,
      %swap3A_94 = vector.shape_cast %swap3A_93 : vector<16xi32> to vector<16xi32>
      %swap3A_95 = vector.shape_cast %get3A_91 : vector<16xi32> to vector<16xi32>
      tpu.vector_store %arg15[%swap3A_92], %swap3A_95 {strides = array<i32>} : memref<256xi32, #tpu.memory_space<vmem>>, vector<16xi32>,
      %add3A_96 = arith.constant 16 : i32
      %add3A_97 = arith.addi %mul3A_73, %add3A_96 : i32
      %get3A_98 = arith.index_cast %add3A_97 : i32 to index
      %get3A_99 = tpu.vector_load %arg14[%get3A_98] {strides = array<i32>} : memref<8192xi32, #tpu.memory_space<vmem>>, vector<16xi32>,
      %swap3A_100 = arith.constant 16 : index
      %swap3A_101 = tpu.vector_load %arg16[%swap3A_100] {strides = array<i32>} : memref<256xi32, #tpu.memory_space<vmem>>, vector<16xi32>,
      %swap3A_102 = vector.shape_cast %swap3A_101 : vector<16xi32> to vector<16xi32>
      %swap3A_103 = vector.shape_cast %get3A_99 : vector<16xi32> to vector<16xi32>
      tpu.vector_store %arg16[%swap3A_100], %swap3A_103 {strides = array<i32>} : memref<256xi32, #tpu.memory_space<vmem>>, vector<16xi32>,
      %add3A_104 = arith.constant 32 : i32
      %add3A_105 = arith.addi %mul3A_73, %add3A_104 : i32
      %get3A_106 = arith.index_cast %add3A_105 : i32 to index
      %get3A_107 = tpu.vector_load %arg13[%get3A_106] {strides = array<i32>} : memref<8192xi32, #tpu.memory_space<vmem>>, vector<16xi32>,
      %swap3A_108 = arith.constant 32 : index
      %swap3A_109 = tpu.vector_load %arg15[%swap3A_108] {strides = array<i32>} : memref<256xi32, #tpu.memory_space<vmem>>, vector<16xi32>,
      %swap3A_110 = vector.shape_cast %swap3A_109 : vector<16xi32> to vector<16xi32>
      %swap3A_111 = vector.shape_cast %get3A_107 : vector<16xi32> to vector<16xi32>
      tpu.vector_store %arg15[%swap3A_108], %swap3A_111 {strides = array<i32>} : memref<256xi32, #tpu.memory_space<vmem>>, vector<16xi32>,
      %add3A_112 = arith.constant 32 : i32
      %add3A_113 = arith.addi %mul3A_73, %add3A_112 : i32
      %get3A_114 = arith.index_cast %add3A_113 : i32 to index
      %get3A_115 = tpu.vector_load %arg14[%get3A_114] {strides = array<i32>} : memref<8192xi32, #tpu.memory_space<vmem>>, vector<16xi32>,
      %swap3A_116 = arith.constant 32 : index
      %swap3A_117 = tpu.vector_load %arg16[%swap3A_116] {strides = array<i32>} : memref<256xi32, #tpu.memory_space<vmem>>, vector<16xi32>,
      %swap3A_118 = vector.shape_cast %swap3A_117 : vector<16xi32> to vector<16xi32>
      %swap3A_119 = vector.shape_cast %get3A_115 : vector<16xi32> to vector<16xi32>
      tpu.vector_store %arg16[%swap3A_116], %swap3A_119 {strides = array<i32>} : memref<256xi32, #tpu.memory_space<vmem>>, vector<16xi32>,
      %add3A_120 = arith.constant 48 : i32
      %add3A_121 = arith.addi %mul3A_73, %add3A_120 : i32
      %get3A_122 = arith.index_cast %add3A_121 : i32 to index
      %get3A_123 = tpu.vector_load %arg13[%get3A_122] {strides = array<i32>} : memref<8192xi32, #tpu.memory_space<vmem>>, vector<16xi32>,
      %swap3A_124 = arith.constant 48 : index
      %swap3A_125 = tpu.vector_load %arg15[%swap3A_124] {strides = array<i32>} : memref<256xi32, #tpu.memory_space<vmem>>, vector<16xi32>,
      %swap3A_126 = vector.shape_cast %swap3A_125 : vector<16xi32> to vector<16xi32>
      %swap3A_127 = vector.shape_cast %get3A_123 : vector<16xi32> to vector<16xi32>
      tpu.vector_store %arg15[%swap3A_124], %swap3A_127 {strides = array<i32>} : memref<256xi32, #tpu.memory_space<vmem>>, vector<16xi32>,
      %add3A_128 = arith.constant 48 : i32
      %add3A_129 = arith.addi %mul3A_73, %add3A_128 : i32
      %get3A_130 = arith.index_cast %add3A_129 : i32 to index
      %get3A_131 = tpu.vector_load %arg14[%get3A_130] {strides = array<i32>} : memref<8192xi32, #tpu.memory_space<vmem>>, vector<16xi32>,
      %swap3A_132 = arith.constant 48 : index
      %swap3A_133 = tpu.vector_load %arg16[%swap3A_132] {strides = array<i32>} : memref<256xi32, #tpu.memory_space<vmem>>, vector<16xi32>,
      %swap3A_134 = vector.shape_cast %swap3A_133 : vector<16xi32> to vector<16xi32>
      %swap3A_135 = vector.shape_cast %get3A_131 : vector<16xi32> to vector<16xi32>
      tpu.vector_store %arg16[%swap3A_132], %swap3A_135 {strides = array<i32>} : memref<256xi32, #tpu.memory_space<vmem>>, vector<16xi32>,
      %add3A_136 = arith.constant 64 : i32
      %add3A_137 = arith.addi %mul3A_73, %add3A_136 : i32
      %get3A_138 = arith.index_cast %add3A_137 : i32 to index
      %get3A_139 = tpu.vector_load %arg13[%get3A_138] {strides = array<i32>} : memref<8192xi32, #tpu.memory_space<vmem>>, vector<16xi32>,
      %swap3A_140 = arith.constant 64 : index
      %swap3A_141 = tpu.vector_load %arg15[%swap3A_140] {strides = array<i32>} : memref<256xi32, #tpu.memory_space<vmem>>, vector<16xi32>,
      %swap3A_142 = vector.shape_cast %swap3A_141 : vector<16xi32> to vector<16xi32>
      %swap3A_143 = vector.shape_cast %get3A_139 : vector<16xi32> to vector<16xi32>
      tpu.vector_store %arg15[%swap3A_140], %swap3A_143 {strides = array<i32>} : memref<256xi32, #tpu.memory_space<vmem>>, vector<16xi32>,
      %add3A_144 = arith.constant 64 : i32
      %add3A_145 = arith.addi %mul3A_73, %add3A_144 : i32
      %get3A_146 = arith.index_cast %add3A_145 : i32 to index
      %get3A_147 = tpu.vector_load %arg14[%get3A_146] {strides = array<i32>} : memref<8192xi32, #tpu.memory_space<vmem>>, vector<16xi32>,
      %swap3A_148 = arith.constant 64 : index
      %swap3A_149 = tpu.vector_load %arg16[%swap3A_148] {strides = array<i32>} : memref<256xi32, #tpu.memory_space<vmem>>, vector<16xi32>,
      %swap3A_150 = vector.shape_cast %swap3A_149 : vector<16xi32> to vector<16xi32>
      %swap3A_151 = vector.shape_cast %get3A_147 : vector<16xi32> to vector<16xi32>
      tpu.vector_store %arg16[%swap3A_148], %swap3A_151 {strides = array<i32>} : memref<256xi32, #tpu.memory_space<vmem>>, vector<16xi32>,
      %add3A_152 = arith.constant 80 : i32
      %add3A_153 = arith.addi %mul3A_73, %add3A_152 : i32
      %get3A_154 = arith.index_cast %add3A_153 : i32 to index
      %get3A_155 = tpu.vector_load %arg13[%get3A_154] {strides = array<i32>} : memref<8192xi32, #tpu.memory_space<vmem>>, vector<16xi32>,
      %swap3A_156 = arith.constant 80 : index
      %swap3A_157 = tpu.vector_load %arg15[%swap3A_156] {strides = array<i32>} : memref<256xi32, #tpu.memory_space<vmem>>, vector<16xi32>,
      %swap3A_158 = vector.shape_cast %swap3A_157 : vector<16xi32> to vector<16xi32>
      %swap3A_159 = vector.shape_cast %get3A_155 : vector<16xi32> to vector<16xi32>
      tpu.vector_store %arg15[%swap3A_156], %swap3A_159 {strides = array<i32>} : memref<256xi32, #tpu.memory_space<vmem>>, vector<16xi32>,
      %add3A_160 = arith.constant 80 : i32
      %add3A_161 = arith.addi %mul3A_73, %add3A_160 : i32
      %get3A_162 = arith.index_cast %add3A_161 : i32 to index
      %get3A_163 = tpu.vector_load %arg14[%get3A_162] {strides = array<i32>} : memref<8192xi32, #tpu.memory_space<vmem>>, vector<16xi32>,
      %swap3A_164 = arith.constant 80 : index
      %swap3A_165 = tpu.vector_load %arg16[%swap3A_164] {strides = array<i32>} : memref<256xi32, #tpu.memory_space<vmem>>, vector<16xi32>,
      %swap3A_166 = vector.shape_cast %swap3A_165 : vector<16xi32> to vector<16xi32>
      %swap3A_167 = vector.shape_cast %get3A_163 : vector<16xi32> to vector<16xi32>
      tpu.vector_store %arg16[%swap3A_164], %swap3A_167 {strides = array<i32>} : memref<256xi32, #tpu.memory_space<vmem>>, vector<16xi32>,
      %add3A_168 = arith.constant 96 : i32
      %add3A_169 = arith.addi %mul3A_73, %add3A_168 : i32
      %get3A_170 = arith.index_cast %add3A_169 : i32 to index
      %get3A_171 = tpu.vector_load %arg13[%get3A_170] {strides = array<i32>} : memref<8192xi32, #tpu.memory_space<vmem>>, vector<16xi32>,
      %swap3A_172 = arith.constant 96 : index
      %swap3A_173 = tpu.vector_load %arg15[%swap3A_172] {strides = array<i32>} : memref<256xi32, #tpu.memory_space<vmem>>, vector<16xi32>,
      %swap3A_174 = vector.shape_cast %swap3A_173 : vector<16xi32> to vector<16xi32>
      %swap3A_175 = vector.shape_cast %get3A_171 : vector<16xi32> to vector<16xi32>
      tpu.vector_store %arg15[%swap3A_172], %swap3A_175 {strides = array<i32>} : memref<256xi32, #tpu.memory_space<vmem>>, vector<16xi32>,
      %add3A_176 = arith.constant 96 : i32
      %add3A_177 = arith.addi %mul3A_73, %add3A_176 : i32
      %get3A_178 = arith.index_cast %add3A_177 : i32 to index
      %get3A_179 = tpu.vector_load %arg14[%get3A_178] {strides = array<i32>} : memref<8192xi32, #tpu.memory_space<vmem>>, vector<16xi32>,
      %swap3A_180 = arith.constant 96 : index
      %swap3A_181 = tpu.vector_load %arg16[%swap3A_180] {strides = array<i32>} : memref<256xi32, #tpu.memory_space<vmem>>, vector<16xi32>,
      %swap3A_182 = vector.shape_cast %swap3A_181 : vector<16xi32> to vector<16xi32>
      %swap3A_183 = vector.shape_cast %get3A_179 : vector<16xi32> to vector<16xi32>
      tpu.vector_store %arg16[%swap3A_180], %swap3A_183 {strides = array<i32>} : memref<256xi32, #tpu.memory_space<vmem>>, vector<16xi32>,
      %add3A_184 = arith.constant 112 : i32
      %add3A_185 = arith.addi %mul3A_73, %add3A_184 : i32
      %get3A_186 = arith.index_cast %add3A_185 : i32 to index
      %get3A_187 = tpu.vector_load %arg13[%get3A_186] {strides = array<i32>} : memref<8192xi32, #tpu.memory_space<vmem>>, vector<16xi32>,
      %swap3A_188 = arith.constant 112 : index
      %swap3A_189 = tpu.vector_load %arg15[%swap3A_188] {strides = array<i32>} : memref<256xi32, #tpu.memory_space<vmem>>, vector<16xi32>,
      %swap3A_190 = vector.shape_cast %swap3A_189 : vector<16xi32> to vector<16xi32>
      %swap3A_191 = vector.shape_cast %get3A_187 : vector<16xi32> to vector<16xi32>
      tpu.vector_store %arg15[%swap3A_188], %swap3A_191 {strides = array<i32>} : memref<256xi32, #tpu.memory_space<vmem>>, vector<16xi32>,
      %add3A_192 = arith.constant 112 : i32
      %add3A_193 = arith.addi %mul3A_73, %add3A_192 : i32
      %get3A_194 = arith.index_cast %add3A_193 : i32 to index
      %get3A_195 = tpu.vector_load %arg14[%get3A_194] {strides = array<i32>} : memref<8192xi32, #tpu.memory_space<vmem>>, vector<16xi32>,
      %swap3A_196 = arith.constant 112 : index
      %swap3A_197 = tpu.vector_load %arg16[%swap3A_196] {strides = array<i32>} : memref<256xi32, #tpu.memory_space<vmem>>, vector<16xi32>,
      %swap3A_198 = vector.shape_cast %swap3A_197 : vector<16xi32> to vector<16xi32>
      %swap3A_199 = vector.shape_cast %get3A_195 : vector<16xi32> to vector<16xi32>
      tpu.vector_store %arg16[%swap3A_196], %swap3A_199 {strides = array<i32>} : memref<256xi32, #tpu.memory_space<vmem>>, vector<16xi32>,
      %add3A_200 = arith.constant 128 : i32
      %add3A_201 = arith.addi %mul3A_73, %add3A_200 : i32
      %get3A_202 = arith.index_cast %add3A_201 : i32 to index
      %get3A_203 = tpu.vector_load %arg13[%get3A_202] {strides = array<i32>} : memref<8192xi32, #tpu.memory_space<vmem>>, vector<16xi32>,
      %swap3A_204 = arith.constant 128 : index
      %swap3A_205 = tpu.vector_load %arg15[%swap3A_204] {strides = array<i32>} : memref<256xi32, #tpu.memory_space<vmem>>, vector<16xi32>,
      %swap3A_206 = vector.shape_cast %swap3A_205 : vector<16xi32> to vector<16xi32>
      %swap3A_207 = vector.shape_cast %get3A_203 : vector<16xi32> to vector<16xi32>
      tpu.vector_store %arg15[%swap3A_204], %swap3A_207 {strides = array<i32>} : memref<256xi32, #tpu.memory_space<vmem>>, vector<16xi32>,
      %add3A_208 = arith.constant 128 : i32
      %add3A_209 = arith.addi %mul3A_73, %add3A_208 : i32
      %get3A_210 = arith.index_cast %add3A_209 : i32 to index
      %get3A_211 = tpu.vector_load %arg14[%get3A_210] {strides = array<i32>} : memref<8192xi32, #tpu.memory_space<vmem>>, vector<16xi32>,
      %swap3A_212 = arith.constant 128 : index
      %swap3A_213 = tpu.vector_load %arg16[%swap3A_212] {strides = array<i32>} : memref<256xi32, #tpu.memory_space<vmem>>, vector<16xi32>,
      %swap3A_214 = vector.shape_cast %swap3A_213 : vector<16xi32> to vector<16xi32>
      %swap3A_215 = vector.shape_cast %get3A_211 : vector<16xi32> to vector<16xi32>
      tpu.vector_store %arg16[%swap3A_212], %swap3A_215 {strides = array<i32>} : memref<256xi32, #tpu.memory_space<vmem>>, vector<16xi32>,
      %add3A_216 = arith.constant 144 : i32
      %add3A_217 = arith.addi %mul3A_73, %add3A_216 : i32
      %get3A_218 = arith.index_cast %add3A_217 : i32 to index
      %get3A_219 = tpu.vector_load %arg13[%get3A_218] {strides = array<i32>} : memref<8192xi32, #tpu.memory_space<vmem>>, vector<16xi32>,
      %swap3A_220 = arith.constant 144 : index
      %swap3A_221 = tpu.vector_load %arg15[%swap3A_220] {strides = array<i32>} : memref<256xi32, #tpu.memory_space<vmem>>, vector<16xi32>,
      %swap3A_222 = vector.shape_cast %swap3A_221 : vector<16xi32> to vector<16xi32>
      %swap3A_223 = vector.shape_cast %get3A_219 : vector<16xi32> to vector<16xi32>
      tpu.vector_store %arg15[%swap3A_220], %swap3A_223 {strides = array<i32>} : memref<256xi32, #tpu.memory_space<vmem>>, vector<16xi32>,
      %add3A_224 = arith.constant 144 : i32
      %add3A_225 = arith.addi %mul3A_73, %add3A_224 : i32
      %get3A_226 = arith.index_cast %add3A_225 : i32 to index
      %get3A_227 = tpu.vector_load %arg14[%get3A_226] {strides = array<i32>} : memref<8192xi32, #tpu.memory_space<vmem>>, vector<16xi32>,
      %swap3A_228 = arith.constant 144 : index
      %swap3A_229 = tpu.vector_load %arg16[%swap3A_228] {strides = array<i32>} : memref<256xi32, #tpu.memory_space<vmem>>, vector<16xi32>,
      %swap3A_230 = vector.shape_cast %swap3A_229 : vector<16xi32> to vector<16xi32>
      %swap3A_231 = vector.shape_cast %get3A_227 : vector<16xi32> to vector<16xi32>
      tpu.vector_store %arg16[%swap3A_228], %swap3A_231 {strides = array<i32>} : memref<256xi32, #tpu.memory_space<vmem>>, vector<16xi32>,
      %add3A_232 = arith.constant 160 : i32
      %add3A_233 = arith.addi %mul3A_73, %add3A_232 : i32
      %get3A_234 = arith.index_cast %add3A_233 : i32 to index
      %get3A_235 = tpu.vector_load %arg13[%get3A_234] {strides = array<i32>} : memref<8192xi32, #tpu.memory_space<vmem>>, vector<16xi32>,
      %swap3A_236 = arith.constant 160 : index
      %swap3A_237 = tpu.vector_load %arg15[%swap3A_236] {strides = array<i32>} : memref<256xi32, #tpu.memory_space<vmem>>, vector<16xi32>,
      %swap3A_238 = vector.shape_cast %swap3A_237 : vector<16xi32> to vector<16xi32>
      %swap3A_239 = vector.shape_cast %get3A_235 : vector<16xi32> to vector<16xi32>
      tpu.vector_store %arg15[%swap3A_236], %swap3A_239 {strides = array<i32>} : memref<256xi32, #tpu.memory_space<vmem>>, vector<16xi32>,
      %add3A_240 = arith.constant 160 : i32
      %add3A_241 = arith.addi %mul3A_73, %add3A_240 : i32
      %get3A_242 = arith.index_cast %add3A_241 : i32 to index
      %get3A_243 = tpu.vector_load %arg14[%get3A_242] {strides = array<i32>} : memref<8192xi32, #tpu.memory_space<vmem>>, vector<16xi32>,
      %swap3A_244 = arith.constant 160 : index
      %swap3A_245 = tpu.vector_load %arg16[%swap3A_244] {strides = array<i32>} : memref<256xi32, #tpu.memory_space<vmem>>, vector<16xi32>,
      %swap3A_246 = vector.shape_cast %swap3A_245 : vector<16xi32> to vector<16xi32>
      %swap3A_247 = vector.shape_cast %get3A_243 : vector<16xi32> to vector<16xi32>
      tpu.vector_store %arg16[%swap3A_244], %swap3A_247 {strides = array<i32>} : memref<256xi32, #tpu.memory_space<vmem>>, vector<16xi32>,
      %add3A_248 = arith.constant 176 : i32
      %add3A_249 = arith.addi %mul3A_73, %add3A_248 : i32
      %get3A_250 = arith.index_cast %add3A_249 : i32 to index
      %get3A_251 = tpu.vector_load %arg13[%get3A_250] {strides = array<i32>} : memref<8192xi32, #tpu.memory_space<vmem>>, vector<16xi32>,
      %swap3A_252 = arith.constant 176 : index
      %swap3A_253 = tpu.vector_load %arg15[%swap3A_252] {strides = array<i32>} : memref<256xi32, #tpu.memory_space<vmem>>, vector<16xi32>,
      %swap3A_254 = vector.shape_cast %swap3A_253 : vector<16xi32> to vector<16xi32>
      %swap3A_255 = vector.shape_cast %get3A_251 : vector<16xi32> to vector<16xi32>
      tpu.vector_store %arg15[%swap3A_252], %swap3A_255 {strides = array<i32>} : memref<256xi32, #tpu.memory_space<vmem>>, vector<16xi32>,
      %add3A_256 = arith.constant 176 : i32
      %add3A_257 = arith.addi %mul3A_73, %add3A_256 : i32
      %get3A_258 = arith.index_cast %add3A_257 : i32 to index
      %get3A_259 = tpu.vector_load %arg14[%get3A_258] {strides = array<i32>} : memref<8192xi32, #tpu.memory_space<vmem>>, vector<16xi32>,
      %swap3A_260 = arith.constant 176 : index
      %swap3A_261 = tpu.vector_load %arg16[%swap3A_260] {strides = array<i32>} : memref<256xi32, #tpu.memory_space<vmem>>, vector<16xi32>,
      %swap3A_262 = vector.shape_cast %swap3A_261 : vector<16xi32> to vector<16xi32>
      %swap3A_263 = vector.shape_cast %get3A_259 : vector<16xi32> to vector<16xi32>
      tpu.vector_store %arg16[%swap3A_260], %swap3A_263 {strides = array<i32>} : memref<256xi32, #tpu.memory_space<vmem>>, vector<16xi32>,
      %add3A_264 = arith.constant 192 : i32
      %add3A_265 = arith.addi %mul3A_73, %add3A_264 : i32
      %get3A_266 = arith.index_cast %add3A_265 : i32 to index
      %get3A_267 = tpu.vector_load %arg13[%get3A_266] {strides = array<i32>} : memref<8192xi32, #tpu.memory_space<vmem>>, vector<16xi32>,
      %swap3A_268 = arith.constant 192 : index
      %swap3A_269 = tpu.vector_load %arg15[%swap3A_268] {strides = array<i32>} : memref<256xi32, #tpu.memory_space<vmem>>, vector<16xi32>,
      %swap3A_270 = vector.shape_cast %swap3A_269 : vector<16xi32> to vector<16xi32>
      %swap3A_271 = vector.shape_cast %get3A_267 : vector<16xi32> to vector<16xi32>
      tpu.vector_store %arg15[%swap3A_268], %swap3A_271 {strides = array<i32>} : memref<256xi32, #tpu.memory_space<vmem>>, vector<16xi32>,
      %add3A_272 = arith.constant 192 : i32
      %add3A_273 = arith.addi %mul3A_73, %add3A_272 : i32
      %get3A_274 = arith.index_cast %add3A_273 : i32 to index
      %get3A_275 = tpu.vector_load %arg14[%get3A_274] {strides = array<i32>} : memref<8192xi32, #tpu.memory_space<vmem>>, vector<16xi32>,
      %swap3A_276 = arith.constant 192 : index
      %swap3A_277 = tpu.vector_load %arg16[%swap3A_276] {strides = array<i32>} : memref<256xi32, #tpu.memory_space<vmem>>, vector<16xi32>,
      %swap3A_278 = vector.shape_cast %swap3A_277 : vector<16xi32> to vector<16xi32>
      %swap3A_279 = vector.shape_cast %get3A_275 : vector<16xi32> to vector<16xi32>
      tpu.vector_store %arg16[%swap3A_276], %swap3A_279 {strides = array<i32>} : memref<256xi32, #tpu.memory_space<vmem>>, vector<16xi32>,
      %add3A_280 = arith.constant 208 : i32
      %add3A_281 = arith.addi %mul3A_73, %add3A_280 : i32
      %get3A_282 = arith.index_cast %add3A_281 : i32 to index
      %get3A_283 = tpu.vector_load %arg13[%get3A_282] {strides = array<i32>} : memref<8192xi32, #tpu.memory_space<vmem>>, vector<16xi32>,
      %swap3A_284 = arith.constant 208 : index
      %swap3A_285 = tpu.vector_load %arg15[%swap3A_284] {strides = array<i32>} : memref<256xi32, #tpu.memory_space<vmem>>, vector<16xi32>,
      %swap3A_286 = vector.shape_cast %swap3A_285 : vector<16xi32> to vector<16xi32>
      %swap3A_287 = vector.shape_cast %get3A_283 : vector<16xi32> to vector<16xi32>
      tpu.vector_store %arg15[%swap3A_284], %swap3A_287 {strides = array<i32>} : memref<256xi32, #tpu.memory_space<vmem>>, vector<16xi32>,
      %add3A_288 = arith.constant 208 : i32
      %add3A_289 = arith.addi %mul3A_73, %add3A_288 : i32
      %get3A_290 = arith.index_cast %add3A_289 : i32 to index
      %get3A_291 = tpu.vector_load %arg14[%get3A_290] {strides = array<i32>} : memref<8192xi32, #tpu.memory_space<vmem>>, vector<16xi32>,
      %swap3A_292 = arith.constant 208 : index
      %swap3A_293 = tpu.vector_load %arg16[%swap3A_292] {strides = array<i32>} : memref<256xi32, #tpu.memory_space<vmem>>, vector<16xi32>,
      %swap3A_294 = vector.shape_cast %swap3A_293 : vector<16xi32> to vector<16xi32>
      %swap3A_295 = vector.shape_cast %get3A_291 : vector<16xi32> to vector<16xi32>
      tpu.vector_store %arg16[%swap3A_292], %swap3A_295 {strides = array<i32>} : memref<256xi32, #tpu.memory_space<vmem>>, vector<16xi32>,
      %add3A_296 = arith.constant 224 : i32
      %add3A_297 = arith.addi %mul3A_73, %add3A_296 : i32
      %get3A_298 = arith.index_cast %add3A_297 : i32 to index
      %get3A_299 = tpu.vector_load %arg13[%get3A_298] {strides = array<i32>} : memref<8192xi32, #tpu.memory_space<vmem>>, vector<16xi32>,
      %swap3A_300 = arith.constant 224 : index
      %swap3A_301 = tpu.vector_load %arg15[%swap3A_300] {strides = array<i32>} : memref<256xi32, #tpu.memory_space<vmem>>, vector<16xi32>,
      %swap3A_302 = vector.shape_cast %swap3A_301 : vector<16xi32> to vector<16xi32>
      %swap3A_303 = vector.shape_cast %get3A_299 : vector<16xi32> to vector<16xi32>
      tpu.vector_store %arg15[%swap3A_300], %swap3A_303 {strides = array<i32>} : memref<256xi32, #tpu.memory_space<vmem>>, vector<16xi32>,
      %add3A_304 = arith.constant 224 : i32
      %add3A_305 = arith.addi %mul3A_73, %add3A_304 : i32
      %get3A_306 = arith.index_cast %add3A_305 : i32 to index
      %get3A_307 = tpu.vector_load %arg14[%get3A_306] {strides = array<i32>} : memref<8192xi32, #tpu.memory_space<vmem>>, vector<16xi32>,
      %swap3A_308 = arith.constant 224 : index
      %swap3A_309 = tpu.vector_load %arg16[%swap3A_308] {strides = array<i32>} : memref<256xi32, #tpu.memory_space<vmem>>, vector<16xi32>,
      %swap3A_310 = vector.shape_cast %swap3A_309 : vector<16xi32> to vector<16xi32>
      %swap3A_311 = vector.shape_cast %get3A_307 : vector<16xi32> to vector<16xi32>
      tpu.vector_store %arg16[%swap3A_308], %swap3A_311 {strides = array<i32>} : memref<256xi32, #tpu.memory_space<vmem>>, vector<16xi32>,
      %add3A_312 = arith.constant 240 : i32
      %add3A_313 = arith.addi %mul3A_73, %add3A_312 : i32
      %get3A_314 = arith.index_cast %add3A_313 : i32 to index
      %get3A_315 = tpu.vector_load %arg13[%get3A_314] {strides = array<i32>} : memref<8192xi32, #tpu.memory_space<vmem>>, vector<16xi32>,
      %swap3A_316 = arith.constant 240 : index
      %swap3A_317 = tpu.vector_load %arg15[%swap3A_316] {strides = array<i32>} : memref<256xi32, #tpu.memory_space<vmem>>, vector<16xi32>,
      %swap3A_318 = vector.shape_cast %swap3A_317 : vector<16xi32> to vector<16xi32>
      %swap3A_319 = vector.shape_cast %get3A_315 : vector<16xi32> to vector<16xi32>
      tpu.vector_store %arg15[%swap3A_316], %swap3A_319 {strides = array<i32>} : memref<256xi32, #tpu.memory_space<vmem>>, vector<16xi32>,
      %add3A_320 = arith.constant 240 : i32
      %add3A_321 = arith.addi %mul3A_73, %add3A_320 : i32
      %get3A_322 = arith.index_cast %add3A_321 : i32 to index
      %get3A_323 = tpu.vector_load %arg14[%get3A_322] {strides = array<i32>} : memref<8192xi32, #tpu.memory_space<vmem>>, vector<16xi32>,
      %swap3A_324 = arith.constant 240 : index
      %swap3A_325 = tpu.vector_load %arg16[%swap3A_324] {strides = array<i32>} : memref<256xi32, #tpu.memory_space<vmem>>, vector<16xi32>,
      %swap3A_326 = vector.shape_cast %swap3A_325 : vector<16xi32> to vector<16xi32>
      %swap3A_327 = vector.shape_cast %get3A_323 : vector<16xi32> to vector<16xi32>
      tpu.vector_store %arg16[%swap3A_324], %swap3A_327 {strides = array<i32>} : memref<256xi32, #tpu.memory_space<vmem>>, vector<16xi32>,
      %dma_start3A = arith.constant 0 : i32
      %dma_start3A_328 = arith.constant 0 : i32
      %dma_start3A_329 = tpu.memref_slice %arg4[%dma_start3A, %dma_start3A_328] : memref<16384x64xf32, #tpu.memory_space<hbm>> -> memref<16384x64xf32, #tpu.memory_space<hbm>>
      tpu.enqueue_indirect_dma source(%dma_start3A_329 : memref<16384x64xf32, #tpu.memory_space<hbm>>) target(%arg19 : memref<256x64xf32, #tpu.memory_space<vmem>>) offsets(%arg15 : memref<256xi32, #tpu.memory_space<vmem>>) semaphore(%arg22 : memref<!tpu.dma_semaphore, #tpu.memory_space<semaphore_mem>>)
      %mul3A_330 = arith.constant 2 : i32
      %mul3A_331 = arith.muli %mul3A_330, %scan3A_69 : i32
      %add3A_332 = arith.constant 1 : i32
      %add3A_333 = arith.addi %mul3A_331, %add3A_332 : i32
      %mul3A_334 = arith.constant 256 : i32
      %mul3A_335 = arith.muli %add3A_333, %mul3A_334 : i32
      %add3A_336 = arith.constant 0 : i32
      %add3A_337 = arith.addi %mul3A_335, %add3A_336 : i32
      %get3A_338 = arith.index_cast %add3A_337 : i32 to index
      %get3A_339 = tpu.vector_load %arg13[%get3A_338] {strides = array<i32>} : memref<8192xi32, #tpu.memory_space<vmem>>, vector<16xi32>,
      %swap3A_340 = arith.constant 0 : index
      %swap3A_341 = tpu.vector_load %arg17[%swap3A_340] {strides = array<i32>} : memref<256xi32, #tpu.memory_space<vmem>>, vector<16xi32>,
      %swap3A_342 = vector.shape_cast %swap3A_341 : vector<16xi32> to vector<16xi32>
      %swap3A_343 = vector.shape_cast %get3A_339 : vector<16xi32> to vector<16xi32>
      tpu.vector_store %arg17[%swap3A_340], %swap3A_343 {strides = array<i32>} : memref<256xi32, #tpu.memory_space<vmem>>, vector<16xi32>,
      %add3A_344 = arith.constant 0 : i32
      %add3A_345 = arith.addi %mul3A_335, %add3A_344 : i32
      %get3A_346 = arith.index_cast %add3A_345 : i32 to index
      %get3A_347 = tpu.vector_load %arg14[%get3A_346] {strides = array<i32>} : memref<8192xi32, #tpu.memory_space<vmem>>, vector<16xi32>,
      %swap3A_348 = arith.constant 0 : index
      %swap3A_349 = tpu.vector_load %arg18[%swap3A_348] {strides = array<i32>} : memref<256xi32, #tpu.memory_space<vmem>>, vector<16xi32>,
      %swap3A_350 = vector.shape_cast %swap3A_349 : vector<16xi32> to vector<16xi32>
      %swap3A_351 = vector.shape_cast %get3A_347 : vector<16xi32> to vector<16xi32>
      tpu.vector_store %arg18[%swap3A_348], %swap3A_351 {strides = array<i32>} : memref<256xi32, #tpu.memory_space<vmem>>, vector<16xi32>,
      %add3A_352 = arith.constant 16 : i32
      %add3A_353 = arith.addi %mul3A_335, %add3A_352 : i32
      %get3A_354 = arith.index_cast %add3A_353 : i32 to index
      %get3A_355 = tpu.vector_load %arg13[%get3A_354] {strides = array<i32>} : memref<8192xi32, #tpu.memory_space<vmem>>, vector<16xi32>,
      %swap3A_356 = arith.constant 16 : index
      %swap3A_357 = tpu.vector_load %arg17[%swap3A_356] {strides = array<i32>} : memref<256xi32, #tpu.memory_space<vmem>>, vector<16xi32>,
      %swap3A_358 = vector.shape_cast %swap3A_357 : vector<16xi32> to vector<16xi32>
      %swap3A_359 = vector.shape_cast %get3A_355 : vector<16xi32> to vector<16xi32>
      tpu.vector_store %arg17[%swap3A_356], %swap3A_359 {strides = array<i32>} : memref<256xi32, #tpu.memory_space<vmem>>, vector<16xi32>,
      %add3A_360 = arith.constant 16 : i32
      %add3A_361 = arith.addi %mul3A_335, %add3A_360 : i32
      %get3A_362 = arith.index_cast %add3A_361 : i32 to index
      %get3A_363 = tpu.vector_load %arg14[%get3A_362] {strides = array<i32>} : memref<8192xi32, #tpu.memory_space<vmem>>, vector<16xi32>,
      %swap3A_364 = arith.constant 16 : index
      %swap3A_365 = tpu.vector_load %arg18[%swap3A_364] {strides = array<i32>} : memref<256xi32, #tpu.memory_space<vmem>>, vector<16xi32>,
      %swap3A_366 = vector.shape_cast %swap3A_365 : vector<16xi32> to vector<16xi32>
      %swap3A_367 = vector.shape_cast %get3A_363 : vector<16xi32> to vector<16xi32>
      tpu.vector_store %arg18[%swap3A_364], %swap3A_367 {strides = array<i32>} : memref<256xi32, #tpu.memory_space<vmem>>, vector<16xi32>,
      %add3A_368 = arith.constant 32 : i32
      %add3A_369 = arith.addi %mul3A_335, %add3A_368 : i32
      %get3A_370 = arith.index_cast %add3A_369 : i32 to index
      %get3A_371 = tpu.vector_load %arg13[%get3A_370] {strides = array<i32>} : memref<8192xi32, #tpu.memory_space<vmem>>, vector<16xi32>,
      %swap3A_372 = arith.constant 32 : index
      %swap3A_373 = tpu.vector_load %arg17[%swap3A_372] {strides = array<i32>} : memref<256xi32, #tpu.memory_space<vmem>>, vector<16xi32>,
      %swap3A_374 = vector.shape_cast %swap3A_373 : vector<16xi32> to vector<16xi32>
      %swap3A_375 = vector.shape_cast %get3A_371 : vector<16xi32> to vector<16xi32>
      tpu.vector_store %arg17[%swap3A_372], %swap3A_375 {strides = array<i32>} : memref<256xi32, #tpu.memory_space<vmem>>, vector<16xi32>,
      %add3A_376 = arith.constant 32 : i32
      %add3A_377 = arith.addi %mul3A_335, %add3A_376 : i32
      %get3A_378 = arith.index_cast %add3A_377 : i32 to index
      %get3A_379 = tpu.vector_load %arg14[%get3A_378] {strides = array<i32>} : memref<8192xi32, #tpu.memory_space<vmem>>, vector<16xi32>,
      %swap3A_380 = arith.constant 32 : index
      %swap3A_381 = tpu.vector_load %arg18[%swap3A_380] {strides = array<i32>} : memref<256xi32, #tpu.memory_space<vmem>>, vector<16xi32>,
      %swap3A_382 = vector.shape_cast %swap3A_381 : vector<16xi32> to vector<16xi32>
      %swap3A_383 = vector.shape_cast %get3A_379 : vector<16xi32> to vector<16xi32>
      tpu.vector_store %arg18[%swap3A_380], %swap3A_383 {strides = array<i32>} : memref<256xi32, #tpu.memory_space<vmem>>, vector<16xi32>,
      %add3A_384 = arith.constant 48 : i32
      %add3A_385 = arith.addi %mul3A_335, %add3A_384 : i32
      %get3A_386 = arith.index_cast %add3A_385 : i32 to index
      %get3A_387 = tpu.vector_load %arg13[%get3A_386] {strides = array<i32>} : memref<8192xi32, #tpu.memory_space<vmem>>, vector<16xi32>,
      %swap3A_388 = arith.constant 48 : index
      %swap3A_389 = tpu.vector_load %arg17[%swap3A_388] {strides = array<i32>} : memref<256xi32, #tpu.memory_space<vmem>>, vector<16xi32>,
      %swap3A_390 = vector.shape_cast %swap3A_389 : vector<16xi32> to vector<16xi32>
      %swap3A_391 = vector.shape_cast %get3A_387 : vector<16xi32> to vector<16xi32>
      tpu.vector_store %arg17[%swap3A_388], %swap3A_391 {strides = array<i32>} : memref<256xi32, #tpu.memory_space<vmem>>, vector<16xi32>,
      %add3A_392 = arith.constant 48 : i32
      %add3A_393 = arith.addi %mul3A_335, %add3A_392 : i32
      %get3A_394 = arith.index_cast %add3A_393 : i32 to index
      %get3A_395 = tpu.vector_load %arg14[%get3A_394] {strides = array<i32>} : memref<8192xi32, #tpu.memory_space<vmem>>, vector<16xi32>,
      %swap3A_396 = arith.constant 48 : index
      %swap3A_397 = tpu.vector_load %arg18[%swap3A_396] {strides = array<i32>} : memref<256xi32, #tpu.memory_space<vmem>>, vector<16xi32>,
      %swap3A_398 = vector.shape_cast %swap3A_397 : vector<16xi32> to vector<16xi32>
      %swap3A_399 = vector.shape_cast %get3A_395 : vector<16xi32> to vector<16xi32>
      tpu.vector_store %arg18[%swap3A_396], %swap3A_399 {strides = array<i32>} : memref<256xi32, #tpu.memory_space<vmem>>, vector<16xi32>,
      %add3A_400 = arith.constant 64 : i32
      %add3A_401 = arith.addi %mul3A_335, %add3A_400 : i32
      %get3A_402 = arith.index_cast %add3A_401 : i32 to index
      %get3A_403 = tpu.vector_load %arg13[%get3A_402] {strides = array<i32>} : memref<8192xi32, #tpu.memory_space<vmem>>, vector<16xi32>,
      %swap3A_404 = arith.constant 64 : index
      %swap3A_405 = tpu.vector_load %arg17[%swap3A_404] {strides = array<i32>} : memref<256xi32, #tpu.memory_space<vmem>>, vector<16xi32>,
      %swap3A_406 = vector.shape_cast %swap3A_405 : vector<16xi32> to vector<16xi32>
      %swap3A_407 = vector.shape_cast %get3A_403 : vector<16xi32> to vector<16xi32>
      tpu.vector_store %arg17[%swap3A_404], %swap3A_407 {strides = array<i32>} : memref<256xi32, #tpu.memory_space<vmem>>, vector<16xi32>,
      %add3A_408 = arith.constant 64 : i32
      %add3A_409 = arith.addi %mul3A_335, %add3A_408 : i32
      %get3A_410 = arith.index_cast %add3A_409 : i32 to index
      %get3A_411 = tpu.vector_load %arg14[%get3A_410] {strides = array<i32>} : memref<8192xi32, #tpu.memory_space<vmem>>, vector<16xi32>,
      %swap3A_412 = arith.constant 64 : index
      %swap3A_413 = tpu.vector_load %arg18[%swap3A_412] {strides = array<i32>} : memref<256xi32, #tpu.memory_space<vmem>>, vector<16xi32>,
      %swap3A_414 = vector.shape_cast %swap3A_413 : vector<16xi32> to vector<16xi32>
      %swap3A_415 = vector.shape_cast %get3A_411 : vector<16xi32> to vector<16xi32>
      tpu.vector_store %arg18[%swap3A_412], %swap3A_415 {strides = array<i32>} : memref<256xi32, #tpu.memory_space<vmem>>, vector<16xi32>,
      %add3A_416 = arith.constant 80 : i32
      %add3A_417 = arith.addi %mul3A_335, %add3A_416 : i32
      %get3A_418 = arith.index_cast %add3A_417 : i32 to index
      %get3A_419 = tpu.vector_load %arg13[%get3A_418] {strides = array<i32>} : memref<8192xi32, #tpu.memory_space<vmem>>, vector<16xi32>,
      %swap3A_420 = arith.constant 80 : index
      %swap3A_421 = tpu.vector_load %arg17[%swap3A_420] {strides = array<i32>} : memref<256xi32, #tpu.memory_space<vmem>>, vector<16xi32>,
      %swap3A_422 = vector.shape_cast %swap3A_421 : vector<16xi32> to vector<16xi32>
      %swap3A_423 = vector.shape_cast %get3A_419 : vector<16xi32> to vector<16xi32>
      tpu.vector_store %arg17[%swap3A_420], %swap3A_423 {strides = array<i32>} : memref<256xi32, #tpu.memory_space<vmem>>, vector<16xi32>,
      %add3A_424 = arith.constant 80 : i32
      %add3A_425 = arith.addi %mul3A_335, %add3A_424 : i32
      %get3A_426 = arith.index_cast %add3A_425 : i32 to index
      %get3A_427 = tpu.vector_load %arg14[%get3A_426] {strides = array<i32>} : memref<8192xi32, #tpu.memory_space<vmem>>, vector<16xi32>,
      %swap3A_428 = arith.constant 80 : index
      %swap3A_429 = tpu.vector_load %arg18[%swap3A_428] {strides = array<i32>} : memref<256xi32, #tpu.memory_space<vmem>>, vector<16xi32>,
      %swap3A_430 = vector.shape_cast %swap3A_429 : vector<16xi32> to vector<16xi32>
      %swap3A_431 = vector.shape_cast %get3A_427 : vector<16xi32> to vector<16xi32>
      tpu.vector_store %arg18[%swap3A_428], %swap3A_431 {strides = array<i32>} : memref<256xi32, #tpu.memory_space<vmem>>, vector<16xi32>,
      %add3A_432 = arith.constant 96 : i32
      %add3A_433 = arith.addi %mul3A_335, %add3A_432 : i32
      %get3A_434 = arith.index_cast %add3A_433 : i32 to index
      %get3A_435 = tpu.vector_load %arg13[%get3A_434] {strides = array<i32>} : memref<8192xi32, #tpu.memory_space<vmem>>, vector<16xi32>,
      %swap3A_436 = arith.constant 96 : index
      %swap3A_437 = tpu.vector_load %arg17[%swap3A_436] {strides = array<i32>} : memref<256xi32, #tpu.memory_space<vmem>>, vector<16xi32>,
      %swap3A_438 = vector.shape_cast %swap3A_437 : vector<16xi32> to vector<16xi32>
      %swap3A_439 = vector.shape_cast %get3A_435 : vector<16xi32> to vector<16xi32>
      tpu.vector_store %arg17[%swap3A_436], %swap3A_439 {strides = array<i32>} : memref<256xi32, #tpu.memory_space<vmem>>, vector<16xi32>,
      %add3A_440 = arith.constant 96 : i32
      %add3A_441 = arith.addi %mul3A_335, %add3A_440 : i32
      %get3A_442 = arith.index_cast %add3A_441 : i32 to index
      %get3A_443 = tpu.vector_load %arg14[%get3A_442] {strides = array<i32>} : memref<8192xi32, #tpu.memory_space<vmem>>, vector<16xi32>,
      %swap3A_444 = arith.constant 96 : index
      %swap3A_445 = tpu.vector_load %arg18[%swap3A_444] {strides = array<i32>} : memref<256xi32, #tpu.memory_space<vmem>>, vector<16xi32>,
      %swap3A_446 = vector.shape_cast %swap3A_445 : vector<16xi32> to vector<16xi32>
      %swap3A_447 = vector.shape_cast %get3A_443 : vector<16xi32> to vector<16xi32>
      tpu.vector_store %arg18[%swap3A_444], %swap3A_447 {strides = array<i32>} : memref<256xi32, #tpu.memory_space<vmem>>, vector<16xi32>,
      %add3A_448 = arith.constant 112 : i32
      %add3A_449 = arith.addi %mul3A_335, %add3A_448 : i32
      %get3A_450 = arith.index_cast %add3A_449 : i32 to index
      %get3A_451 = tpu.vector_load %arg13[%get3A_450] {strides = array<i32>} : memref<8192xi32, #tpu.memory_space<vmem>>, vector<16xi32>,
      %swap3A_452 = arith.constant 112 : index
      %swap3A_453 = tpu.vector_load %arg17[%swap3A_452] {strides = array<i32>} : memref<256xi32, #tpu.memory_space<vmem>>, vector<16xi32>,
      %swap3A_454 = vector.shape_cast %swap3A_453 : vector<16xi32> to vector<16xi32>
      %swap3A_455 = vector.shape_cast %get3A_451 : vector<16xi32> to vector<16xi32>
      tpu.vector_store %arg17[%swap3A_452], %swap3A_455 {strides = array<i32>} : memref<256xi32, #tpu.memory_space<vmem>>, vector<16xi32>,
      %add3A_456 = arith.constant 112 : i32
      %add3A_457 = arith.addi %mul3A_335, %add3A_456 : i32
      %get3A_458 = arith.index_cast %add3A_457 : i32 to index
      %get3A_459 = tpu.vector_load %arg14[%get3A_458] {strides = array<i32>} : memref<8192xi32, #tpu.memory_space<vmem>>, vector<16xi32>,
      %swap3A_460 = arith.constant 112 : index
      %swap3A_461 = tpu.vector_load %arg18[%swap3A_460] {strides = array<i32>} : memref<256xi32, #tpu.memory_space<vmem>>, vector<16xi32>,
      %swap3A_462 = vector.shape_cast %swap3A_461 : vector<16xi32> to vector<16xi32>
      %swap3A_463 = vector.shape_cast %get3A_459 : vector<16xi32> to vector<16xi32>
      tpu.vector_store %arg18[%swap3A_460], %swap3A_463 {strides = array<i32>} : memref<256xi32, #tpu.memory_space<vmem>>, vector<16xi32>,
      %add3A_464 = arith.constant 128 : i32
      %add3A_465 = arith.addi %mul3A_335, %add3A_464 : i32
      %get3A_466 = arith.index_cast %add3A_465 : i32 to index
      %get3A_467 = tpu.vector_load %arg13[%get3A_466] {strides = array<i32>} : memref<8192xi32, #tpu.memory_space<vmem>>, vector<16xi32>,
      %swap3A_468 = arith.constant 128 : index
      %swap3A_469 = tpu.vector_load %arg17[%swap3A_468] {strides = array<i32>} : memref<256xi32, #tpu.memory_space<vmem>>, vector<16xi32>,
      %swap3A_470 = vector.shape_cast %swap3A_469 : vector<16xi32> to vector<16xi32>
      %swap3A_471 = vector.shape_cast %get3A_467 : vector<16xi32> to vector<16xi32>
      tpu.vector_store %arg17[%swap3A_468], %swap3A_471 {strides = array<i32>} : memref<256xi32, #tpu.memory_space<vmem>>, vector<16xi32>,
      %add3A_472 = arith.constant 128 : i32
      %add3A_473 = arith.addi %mul3A_335, %add3A_472 : i32
      %get3A_474 = arith.index_cast %add3A_473 : i32 to index
      %get3A_475 = tpu.vector_load %arg14[%get3A_474] {strides = array<i32>} : memref<8192xi32, #tpu.memory_space<vmem>>, vector<16xi32>,
      %swap3A_476 = arith.constant 128 : index
      %swap3A_477 = tpu.vector_load %arg18[%swap3A_476] {strides = array<i32>} : memref<256xi32, #tpu.memory_space<vmem>>, vector<16xi32>,
      %swap3A_478 = vector.shape_cast %swap3A_477 : vector<16xi32> to vector<16xi32>
      %swap3A_479 = vector.shape_cast %get3A_475 : vector<16xi32> to vector<16xi32>
      tpu.vector_store %arg18[%swap3A_476], %swap3A_479 {strides = array<i32>} : memref<256xi32, #tpu.memory_space<vmem>>, vector<16xi32>,
      %add3A_480 = arith.constant 144 : i32
      %add3A_481 = arith.addi %mul3A_335, %add3A_480 : i32
      %get3A_482 = arith.index_cast %add3A_481 : i32 to index
      %get3A_483 = tpu.vector_load %arg13[%get3A_482] {strides = array<i32>} : memref<8192xi32, #tpu.memory_space<vmem>>, vector<16xi32>,
      %swap3A_484 = arith.constant 144 : index
      %swap3A_485 = tpu.vector_load %arg17[%swap3A_484] {strides = array<i32>} : memref<256xi32, #tpu.memory_space<vmem>>, vector<16xi32>,
      %swap3A_486 = vector.shape_cast %swap3A_485 : vector<16xi32> to vector<16xi32>
      %swap3A_487 = vector.shape_cast %get3A_483 : vector<16xi32> to vector<16xi32>
      tpu.vector_store %arg17[%swap3A_484], %swap3A_487 {strides = array<i32>} : memref<256xi32, #tpu.memory_space<vmem>>, vector<16xi32>,
      %add3A_488 = arith.constant 144 : i32
      %add3A_489 = arith.addi %mul3A_335, %add3A_488 : i32
      %get3A_490 = arith.index_cast %add3A_489 : i32 to index
      %get3A_491 = tpu.vector_load %arg14[%get3A_490] {strides = array<i32>} : memref<8192xi32, #tpu.memory_space<vmem>>, vector<16xi32>,
      %swap3A_492 = arith.constant 144 : index
      %swap3A_493 = tpu.vector_load %arg18[%swap3A_492] {strides = array<i32>} : memref<256xi32, #tpu.memory_space<vmem>>, vector<16xi32>,
      %swap3A_494 = vector.shape_cast %swap3A_493 : vector<16xi32> to vector<16xi32>
      %swap3A_495 = vector.shape_cast %get3A_491 : vector<16xi32> to vector<16xi32>
      tpu.vector_store %arg18[%swap3A_492], %swap3A_495 {strides = array<i32>} : memref<256xi32, #tpu.memory_space<vmem>>, vector<16xi32>,
      %add3A_496 = arith.constant 160 : i32
      %add3A_497 = arith.addi %mul3A_335, %add3A_496 : i32
      %get3A_498 = arith.index_cast %add3A_497 : i32 to index
      %get3A_499 = tpu.vector_load %arg13[%get3A_498] {strides = array<i32>} : memref<8192xi32, #tpu.memory_space<vmem>>, vector<16xi32>,
      %swap3A_500 = arith.constant 160 : index
      %swap3A_501 = tpu.vector_load %arg17[%swap3A_500] {strides = array<i32>} : memref<256xi32, #tpu.memory_space<vmem>>, vector<16xi32>,
      %swap3A_502 = vector.shape_cast %swap3A_501 : vector<16xi32> to vector<16xi32>
      %swap3A_503 = vector.shape_cast %get3A_499 : vector<16xi32> to vector<16xi32>
      tpu.vector_store %arg17[%swap3A_500], %swap3A_503 {strides = array<i32>} : memref<256xi32, #tpu.memory_space<vmem>>, vector<16xi32>,
      %add3A_504 = arith.constant 160 : i32
      %add3A_505 = arith.addi %mul3A_335, %add3A_504 : i32
      %get3A_506 = arith.index_cast %add3A_505 : i32 to index
      %get3A_507 = tpu.vector_load %arg14[%get3A_506] {strides = array<i32>} : memref<8192xi32, #tpu.memory_space<vmem>>, vector<16xi32>,
      %swap3A_508 = arith.constant 160 : index
      %swap3A_509 = tpu.vector_load %arg18[%swap3A_508] {strides = array<i32>} : memref<256xi32, #tpu.memory_space<vmem>>, vector<16xi32>,
      %swap3A_510 = vector.shape_cast %swap3A_509 : vector<16xi32> to vector<16xi32>
      %swap3A_511 = vector.shape_cast %get3A_507 : vector<16xi32> to vector<16xi32>
      tpu.vector_store %arg18[%swap3A_508], %swap3A_511 {strides = array<i32>} : memref<256xi32, #tpu.memory_space<vmem>>, vector<16xi32>,
      %add3A_512 = arith.constant 176 : i32
      %add3A_513 = arith.addi %mul3A_335, %add3A_512 : i32
      %get3A_514 = arith.index_cast %add3A_513 : i32 to index
      %get3A_515 = tpu.vector_load %arg13[%get3A_514] {strides = array<i32>} : memref<8192xi32, #tpu.memory_space<vmem>>, vector<16xi32>,
      %swap3A_516 = arith.constant 176 : index
      %swap3A_517 = tpu.vector_load %arg17[%swap3A_516] {strides = array<i32>} : memref<256xi32, #tpu.memory_space<vmem>>, vector<16xi32>,
      %swap3A_518 = vector.shape_cast %swap3A_517 : vector<16xi32> to vector<16xi32>
      %swap3A_519 = vector.shape_cast %get3A_515 : vector<16xi32> to vector<16xi32>
      tpu.vector_store %arg17[%swap3A_516], %swap3A_519 {strides = array<i32>} : memref<256xi32, #tpu.memory_space<vmem>>, vector<16xi32>,
      %add3A_520 = arith.constant 176 : i32
      %add3A_521 = arith.addi %mul3A_335, %add3A_520 : i32
      %get3A_522 = arith.index_cast %add3A_521 : i32 to index
      %get3A_523 = tpu.vector_load %arg14[%get3A_522] {strides = array<i32>} : memref<8192xi32, #tpu.memory_space<vmem>>, vector<16xi32>,
      %swap3A_524 = arith.constant 176 : index
      %swap3A_525 = tpu.vector_load %arg18[%swap3A_524] {strides = array<i32>} : memref<256xi32, #tpu.memory_space<vmem>>, vector<16xi32>,
      %swap3A_526 = vector.shape_cast %swap3A_525 : vector<16xi32> to vector<16xi32>
      %swap3A_527 = vector.shape_cast %get3A_523 : vector<16xi32> to vector<16xi32>
      tpu.vector_store %arg18[%swap3A_524], %swap3A_527 {strides = array<i32>} : memref<256xi32, #tpu.memory_space<vmem>>, vector<16xi32>,
      %add3A_528 = arith.constant 192 : i32
      %add3A_529 = arith.addi %mul3A_335, %add3A_528 : i32
      %get3A_530 = arith.index_cast %add3A_529 : i32 to index
      %get3A_531 = tpu.vector_load %arg13[%get3A_530] {strides = array<i32>} : memref<8192xi32, #tpu.memory_space<vmem>>, vector<16xi32>,
      %swap3A_532 = arith.constant 192 : index
      %swap3A_533 = tpu.vector_load %arg17[%swap3A_532] {strides = array<i32>} : memref<256xi32, #tpu.memory_space<vmem>>, vector<16xi32>,
      %swap3A_534 = vector.shape_cast %swap3A_533 : vector<16xi32> to vector<16xi32>
      %swap3A_535 = vector.shape_cast %get3A_531 : vector<16xi32> to vector<16xi32>
      tpu.vector_store %arg17[%swap3A_532], %swap3A_535 {strides = array<i32>} : memref<256xi32, #tpu.memory_space<vmem>>, vector<16xi32>,
      %add3A_536 = arith.constant 192 : i32
      %add3A_537 = arith.addi %mul3A_335, %add3A_536 : i32
      %get3A_538 = arith.index_cast %add3A_537 : i32 to index
      %get3A_539 = tpu.vector_load %arg14[%get3A_538] {strides = array<i32>} : memref<8192xi32, #tpu.memory_space<vmem>>, vector<16xi32>,
      %swap3A_540 = arith.constant 192 : index
      %swap3A_541 = tpu.vector_load %arg18[%swap3A_540] {strides = array<i32>} : memref<256xi32, #tpu.memory_space<vmem>>, vector<16xi32>,
      %swap3A_542 = vector.shape_cast %swap3A_541 : vector<16xi32> to vector<16xi32>
      %swap3A_543 = vector.shape_cast %get3A_539 : vector<16xi32> to vector<16xi32>
      tpu.vector_store %arg18[%swap3A_540], %swap3A_543 {strides = array<i32>} : memref<256xi32, #tpu.memory_space<vmem>>, vector<16xi32>,
      %add3A_544 = arith.constant 208 : i32
      %add3A_545 = arith.addi %mul3A_335, %add3A_544 : i32
      %get3A_546 = arith.index_cast %add3A_545 : i32 to index
      %get3A_547 = tpu.vector_load %arg13[%get3A_546] {strides = array<i32>} : memref<8192xi32, #tpu.memory_space<vmem>>, vector<16xi32>,
      %swap3A_548 = arith.constant 208 : index
      %swap3A_549 = tpu.vector_load %arg17[%swap3A_548] {strides = array<i32>} : memref<256xi32, #tpu.memory_space<vmem>>, vector<16xi32>,
      %swap3A_550 = vector.shape_cast %swap3A_549 : vector<16xi32> to vector<16xi32>
      %swap3A_551 = vector.shape_cast %get3A_547 : vector<16xi32> to vector<16xi32>
      tpu.vector_store %arg17[%swap3A_548], %swap3A_551 {strides = array<i32>} : memref<256xi32, #tpu.memory_space<vmem>>, vector<16xi32>,
      %add3A_552 = arith.constant 208 : i32
      %add3A_553 = arith.addi %mul3A_335, %add3A_552 : i32
      %get3A_554 = arith.index_cast %add3A_553 : i32 to index
      %get3A_555 = tpu.vector_load %arg14[%get3A_554] {strides = array<i32>} : memref<8192xi32, #tpu.memory_space<vmem>>, vector<16xi32>,
      %swap3A_556 = arith.constant 208 : index
      %swap3A_557 = tpu.vector_load %arg18[%swap3A_556] {strides = array<i32>} : memref<256xi32, #tpu.memory_space<vmem>>, vector<16xi32>,
      %swap3A_558 = vector.shape_cast %swap3A_557 : vector<16xi32> to vector<16xi32>
      %swap3A_559 = vector.shape_cast %get3A_555 : vector<16xi32> to vector<16xi32>
      tpu.vector_store %arg18[%swap3A_556], %swap3A_559 {strides = array<i32>} : memref<256xi32, #tpu.memory_space<vmem>>, vector<16xi32>,
      %add3A_560 = arith.constant 224 : i32
      %add3A_561 = arith.addi %mul3A_335, %add3A_560 : i32
      %get3A_562 = arith.index_cast %add3A_561 : i32 to index
      %get3A_563 = tpu.vector_load %arg13[%get3A_562] {strides = array<i32>} : memref<8192xi32, #tpu.memory_space<vmem>>, vector<16xi32>,
      %swap3A_564 = arith.constant 224 : index
      %swap3A_565 = tpu.vector_load %arg17[%swap3A_564] {strides = array<i32>} : memref<256xi32, #tpu.memory_space<vmem>>, vector<16xi32>,
      %swap3A_566 = vector.shape_cast %swap3A_565 : vector<16xi32> to vector<16xi32>
      %swap3A_567 = vector.shape_cast %get3A_563 : vector<16xi32> to vector<16xi32>
      tpu.vector_store %arg17[%swap3A_564], %swap3A_567 {strides = array<i32>} : memref<256xi32, #tpu.memory_space<vmem>>, vector<16xi32>,
      %add3A_568 = arith.constant 224 : i32
      %add3A_569 = arith.addi %mul3A_335, %add3A_568 : i32
      %get3A_570 = arith.index_cast %add3A_569 : i32 to index
      %get3A_571 = tpu.vector_load %arg14[%get3A_570] {strides = array<i32>} : memref<8192xi32, #tpu.memory_space<vmem>>, vector<16xi32>,
      %swap3A_572 = arith.constant 224 : index
      %swap3A_573 = tpu.vector_load %arg18[%swap3A_572] {strides = array<i32>} : memref<256xi32, #tpu.memory_space<vmem>>, vector<16xi32>,
      %swap3A_574 = vector.shape_cast %swap3A_573 : vector<16xi32> to vector<16xi32>
      %swap3A_575 = vector.shape_cast %get3A_571 : vector<16xi32> to vector<16xi32>
      tpu.vector_store %arg18[%swap3A_572], %swap3A_575 {strides = array<i32>} : memref<256xi32, #tpu.memory_space<vmem>>, vector<16xi32>,
      %add3A_576 = arith.constant 240 : i32
      %add3A_577 = arith.addi %mul3A_335, %add3A_576 : i32
      %get3A_578 = arith.index_cast %add3A_577 : i32 to index
      %get3A_579 = tpu.vector_load %arg13[%get3A_578] {strides = array<i32>} : memref<8192xi32, #tpu.memory_space<vmem>>, vector<16xi32>,
      %swap3A_580 = arith.constant 240 : index
      %swap3A_581 = tpu.vector_load %arg17[%swap3A_580] {strides = array<i32>} : memref<256xi32, #tpu.memory_space<vmem>>, vector<16xi32>,
      %swap3A_582 = vector.shape_cast %swap3A_581 : vector<16xi32> to vector<16xi32>
      %swap3A_583 = vector.shape_cast %get3A_579 : vector<16xi32> to vector<16xi32>
      tpu.vector_store %arg17[%swap3A_580], %swap3A_583 {strides = array<i32>} : memref<256xi32, #tpu.memory_space<vmem>>, vector<16xi32>,
      %add3A_584 = arith.constant 240 : i32
      %add3A_585 = arith.addi %mul3A_335, %add3A_584 : i32
      %get3A_586 = arith.index_cast %add3A_585 : i32 to index
      %get3A_587 = tpu.vector_load %arg14[%get3A_586] {strides = array<i32>} : memref<8192xi32, #tpu.memory_space<vmem>>, vector<16xi32>,
      %swap3A_588 = arith.constant 240 : index
      %swap3A_589 = tpu.vector_load %arg18[%swap3A_588] {strides = array<i32>} : memref<256xi32, #tpu.memory_space<vmem>>, vector<16xi32>,
      %swap3A_590 = vector.shape_cast %swap3A_589 : vector<16xi32> to vector<16xi32>
      %swap3A_591 = vector.shape_cast %get3A_587 : vector<16xi32> to vector<16xi32>
      tpu.vector_store %arg18[%swap3A_588], %swap3A_591 {strides = array<i32>} : memref<256xi32, #tpu.memory_space<vmem>>, vector<16xi32>,
      %dma_start3A_592 = arith.constant 0 : i32
      %dma_start3A_593 = arith.constant 0 : i32
      %dma_start3A_594 = tpu.memref_slice %arg4[%dma_start3A_592, %dma_start3A_593] : memref<16384x64xf32, #tpu.memory_space<hbm>> -> memref<16384x64xf32, #tpu.memory_space<hbm>>
      tpu.enqueue_indirect_dma source(%dma_start3A_594 : memref<16384x64xf32, #tpu.memory_space<hbm>>) target(%arg20 : memref<256x64xf32, #tpu.memory_space<vmem>>) offsets(%arg17 : memref<256xi32, #tpu.memory_space<vmem>>) semaphore(%arg23 : memref<!tpu.dma_semaphore, #tpu.memory_space<semaphore_mem>>)
      %dma_wait3A = arith.constant 0 : i32
      %dma_wait3A_595 = arith.constant 0 : i32
      %dma_wait3A_596 = tpu.memref_slice %arg4[%dma_wait3A, %dma_wait3A_595] : memref<16384x64xf32, #tpu.memory_space<hbm>> -> memref<16384x64xf32, #tpu.memory_space<hbm>>
      tpu.wait_indirect_dma semaphore(%arg22 : memref<!tpu.dma_semaphore, #tpu.memory_space<semaphore_mem>>) src(%dma_wait3A_596 : memref<16384x64xf32, #tpu.memory_space<hbm>>) dst(%arg19 : memref<256x64xf32, #tpu.memory_space<vmem>>)
      %dma_start3A_597 = arith.constant 0 : i32
      %dma_start3A_598 = arith.constant 0 : i32
      %dma_start3A_599 = tpu.memref_slice %arg21[%dma_start3A_597, %dma_start3A_598] : memref<16384x64xf32, #tpu.memory_space<vmem_shared>> -> memref<16384x64xf32, #tpu.memory_space<vmem_shared>>
      tpu.enqueue_indirect_dma source(%arg19 : memref<256x64xf32, #tpu.memory_space<vmem>>) target(%dma_start3A_599 : memref<16384x64xf32, #tpu.memory_space<vmem_shared>>) offsets(%arg16 : memref<256xi32, #tpu.memory_space<vmem>>) semaphore(%arg24 : memref<!tpu.dma_semaphore, #tpu.memory_space<semaphore_mem>>) {add = true}
      %dma_wait3A_600 = arith.constant 0 : i32
      %dma_wait3A_601 = arith.constant 0 : i32
      %dma_wait3A_602 = tpu.memref_slice %arg4[%dma_wait3A_600, %dma_wait3A_601] : memref<16384x64xf32, #tpu.memory_space<hbm>> -> memref<16384x64xf32, #tpu.memory_space<hbm>>
      tpu.wait_indirect_dma semaphore(%arg23 : memref<!tpu.dma_semaphore, #tpu.memory_space<semaphore_mem>>) src(%dma_wait3A_602 : memref<16384x64xf32, #tpu.memory_space<hbm>>) dst(%arg20 : memref<256x64xf32, #tpu.memory_space<vmem>>)
      %dma_start3A_603 = arith.constant 0 : i32
      %dma_start3A_604 = arith.constant 0 : i32
      %dma_start3A_605 = tpu.memref_slice %arg21[%dma_start3A_603, %dma_start3A_604] : memref<16384x64xf32, #tpu.memory_space<vmem_shared>> -> memref<16384x64xf32, #tpu.memory_space<vmem_shared>>
      tpu.enqueue_indirect_dma source(%arg20 : memref<256x64xf32, #tpu.memory_space<vmem>>) target(%dma_start3A_605 : memref<16384x64xf32, #tpu.memory_space<vmem_shared>>) offsets(%arg18 : memref<256xi32, #tpu.memory_space<vmem>>) semaphore(%arg24 : memref<!tpu.dma_semaphore, #tpu.memory_space<semaphore_mem>>) {add = true}
      %dma_wait3A_606 = arith.constant 0 : i32
      %dma_wait3A_607 = arith.constant 0 : i32
      %dma_wait3A_608 = tpu.memref_slice %arg21[%dma_wait3A_606, %dma_wait3A_607] : memref<16384x64xf32, #tpu.memory_space<vmem_shared>> -> memref<16384x64xf32, #tpu.memory_space<vmem_shared>>
      tpu.wait_indirect_dma semaphore(%arg24 : memref<!tpu.dma_semaphore, #tpu.memory_space<semaphore_mem>>) src(%arg19 : memref<256x64xf32, #tpu.memory_space<vmem>>) dst(%dma_wait3A_608 : memref<16384x64xf32, #tpu.memory_space<vmem_shared>>)
      %dma_wait3A_609 = arith.constant 0 : i32
      %dma_wait3A_610 = arith.constant 0 : i32
      %dma_wait3A_611 = tpu.memref_slice %arg21[%dma_wait3A_609, %dma_wait3A_610] : memref<16384x64xf32, #tpu.memory_space<vmem_shared>> -> memref<16384x64xf32, #tpu.memory_space<vmem_shared>>
      tpu.wait_indirect_dma semaphore(%arg24 : memref<!tpu.dma_semaphore, #tpu.memory_space<semaphore_mem>>) src(%arg20 : memref<256x64xf32, #tpu.memory_space<vmem>>) dst(%dma_wait3A_611 : memref<16384x64xf32, #tpu.memory_space<vmem_shared>>)
    }
    %scan3A_43 = arith.constant 16 : i32
    %barrier3A_44 = arith.constant 0 : index
    tpu.barrier barrier_id(%barrier3A_44)
    %mul3A_45 = arith.constant 1024 : i32
    %mul3A_46 = arith.muli %arg1, %mul3A_45 : i32
    %mul3A_47 = arith.constant 16384 : i32
    %mul3A_48 = arith.muli %arg0, %mul3A_47 : i32
    %mul3A_49 = arith.constant 1024 : i32
    %mul3A_50 = arith.muli %arg1, %mul3A_49 : i32
    %add3A_51 = arith.addi %mul3A_48, %mul3A_50 : i32
    "tpu.region"() ({
      %run_scoped3A = tpu.sem_alloc : memref<!tpu.dma_semaphore, #tpu.memory_space<semaphore_mem>>
      %dma_start3A = arith.constant 0 : i32
      %dma_start3A_69 = tpu.memref_slice %arg11[%add3A_51, %dma_start3A] : memref<32768x64xf32, #tpu.memory_space<hbm>> -> memref<1024x64xf32, #tpu.memory_space<hbm>>
      %dma_start3A_70 = arith.constant 0 : i32
      %dma_start3A_71 = tpu.memref_slice %arg21[%mul3A_46, %dma_start3A_70] : memref<16384x64xf32, #tpu.memory_space<vmem_shared>> -> memref<1024x64xf32, #tpu.memory_space<vmem_shared>>
      tpu.enqueue_dma source(%dma_start3A_71 : memref<1024x64xf32, #tpu.memory_space<vmem_shared>>) target(%dma_start3A_69 : memref<1024x64xf32, #tpu.memory_space<hbm>>) target_semaphore(%run_scoped3A : memref<!tpu.dma_semaphore, #tpu.memory_space<semaphore_mem>>)
      %dma_wait3A = arith.constant 0 : i32
      %dma_wait3A_72 = tpu.memref_slice %arg11[%add3A_51, %dma_wait3A] : memref<32768x64xf32, #tpu.memory_space<hbm>> -> memref<1024x64xf32, #tpu.memory_space<hbm>>
      %dma_wait3A_73 = arith.constant 0 : i32
      %dma_wait3A_74 = tpu.memref_slice %arg21[%mul3A_46, %dma_wait3A_73] : memref<16384x64xf32, #tpu.memory_space<vmem_shared>> -> memref<1024x64xf32, #tpu.memory_space<vmem_shared>>
      tpu.wait_dma2 semaphore(%run_scoped3A : memref<!tpu.dma_semaphore, #tpu.memory_space<semaphore_mem>>) src(%dma_wait3A_74 : memref<1024x64xf32, #tpu.memory_space<vmem_shared>>) dst(%dma_wait3A_72 : memref<1024x64xf32, #tpu.memory_space<hbm>>)
      tpu.yield
    }) : () -> ()
    %mul3A_52 = arith.constant 1024 : i32
    %mul3A_53 = arith.muli %arg1, %mul3A_52 : i32
    "tpu.region"() ({
      %run_scoped3A = tpu.sem_alloc : memref<!tpu.dma_semaphore, #tpu.memory_space<semaphore_mem>>
      %dma_start3A = arith.constant 0 : i32
      %dma_start3A_69 = tpu.memref_slice %arg21[%mul3A_53, %dma_start3A] : memref<16384x64xf32, #tpu.memory_space<vmem_shared>> -> memref<1024x64xf32, #tpu.memory_space<vmem_shared>>
      tpu.enqueue_dma source(%arg8 : memref<1024x64xf32, #tpu.memory_space<hbm>>) target(%dma_start3A_69 : memref<1024x64xf32, #tpu.memory_space<vmem_shared>>) target_semaphore(%run_scoped3A : memref<!tpu.dma_semaphore, #tpu.memory_space<semaphore_mem>>)
      %dma_wait3A = arith.constant 0 : i32
      %dma_wait3A_70 = tpu.memref_slice %arg21[%mul3A_53, %dma_wait3A] : memref<16384x64xf32, #tpu.memory_space<vmem_shared>> -> memref<1024x64xf32, #tpu.memory_space<vmem_shared>>
      tpu.wait_dma2 semaphore(%run_scoped3A : memref<!tpu.dma_semaphore, #tpu.memory_space<semaphore_mem>>) src(%arg8 : memref<1024x64xf32, #tpu.memory_space<hbm>>) dst(%dma_wait3A_70 : memref<1024x64xf32, #tpu.memory_space<vmem_shared>>)
      tpu.yield
    }) : () -> ()
    %barrier3A_54 = arith.constant 0 : index
    tpu.barrier barrier_id(%barrier3A_54)
    %scan3A_55 = arith.constant 0 : i32
    %scan3A_56 = arith.constant 0 : i32
    %scan3A_57 = arith.constant 16 : i32
    %scan3A_58 = arith.addi %scan3A_56, %scan3A_57 : i32
    %scan3A_59 = arith.constant 1 : i32
    scf.for %scan3A_69 = %scan3A_56 to %scan3A_58 step %scan3A_59  : i32 {
      %mul3A_70 = arith.constant 2 : i32
      %mul3A_71 = arith.muli %mul3A_70, %scan3A_69 : i32
      %mul3A_72 = arith.constant 256 : i32
      %mul3A_73 = arith.muli %mul3A_71, %mul3A_72 : i32
      %add3A_74 = arith.constant 0 : i32
      %add3A_75 = arith.addi %mul3A_73, %add3A_74 : i32
      %get3A = arith.index_cast %add3A_75 : i32 to index
      %get3A_76 = tpu.vector_load %arg13[%get3A] {strides = array<i32>} : memref<8192xi32, #tpu.memory_space<vmem>>, vector<16xi32>,
      %swap3A = arith.constant 0 : index
      %swap3A_77 = tpu.vector_load %arg15[%swap3A] {strides = array<i32>} : memref<256xi32, #tpu.memory_space<vmem>>, vector<16xi32>,
      %swap3A_78 = vector.shape_cast %swap3A_77 : vector<16xi32> to vector<16xi32>
      %swap3A_79 = vector.shape_cast %get3A_76 : vector<16xi32> to vector<16xi32>
      tpu.vector_store %arg15[%swap3A], %swap3A_79 {strides = array<i32>} : memref<256xi32, #tpu.memory_space<vmem>>, vector<16xi32>,
      %add3A_80 = arith.constant 0 : i32
      %add3A_81 = arith.addi %mul3A_73, %add3A_80 : i32
      %get3A_82 = arith.index_cast %add3A_81 : i32 to index
      %get3A_83 = tpu.vector_load %arg14[%get3A_82] {strides = array<i32>} : memref<8192xi32, #tpu.memory_space<vmem>>, vector<16xi32>,
      %swap3A_84 = arith.constant 0 : index
      %swap3A_85 = tpu.vector_load %arg16[%swap3A_84] {strides = array<i32>} : memref<256xi32, #tpu.memory_space<vmem>>, vector<16xi32>,
      %swap3A_86 = vector.shape_cast %swap3A_85 : vector<16xi32> to vector<16xi32>
      %swap3A_87 = vector.shape_cast %get3A_83 : vector<16xi32> to vector<16xi32>
      tpu.vector_store %arg16[%swap3A_84], %swap3A_87 {strides = array<i32>} : memref<256xi32, #tpu.memory_space<vmem>>, vector<16xi32>,
      %add3A_88 = arith.constant 16 : i32
      %add3A_89 = arith.addi %mul3A_73, %add3A_88 : i32
      %get3A_90 = arith.index_cast %add3A_89 : i32 to index
      %get3A_91 = tpu.vector_load %arg13[%get3A_90] {strides = array<i32>} : memref<8192xi32, #tpu.memory_space<vmem>>, vector<16xi32>,
      %swap3A_92 = arith.constant 16 : index
      %swap3A_93 = tpu.vector_load %arg15[%swap3A_92] {strides = array<i32>} : memref<256xi32, #tpu.memory_space<vmem>>, vector<16xi32>,
      %swap3A_94 = vector.shape_cast %swap3A_93 : vector<16xi32> to vector<16xi32>
      %swap3A_95 = vector.shape_cast %get3A_91 : vector<16xi32> to vector<16xi32>
      tpu.vector_store %arg15[%swap3A_92], %swap3A_95 {strides = array<i32>} : memref<256xi32, #tpu.memory_space<vmem>>, vector<16xi32>,
      %add3A_96 = arith.constant 16 : i32
      %add3A_97 = arith.addi %mul3A_73, %add3A_96 : i32
      %get3A_98 = arith.index_cast %add3A_97 : i32 to index
      %get3A_99 = tpu.vector_load %arg14[%get3A_98] {strides = array<i32>} : memref<8192xi32, #tpu.memory_space<vmem>>, vector<16xi32>,
      %swap3A_100 = arith.constant 16 : index
      %swap3A_101 = tpu.vector_load %arg16[%swap3A_100] {strides = array<i32>} : memref<256xi32, #tpu.memory_space<vmem>>, vector<16xi32>,
      %swap3A_102 = vector.shape_cast %swap3A_101 : vector<16xi32> to vector<16xi32>
      %swap3A_103 = vector.shape_cast %get3A_99 : vector<16xi32> to vector<16xi32>
      tpu.vector_store %arg16[%swap3A_100], %swap3A_103 {strides = array<i32>} : memref<256xi32, #tpu.memory_space<vmem>>, vector<16xi32>,
      %add3A_104 = arith.constant 32 : i32
      %add3A_105 = arith.addi %mul3A_73, %add3A_104 : i32
      %get3A_106 = arith.index_cast %add3A_105 : i32 to index
      %get3A_107 = tpu.vector_load %arg13[%get3A_106] {strides = array<i32>} : memref<8192xi32, #tpu.memory_space<vmem>>, vector<16xi32>,
      %swap3A_108 = arith.constant 32 : index
      %swap3A_109 = tpu.vector_load %arg15[%swap3A_108] {strides = array<i32>} : memref<256xi32, #tpu.memory_space<vmem>>, vector<16xi32>,
      %swap3A_110 = vector.shape_cast %swap3A_109 : vector<16xi32> to vector<16xi32>
      %swap3A_111 = vector.shape_cast %get3A_107 : vector<16xi32> to vector<16xi32>
      tpu.vector_store %arg15[%swap3A_108], %swap3A_111 {strides = array<i32>} : memref<256xi32, #tpu.memory_space<vmem>>, vector<16xi32>,
      %add3A_112 = arith.constant 32 : i32
      %add3A_113 = arith.addi %mul3A_73, %add3A_112 : i32
      %get3A_114 = arith.index_cast %add3A_113 : i32 to index
      %get3A_115 = tpu.vector_load %arg14[%get3A_114] {strides = array<i32>} : memref<8192xi32, #tpu.memory_space<vmem>>, vector<16xi32>,
      %swap3A_116 = arith.constant 32 : index
      %swap3A_117 = tpu.vector_load %arg16[%swap3A_116] {strides = array<i32>} : memref<256xi32, #tpu.memory_space<vmem>>, vector<16xi32>,
      %swap3A_118 = vector.shape_cast %swap3A_117 : vector<16xi32> to vector<16xi32>
      %swap3A_119 = vector.shape_cast %get3A_115 : vector<16xi32> to vector<16xi32>
      tpu.vector_store %arg16[%swap3A_116], %swap3A_119 {strides = array<i32>} : memref<256xi32, #tpu.memory_space<vmem>>, vector<16xi32>,
      %add3A_120 = arith.constant 48 : i32
      %add3A_121 = arith.addi %mul3A_73, %add3A_120 : i32
      %get3A_122 = arith.index_cast %add3A_121 : i32 to index
      %get3A_123 = tpu.vector_load %arg13[%get3A_122] {strides = array<i32>} : memref<8192xi32, #tpu.memory_space<vmem>>, vector<16xi32>,
      %swap3A_124 = arith.constant 48 : index
      %swap3A_125 = tpu.vector_load %arg15[%swap3A_124] {strides = array<i32>} : memref<256xi32, #tpu.memory_space<vmem>>, vector<16xi32>,
      %swap3A_126 = vector.shape_cast %swap3A_125 : vector<16xi32> to vector<16xi32>
      %swap3A_127 = vector.shape_cast %get3A_123 : vector<16xi32> to vector<16xi32>
      tpu.vector_store %arg15[%swap3A_124], %swap3A_127 {strides = array<i32>} : memref<256xi32, #tpu.memory_space<vmem>>, vector<16xi32>,
      %add3A_128 = arith.constant 48 : i32
      %add3A_129 = arith.addi %mul3A_73, %add3A_128 : i32
      %get3A_130 = arith.index_cast %add3A_129 : i32 to index
      %get3A_131 = tpu.vector_load %arg14[%get3A_130] {strides = array<i32>} : memref<8192xi32, #tpu.memory_space<vmem>>, vector<16xi32>,
      %swap3A_132 = arith.constant 48 : index
      %swap3A_133 = tpu.vector_load %arg16[%swap3A_132] {strides = array<i32>} : memref<256xi32, #tpu.memory_space<vmem>>, vector<16xi32>,
      %swap3A_134 = vector.shape_cast %swap3A_133 : vector<16xi32> to vector<16xi32>
      %swap3A_135 = vector.shape_cast %get3A_131 : vector<16xi32> to vector<16xi32>
      tpu.vector_store %arg16[%swap3A_132], %swap3A_135 {strides = array<i32>} : memref<256xi32, #tpu.memory_space<vmem>>, vector<16xi32>,
      %add3A_136 = arith.constant 64 : i32
      %add3A_137 = arith.addi %mul3A_73, %add3A_136 : i32
      %get3A_138 = arith.index_cast %add3A_137 : i32 to index
      %get3A_139 = tpu.vector_load %arg13[%get3A_138] {strides = array<i32>} : memref<8192xi32, #tpu.memory_space<vmem>>, vector<16xi32>,
      %swap3A_140 = arith.constant 64 : index
      %swap3A_141 = tpu.vector_load %arg15[%swap3A_140] {strides = array<i32>} : memref<256xi32, #tpu.memory_space<vmem>>, vector<16xi32>,
      %swap3A_142 = vector.shape_cast %swap3A_141 : vector<16xi32> to vector<16xi32>
      %swap3A_143 = vector.shape_cast %get3A_139 : vector<16xi32> to vector<16xi32>
      tpu.vector_store %arg15[%swap3A_140], %swap3A_143 {strides = array<i32>} : memref<256xi32, #tpu.memory_space<vmem>>, vector<16xi32>,
      %add3A_144 = arith.constant 64 : i32
      %add3A_145 = arith.addi %mul3A_73, %add3A_144 : i32
      %get3A_146 = arith.index_cast %add3A_145 : i32 to index
      %get3A_147 = tpu.vector_load %arg14[%get3A_146] {strides = array<i32>} : memref<8192xi32, #tpu.memory_space<vmem>>, vector<16xi32>,
      %swap3A_148 = arith.constant 64 : index
      %swap3A_149 = tpu.vector_load %arg16[%swap3A_148] {strides = array<i32>} : memref<256xi32, #tpu.memory_space<vmem>>, vector<16xi32>,
      %swap3A_150 = vector.shape_cast %swap3A_149 : vector<16xi32> to vector<16xi32>
      %swap3A_151 = vector.shape_cast %get3A_147 : vector<16xi32> to vector<16xi32>
      tpu.vector_store %arg16[%swap3A_148], %swap3A_151 {strides = array<i32>} : memref<256xi32, #tpu.memory_space<vmem>>, vector<16xi32>,
      %add3A_152 = arith.constant 80 : i32
      %add3A_153 = arith.addi %mul3A_73, %add3A_152 : i32
      %get3A_154 = arith.index_cast %add3A_153 : i32 to index
      %get3A_155 = tpu.vector_load %arg13[%get3A_154] {strides = array<i32>} : memref<8192xi32, #tpu.memory_space<vmem>>, vector<16xi32>,
      %swap3A_156 = arith.constant 80 : index
      %swap3A_157 = tpu.vector_load %arg15[%swap3A_156] {strides = array<i32>} : memref<256xi32, #tpu.memory_space<vmem>>, vector<16xi32>,
      %swap3A_158 = vector.shape_cast %swap3A_157 : vector<16xi32> to vector<16xi32>
      %swap3A_159 = vector.shape_cast %get3A_155 : vector<16xi32> to vector<16xi32>
      tpu.vector_store %arg15[%swap3A_156], %swap3A_159 {strides = array<i32>} : memref<256xi32, #tpu.memory_space<vmem>>, vector<16xi32>,
      %add3A_160 = arith.constant 80 : i32
      %add3A_161 = arith.addi %mul3A_73, %add3A_160 : i32
      %get3A_162 = arith.index_cast %add3A_161 : i32 to index
      %get3A_163 = tpu.vector_load %arg14[%get3A_162] {strides = array<i32>} : memref<8192xi32, #tpu.memory_space<vmem>>, vector<16xi32>,
      %swap3A_164 = arith.constant 80 : index
      %swap3A_165 = tpu.vector_load %arg16[%swap3A_164] {strides = array<i32>} : memref<256xi32, #tpu.memory_space<vmem>>, vector<16xi32>,
      %swap3A_166 = vector.shape_cast %swap3A_165 : vector<16xi32> to vector<16xi32>
      %swap3A_167 = vector.shape_cast %get3A_163 : vector<16xi32> to vector<16xi32>
      tpu.vector_store %arg16[%swap3A_164], %swap3A_167 {strides = array<i32>} : memref<256xi32, #tpu.memory_space<vmem>>, vector<16xi32>,
      %add3A_168 = arith.constant 96 : i32
      %add3A_169 = arith.addi %mul3A_73, %add3A_168 : i32
      %get3A_170 = arith.index_cast %add3A_169 : i32 to index
      %get3A_171 = tpu.vector_load %arg13[%get3A_170] {strides = array<i32>} : memref<8192xi32, #tpu.memory_space<vmem>>, vector<16xi32>,
      %swap3A_172 = arith.constant 96 : index
      %swap3A_173 = tpu.vector_load %arg15[%swap3A_172] {strides = array<i32>} : memref<256xi32, #tpu.memory_space<vmem>>, vector<16xi32>,
      %swap3A_174 = vector.shape_cast %swap3A_173 : vector<16xi32> to vector<16xi32>
      %swap3A_175 = vector.shape_cast %get3A_171 : vector<16xi32> to vector<16xi32>
      tpu.vector_store %arg15[%swap3A_172], %swap3A_175 {strides = array<i32>} : memref<256xi32, #tpu.memory_space<vmem>>, vector<16xi32>,
      %add3A_176 = arith.constant 96 : i32
      %add3A_177 = arith.addi %mul3A_73, %add3A_176 : i32
      %get3A_178 = arith.index_cast %add3A_177 : i32 to index
      %get3A_179 = tpu.vector_load %arg14[%get3A_178] {strides = array<i32>} : memref<8192xi32, #tpu.memory_space<vmem>>, vector<16xi32>,
      %swap3A_180 = arith.constant 96 : index
      %swap3A_181 = tpu.vector_load %arg16[%swap3A_180] {strides = array<i32>} : memref<256xi32, #tpu.memory_space<vmem>>, vector<16xi32>,
      %swap3A_182 = vector.shape_cast %swap3A_181 : vector<16xi32> to vector<16xi32>
      %swap3A_183 = vector.shape_cast %get3A_179 : vector<16xi32> to vector<16xi32>
      tpu.vector_store %arg16[%swap3A_180], %swap3A_183 {strides = array<i32>} : memref<256xi32, #tpu.memory_space<vmem>>, vector<16xi32>,
      %add3A_184 = arith.constant 112 : i32
      %add3A_185 = arith.addi %mul3A_73, %add3A_184 : i32
      %get3A_186 = arith.index_cast %add3A_185 : i32 to index
      %get3A_187 = tpu.vector_load %arg13[%get3A_186] {strides = array<i32>} : memref<8192xi32, #tpu.memory_space<vmem>>, vector<16xi32>,
      %swap3A_188 = arith.constant 112 : index
      %swap3A_189 = tpu.vector_load %arg15[%swap3A_188] {strides = array<i32>} : memref<256xi32, #tpu.memory_space<vmem>>, vector<16xi32>,
      %swap3A_190 = vector.shape_cast %swap3A_189 : vector<16xi32> to vector<16xi32>
      %swap3A_191 = vector.shape_cast %get3A_187 : vector<16xi32> to vector<16xi32>
      tpu.vector_store %arg15[%swap3A_188], %swap3A_191 {strides = array<i32>} : memref<256xi32, #tpu.memory_space<vmem>>, vector<16xi32>,
      %add3A_192 = arith.constant 112 : i32
      %add3A_193 = arith.addi %mul3A_73, %add3A_192 : i32
      %get3A_194 = arith.index_cast %add3A_193 : i32 to index
      %get3A_195 = tpu.vector_load %arg14[%get3A_194] {strides = array<i32>} : memref<8192xi32, #tpu.memory_space<vmem>>, vector<16xi32>,
      %swap3A_196 = arith.constant 112 : index
      %swap3A_197 = tpu.vector_load %arg16[%swap3A_196] {strides = array<i32>} : memref<256xi32, #tpu.memory_space<vmem>>, vector<16xi32>,
      %swap3A_198 = vector.shape_cast %swap3A_197 : vector<16xi32> to vector<16xi32>
      %swap3A_199 = vector.shape_cast %get3A_195 : vector<16xi32> to vector<16xi32>
      tpu.vector_store %arg16[%swap3A_196], %swap3A_199 {strides = array<i32>} : memref<256xi32, #tpu.memory_space<vmem>>, vector<16xi32>,
      %add3A_200 = arith.constant 128 : i32
      %add3A_201 = arith.addi %mul3A_73, %add3A_200 : i32
      %get3A_202 = arith.index_cast %add3A_201 : i32 to index
      %get3A_203 = tpu.vector_load %arg13[%get3A_202] {strides = array<i32>} : memref<8192xi32, #tpu.memory_space<vmem>>, vector<16xi32>,
      %swap3A_204 = arith.constant 128 : index
      %swap3A_205 = tpu.vector_load %arg15[%swap3A_204] {strides = array<i32>} : memref<256xi32, #tpu.memory_space<vmem>>, vector<16xi32>,
      %swap3A_206 = vector.shape_cast %swap3A_205 : vector<16xi32> to vector<16xi32>
      %swap3A_207 = vector.shape_cast %get3A_203 : vector<16xi32> to vector<16xi32>
      tpu.vector_store %arg15[%swap3A_204], %swap3A_207 {strides = array<i32>} : memref<256xi32, #tpu.memory_space<vmem>>, vector<16xi32>,
      %add3A_208 = arith.constant 128 : i32
      %add3A_209 = arith.addi %mul3A_73, %add3A_208 : i32
      %get3A_210 = arith.index_cast %add3A_209 : i32 to index
      %get3A_211 = tpu.vector_load %arg14[%get3A_210] {strides = array<i32>} : memref<8192xi32, #tpu.memory_space<vmem>>, vector<16xi32>,
      %swap3A_212 = arith.constant 128 : index
      %swap3A_213 = tpu.vector_load %arg16[%swap3A_212] {strides = array<i32>} : memref<256xi32, #tpu.memory_space<vmem>>, vector<16xi32>,
      %swap3A_214 = vector.shape_cast %swap3A_213 : vector<16xi32> to vector<16xi32>
      %swap3A_215 = vector.shape_cast %get3A_211 : vector<16xi32> to vector<16xi32>
      tpu.vector_store %arg16[%swap3A_212], %swap3A_215 {strides = array<i32>} : memref<256xi32, #tpu.memory_space<vmem>>, vector<16xi32>,
      %add3A_216 = arith.constant 144 : i32
      %add3A_217 = arith.addi %mul3A_73, %add3A_216 : i32
      %get3A_218 = arith.index_cast %add3A_217 : i32 to index
      %get3A_219 = tpu.vector_load %arg13[%get3A_218] {strides = array<i32>} : memref<8192xi32, #tpu.memory_space<vmem>>, vector<16xi32>,
      %swap3A_220 = arith.constant 144 : index
      %swap3A_221 = tpu.vector_load %arg15[%swap3A_220] {strides = array<i32>} : memref<256xi32, #tpu.memory_space<vmem>>, vector<16xi32>,
      %swap3A_222 = vector.shape_cast %swap3A_221 : vector<16xi32> to vector<16xi32>
      %swap3A_223 = vector.shape_cast %get3A_219 : vector<16xi32> to vector<16xi32>
      tpu.vector_store %arg15[%swap3A_220], %swap3A_223 {strides = array<i32>} : memref<256xi32, #tpu.memory_space<vmem>>, vector<16xi32>,
      %add3A_224 = arith.constant 144 : i32
      %add3A_225 = arith.addi %mul3A_73, %add3A_224 : i32
      %get3A_226 = arith.index_cast %add3A_225 : i32 to index
      %get3A_227 = tpu.vector_load %arg14[%get3A_226] {strides = array<i32>} : memref<8192xi32, #tpu.memory_space<vmem>>, vector<16xi32>,
      %swap3A_228 = arith.constant 144 : index
      %swap3A_229 = tpu.vector_load %arg16[%swap3A_228] {strides = array<i32>} : memref<256xi32, #tpu.memory_space<vmem>>, vector<16xi32>,
      %swap3A_230 = vector.shape_cast %swap3A_229 : vector<16xi32> to vector<16xi32>
      %swap3A_231 = vector.shape_cast %get3A_227 : vector<16xi32> to vector<16xi32>
      tpu.vector_store %arg16[%swap3A_228], %swap3A_231 {strides = array<i32>} : memref<256xi32, #tpu.memory_space<vmem>>, vector<16xi32>,
      %add3A_232 = arith.constant 160 : i32
      %add3A_233 = arith.addi %mul3A_73, %add3A_232 : i32
      %get3A_234 = arith.index_cast %add3A_233 : i32 to index
      %get3A_235 = tpu.vector_load %arg13[%get3A_234] {strides = array<i32>} : memref<8192xi32, #tpu.memory_space<vmem>>, vector<16xi32>,
      %swap3A_236 = arith.constant 160 : index
      %swap3A_237 = tpu.vector_load %arg15[%swap3A_236] {strides = array<i32>} : memref<256xi32, #tpu.memory_space<vmem>>, vector<16xi32>,
      %swap3A_238 = vector.shape_cast %swap3A_237 : vector<16xi32> to vector<16xi32>
      %swap3A_239 = vector.shape_cast %get3A_235 : vector<16xi32> to vector<16xi32>
      tpu.vector_store %arg15[%swap3A_236], %swap3A_239 {strides = array<i32>} : memref<256xi32, #tpu.memory_space<vmem>>, vector<16xi32>,
      %add3A_240 = arith.constant 160 : i32
      %add3A_241 = arith.addi %mul3A_73, %add3A_240 : i32
      %get3A_242 = arith.index_cast %add3A_241 : i32 to index
      %get3A_243 = tpu.vector_load %arg14[%get3A_242] {strides = array<i32>} : memref<8192xi32, #tpu.memory_space<vmem>>, vector<16xi32>,
      %swap3A_244 = arith.constant 160 : index
      %swap3A_245 = tpu.vector_load %arg16[%swap3A_244] {strides = array<i32>} : memref<256xi32, #tpu.memory_space<vmem>>, vector<16xi32>,
      %swap3A_246 = vector.shape_cast %swap3A_245 : vector<16xi32> to vector<16xi32>
      %swap3A_247 = vector.shape_cast %get3A_243 : vector<16xi32> to vector<16xi32>
      tpu.vector_store %arg16[%swap3A_244], %swap3A_247 {strides = array<i32>} : memref<256xi32, #tpu.memory_space<vmem>>, vector<16xi32>,
      %add3A_248 = arith.constant 176 : i32
      %add3A_249 = arith.addi %mul3A_73, %add3A_248 : i32
      %get3A_250 = arith.index_cast %add3A_249 : i32 to index
      %get3A_251 = tpu.vector_load %arg13[%get3A_250] {strides = array<i32>} : memref<8192xi32, #tpu.memory_space<vmem>>, vector<16xi32>,
      %swap3A_252 = arith.constant 176 : index
      %swap3A_253 = tpu.vector_load %arg15[%swap3A_252] {strides = array<i32>} : memref<256xi32, #tpu.memory_space<vmem>>, vector<16xi32>,
      %swap3A_254 = vector.shape_cast %swap3A_253 : vector<16xi32> to vector<16xi32>
      %swap3A_255 = vector.shape_cast %get3A_251 : vector<16xi32> to vector<16xi32>
      tpu.vector_store %arg15[%swap3A_252], %swap3A_255 {strides = array<i32>} : memref<256xi32, #tpu.memory_space<vmem>>, vector<16xi32>,
      %add3A_256 = arith.constant 176 : i32
      %add3A_257 = arith.addi %mul3A_73, %add3A_256 : i32
      %get3A_258 = arith.index_cast %add3A_257 : i32 to index
      %get3A_259 = tpu.vector_load %arg14[%get3A_258] {strides = array<i32>} : memref<8192xi32, #tpu.memory_space<vmem>>, vector<16xi32>,
      %swap3A_260 = arith.constant 176 : index
      %swap3A_261 = tpu.vector_load %arg16[%swap3A_260] {strides = array<i32>} : memref<256xi32, #tpu.memory_space<vmem>>, vector<16xi32>,
      %swap3A_262 = vector.shape_cast %swap3A_261 : vector<16xi32> to vector<16xi32>
      %swap3A_263 = vector.shape_cast %get3A_259 : vector<16xi32> to vector<16xi32>
      tpu.vector_store %arg16[%swap3A_260], %swap3A_263 {strides = array<i32>} : memref<256xi32, #tpu.memory_space<vmem>>, vector<16xi32>,
      %add3A_264 = arith.constant 192 : i32
      %add3A_265 = arith.addi %mul3A_73, %add3A_264 : i32
      %get3A_266 = arith.index_cast %add3A_265 : i32 to index
      %get3A_267 = tpu.vector_load %arg13[%get3A_266] {strides = array<i32>} : memref<8192xi32, #tpu.memory_space<vmem>>, vector<16xi32>,
      %swap3A_268 = arith.constant 192 : index
      %swap3A_269 = tpu.vector_load %arg15[%swap3A_268] {strides = array<i32>} : memref<256xi32, #tpu.memory_space<vmem>>, vector<16xi32>,
      %swap3A_270 = vector.shape_cast %swap3A_269 : vector<16xi32> to vector<16xi32>
      %swap3A_271 = vector.shape_cast %get3A_267 : vector<16xi32> to vector<16xi32>
      tpu.vector_store %arg15[%swap3A_268], %swap3A_271 {strides = array<i32>} : memref<256xi32, #tpu.memory_space<vmem>>, vector<16xi32>,
      %add3A_272 = arith.constant 192 : i32
      %add3A_273 = arith.addi %mul3A_73, %add3A_272 : i32
      %get3A_274 = arith.index_cast %add3A_273 : i32 to index
      %get3A_275 = tpu.vector_load %arg14[%get3A_274] {strides = array<i32>} : memref<8192xi32, #tpu.memory_space<vmem>>, vector<16xi32>,
      %swap3A_276 = arith.constant 192 : index
      %swap3A_277 = tpu.vector_load %arg16[%swap3A_276] {strides = array<i32>} : memref<256xi32, #tpu.memory_space<vmem>>, vector<16xi32>,
      %swap3A_278 = vector.shape_cast %swap3A_277 : vector<16xi32> to vector<16xi32>
      %swap3A_279 = vector.shape_cast %get3A_275 : vector<16xi32> to vector<16xi32>
      tpu.vector_store %arg16[%swap3A_276], %swap3A_279 {strides = array<i32>} : memref<256xi32, #tpu.memory_space<vmem>>, vector<16xi32>,
      %add3A_280 = arith.constant 208 : i32
      %add3A_281 = arith.addi %mul3A_73, %add3A_280 : i32
      %get3A_282 = arith.index_cast %add3A_281 : i32 to index
      %get3A_283 = tpu.vector_load %arg13[%get3A_282] {strides = array<i32>} : memref<8192xi32, #tpu.memory_space<vmem>>, vector<16xi32>,
      %swap3A_284 = arith.constant 208 : index
      %swap3A_285 = tpu.vector_load %arg15[%swap3A_284] {strides = array<i32>} : memref<256xi32, #tpu.memory_space<vmem>>, vector<16xi32>,
      %swap3A_286 = vector.shape_cast %swap3A_285 : vector<16xi32> to vector<16xi32>
      %swap3A_287 = vector.shape_cast %get3A_283 : vector<16xi32> to vector<16xi32>
      tpu.vector_store %arg15[%swap3A_284], %swap3A_287 {strides = array<i32>} : memref<256xi32, #tpu.memory_space<vmem>>, vector<16xi32>,
      %add3A_288 = arith.constant 208 : i32
      %add3A_289 = arith.addi %mul3A_73, %add3A_288 : i32
      %get3A_290 = arith.index_cast %add3A_289 : i32 to index
      %get3A_291 = tpu.vector_load %arg14[%get3A_290] {strides = array<i32>} : memref<8192xi32, #tpu.memory_space<vmem>>, vector<16xi32>,
      %swap3A_292 = arith.constant 208 : index
      %swap3A_293 = tpu.vector_load %arg16[%swap3A_292] {strides = array<i32>} : memref<256xi32, #tpu.memory_space<vmem>>, vector<16xi32>,
      %swap3A_294 = vector.shape_cast %swap3A_293 : vector<16xi32> to vector<16xi32>
      %swap3A_295 = vector.shape_cast %get3A_291 : vector<16xi32> to vector<16xi32>
      tpu.vector_store %arg16[%swap3A_292], %swap3A_295 {strides = array<i32>} : memref<256xi32, #tpu.memory_space<vmem>>, vector<16xi32>,
      %add3A_296 = arith.constant 224 : i32
      %add3A_297 = arith.addi %mul3A_73, %add3A_296 : i32
      %get3A_298 = arith.index_cast %add3A_297 : i32 to index
      %get3A_299 = tpu.vector_load %arg13[%get3A_298] {strides = array<i32>} : memref<8192xi32, #tpu.memory_space<vmem>>, vector<16xi32>,
      %swap3A_300 = arith.constant 224 : index
      %swap3A_301 = tpu.vector_load %arg15[%swap3A_300] {strides = array<i32>} : memref<256xi32, #tpu.memory_space<vmem>>, vector<16xi32>,
      %swap3A_302 = vector.shape_cast %swap3A_301 : vector<16xi32> to vector<16xi32>
      %swap3A_303 = vector.shape_cast %get3A_299 : vector<16xi32> to vector<16xi32>
      tpu.vector_store %arg15[%swap3A_300], %swap3A_303 {strides = array<i32>} : memref<256xi32, #tpu.memory_space<vmem>>, vector<16xi32>,
      %add3A_304 = arith.constant 224 : i32
      %add3A_305 = arith.addi %mul3A_73, %add3A_304 : i32
      %get3A_306 = arith.index_cast %add3A_305 : i32 to index
      %get3A_307 = tpu.vector_load %arg14[%get3A_306] {strides = array<i32>} : memref<8192xi32, #tpu.memory_space<vmem>>, vector<16xi32>,
      %swap3A_308 = arith.constant 224 : index
      %swap3A_309 = tpu.vector_load %arg16[%swap3A_308] {strides = array<i32>} : memref<256xi32, #tpu.memory_space<vmem>>, vector<16xi32>,
      %swap3A_310 = vector.shape_cast %swap3A_309 : vector<16xi32> to vector<16xi32>
      %swap3A_311 = vector.shape_cast %get3A_307 : vector<16xi32> to vector<16xi32>
      tpu.vector_store %arg16[%swap3A_308], %swap3A_311 {strides = array<i32>} : memref<256xi32, #tpu.memory_space<vmem>>, vector<16xi32>,
      %add3A_312 = arith.constant 240 : i32
      %add3A_313 = arith.addi %mul3A_73, %add3A_312 : i32
      %get3A_314 = arith.index_cast %add3A_313 : i32 to index
      %get3A_315 = tpu.vector_load %arg13[%get3A_314] {strides = array<i32>} : memref<8192xi32, #tpu.memory_space<vmem>>, vector<16xi32>,
      %swap3A_316 = arith.constant 240 : index
      %swap3A_317 = tpu.vector_load %arg15[%swap3A_316] {strides = array<i32>} : memref<256xi32, #tpu.memory_space<vmem>>, vector<16xi32>,
      %swap3A_318 = vector.shape_cast %swap3A_317 : vector<16xi32> to vector<16xi32>
      %swap3A_319 = vector.shape_cast %get3A_315 : vector<16xi32> to vector<16xi32>
      tpu.vector_store %arg15[%swap3A_316], %swap3A_319 {strides = array<i32>} : memref<256xi32, #tpu.memory_space<vmem>>, vector<16xi32>,
      %add3A_320 = arith.constant 240 : i32
      %add3A_321 = arith.addi %mul3A_73, %add3A_320 : i32
      %get3A_322 = arith.index_cast %add3A_321 : i32 to index
      %get3A_323 = tpu.vector_load %arg14[%get3A_322] {strides = array<i32>} : memref<8192xi32, #tpu.memory_space<vmem>>, vector<16xi32>,
      %swap3A_324 = arith.constant 240 : index
      %swap3A_325 = tpu.vector_load %arg16[%swap3A_324] {strides = array<i32>} : memref<256xi32, #tpu.memory_space<vmem>>, vector<16xi32>,
      %swap3A_326 = vector.shape_cast %swap3A_325 : vector<16xi32> to vector<16xi32>
      %swap3A_327 = vector.shape_cast %get3A_323 : vector<16xi32> to vector<16xi32>
      tpu.vector_store %arg16[%swap3A_324], %swap3A_327 {strides = array<i32>} : memref<256xi32, #tpu.memory_space<vmem>>, vector<16xi32>,
      %dma_start3A = arith.constant 0 : i32
      %dma_start3A_328 = arith.constant 0 : i32
      %dma_start3A_329 = tpu.memref_slice %arg5[%dma_start3A, %dma_start3A_328] : memref<16384x64xf32, #tpu.memory_space<hbm>> -> memref<16384x64xf32, #tpu.memory_space<hbm>>
      tpu.enqueue_indirect_dma source(%dma_start3A_329 : memref<16384x64xf32, #tpu.memory_space<hbm>>) target(%arg19 : memref<256x64xf32, #tpu.memory_space<vmem>>) offsets(%arg15 : memref<256xi32, #tpu.memory_space<vmem>>) semaphore(%arg22 : memref<!tpu.dma_semaphore, #tpu.memory_space<semaphore_mem>>)
      %mul3A_330 = arith.constant 2 : i32
      %mul3A_331 = arith.muli %mul3A_330, %scan3A_69 : i32
      %add3A_332 = arith.constant 1 : i32
      %add3A_333 = arith.addi %mul3A_331, %add3A_332 : i32
      %mul3A_334 = arith.constant 256 : i32
      %mul3A_335 = arith.muli %add3A_333, %mul3A_334 : i32
      %add3A_336 = arith.constant 0 : i32
      %add3A_337 = arith.addi %mul3A_335, %add3A_336 : i32
      %get3A_338 = arith.index_cast %add3A_337 : i32 to index
      %get3A_339 = tpu.vector_load %arg13[%get3A_338] {strides = array<i32>} : memref<8192xi32, #tpu.memory_space<vmem>>, vector<16xi32>,
      %swap3A_340 = arith.constant 0 : index
      %swap3A_341 = tpu.vector_load %arg17[%swap3A_340] {strides = array<i32>} : memref<256xi32, #tpu.memory_space<vmem>>, vector<16xi32>,
      %swap3A_342 = vector.shape_cast %swap3A_341 : vector<16xi32> to vector<16xi32>
      %swap3A_343 = vector.shape_cast %get3A_339 : vector<16xi32> to vector<16xi32>
      tpu.vector_store %arg17[%swap3A_340], %swap3A_343 {strides = array<i32>} : memref<256xi32, #tpu.memory_space<vmem>>, vector<16xi32>,
      %add3A_344 = arith.constant 0 : i32
      %add3A_345 = arith.addi %mul3A_335, %add3A_344 : i32
      %get3A_346 = arith.index_cast %add3A_345 : i32 to index
      %get3A_347 = tpu.vector_load %arg14[%get3A_346] {strides = array<i32>} : memref<8192xi32, #tpu.memory_space<vmem>>, vector<16xi32>,
      %swap3A_348 = arith.constant 0 : index
      %swap3A_349 = tpu.vector_load %arg18[%swap3A_348] {strides = array<i32>} : memref<256xi32, #tpu.memory_space<vmem>>, vector<16xi32>,
      %swap3A_350 = vector.shape_cast %swap3A_349 : vector<16xi32> to vector<16xi32>
      %swap3A_351 = vector.shape_cast %get3A_347 : vector<16xi32> to vector<16xi32>
      tpu.vector_store %arg18[%swap3A_348], %swap3A_351 {strides = array<i32>} : memref<256xi32, #tpu.memory_space<vmem>>, vector<16xi32>,
      %add3A_352 = arith.constant 16 : i32
      %add3A_353 = arith.addi %mul3A_335, %add3A_352 : i32
      %get3A_354 = arith.index_cast %add3A_353 : i32 to index
      %get3A_355 = tpu.vector_load %arg13[%get3A_354] {strides = array<i32>} : memref<8192xi32, #tpu.memory_space<vmem>>, vector<16xi32>,
      %swap3A_356 = arith.constant 16 : index
      %swap3A_357 = tpu.vector_load %arg17[%swap3A_356] {strides = array<i32>} : memref<256xi32, #tpu.memory_space<vmem>>, vector<16xi32>,
      %swap3A_358 = vector.shape_cast %swap3A_357 : vector<16xi32> to vector<16xi32>
      %swap3A_359 = vector.shape_cast %get3A_355 : vector<16xi32> to vector<16xi32>
      tpu.vector_store %arg17[%swap3A_356], %swap3A_359 {strides = array<i32>} : memref<256xi32, #tpu.memory_space<vmem>>, vector<16xi32>,
      %add3A_360 = arith.constant 16 : i32
      %add3A_361 = arith.addi %mul3A_335, %add3A_360 : i32
      %get3A_362 = arith.index_cast %add3A_361 : i32 to index
      %get3A_363 = tpu.vector_load %arg14[%get3A_362] {strides = array<i32>} : memref<8192xi32, #tpu.memory_space<vmem>>, vector<16xi32>,
      %swap3A_364 = arith.constant 16 : index
      %swap3A_365 = tpu.vector_load %arg18[%swap3A_364] {strides = array<i32>} : memref<256xi32, #tpu.memory_space<vmem>>, vector<16xi32>,
      %swap3A_366 = vector.shape_cast %swap3A_365 : vector<16xi32> to vector<16xi32>
      %swap3A_367 = vector.shape_cast %get3A_363 : vector<16xi32> to vector<16xi32>
      tpu.vector_store %arg18[%swap3A_364], %swap3A_367 {strides = array<i32>} : memref<256xi32, #tpu.memory_space<vmem>>, vector<16xi32>,
      %add3A_368 = arith.constant 32 : i32
      %add3A_369 = arith.addi %mul3A_335, %add3A_368 : i32
      %get3A_370 = arith.index_cast %add3A_369 : i32 to index
      %get3A_371 = tpu.vector_load %arg13[%get3A_370] {strides = array<i32>} : memref<8192xi32, #tpu.memory_space<vmem>>, vector<16xi32>,
      %swap3A_372 = arith.constant 32 : index
      %swap3A_373 = tpu.vector_load %arg17[%swap3A_372] {strides = array<i32>} : memref<256xi32, #tpu.memory_space<vmem>>, vector<16xi32>,
      %swap3A_374 = vector.shape_cast %swap3A_373 : vector<16xi32> to vector<16xi32>
      %swap3A_375 = vector.shape_cast %get3A_371 : vector<16xi32> to vector<16xi32>
      tpu.vector_store %arg17[%swap3A_372], %swap3A_375 {strides = array<i32>} : memref<256xi32, #tpu.memory_space<vmem>>, vector<16xi32>,
      %add3A_376 = arith.constant 32 : i32
      %add3A_377 = arith.addi %mul3A_335, %add3A_376 : i32
      %get3A_378 = arith.index_cast %add3A_377 : i32 to index
      %get3A_379 = tpu.vector_load %arg14[%get3A_378] {strides = array<i32>} : memref<8192xi32, #tpu.memory_space<vmem>>, vector<16xi32>,
      %swap3A_380 = arith.constant 32 : index
      %swap3A_381 = tpu.vector_load %arg18[%swap3A_380] {strides = array<i32>} : memref<256xi32, #tpu.memory_space<vmem>>, vector<16xi32>,
      %swap3A_382 = vector.shape_cast %swap3A_381 : vector<16xi32> to vector<16xi32>
      %swap3A_383 = vector.shape_cast %get3A_379 : vector<16xi32> to vector<16xi32>
      tpu.vector_store %arg18[%swap3A_380], %swap3A_383 {strides = array<i32>} : memref<256xi32, #tpu.memory_space<vmem>>, vector<16xi32>,
      %add3A_384 = arith.constant 48 : i32
      %add3A_385 = arith.addi %mul3A_335, %add3A_384 : i32
      %get3A_386 = arith.index_cast %add3A_385 : i32 to index
      %get3A_387 = tpu.vector_load %arg13[%get3A_386] {strides = array<i32>} : memref<8192xi32, #tpu.memory_space<vmem>>, vector<16xi32>,
      %swap3A_388 = arith.constant 48 : index
      %swap3A_389 = tpu.vector_load %arg17[%swap3A_388] {strides = array<i32>} : memref<256xi32, #tpu.memory_space<vmem>>, vector<16xi32>,
      %swap3A_390 = vector.shape_cast %swap3A_389 : vector<16xi32> to vector<16xi32>
      %swap3A_391 = vector.shape_cast %get3A_387 : vector<16xi32> to vector<16xi32>
      tpu.vector_store %arg17[%swap3A_388], %swap3A_391 {strides = array<i32>} : memref<256xi32, #tpu.memory_space<vmem>>, vector<16xi32>,
      %add3A_392 = arith.constant 48 : i32
      %add3A_393 = arith.addi %mul3A_335, %add3A_392 : i32
      %get3A_394 = arith.index_cast %add3A_393 : i32 to index
      %get3A_395 = tpu.vector_load %arg14[%get3A_394] {strides = array<i32>} : memref<8192xi32, #tpu.memory_space<vmem>>, vector<16xi32>,
      %swap3A_396 = arith.constant 48 : index
      %swap3A_397 = tpu.vector_load %arg18[%swap3A_396] {strides = array<i32>} : memref<256xi32, #tpu.memory_space<vmem>>, vector<16xi32>,
      %swap3A_398 = vector.shape_cast %swap3A_397 : vector<16xi32> to vector<16xi32>
      %swap3A_399 = vector.shape_cast %get3A_395 : vector<16xi32> to vector<16xi32>
      tpu.vector_store %arg18[%swap3A_396], %swap3A_399 {strides = array<i32>} : memref<256xi32, #tpu.memory_space<vmem>>, vector<16xi32>,
      %add3A_400 = arith.constant 64 : i32
      %add3A_401 = arith.addi %mul3A_335, %add3A_400 : i32
      %get3A_402 = arith.index_cast %add3A_401 : i32 to index
      %get3A_403 = tpu.vector_load %arg13[%get3A_402] {strides = array<i32>} : memref<8192xi32, #tpu.memory_space<vmem>>, vector<16xi32>,
      %swap3A_404 = arith.constant 64 : index
      %swap3A_405 = tpu.vector_load %arg17[%swap3A_404] {strides = array<i32>} : memref<256xi32, #tpu.memory_space<vmem>>, vector<16xi32>,
      %swap3A_406 = vector.shape_cast %swap3A_405 : vector<16xi32> to vector<16xi32>
      %swap3A_407 = vector.shape_cast %get3A_403 : vector<16xi32> to vector<16xi32>
      tpu.vector_store %arg17[%swap3A_404], %swap3A_407 {strides = array<i32>} : memref<256xi32, #tpu.memory_space<vmem>>, vector<16xi32>,
      %add3A_408 = arith.constant 64 : i32
      %add3A_409 = arith.addi %mul3A_335, %add3A_408 : i32
      %get3A_410 = arith.index_cast %add3A_409 : i32 to index
      %get3A_411 = tpu.vector_load %arg14[%get3A_410] {strides = array<i32>} : memref<8192xi32, #tpu.memory_space<vmem>>, vector<16xi32>,
      %swap3A_412 = arith.constant 64 : index
      %swap3A_413 = tpu.vector_load %arg18[%swap3A_412] {strides = array<i32>} : memref<256xi32, #tpu.memory_space<vmem>>, vector<16xi32>,
      %swap3A_414 = vector.shape_cast %swap3A_413 : vector<16xi32> to vector<16xi32>
      %swap3A_415 = vector.shape_cast %get3A_411 : vector<16xi32> to vector<16xi32>
      tpu.vector_store %arg18[%swap3A_412], %swap3A_415 {strides = array<i32>} : memref<256xi32, #tpu.memory_space<vmem>>, vector<16xi32>,
      %add3A_416 = arith.constant 80 : i32
      %add3A_417 = arith.addi %mul3A_335, %add3A_416 : i32
      %get3A_418 = arith.index_cast %add3A_417 : i32 to index
      %get3A_419 = tpu.vector_load %arg13[%get3A_418] {strides = array<i32>} : memref<8192xi32, #tpu.memory_space<vmem>>, vector<16xi32>,
      %swap3A_420 = arith.constant 80 : index
      %swap3A_421 = tpu.vector_load %arg17[%swap3A_420] {strides = array<i32>} : memref<256xi32, #tpu.memory_space<vmem>>, vector<16xi32>,
      %swap3A_422 = vector.shape_cast %swap3A_421 : vector<16xi32> to vector<16xi32>
      %swap3A_423 = vector.shape_cast %get3A_419 : vector<16xi32> to vector<16xi32>
      tpu.vector_store %arg17[%swap3A_420], %swap3A_423 {strides = array<i32>} : memref<256xi32, #tpu.memory_space<vmem>>, vector<16xi32>,
      %add3A_424 = arith.constant 80 : i32
      %add3A_425 = arith.addi %mul3A_335, %add3A_424 : i32
      %get3A_426 = arith.index_cast %add3A_425 : i32 to index
      %get3A_427 = tpu.vector_load %arg14[%get3A_426] {strides = array<i32>} : memref<8192xi32, #tpu.memory_space<vmem>>, vector<16xi32>,
      %swap3A_428 = arith.constant 80 : index
      %swap3A_429 = tpu.vector_load %arg18[%swap3A_428] {strides = array<i32>} : memref<256xi32, #tpu.memory_space<vmem>>, vector<16xi32>,
      %swap3A_430 = vector.shape_cast %swap3A_429 : vector<16xi32> to vector<16xi32>
      %swap3A_431 = vector.shape_cast %get3A_427 : vector<16xi32> to vector<16xi32>
      tpu.vector_store %arg18[%swap3A_428], %swap3A_431 {strides = array<i32>} : memref<256xi32, #tpu.memory_space<vmem>>, vector<16xi32>,
      %add3A_432 = arith.constant 96 : i32
      %add3A_433 = arith.addi %mul3A_335, %add3A_432 : i32
      %get3A_434 = arith.index_cast %add3A_433 : i32 to index
      %get3A_435 = tpu.vector_load %arg13[%get3A_434] {strides = array<i32>} : memref<8192xi32, #tpu.memory_space<vmem>>, vector<16xi32>,
      %swap3A_436 = arith.constant 96 : index
      %swap3A_437 = tpu.vector_load %arg17[%swap3A_436] {strides = array<i32>} : memref<256xi32, #tpu.memory_space<vmem>>, vector<16xi32>,
      %swap3A_438 = vector.shape_cast %swap3A_437 : vector<16xi32> to vector<16xi32>
      %swap3A_439 = vector.shape_cast %get3A_435 : vector<16xi32> to vector<16xi32>
      tpu.vector_store %arg17[%swap3A_436], %swap3A_439 {strides = array<i32>} : memref<256xi32, #tpu.memory_space<vmem>>, vector<16xi32>,
      %add3A_440 = arith.constant 96 : i32
      %add3A_441 = arith.addi %mul3A_335, %add3A_440 : i32
      %get3A_442 = arith.index_cast %add3A_441 : i32 to index
      %get3A_443 = tpu.vector_load %arg14[%get3A_442] {strides = array<i32>} : memref<8192xi32, #tpu.memory_space<vmem>>, vector<16xi32>,
      %swap3A_444 = arith.constant 96 : index
      %swap3A_445 = tpu.vector_load %arg18[%swap3A_444] {strides = array<i32>} : memref<256xi32, #tpu.memory_space<vmem>>, vector<16xi32>,
      %swap3A_446 = vector.shape_cast %swap3A_445 : vector<16xi32> to vector<16xi32>
      %swap3A_447 = vector.shape_cast %get3A_443 : vector<16xi32> to vector<16xi32>
      tpu.vector_store %arg18[%swap3A_444], %swap3A_447 {strides = array<i32>} : memref<256xi32, #tpu.memory_space<vmem>>, vector<16xi32>,
      %add3A_448 = arith.constant 112 : i32
      %add3A_449 = arith.addi %mul3A_335, %add3A_448 : i32
      %get3A_450 = arith.index_cast %add3A_449 : i32 to index
      %get3A_451 = tpu.vector_load %arg13[%get3A_450] {strides = array<i32>} : memref<8192xi32, #tpu.memory_space<vmem>>, vector<16xi32>,
      %swap3A_452 = arith.constant 112 : index
      %swap3A_453 = tpu.vector_load %arg17[%swap3A_452] {strides = array<i32>} : memref<256xi32, #tpu.memory_space<vmem>>, vector<16xi32>,
      %swap3A_454 = vector.shape_cast %swap3A_453 : vector<16xi32> to vector<16xi32>
      %swap3A_455 = vector.shape_cast %get3A_451 : vector<16xi32> to vector<16xi32>
      tpu.vector_store %arg17[%swap3A_452], %swap3A_455 {strides = array<i32>} : memref<256xi32, #tpu.memory_space<vmem>>, vector<16xi32>,
      %add3A_456 = arith.constant 112 : i32
      %add3A_457 = arith.addi %mul3A_335, %add3A_456 : i32
      %get3A_458 = arith.index_cast %add3A_457 : i32 to index
      %get3A_459 = tpu.vector_load %arg14[%get3A_458] {strides = array<i32>} : memref<8192xi32, #tpu.memory_space<vmem>>, vector<16xi32>,
      %swap3A_460 = arith.constant 112 : index
      %swap3A_461 = tpu.vector_load %arg18[%swap3A_460] {strides = array<i32>} : memref<256xi32, #tpu.memory_space<vmem>>, vector<16xi32>,
      %swap3A_462 = vector.shape_cast %swap3A_461 : vector<16xi32> to vector<16xi32>
      %swap3A_463 = vector.shape_cast %get3A_459 : vector<16xi32> to vector<16xi32>
      tpu.vector_store %arg18[%swap3A_460], %swap3A_463 {strides = array<i32>} : memref<256xi32, #tpu.memory_space<vmem>>, vector<16xi32>,
      %add3A_464 = arith.constant 128 : i32
      %add3A_465 = arith.addi %mul3A_335, %add3A_464 : i32
      %get3A_466 = arith.index_cast %add3A_465 : i32 to index
      %get3A_467 = tpu.vector_load %arg13[%get3A_466] {strides = array<i32>} : memref<8192xi32, #tpu.memory_space<vmem>>, vector<16xi32>,
      %swap3A_468 = arith.constant 128 : index
      %swap3A_469 = tpu.vector_load %arg17[%swap3A_468] {strides = array<i32>} : memref<256xi32, #tpu.memory_space<vmem>>, vector<16xi32>,
      %swap3A_470 = vector.shape_cast %swap3A_469 : vector<16xi32> to vector<16xi32>
      %swap3A_471 = vector.shape_cast %get3A_467 : vector<16xi32> to vector<16xi32>
      tpu.vector_store %arg17[%swap3A_468], %swap3A_471 {strides = array<i32>} : memref<256xi32, #tpu.memory_space<vmem>>, vector<16xi32>,
      %add3A_472 = arith.constant 128 : i32
      %add3A_473 = arith.addi %mul3A_335, %add3A_472 : i32
      %get3A_474 = arith.index_cast %add3A_473 : i32 to index
      %get3A_475 = tpu.vector_load %arg14[%get3A_474] {strides = array<i32>} : memref<8192xi32, #tpu.memory_space<vmem>>, vector<16xi32>,
      %swap3A_476 = arith.constant 128 : index
      %swap3A_477 = tpu.vector_load %arg18[%swap3A_476] {strides = array<i32>} : memref<256xi32, #tpu.memory_space<vmem>>, vector<16xi32>,
      %swap3A_478 = vector.shape_cast %swap3A_477 : vector<16xi32> to vector<16xi32>
      %swap3A_479 = vector.shape_cast %get3A_475 : vector<16xi32> to vector<16xi32>
      tpu.vector_store %arg18[%swap3A_476], %swap3A_479 {strides = array<i32>} : memref<256xi32, #tpu.memory_space<vmem>>, vector<16xi32>,
      %add3A_480 = arith.constant 144 : i32
      %add3A_481 = arith.addi %mul3A_335, %add3A_480 : i32
      %get3A_482 = arith.index_cast %add3A_481 : i32 to index
      %get3A_483 = tpu.vector_load %arg13[%get3A_482] {strides = array<i32>} : memref<8192xi32, #tpu.memory_space<vmem>>, vector<16xi32>,
      %swap3A_484 = arith.constant 144 : index
      %swap3A_485 = tpu.vector_load %arg17[%swap3A_484] {strides = array<i32>} : memref<256xi32, #tpu.memory_space<vmem>>, vector<16xi32>,
      %swap3A_486 = vector.shape_cast %swap3A_485 : vector<16xi32> to vector<16xi32>
      %swap3A_487 = vector.shape_cast %get3A_483 : vector<16xi32> to vector<16xi32>
      tpu.vector_store %arg17[%swap3A_484], %swap3A_487 {strides = array<i32>} : memref<256xi32, #tpu.memory_space<vmem>>, vector<16xi32>,
      %add3A_488 = arith.constant 144 : i32
      %add3A_489 = arith.addi %mul3A_335, %add3A_488 : i32
      %get3A_490 = arith.index_cast %add3A_489 : i32 to index
      %get3A_491 = tpu.vector_load %arg14[%get3A_490] {strides = array<i32>} : memref<8192xi32, #tpu.memory_space<vmem>>, vector<16xi32>,
      %swap3A_492 = arith.constant 144 : index
      %swap3A_493 = tpu.vector_load %arg18[%swap3A_492] {strides = array<i32>} : memref<256xi32, #tpu.memory_space<vmem>>, vector<16xi32>,
      %swap3A_494 = vector.shape_cast %swap3A_493 : vector<16xi32> to vector<16xi32>
      %swap3A_495 = vector.shape_cast %get3A_491 : vector<16xi32> to vector<16xi32>
      tpu.vector_store %arg18[%swap3A_492], %swap3A_495 {strides = array<i32>} : memref<256xi32, #tpu.memory_space<vmem>>, vector<16xi32>,
      %add3A_496 = arith.constant 160 : i32
      %add3A_497 = arith.addi %mul3A_335, %add3A_496 : i32
      %get3A_498 = arith.index_cast %add3A_497 : i32 to index
      %get3A_499 = tpu.vector_load %arg13[%get3A_498] {strides = array<i32>} : memref<8192xi32, #tpu.memory_space<vmem>>, vector<16xi32>,
      %swap3A_500 = arith.constant 160 : index
      %swap3A_501 = tpu.vector_load %arg17[%swap3A_500] {strides = array<i32>} : memref<256xi32, #tpu.memory_space<vmem>>, vector<16xi32>,
      %swap3A_502 = vector.shape_cast %swap3A_501 : vector<16xi32> to vector<16xi32>
      %swap3A_503 = vector.shape_cast %get3A_499 : vector<16xi32> to vector<16xi32>
      tpu.vector_store %arg17[%swap3A_500], %swap3A_503 {strides = array<i32>} : memref<256xi32, #tpu.memory_space<vmem>>, vector<16xi32>,
      %add3A_504 = arith.constant 160 : i32
      %add3A_505 = arith.addi %mul3A_335, %add3A_504 : i32
      %get3A_506 = arith.index_cast %add3A_505 : i32 to index
      %get3A_507 = tpu.vector_load %arg14[%get3A_506] {strides = array<i32>} : memref<8192xi32, #tpu.memory_space<vmem>>, vector<16xi32>,
      %swap3A_508 = arith.constant 160 : index
      %swap3A_509 = tpu.vector_load %arg18[%swap3A_508] {strides = array<i32>} : memref<256xi32, #tpu.memory_space<vmem>>, vector<16xi32>,
      %swap3A_510 = vector.shape_cast %swap3A_509 : vector<16xi32> to vector<16xi32>
      %swap3A_511 = vector.shape_cast %get3A_507 : vector<16xi32> to vector<16xi32>
      tpu.vector_store %arg18[%swap3A_508], %swap3A_511 {strides = array<i32>} : memref<256xi32, #tpu.memory_space<vmem>>, vector<16xi32>,
      %add3A_512 = arith.constant 176 : i32
      %add3A_513 = arith.addi %mul3A_335, %add3A_512 : i32
      %get3A_514 = arith.index_cast %add3A_513 : i32 to index
      %get3A_515 = tpu.vector_load %arg13[%get3A_514] {strides = array<i32>} : memref<8192xi32, #tpu.memory_space<vmem>>, vector<16xi32>,
      %swap3A_516 = arith.constant 176 : index
      %swap3A_517 = tpu.vector_load %arg17[%swap3A_516] {strides = array<i32>} : memref<256xi32, #tpu.memory_space<vmem>>, vector<16xi32>,
      %swap3A_518 = vector.shape_cast %swap3A_517 : vector<16xi32> to vector<16xi32>
      %swap3A_519 = vector.shape_cast %get3A_515 : vector<16xi32> to vector<16xi32>
      tpu.vector_store %arg17[%swap3A_516], %swap3A_519 {strides = array<i32>} : memref<256xi32, #tpu.memory_space<vmem>>, vector<16xi32>,
      %add3A_520 = arith.constant 176 : i32
      %add3A_521 = arith.addi %mul3A_335, %add3A_520 : i32
      %get3A_522 = arith.index_cast %add3A_521 : i32 to index
      %get3A_523 = tpu.vector_load %arg14[%get3A_522] {strides = array<i32>} : memref<8192xi32, #tpu.memory_space<vmem>>, vector<16xi32>,
      %swap3A_524 = arith.constant 176 : index
      %swap3A_525 = tpu.vector_load %arg18[%swap3A_524] {strides = array<i32>} : memref<256xi32, #tpu.memory_space<vmem>>, vector<16xi32>,
      %swap3A_526 = vector.shape_cast %swap3A_525 : vector<16xi32> to vector<16xi32>
      %swap3A_527 = vector.shape_cast %get3A_523 : vector<16xi32> to vector<16xi32>
      tpu.vector_store %arg18[%swap3A_524], %swap3A_527 {strides = array<i32>} : memref<256xi32, #tpu.memory_space<vmem>>, vector<16xi32>,
      %add3A_528 = arith.constant 192 : i32
      %add3A_529 = arith.addi %mul3A_335, %add3A_528 : i32
      %get3A_530 = arith.index_cast %add3A_529 : i32 to index
      %get3A_531 = tpu.vector_load %arg13[%get3A_530] {strides = array<i32>} : memref<8192xi32, #tpu.memory_space<vmem>>, vector<16xi32>,
      %swap3A_532 = arith.constant 192 : index
      %swap3A_533 = tpu.vector_load %arg17[%swap3A_532] {strides = array<i32>} : memref<256xi32, #tpu.memory_space<vmem>>, vector<16xi32>,
      %swap3A_534 = vector.shape_cast %swap3A_533 : vector<16xi32> to vector<16xi32>
      %swap3A_535 = vector.shape_cast %get3A_531 : vector<16xi32> to vector<16xi32>
      tpu.vector_store %arg17[%swap3A_532], %swap3A_535 {strides = array<i32>} : memref<256xi32, #tpu.memory_space<vmem>>, vector<16xi32>,
      %add3A_536 = arith.constant 192 : i32
      %add3A_537 = arith.addi %mul3A_335, %add3A_536 : i32
      %get3A_538 = arith.index_cast %add3A_537 : i32 to index
      %get3A_539 = tpu.vector_load %arg14[%get3A_538] {strides = array<i32>} : memref<8192xi32, #tpu.memory_space<vmem>>, vector<16xi32>,
      %swap3A_540 = arith.constant 192 : index
      %swap3A_541 = tpu.vector_load %arg18[%swap3A_540] {strides = array<i32>} : memref<256xi32, #tpu.memory_space<vmem>>, vector<16xi32>,
      %swap3A_542 = vector.shape_cast %swap3A_541 : vector<16xi32> to vector<16xi32>
      %swap3A_543 = vector.shape_cast %get3A_539 : vector<16xi32> to vector<16xi32>
      tpu.vector_store %arg18[%swap3A_540], %swap3A_543 {strides = array<i32>} : memref<256xi32, #tpu.memory_space<vmem>>, vector<16xi32>,
      %add3A_544 = arith.constant 208 : i32
      %add3A_545 = arith.addi %mul3A_335, %add3A_544 : i32
      %get3A_546 = arith.index_cast %add3A_545 : i32 to index
      %get3A_547 = tpu.vector_load %arg13[%get3A_546] {strides = array<i32>} : memref<8192xi32, #tpu.memory_space<vmem>>, vector<16xi32>,
      %swap3A_548 = arith.constant 208 : index
      %swap3A_549 = tpu.vector_load %arg17[%swap3A_548] {strides = array<i32>} : memref<256xi32, #tpu.memory_space<vmem>>, vector<16xi32>,
      %swap3A_550 = vector.shape_cast %swap3A_549 : vector<16xi32> to vector<16xi32>
      %swap3A_551 = vector.shape_cast %get3A_547 : vector<16xi32> to vector<16xi32>
      tpu.vector_store %arg17[%swap3A_548], %swap3A_551 {strides = array<i32>} : memref<256xi32, #tpu.memory_space<vmem>>, vector<16xi32>,
      %add3A_552 = arith.constant 208 : i32
      %add3A_553 = arith.addi %mul3A_335, %add3A_552 : i32
      %get3A_554 = arith.index_cast %add3A_553 : i32 to index
      %get3A_555 = tpu.vector_load %arg14[%get3A_554] {strides = array<i32>} : memref<8192xi32, #tpu.memory_space<vmem>>, vector<16xi32>,
      %swap3A_556 = arith.constant 208 : index
      %swap3A_557 = tpu.vector_load %arg18[%swap3A_556] {strides = array<i32>} : memref<256xi32, #tpu.memory_space<vmem>>, vector<16xi32>,
      %swap3A_558 = vector.shape_cast %swap3A_557 : vector<16xi32> to vector<16xi32>
      %swap3A_559 = vector.shape_cast %get3A_555 : vector<16xi32> to vector<16xi32>
      tpu.vector_store %arg18[%swap3A_556], %swap3A_559 {strides = array<i32>} : memref<256xi32, #tpu.memory_space<vmem>>, vector<16xi32>,
      %add3A_560 = arith.constant 224 : i32
      %add3A_561 = arith.addi %mul3A_335, %add3A_560 : i32
      %get3A_562 = arith.index_cast %add3A_561 : i32 to index
      %get3A_563 = tpu.vector_load %arg13[%get3A_562] {strides = array<i32>} : memref<8192xi32, #tpu.memory_space<vmem>>, vector<16xi32>,
      %swap3A_564 = arith.constant 224 : index
      %swap3A_565 = tpu.vector_load %arg17[%swap3A_564] {strides = array<i32>} : memref<256xi32, #tpu.memory_space<vmem>>, vector<16xi32>,
      %swap3A_566 = vector.shape_cast %swap3A_565 : vector<16xi32> to vector<16xi32>
      %swap3A_567 = vector.shape_cast %get3A_563 : vector<16xi32> to vector<16xi32>
      tpu.vector_store %arg17[%swap3A_564], %swap3A_567 {strides = array<i32>} : memref<256xi32, #tpu.memory_space<vmem>>, vector<16xi32>,
      %add3A_568 = arith.constant 224 : i32
      %add3A_569 = arith.addi %mul3A_335, %add3A_568 : i32
      %get3A_570 = arith.index_cast %add3A_569 : i32 to index
      %get3A_571 = tpu.vector_load %arg14[%get3A_570] {strides = array<i32>} : memref<8192xi32, #tpu.memory_space<vmem>>, vector<16xi32>,
      %swap3A_572 = arith.constant 224 : index
      %swap3A_573 = tpu.vector_load %arg18[%swap3A_572] {strides = array<i32>} : memref<256xi32, #tpu.memory_space<vmem>>, vector<16xi32>,
      %swap3A_574 = vector.shape_cast %swap3A_573 : vector<16xi32> to vector<16xi32>
      %swap3A_575 = vector.shape_cast %get3A_571 : vector<16xi32> to vector<16xi32>
      tpu.vector_store %arg18[%swap3A_572], %swap3A_575 {strides = array<i32>} : memref<256xi32, #tpu.memory_space<vmem>>, vector<16xi32>,
      %add3A_576 = arith.constant 240 : i32
      %add3A_577 = arith.addi %mul3A_335, %add3A_576 : i32
      %get3A_578 = arith.index_cast %add3A_577 : i32 to index
      %get3A_579 = tpu.vector_load %arg13[%get3A_578] {strides = array<i32>} : memref<8192xi32, #tpu.memory_space<vmem>>, vector<16xi32>,
      %swap3A_580 = arith.constant 240 : index
      %swap3A_581 = tpu.vector_load %arg17[%swap3A_580] {strides = array<i32>} : memref<256xi32, #tpu.memory_space<vmem>>, vector<16xi32>,
      %swap3A_582 = vector.shape_cast %swap3A_581 : vector<16xi32> to vector<16xi32>
      %swap3A_583 = vector.shape_cast %get3A_579 : vector<16xi32> to vector<16xi32>
      tpu.vector_store %arg17[%swap3A_580], %swap3A_583 {strides = array<i32>} : memref<256xi32, #tpu.memory_space<vmem>>, vector<16xi32>,
      %add3A_584 = arith.constant 240 : i32
      %add3A_585 = arith.addi %mul3A_335, %add3A_584 : i32
      %get3A_586 = arith.index_cast %add3A_585 : i32 to index
      %get3A_587 = tpu.vector_load %arg14[%get3A_586] {strides = array<i32>} : memref<8192xi32, #tpu.memory_space<vmem>>, vector<16xi32>,
      %swap3A_588 = arith.constant 240 : index
      %swap3A_589 = tpu.vector_load %arg18[%swap3A_588] {strides = array<i32>} : memref<256xi32, #tpu.memory_space<vmem>>, vector<16xi32>,
      %swap3A_590 = vector.shape_cast %swap3A_589 : vector<16xi32> to vector<16xi32>
      %swap3A_591 = vector.shape_cast %get3A_587 : vector<16xi32> to vector<16xi32>
      tpu.vector_store %arg18[%swap3A_588], %swap3A_591 {strides = array<i32>} : memref<256xi32, #tpu.memory_space<vmem>>, vector<16xi32>,
      %dma_start3A_592 = arith.constant 0 : i32
      %dma_start3A_593 = arith.constant 0 : i32
      %dma_start3A_594 = tpu.memref_slice %arg5[%dma_start3A_592, %dma_start3A_593] : memref<16384x64xf32, #tpu.memory_space<hbm>> -> memref<16384x64xf32, #tpu.memory_space<hbm>>
      tpu.enqueue_indirect_dma source(%dma_start3A_594 : memref<16384x64xf32, #tpu.memory_space<hbm>>) target(%arg20 : memref<256x64xf32, #tpu.memory_space<vmem>>) offsets(%arg17 : memref<256xi32, #tpu.memory_space<vmem>>) semaphore(%arg23 : memref<!tpu.dma_semaphore, #tpu.memory_space<semaphore_mem>>)
      %dma_wait3A = arith.constant 0 : i32
      %dma_wait3A_595 = arith.constant 0 : i32
      %dma_wait3A_596 = tpu.memref_slice %arg5[%dma_wait3A, %dma_wait3A_595] : memref<16384x64xf32, #tpu.memory_space<hbm>> -> memref<16384x64xf32, #tpu.memory_space<hbm>>
      tpu.wait_indirect_dma semaphore(%arg22 : memref<!tpu.dma_semaphore, #tpu.memory_space<semaphore_mem>>) src(%dma_wait3A_596 : memref<16384x64xf32, #tpu.memory_space<hbm>>) dst(%arg19 : memref<256x64xf32, #tpu.memory_space<vmem>>)
      %dma_start3A_597 = arith.constant 0 : i32
      %dma_start3A_598 = arith.constant 0 : i32
      %dma_start3A_599 = tpu.memref_slice %arg21[%dma_start3A_597, %dma_start3A_598] : memref<16384x64xf32, #tpu.memory_space<vmem_shared>> -> memref<16384x64xf32, #tpu.memory_space<vmem_shared>>
      tpu.enqueue_indirect_dma source(%arg19 : memref<256x64xf32, #tpu.memory_space<vmem>>) target(%dma_start3A_599 : memref<16384x64xf32, #tpu.memory_space<vmem_shared>>) offsets(%arg16 : memref<256xi32, #tpu.memory_space<vmem>>) semaphore(%arg24 : memref<!tpu.dma_semaphore, #tpu.memory_space<semaphore_mem>>) {add = true}
      %dma_wait3A_600 = arith.constant 0 : i32
      %dma_wait3A_601 = arith.constant 0 : i32
      %dma_wait3A_602 = tpu.memref_slice %arg5[%dma_wait3A_600, %dma_wait3A_601] : memref<16384x64xf32, #tpu.memory_space<hbm>> -> memref<16384x64xf32, #tpu.memory_space<hbm>>
      tpu.wait_indirect_dma semaphore(%arg23 : memref<!tpu.dma_semaphore, #tpu.memory_space<semaphore_mem>>) src(%dma_wait3A_602 : memref<16384x64xf32, #tpu.memory_space<hbm>>) dst(%arg20 : memref<256x64xf32, #tpu.memory_space<vmem>>)
      %dma_start3A_603 = arith.constant 0 : i32
      %dma_start3A_604 = arith.constant 0 : i32
      %dma_start3A_605 = tpu.memref_slice %arg21[%dma_start3A_603, %dma_start3A_604] : memref<16384x64xf32, #tpu.memory_space<vmem_shared>> -> memref<16384x64xf32, #tpu.memory_space<vmem_shared>>
      tpu.enqueue_indirect_dma source(%arg20 : memref<256x64xf32, #tpu.memory_space<vmem>>) target(%dma_start3A_605 : memref<16384x64xf32, #tpu.memory_space<vmem_shared>>) offsets(%arg18 : memref<256xi32, #tpu.memory_space<vmem>>) semaphore(%arg24 : memref<!tpu.dma_semaphore, #tpu.memory_space<semaphore_mem>>) {add = true}
      %dma_wait3A_606 = arith.constant 0 : i32
      %dma_wait3A_607 = arith.constant 0 : i32
      %dma_wait3A_608 = tpu.memref_slice %arg21[%dma_wait3A_606, %dma_wait3A_607] : memref<16384x64xf32, #tpu.memory_space<vmem_shared>> -> memref<16384x64xf32, #tpu.memory_space<vmem_shared>>
      tpu.wait_indirect_dma semaphore(%arg24 : memref<!tpu.dma_semaphore, #tpu.memory_space<semaphore_mem>>) src(%arg19 : memref<256x64xf32, #tpu.memory_space<vmem>>) dst(%dma_wait3A_608 : memref<16384x64xf32, #tpu.memory_space<vmem_shared>>)
      %dma_wait3A_609 = arith.constant 0 : i32
      %dma_wait3A_610 = arith.constant 0 : i32
      %dma_wait3A_611 = tpu.memref_slice %arg21[%dma_wait3A_609, %dma_wait3A_610] : memref<16384x64xf32, #tpu.memory_space<vmem_shared>> -> memref<16384x64xf32, #tpu.memory_space<vmem_shared>>
      tpu.wait_indirect_dma semaphore(%arg24 : memref<!tpu.dma_semaphore, #tpu.memory_space<semaphore_mem>>) src(%arg20 : memref<256x64xf32, #tpu.memory_space<vmem>>) dst(%dma_wait3A_611 : memref<16384x64xf32, #tpu.memory_space<vmem_shared>>)
    }
    %scan3A_60 = arith.constant 16 : i32
    %barrier3A_61 = arith.constant 0 : index
    tpu.barrier barrier_id(%barrier3A_61)
    %mul3A_62 = arith.constant 1024 : i32
    %mul3A_63 = arith.muli %arg1, %mul3A_62 : i32
    %mul3A_64 = arith.constant 16384 : i32
    %mul3A_65 = arith.muli %arg0, %mul3A_64 : i32
    %mul3A_66 = arith.constant 1024 : i32
    %mul3A_67 = arith.muli %arg1, %mul3A_66 : i32
    %add3A_68 = arith.addi %mul3A_65, %mul3A_67 : i32
    "tpu.region"() ({
      %run_scoped3A = tpu.sem_alloc : memref<!tpu.dma_semaphore, #tpu.memory_space<semaphore_mem>>
      %dma_start3A = arith.constant 0 : i32
      %dma_start3A_69 = tpu.memref_slice %arg12[%add3A_68, %dma_start3A] : memref<32768x64xf32, #tpu.memory_space<hbm>> -> memref<1024x64xf32, #tpu.memory_space<hbm>>
      %dma_start3A_70 = arith.constant 0 : i32
      %dma_start3A_71 = tpu.memref_slice %arg21[%mul3A_63, %dma_start3A_70] : memref<16384x64xf32, #tpu.memory_space<vmem_shared>> -> memref<1024x64xf32, #tpu.memory_space<vmem_shared>>
      tpu.enqueue_dma source(%dma_start3A_71 : memref<1024x64xf32, #tpu.memory_space<vmem_shared>>) target(%dma_start3A_69 : memref<1024x64xf32, #tpu.memory_space<hbm>>) target_semaphore(%run_scoped3A : memref<!tpu.dma_semaphore, #tpu.memory_space<semaphore_mem>>)
      %dma_wait3A = arith.constant 0 : i32
      %dma_wait3A_72 = tpu.memref_slice %arg12[%add3A_68, %dma_wait3A] : memref<32768x64xf32, #tpu.memory_space<hbm>> -> memref<1024x64xf32, #tpu.memory_space<hbm>>
      %dma_wait3A_73 = arith.constant 0 : i32
      %dma_wait3A_74 = tpu.memref_slice %arg21[%mul3A_63, %dma_wait3A_73] : memref<16384x64xf32, #tpu.memory_space<vmem_shared>> -> memref<1024x64xf32, #tpu.memory_space<vmem_shared>>
      tpu.wait_dma2 semaphore(%run_scoped3A : memref<!tpu.dma_semaphore, #tpu.memory_space<semaphore_mem>>) src(%dma_wait3A_74 : memref<1024x64xf32, #tpu.memory_space<vmem_shared>>) dst(%dma_wait3A_72 : memref<1024x64xf32, #tpu.memory_space<hbm>>)
      tpu.yield
    }) : () -> ()
    return
  }
}

#map = affine_map<(d0, d1) -> (0, 0)>
#map1 = affine_map<(d0, d1) -> (0)>
module attributes {stable_mosaic.version = 14 : i64} {
  func.func @scatter_kernel(%arg0: i32, %arg1: i32, %arg2: memref<16384x64xf32, #tpu.memory_space<hbm>>, %arg3: memref<16384x64xf32, #tpu.memory_space<hbm>>, %arg4: memref<262144xi32, #tpu.memory_space<hbm>>, %arg5: memref<262144xi32, #tpu.memory_space<hbm>>, %arg6: memref<1024x64xf32, #tpu.memory_space<hbm>>, %arg7: memref<32768x64xf32, #tpu.memory_space<hbm>>, %arg8: memref<32768x64xf32, #tpu.memory_space<hbm>>, %arg9: memref<8192xi32, #tpu.memory_space<vmem>>, %arg10: memref<8192xi32, #tpu.memory_space<vmem>>, %arg11: memref<256xi32, #tpu.memory_space<vmem>>, %arg12: memref<256xi32, #tpu.memory_space<vmem>>, %arg13: memref<256xi32, #tpu.memory_space<vmem>>, %arg14: memref<256xi32, #tpu.memory_space<vmem>>, %arg15: memref<256x64xf32, #tpu.memory_space<vmem>>, %arg16: memref<256x64xf32, #tpu.memory_space<vmem>>, %arg17: memref<16384x64xf32, #tpu.memory_space<vmem_shared>>, %arg18: memref<!tpu.dma_semaphore, #tpu.memory_space<semaphore_mem>>, %arg19: memref<!tpu.dma_semaphore, #tpu.memory_space<semaphore_mem>>, %arg20: memref<!tpu.dma_semaphore, #tpu.memory_space<semaphore_mem>>) attributes {dimension_semantics = [#tpu.dimension_semantics<core_parallel>, #tpu.dimension_semantics<subcore_parallel>], iteration_bounds = array<i64: 2, 16>, scalar_prefetch = 0 : i64, scratch_operands = 12 : i64, tpu.core_type = #tpu.core_type<sc_vector_subcore>, window_params = [{transform_indices = #map}, {transform_indices = #map}, {transform_indices = #map1}, {transform_indices = #map1}, {transform_indices = #map}, {transform_indices = #map}, {transform_indices = #map}]} {
    %mul3A = arith.constant 16 : i32
    %mul3A_0 = arith.muli %arg0, %mul3A : i32
    %add3A = arith.addi %mul3A_0, %arg1 : i32
    %mul3A_1 = arith.constant 8192 : i32
    %mul3A_2 = arith.muli %add3A, %mul3A_1 : i32
    "tpu.region"() ({
      %run_scoped3A = tpu.sem_alloc : memref<!tpu.dma_semaphore, #tpu.memory_space<semaphore_mem>>
      %dma_start3A = tpu.memref_slice %arg4[%mul3A_2] : memref<262144xi32, #tpu.memory_space<hbm>> -> memref<8192xi32, #tpu.memory_space<hbm>>
      %dma_start3A_35 = tpu.memref_slice %arg4[%mul3A_2] : memref<262144xi32, #tpu.memory_space<hbm>> -> memref<8192xi32, #tpu.memory_space<hbm>>
      tpu.enqueue_dma source(%dma_start3A_35 : memref<8192xi32, #tpu.memory_space<hbm>>) target(%arg9 : memref<8192xi32, #tpu.memory_space<vmem>>) target_semaphore(%run_scoped3A : memref<!tpu.dma_semaphore, #tpu.memory_space<semaphore_mem>>)
      %dma_wait3A = tpu.memref_slice %arg4[%mul3A_2] : memref<262144xi32, #tpu.memory_space<hbm>> -> memref<8192xi32, #tpu.memory_space<hbm>>
      %dma_wait3A_36 = tpu.memref_slice %arg4[%mul3A_2] : memref<262144xi32, #tpu.memory_space<hbm>> -> memref<8192xi32, #tpu.memory_space<hbm>>
      tpu.wait_dma2 semaphore(%run_scoped3A : memref<!tpu.dma_semaphore, #tpu.memory_space<semaphore_mem>>) src(%dma_wait3A_36 : memref<8192xi32, #tpu.memory_space<hbm>>) dst(%arg9 : memref<8192xi32, #tpu.memory_space<vmem>>)
      tpu.yield
    }) : () -> ()
    "tpu.region"() ({
      %run_scoped3A = tpu.sem_alloc : memref<!tpu.dma_semaphore, #tpu.memory_space<semaphore_mem>>
      %dma_start3A = tpu.memref_slice %arg5[%mul3A_2] : memref<262144xi32, #tpu.memory_space<hbm>> -> memref<8192xi32, #tpu.memory_space<hbm>>
      %dma_start3A_35 = tpu.memref_slice %arg5[%mul3A_2] : memref<262144xi32, #tpu.memory_space<hbm>> -> memref<8192xi32, #tpu.memory_space<hbm>>
      tpu.enqueue_dma source(%dma_start3A_35 : memref<8192xi32, #tpu.memory_space<hbm>>) target(%arg10 : memref<8192xi32, #tpu.memory_space<vmem>>) target_semaphore(%run_scoped3A : memref<!tpu.dma_semaphore, #tpu.memory_space<semaphore_mem>>)
      %dma_wait3A = tpu.memref_slice %arg5[%mul3A_2] : memref<262144xi32, #tpu.memory_space<hbm>> -> memref<8192xi32, #tpu.memory_space<hbm>>
      %dma_wait3A_36 = tpu.memref_slice %arg5[%mul3A_2] : memref<262144xi32, #tpu.memory_space<hbm>> -> memref<8192xi32, #tpu.memory_space<hbm>>
      tpu.wait_dma2 semaphore(%run_scoped3A : memref<!tpu.dma_semaphore, #tpu.memory_space<semaphore_mem>>) src(%dma_wait3A_36 : memref<8192xi32, #tpu.memory_space<hbm>>) dst(%arg10 : memref<8192xi32, #tpu.memory_space<vmem>>)
      tpu.yield
    }) : () -> ()
    %mul3A_3 = arith.constant 1024 : i32
    %mul3A_4 = arith.muli %arg1, %mul3A_3 : i32
    "tpu.region"() ({
      %run_scoped3A = tpu.sem_alloc : memref<!tpu.dma_semaphore, #tpu.memory_space<semaphore_mem>>
      %dma_start3A = arith.constant 0 : i32
      %dma_start3A_35 = tpu.memref_slice %arg17[%mul3A_4, %dma_start3A] : memref<16384x64xf32, #tpu.memory_space<vmem_shared>> -> memref<1024x64xf32, #tpu.memory_space<vmem_shared>>
      tpu.enqueue_dma source(%arg6 : memref<1024x64xf32, #tpu.memory_space<hbm>>) target(%dma_start3A_35 : memref<1024x64xf32, #tpu.memory_space<vmem_shared>>) target_semaphore(%run_scoped3A : memref<!tpu.dma_semaphore, #tpu.memory_space<semaphore_mem>>)
      %dma_wait3A = arith.constant 0 : i32
      %dma_wait3A_36 = tpu.memref_slice %arg17[%mul3A_4, %dma_wait3A] : memref<16384x64xf32, #tpu.memory_space<vmem_shared>> -> memref<1024x64xf32, #tpu.memory_space<vmem_shared>>
      tpu.wait_dma2 semaphore(%run_scoped3A : memref<!tpu.dma_semaphore, #tpu.memory_space<semaphore_mem>>) src(%arg6 : memref<1024x64xf32, #tpu.memory_space<hbm>>) dst(%dma_wait3A_36 : memref<1024x64xf32, #tpu.memory_space<vmem_shared>>)
      tpu.yield
    }) : () -> ()
    %barrier3A = arith.constant 0 : index
    tpu.barrier barrier_id(%barrier3A)
    %scan3A = arith.constant 0 : i32
    %scan3A_5 = arith.constant 0 : i32
    %scan3A_6 = arith.constant 16 : i32
    %scan3A_7 = arith.addi %scan3A_5, %scan3A_6 : i32
    %scan3A_8 = arith.constant 1 : i32
    scf.for %scan3A_35 = %scan3A_5 to %scan3A_7 step %scan3A_8  : i32 {
      %mul3A_36 = arith.constant 2 : i32
      %mul3A_37 = arith.muli %mul3A_36, %scan3A_35 : i32
      %mul3A_38 = arith.constant 256 : i32
      %mul3A_39 = arith.muli %mul3A_37, %mul3A_38 : i32
      %add3A_40 = arith.constant 0 : i32
      %add3A_41 = arith.addi %mul3A_39, %add3A_40 : i32
      %get3A = arith.index_cast %add3A_41 : i32 to index
      %get3A_42 = tpu.vector_load %arg9[%get3A] {strides = array<i32>} : memref<8192xi32, #tpu.memory_space<vmem>>, vector<16xi32>,
      %swap3A = arith.constant 0 : index
      %swap3A_43 = tpu.vector_load %arg11[%swap3A] {strides = array<i32>} : memref<256xi32, #tpu.memory_space<vmem>>, vector<16xi32>,
      %swap3A_44 = vector.shape_cast %swap3A_43 : vector<16xi32> to vector<16xi32>
      %swap3A_45 = vector.shape_cast %get3A_42 : vector<16xi32> to vector<16xi32>
      tpu.vector_store %arg11[%swap3A], %swap3A_45 {strides = array<i32>} : memref<256xi32, #tpu.memory_space<vmem>>, vector<16xi32>,
      %add3A_46 = arith.constant 0 : i32
      %add3A_47 = arith.addi %mul3A_39, %add3A_46 : i32
      %get3A_48 = arith.index_cast %add3A_47 : i32 to index
      %get3A_49 = tpu.vector_load %arg10[%get3A_48] {strides = array<i32>} : memref<8192xi32, #tpu.memory_space<vmem>>, vector<16xi32>,
      %swap3A_50 = arith.constant 0 : index
      %swap3A_51 = tpu.vector_load %arg12[%swap3A_50] {strides = array<i32>} : memref<256xi32, #tpu.memory_space<vmem>>, vector<16xi32>,
      %swap3A_52 = vector.shape_cast %swap3A_51 : vector<16xi32> to vector<16xi32>
      %swap3A_53 = vector.shape_cast %get3A_49 : vector<16xi32> to vector<16xi32>
      tpu.vector_store %arg12[%swap3A_50], %swap3A_53 {strides = array<i32>} : memref<256xi32, #tpu.memory_space<vmem>>, vector<16xi32>,
      %add3A_54 = arith.constant 16 : i32
      %add3A_55 = arith.addi %mul3A_39, %add3A_54 : i32
      %get3A_56 = arith.index_cast %add3A_55 : i32 to index
      %get3A_57 = tpu.vector_load %arg9[%get3A_56] {strides = array<i32>} : memref<8192xi32, #tpu.memory_space<vmem>>, vector<16xi32>,
      %swap3A_58 = arith.constant 16 : index
      %swap3A_59 = tpu.vector_load %arg11[%swap3A_58] {strides = array<i32>} : memref<256xi32, #tpu.memory_space<vmem>>, vector<16xi32>,
      %swap3A_60 = vector.shape_cast %swap3A_59 : vector<16xi32> to vector<16xi32>
      %swap3A_61 = vector.shape_cast %get3A_57 : vector<16xi32> to vector<16xi32>
      tpu.vector_store %arg11[%swap3A_58], %swap3A_61 {strides = array<i32>} : memref<256xi32, #tpu.memory_space<vmem>>, vector<16xi32>,
      %add3A_62 = arith.constant 16 : i32
      %add3A_63 = arith.addi %mul3A_39, %add3A_62 : i32
      %get3A_64 = arith.index_cast %add3A_63 : i32 to index
      %get3A_65 = tpu.vector_load %arg10[%get3A_64] {strides = array<i32>} : memref<8192xi32, #tpu.memory_space<vmem>>, vector<16xi32>,
      %swap3A_66 = arith.constant 16 : index
      %swap3A_67 = tpu.vector_load %arg12[%swap3A_66] {strides = array<i32>} : memref<256xi32, #tpu.memory_space<vmem>>, vector<16xi32>,
      %swap3A_68 = vector.shape_cast %swap3A_67 : vector<16xi32> to vector<16xi32>
      %swap3A_69 = vector.shape_cast %get3A_65 : vector<16xi32> to vector<16xi32>
      tpu.vector_store %arg12[%swap3A_66], %swap3A_69 {strides = array<i32>} : memref<256xi32, #tpu.memory_space<vmem>>, vector<16xi32>,
      %add3A_70 = arith.constant 32 : i32
      %add3A_71 = arith.addi %mul3A_39, %add3A_70 : i32
      %get3A_72 = arith.index_cast %add3A_71 : i32 to index
      %get3A_73 = tpu.vector_load %arg9[%get3A_72] {strides = array<i32>} : memref<8192xi32, #tpu.memory_space<vmem>>, vector<16xi32>,
      %swap3A_74 = arith.constant 32 : index
      %swap3A_75 = tpu.vector_load %arg11[%swap3A_74] {strides = array<i32>} : memref<256xi32, #tpu.memory_space<vmem>>, vector<16xi32>,
      %swap3A_76 = vector.shape_cast %swap3A_75 : vector<16xi32> to vector<16xi32>
      %swap3A_77 = vector.shape_cast %get3A_73 : vector<16xi32> to vector<16xi32>
      tpu.vector_store %arg11[%swap3A_74], %swap3A_77 {strides = array<i32>} : memref<256xi32, #tpu.memory_space<vmem>>, vector<16xi32>,
      %add3A_78 = arith.constant 32 : i32
      %add3A_79 = arith.addi %mul3A_39, %add3A_78 : i32
      %get3A_80 = arith.index_cast %add3A_79 : i32 to index
      %get3A_81 = tpu.vector_load %arg10[%get3A_80] {strides = array<i32>} : memref<8192xi32, #tpu.memory_space<vmem>>, vector<16xi32>,
      %swap3A_82 = arith.constant 32 : index
      %swap3A_83 = tpu.vector_load %arg12[%swap3A_82] {strides = array<i32>} : memref<256xi32, #tpu.memory_space<vmem>>, vector<16xi32>,
      %swap3A_84 = vector.shape_cast %swap3A_83 : vector<16xi32> to vector<16xi32>
      %swap3A_85 = vector.shape_cast %get3A_81 : vector<16xi32> to vector<16xi32>
      tpu.vector_store %arg12[%swap3A_82], %swap3A_85 {strides = array<i32>} : memref<256xi32, #tpu.memory_space<vmem>>, vector<16xi32>,
      %add3A_86 = arith.constant 48 : i32
      %add3A_87 = arith.addi %mul3A_39, %add3A_86 : i32
      %get3A_88 = arith.index_cast %add3A_87 : i32 to index
      %get3A_89 = tpu.vector_load %arg9[%get3A_88] {strides = array<i32>} : memref<8192xi32, #tpu.memory_space<vmem>>, vector<16xi32>,
      %swap3A_90 = arith.constant 48 : index
      %swap3A_91 = tpu.vector_load %arg11[%swap3A_90] {strides = array<i32>} : memref<256xi32, #tpu.memory_space<vmem>>, vector<16xi32>,
      %swap3A_92 = vector.shape_cast %swap3A_91 : vector<16xi32> to vector<16xi32>
      %swap3A_93 = vector.shape_cast %get3A_89 : vector<16xi32> to vector<16xi32>
      tpu.vector_store %arg11[%swap3A_90], %swap3A_93 {strides = array<i32>} : memref<256xi32, #tpu.memory_space<vmem>>, vector<16xi32>,
      %add3A_94 = arith.constant 48 : i32
      %add3A_95 = arith.addi %mul3A_39, %add3A_94 : i32
      %get3A_96 = arith.index_cast %add3A_95 : i32 to index
      %get3A_97 = tpu.vector_load %arg10[%get3A_96] {strides = array<i32>} : memref<8192xi32, #tpu.memory_space<vmem>>, vector<16xi32>,
      %swap3A_98 = arith.constant 48 : index
      %swap3A_99 = tpu.vector_load %arg12[%swap3A_98] {strides = array<i32>} : memref<256xi32, #tpu.memory_space<vmem>>, vector<16xi32>,
      %swap3A_100 = vector.shape_cast %swap3A_99 : vector<16xi32> to vector<16xi32>
      %swap3A_101 = vector.shape_cast %get3A_97 : vector<16xi32> to vector<16xi32>
      tpu.vector_store %arg12[%swap3A_98], %swap3A_101 {strides = array<i32>} : memref<256xi32, #tpu.memory_space<vmem>>, vector<16xi32>,
      %add3A_102 = arith.constant 64 : i32
      %add3A_103 = arith.addi %mul3A_39, %add3A_102 : i32
      %get3A_104 = arith.index_cast %add3A_103 : i32 to index
      %get3A_105 = tpu.vector_load %arg9[%get3A_104] {strides = array<i32>} : memref<8192xi32, #tpu.memory_space<vmem>>, vector<16xi32>,
      %swap3A_106 = arith.constant 64 : index
      %swap3A_107 = tpu.vector_load %arg11[%swap3A_106] {strides = array<i32>} : memref<256xi32, #tpu.memory_space<vmem>>, vector<16xi32>,
      %swap3A_108 = vector.shape_cast %swap3A_107 : vector<16xi32> to vector<16xi32>
      %swap3A_109 = vector.shape_cast %get3A_105 : vector<16xi32> to vector<16xi32>
      tpu.vector_store %arg11[%swap3A_106], %swap3A_109 {strides = array<i32>} : memref<256xi32, #tpu.memory_space<vmem>>, vector<16xi32>,
      %add3A_110 = arith.constant 64 : i32
      %add3A_111 = arith.addi %mul3A_39, %add3A_110 : i32
      %get3A_112 = arith.index_cast %add3A_111 : i32 to index
      %get3A_113 = tpu.vector_load %arg10[%get3A_112] {strides = array<i32>} : memref<8192xi32, #tpu.memory_space<vmem>>, vector<16xi32>,
      %swap3A_114 = arith.constant 64 : index
      %swap3A_115 = tpu.vector_load %arg12[%swap3A_114] {strides = array<i32>} : memref<256xi32, #tpu.memory_space<vmem>>, vector<16xi32>,
      %swap3A_116 = vector.shape_cast %swap3A_115 : vector<16xi32> to vector<16xi32>
      %swap3A_117 = vector.shape_cast %get3A_113 : vector<16xi32> to vector<16xi32>
      tpu.vector_store %arg12[%swap3A_114], %swap3A_117 {strides = array<i32>} : memref<256xi32, #tpu.memory_space<vmem>>, vector<16xi32>,
      %add3A_118 = arith.constant 80 : i32
      %add3A_119 = arith.addi %mul3A_39, %add3A_118 : i32
      %get3A_120 = arith.index_cast %add3A_119 : i32 to index
      %get3A_121 = tpu.vector_load %arg9[%get3A_120] {strides = array<i32>} : memref<8192xi32, #tpu.memory_space<vmem>>, vector<16xi32>,
      %swap3A_122 = arith.constant 80 : index
      %swap3A_123 = tpu.vector_load %arg11[%swap3A_122] {strides = array<i32>} : memref<256xi32, #tpu.memory_space<vmem>>, vector<16xi32>,
      %swap3A_124 = vector.shape_cast %swap3A_123 : vector<16xi32> to vector<16xi32>
      %swap3A_125 = vector.shape_cast %get3A_121 : vector<16xi32> to vector<16xi32>
      tpu.vector_store %arg11[%swap3A_122], %swap3A_125 {strides = array<i32>} : memref<256xi32, #tpu.memory_space<vmem>>, vector<16xi32>,
      %add3A_126 = arith.constant 80 : i32
      %add3A_127 = arith.addi %mul3A_39, %add3A_126 : i32
      %get3A_128 = arith.index_cast %add3A_127 : i32 to index
      %get3A_129 = tpu.vector_load %arg10[%get3A_128] {strides = array<i32>} : memref<8192xi32, #tpu.memory_space<vmem>>, vector<16xi32>,
      %swap3A_130 = arith.constant 80 : index
      %swap3A_131 = tpu.vector_load %arg12[%swap3A_130] {strides = array<i32>} : memref<256xi32, #tpu.memory_space<vmem>>, vector<16xi32>,
      %swap3A_132 = vector.shape_cast %swap3A_131 : vector<16xi32> to vector<16xi32>
      %swap3A_133 = vector.shape_cast %get3A_129 : vector<16xi32> to vector<16xi32>
      tpu.vector_store %arg12[%swap3A_130], %swap3A_133 {strides = array<i32>} : memref<256xi32, #tpu.memory_space<vmem>>, vector<16xi32>,
      %add3A_134 = arith.constant 96 : i32
      %add3A_135 = arith.addi %mul3A_39, %add3A_134 : i32
      %get3A_136 = arith.index_cast %add3A_135 : i32 to index
      %get3A_137 = tpu.vector_load %arg9[%get3A_136] {strides = array<i32>} : memref<8192xi32, #tpu.memory_space<vmem>>, vector<16xi32>,
      %swap3A_138 = arith.constant 96 : index
      %swap3A_139 = tpu.vector_load %arg11[%swap3A_138] {strides = array<i32>} : memref<256xi32, #tpu.memory_space<vmem>>, vector<16xi32>,
      %swap3A_140 = vector.shape_cast %swap3A_139 : vector<16xi32> to vector<16xi32>
      %swap3A_141 = vector.shape_cast %get3A_137 : vector<16xi32> to vector<16xi32>
      tpu.vector_store %arg11[%swap3A_138], %swap3A_141 {strides = array<i32>} : memref<256xi32, #tpu.memory_space<vmem>>, vector<16xi32>,
      %add3A_142 = arith.constant 96 : i32
      %add3A_143 = arith.addi %mul3A_39, %add3A_142 : i32
      %get3A_144 = arith.index_cast %add3A_143 : i32 to index
      %get3A_145 = tpu.vector_load %arg10[%get3A_144] {strides = array<i32>} : memref<8192xi32, #tpu.memory_space<vmem>>, vector<16xi32>,
      %swap3A_146 = arith.constant 96 : index
      %swap3A_147 = tpu.vector_load %arg12[%swap3A_146] {strides = array<i32>} : memref<256xi32, #tpu.memory_space<vmem>>, vector<16xi32>,
      %swap3A_148 = vector.shape_cast %swap3A_147 : vector<16xi32> to vector<16xi32>
      %swap3A_149 = vector.shape_cast %get3A_145 : vector<16xi32> to vector<16xi32>
      tpu.vector_store %arg12[%swap3A_146], %swap3A_149 {strides = array<i32>} : memref<256xi32, #tpu.memory_space<vmem>>, vector<16xi32>,
      %add3A_150 = arith.constant 112 : i32
      %add3A_151 = arith.addi %mul3A_39, %add3A_150 : i32
      %get3A_152 = arith.index_cast %add3A_151 : i32 to index
      %get3A_153 = tpu.vector_load %arg9[%get3A_152] {strides = array<i32>} : memref<8192xi32, #tpu.memory_space<vmem>>, vector<16xi32>,
      %swap3A_154 = arith.constant 112 : index
      %swap3A_155 = tpu.vector_load %arg11[%swap3A_154] {strides = array<i32>} : memref<256xi32, #tpu.memory_space<vmem>>, vector<16xi32>,
      %swap3A_156 = vector.shape_cast %swap3A_155 : vector<16xi32> to vector<16xi32>
      %swap3A_157 = vector.shape_cast %get3A_153 : vector<16xi32> to vector<16xi32>
      tpu.vector_store %arg11[%swap3A_154], %swap3A_157 {strides = array<i32>} : memref<256xi32, #tpu.memory_space<vmem>>, vector<16xi32>,
      %add3A_158 = arith.constant 112 : i32
      %add3A_159 = arith.addi %mul3A_39, %add3A_158 : i32
      %get3A_160 = arith.index_cast %add3A_159 : i32 to index
      %get3A_161 = tpu.vector_load %arg10[%get3A_160] {strides = array<i32>} : memref<8192xi32, #tpu.memory_space<vmem>>, vector<16xi32>,
      %swap3A_162 = arith.constant 112 : index
      %swap3A_163 = tpu.vector_load %arg12[%swap3A_162] {strides = array<i32>} : memref<256xi32, #tpu.memory_space<vmem>>, vector<16xi32>,
      %swap3A_164 = vector.shape_cast %swap3A_163 : vector<16xi32> to vector<16xi32>
      %swap3A_165 = vector.shape_cast %get3A_161 : vector<16xi32> to vector<16xi32>
      tpu.vector_store %arg12[%swap3A_162], %swap3A_165 {strides = array<i32>} : memref<256xi32, #tpu.memory_space<vmem>>, vector<16xi32>,
      %add3A_166 = arith.constant 128 : i32
      %add3A_167 = arith.addi %mul3A_39, %add3A_166 : i32
      %get3A_168 = arith.index_cast %add3A_167 : i32 to index
      %get3A_169 = tpu.vector_load %arg9[%get3A_168] {strides = array<i32>} : memref<8192xi32, #tpu.memory_space<vmem>>, vector<16xi32>,
      %swap3A_170 = arith.constant 128 : index
      %swap3A_171 = tpu.vector_load %arg11[%swap3A_170] {strides = array<i32>} : memref<256xi32, #tpu.memory_space<vmem>>, vector<16xi32>,
      %swap3A_172 = vector.shape_cast %swap3A_171 : vector<16xi32> to vector<16xi32>
      %swap3A_173 = vector.shape_cast %get3A_169 : vector<16xi32> to vector<16xi32>
      tpu.vector_store %arg11[%swap3A_170], %swap3A_173 {strides = array<i32>} : memref<256xi32, #tpu.memory_space<vmem>>, vector<16xi32>,
      %add3A_174 = arith.constant 128 : i32
      %add3A_175 = arith.addi %mul3A_39, %add3A_174 : i32
      %get3A_176 = arith.index_cast %add3A_175 : i32 to index
      %get3A_177 = tpu.vector_load %arg10[%get3A_176] {strides = array<i32>} : memref<8192xi32, #tpu.memory_space<vmem>>, vector<16xi32>,
      %swap3A_178 = arith.constant 128 : index
      %swap3A_179 = tpu.vector_load %arg12[%swap3A_178] {strides = array<i32>} : memref<256xi32, #tpu.memory_space<vmem>>, vector<16xi32>,
      %swap3A_180 = vector.shape_cast %swap3A_179 : vector<16xi32> to vector<16xi32>
      %swap3A_181 = vector.shape_cast %get3A_177 : vector<16xi32> to vector<16xi32>
      tpu.vector_store %arg12[%swap3A_178], %swap3A_181 {strides = array<i32>} : memref<256xi32, #tpu.memory_space<vmem>>, vector<16xi32>,
      %add3A_182 = arith.constant 144 : i32
      %add3A_183 = arith.addi %mul3A_39, %add3A_182 : i32
      %get3A_184 = arith.index_cast %add3A_183 : i32 to index
      %get3A_185 = tpu.vector_load %arg9[%get3A_184] {strides = array<i32>} : memref<8192xi32, #tpu.memory_space<vmem>>, vector<16xi32>,
      %swap3A_186 = arith.constant 144 : index
      %swap3A_187 = tpu.vector_load %arg11[%swap3A_186] {strides = array<i32>} : memref<256xi32, #tpu.memory_space<vmem>>, vector<16xi32>,
      %swap3A_188 = vector.shape_cast %swap3A_187 : vector<16xi32> to vector<16xi32>
      %swap3A_189 = vector.shape_cast %get3A_185 : vector<16xi32> to vector<16xi32>
      tpu.vector_store %arg11[%swap3A_186], %swap3A_189 {strides = array<i32>} : memref<256xi32, #tpu.memory_space<vmem>>, vector<16xi32>,
      %add3A_190 = arith.constant 144 : i32
      %add3A_191 = arith.addi %mul3A_39, %add3A_190 : i32
      %get3A_192 = arith.index_cast %add3A_191 : i32 to index
      %get3A_193 = tpu.vector_load %arg10[%get3A_192] {strides = array<i32>} : memref<8192xi32, #tpu.memory_space<vmem>>, vector<16xi32>,
      %swap3A_194 = arith.constant 144 : index
      %swap3A_195 = tpu.vector_load %arg12[%swap3A_194] {strides = array<i32>} : memref<256xi32, #tpu.memory_space<vmem>>, vector<16xi32>,
      %swap3A_196 = vector.shape_cast %swap3A_195 : vector<16xi32> to vector<16xi32>
      %swap3A_197 = vector.shape_cast %get3A_193 : vector<16xi32> to vector<16xi32>
      tpu.vector_store %arg12[%swap3A_194], %swap3A_197 {strides = array<i32>} : memref<256xi32, #tpu.memory_space<vmem>>, vector<16xi32>,
      %add3A_198 = arith.constant 160 : i32
      %add3A_199 = arith.addi %mul3A_39, %add3A_198 : i32
      %get3A_200 = arith.index_cast %add3A_199 : i32 to index
      %get3A_201 = tpu.vector_load %arg9[%get3A_200] {strides = array<i32>} : memref<8192xi32, #tpu.memory_space<vmem>>, vector<16xi32>,
      %swap3A_202 = arith.constant 160 : index
      %swap3A_203 = tpu.vector_load %arg11[%swap3A_202] {strides = array<i32>} : memref<256xi32, #tpu.memory_space<vmem>>, vector<16xi32>,
      %swap3A_204 = vector.shape_cast %swap3A_203 : vector<16xi32> to vector<16xi32>
      %swap3A_205 = vector.shape_cast %get3A_201 : vector<16xi32> to vector<16xi32>
      tpu.vector_store %arg11[%swap3A_202], %swap3A_205 {strides = array<i32>} : memref<256xi32, #tpu.memory_space<vmem>>, vector<16xi32>,
      %add3A_206 = arith.constant 160 : i32
      %add3A_207 = arith.addi %mul3A_39, %add3A_206 : i32
      %get3A_208 = arith.index_cast %add3A_207 : i32 to index
      %get3A_209 = tpu.vector_load %arg10[%get3A_208] {strides = array<i32>} : memref<8192xi32, #tpu.memory_space<vmem>>, vector<16xi32>,
      %swap3A_210 = arith.constant 160 : index
      %swap3A_211 = tpu.vector_load %arg12[%swap3A_210] {strides = array<i32>} : memref<256xi32, #tpu.memory_space<vmem>>, vector<16xi32>,
      %swap3A_212 = vector.shape_cast %swap3A_211 : vector<16xi32> to vector<16xi32>
      %swap3A_213 = vector.shape_cast %get3A_209 : vector<16xi32> to vector<16xi32>
      tpu.vector_store %arg12[%swap3A_210], %swap3A_213 {strides = array<i32>} : memref<256xi32, #tpu.memory_space<vmem>>, vector<16xi32>,
      %add3A_214 = arith.constant 176 : i32
      %add3A_215 = arith.addi %mul3A_39, %add3A_214 : i32
      %get3A_216 = arith.index_cast %add3A_215 : i32 to index
      %get3A_217 = tpu.vector_load %arg9[%get3A_216] {strides = array<i32>} : memref<8192xi32, #tpu.memory_space<vmem>>, vector<16xi32>,
      %swap3A_218 = arith.constant 176 : index
      %swap3A_219 = tpu.vector_load %arg11[%swap3A_218] {strides = array<i32>} : memref<256xi32, #tpu.memory_space<vmem>>, vector<16xi32>,
      %swap3A_220 = vector.shape_cast %swap3A_219 : vector<16xi32> to vector<16xi32>
      %swap3A_221 = vector.shape_cast %get3A_217 : vector<16xi32> to vector<16xi32>
      tpu.vector_store %arg11[%swap3A_218], %swap3A_221 {strides = array<i32>} : memref<256xi32, #tpu.memory_space<vmem>>, vector<16xi32>,
      %add3A_222 = arith.constant 176 : i32
      %add3A_223 = arith.addi %mul3A_39, %add3A_222 : i32
      %get3A_224 = arith.index_cast %add3A_223 : i32 to index
      %get3A_225 = tpu.vector_load %arg10[%get3A_224] {strides = array<i32>} : memref<8192xi32, #tpu.memory_space<vmem>>, vector<16xi32>,
      %swap3A_226 = arith.constant 176 : index
      %swap3A_227 = tpu.vector_load %arg12[%swap3A_226] {strides = array<i32>} : memref<256xi32, #tpu.memory_space<vmem>>, vector<16xi32>,
      %swap3A_228 = vector.shape_cast %swap3A_227 : vector<16xi32> to vector<16xi32>
      %swap3A_229 = vector.shape_cast %get3A_225 : vector<16xi32> to vector<16xi32>
      tpu.vector_store %arg12[%swap3A_226], %swap3A_229 {strides = array<i32>} : memref<256xi32, #tpu.memory_space<vmem>>, vector<16xi32>,
      %add3A_230 = arith.constant 192 : i32
      %add3A_231 = arith.addi %mul3A_39, %add3A_230 : i32
      %get3A_232 = arith.index_cast %add3A_231 : i32 to index
      %get3A_233 = tpu.vector_load %arg9[%get3A_232] {strides = array<i32>} : memref<8192xi32, #tpu.memory_space<vmem>>, vector<16xi32>,
      %swap3A_234 = arith.constant 192 : index
      %swap3A_235 = tpu.vector_load %arg11[%swap3A_234] {strides = array<i32>} : memref<256xi32, #tpu.memory_space<vmem>>, vector<16xi32>,
      %swap3A_236 = vector.shape_cast %swap3A_235 : vector<16xi32> to vector<16xi32>
      %swap3A_237 = vector.shape_cast %get3A_233 : vector<16xi32> to vector<16xi32>
      tpu.vector_store %arg11[%swap3A_234], %swap3A_237 {strides = array<i32>} : memref<256xi32, #tpu.memory_space<vmem>>, vector<16xi32>,
      %add3A_238 = arith.constant 192 : i32
      %add3A_239 = arith.addi %mul3A_39, %add3A_238 : i32
      %get3A_240 = arith.index_cast %add3A_239 : i32 to index
      %get3A_241 = tpu.vector_load %arg10[%get3A_240] {strides = array<i32>} : memref<8192xi32, #tpu.memory_space<vmem>>, vector<16xi32>,
      %swap3A_242 = arith.constant 192 : index
      %swap3A_243 = tpu.vector_load %arg12[%swap3A_242] {strides = array<i32>} : memref<256xi32, #tpu.memory_space<vmem>>, vector<16xi32>,
      %swap3A_244 = vector.shape_cast %swap3A_243 : vector<16xi32> to vector<16xi32>
      %swap3A_245 = vector.shape_cast %get3A_241 : vector<16xi32> to vector<16xi32>
      tpu.vector_store %arg12[%swap3A_242], %swap3A_245 {strides = array<i32>} : memref<256xi32, #tpu.memory_space<vmem>>, vector<16xi32>,
      %add3A_246 = arith.constant 208 : i32
      %add3A_247 = arith.addi %mul3A_39, %add3A_246 : i32
      %get3A_248 = arith.index_cast %add3A_247 : i32 to index
      %get3A_249 = tpu.vector_load %arg9[%get3A_248] {strides = array<i32>} : memref<8192xi32, #tpu.memory_space<vmem>>, vector<16xi32>,
      %swap3A_250 = arith.constant 208 : index
      %swap3A_251 = tpu.vector_load %arg11[%swap3A_250] {strides = array<i32>} : memref<256xi32, #tpu.memory_space<vmem>>, vector<16xi32>,
      %swap3A_252 = vector.shape_cast %swap3A_251 : vector<16xi32> to vector<16xi32>
      %swap3A_253 = vector.shape_cast %get3A_249 : vector<16xi32> to vector<16xi32>
      tpu.vector_store %arg11[%swap3A_250], %swap3A_253 {strides = array<i32>} : memref<256xi32, #tpu.memory_space<vmem>>, vector<16xi32>,
      %add3A_254 = arith.constant 208 : i32
      %add3A_255 = arith.addi %mul3A_39, %add3A_254 : i32
      %get3A_256 = arith.index_cast %add3A_255 : i32 to index
      %get3A_257 = tpu.vector_load %arg10[%get3A_256] {strides = array<i32>} : memref<8192xi32, #tpu.memory_space<vmem>>, vector<16xi32>,
      %swap3A_258 = arith.constant 208 : index
      %swap3A_259 = tpu.vector_load %arg12[%swap3A_258] {strides = array<i32>} : memref<256xi32, #tpu.memory_space<vmem>>, vector<16xi32>,
      %swap3A_260 = vector.shape_cast %swap3A_259 : vector<16xi32> to vector<16xi32>
      %swap3A_261 = vector.shape_cast %get3A_257 : vector<16xi32> to vector<16xi32>
      tpu.vector_store %arg12[%swap3A_258], %swap3A_261 {strides = array<i32>} : memref<256xi32, #tpu.memory_space<vmem>>, vector<16xi32>,
      %add3A_262 = arith.constant 224 : i32
      %add3A_263 = arith.addi %mul3A_39, %add3A_262 : i32
      %get3A_264 = arith.index_cast %add3A_263 : i32 to index
      %get3A_265 = tpu.vector_load %arg9[%get3A_264] {strides = array<i32>} : memref<8192xi32, #tpu.memory_space<vmem>>, vector<16xi32>,
      %swap3A_266 = arith.constant 224 : index
      %swap3A_267 = tpu.vector_load %arg11[%swap3A_266] {strides = array<i32>} : memref<256xi32, #tpu.memory_space<vmem>>, vector<16xi32>,
      %swap3A_268 = vector.shape_cast %swap3A_267 : vector<16xi32> to vector<16xi32>
      %swap3A_269 = vector.shape_cast %get3A_265 : vector<16xi32> to vector<16xi32>
      tpu.vector_store %arg11[%swap3A_266], %swap3A_269 {strides = array<i32>} : memref<256xi32, #tpu.memory_space<vmem>>, vector<16xi32>,
      %add3A_270 = arith.constant 224 : i32
      %add3A_271 = arith.addi %mul3A_39, %add3A_270 : i32
      %get3A_272 = arith.index_cast %add3A_271 : i32 to index
      %get3A_273 = tpu.vector_load %arg10[%get3A_272] {strides = array<i32>} : memref<8192xi32, #tpu.memory_space<vmem>>, vector<16xi32>,
      %swap3A_274 = arith.constant 224 : index
      %swap3A_275 = tpu.vector_load %arg12[%swap3A_274] {strides = array<i32>} : memref<256xi32, #tpu.memory_space<vmem>>, vector<16xi32>,
      %swap3A_276 = vector.shape_cast %swap3A_275 : vector<16xi32> to vector<16xi32>
      %swap3A_277 = vector.shape_cast %get3A_273 : vector<16xi32> to vector<16xi32>
      tpu.vector_store %arg12[%swap3A_274], %swap3A_277 {strides = array<i32>} : memref<256xi32, #tpu.memory_space<vmem>>, vector<16xi32>,
      %add3A_278 = arith.constant 240 : i32
      %add3A_279 = arith.addi %mul3A_39, %add3A_278 : i32
      %get3A_280 = arith.index_cast %add3A_279 : i32 to index
      %get3A_281 = tpu.vector_load %arg9[%get3A_280] {strides = array<i32>} : memref<8192xi32, #tpu.memory_space<vmem>>, vector<16xi32>,
      %swap3A_282 = arith.constant 240 : index
      %swap3A_283 = tpu.vector_load %arg11[%swap3A_282] {strides = array<i32>} : memref<256xi32, #tpu.memory_space<vmem>>, vector<16xi32>,
      %swap3A_284 = vector.shape_cast %swap3A_283 : vector<16xi32> to vector<16xi32>
      %swap3A_285 = vector.shape_cast %get3A_281 : vector<16xi32> to vector<16xi32>
      tpu.vector_store %arg11[%swap3A_282], %swap3A_285 {strides = array<i32>} : memref<256xi32, #tpu.memory_space<vmem>>, vector<16xi32>,
      %add3A_286 = arith.constant 240 : i32
      %add3A_287 = arith.addi %mul3A_39, %add3A_286 : i32
      %get3A_288 = arith.index_cast %add3A_287 : i32 to index
      %get3A_289 = tpu.vector_load %arg10[%get3A_288] {strides = array<i32>} : memref<8192xi32, #tpu.memory_space<vmem>>, vector<16xi32>,
      %swap3A_290 = arith.constant 240 : index
      %swap3A_291 = tpu.vector_load %arg12[%swap3A_290] {strides = array<i32>} : memref<256xi32, #tpu.memory_space<vmem>>, vector<16xi32>,
      %swap3A_292 = vector.shape_cast %swap3A_291 : vector<16xi32> to vector<16xi32>
      %swap3A_293 = vector.shape_cast %get3A_289 : vector<16xi32> to vector<16xi32>
      tpu.vector_store %arg12[%swap3A_290], %swap3A_293 {strides = array<i32>} : memref<256xi32, #tpu.memory_space<vmem>>, vector<16xi32>,
      %dma_start3A = arith.constant 0 : i32
      %dma_start3A_294 = arith.constant 0 : i32
      %dma_start3A_295 = tpu.memref_slice %arg2[%dma_start3A, %dma_start3A_294] : memref<16384x64xf32, #tpu.memory_space<hbm>> -> memref<16384x64xf32, #tpu.memory_space<hbm>>
      tpu.enqueue_indirect_dma source(%dma_start3A_295 : memref<16384x64xf32, #tpu.memory_space<hbm>>) target(%arg15 : memref<256x64xf32, #tpu.memory_space<vmem>>) offsets(%arg11 : memref<256xi32, #tpu.memory_space<vmem>>) semaphore(%arg18 : memref<!tpu.dma_semaphore, #tpu.memory_space<semaphore_mem>>)
      %mul3A_296 = arith.constant 2 : i32
      %mul3A_297 = arith.muli %mul3A_296, %scan3A_35 : i32
      %add3A_298 = arith.constant 1 : i32
      %add3A_299 = arith.addi %mul3A_297, %add3A_298 : i32
      %mul3A_300 = arith.constant 256 : i32
      %mul3A_301 = arith.muli %add3A_299, %mul3A_300 : i32
      %add3A_302 = arith.constant 0 : i32
      %add3A_303 = arith.addi %mul3A_301, %add3A_302 : i32
      %get3A_304 = arith.index_cast %add3A_303 : i32 to index
      %get3A_305 = tpu.vector_load %arg9[%get3A_304] {strides = array<i32>} : memref<8192xi32, #tpu.memory_space<vmem>>, vector<16xi32>,
      %swap3A_306 = arith.constant 0 : index
      %swap3A_307 = tpu.vector_load %arg13[%swap3A_306] {strides = array<i32>} : memref<256xi32, #tpu.memory_space<vmem>>, vector<16xi32>,
      %swap3A_308 = vector.shape_cast %swap3A_307 : vector<16xi32> to vector<16xi32>
      %swap3A_309 = vector.shape_cast %get3A_305 : vector<16xi32> to vector<16xi32>
      tpu.vector_store %arg13[%swap3A_306], %swap3A_309 {strides = array<i32>} : memref<256xi32, #tpu.memory_space<vmem>>, vector<16xi32>,
      %add3A_310 = arith.constant 0 : i32
      %add3A_311 = arith.addi %mul3A_301, %add3A_310 : i32
      %get3A_312 = arith.index_cast %add3A_311 : i32 to index
      %get3A_313 = tpu.vector_load %arg10[%get3A_312] {strides = array<i32>} : memref<8192xi32, #tpu.memory_space<vmem>>, vector<16xi32>,
      %swap3A_314 = arith.constant 0 : index
      %swap3A_315 = tpu.vector_load %arg14[%swap3A_314] {strides = array<i32>} : memref<256xi32, #tpu.memory_space<vmem>>, vector<16xi32>,
      %swap3A_316 = vector.shape_cast %swap3A_315 : vector<16xi32> to vector<16xi32>
      %swap3A_317 = vector.shape_cast %get3A_313 : vector<16xi32> to vector<16xi32>
      tpu.vector_store %arg14[%swap3A_314], %swap3A_317 {strides = array<i32>} : memref<256xi32, #tpu.memory_space<vmem>>, vector<16xi32>,
      %add3A_318 = arith.constant 16 : i32
      %add3A_319 = arith.addi %mul3A_301, %add3A_318 : i32
      %get3A_320 = arith.index_cast %add3A_319 : i32 to index
      %get3A_321 = tpu.vector_load %arg9[%get3A_320] {strides = array<i32>} : memref<8192xi32, #tpu.memory_space<vmem>>, vector<16xi32>,
      %swap3A_322 = arith.constant 16 : index
      %swap3A_323 = tpu.vector_load %arg13[%swap3A_322] {strides = array<i32>} : memref<256xi32, #tpu.memory_space<vmem>>, vector<16xi32>,
      %swap3A_324 = vector.shape_cast %swap3A_323 : vector<16xi32> to vector<16xi32>
      %swap3A_325 = vector.shape_cast %get3A_321 : vector<16xi32> to vector<16xi32>
      tpu.vector_store %arg13[%swap3A_322], %swap3A_325 {strides = array<i32>} : memref<256xi32, #tpu.memory_space<vmem>>, vector<16xi32>,
      %add3A_326 = arith.constant 16 : i32
      %add3A_327 = arith.addi %mul3A_301, %add3A_326 : i32
      %get3A_328 = arith.index_cast %add3A_327 : i32 to index
      %get3A_329 = tpu.vector_load %arg10[%get3A_328] {strides = array<i32>} : memref<8192xi32, #tpu.memory_space<vmem>>, vector<16xi32>,
      %swap3A_330 = arith.constant 16 : index
      %swap3A_331 = tpu.vector_load %arg14[%swap3A_330] {strides = array<i32>} : memref<256xi32, #tpu.memory_space<vmem>>, vector<16xi32>,
      %swap3A_332 = vector.shape_cast %swap3A_331 : vector<16xi32> to vector<16xi32>
      %swap3A_333 = vector.shape_cast %get3A_329 : vector<16xi32> to vector<16xi32>
      tpu.vector_store %arg14[%swap3A_330], %swap3A_333 {strides = array<i32>} : memref<256xi32, #tpu.memory_space<vmem>>, vector<16xi32>,
      %add3A_334 = arith.constant 32 : i32
      %add3A_335 = arith.addi %mul3A_301, %add3A_334 : i32
      %get3A_336 = arith.index_cast %add3A_335 : i32 to index
      %get3A_337 = tpu.vector_load %arg9[%get3A_336] {strides = array<i32>} : memref<8192xi32, #tpu.memory_space<vmem>>, vector<16xi32>,
      %swap3A_338 = arith.constant 32 : index
      %swap3A_339 = tpu.vector_load %arg13[%swap3A_338] {strides = array<i32>} : memref<256xi32, #tpu.memory_space<vmem>>, vector<16xi32>,
      %swap3A_340 = vector.shape_cast %swap3A_339 : vector<16xi32> to vector<16xi32>
      %swap3A_341 = vector.shape_cast %get3A_337 : vector<16xi32> to vector<16xi32>
      tpu.vector_store %arg13[%swap3A_338], %swap3A_341 {strides = array<i32>} : memref<256xi32, #tpu.memory_space<vmem>>, vector<16xi32>,
      %add3A_342 = arith.constant 32 : i32
      %add3A_343 = arith.addi %mul3A_301, %add3A_342 : i32
      %get3A_344 = arith.index_cast %add3A_343 : i32 to index
      %get3A_345 = tpu.vector_load %arg10[%get3A_344] {strides = array<i32>} : memref<8192xi32, #tpu.memory_space<vmem>>, vector<16xi32>,
      %swap3A_346 = arith.constant 32 : index
      %swap3A_347 = tpu.vector_load %arg14[%swap3A_346] {strides = array<i32>} : memref<256xi32, #tpu.memory_space<vmem>>, vector<16xi32>,
      %swap3A_348 = vector.shape_cast %swap3A_347 : vector<16xi32> to vector<16xi32>
      %swap3A_349 = vector.shape_cast %get3A_345 : vector<16xi32> to vector<16xi32>
      tpu.vector_store %arg14[%swap3A_346], %swap3A_349 {strides = array<i32>} : memref<256xi32, #tpu.memory_space<vmem>>, vector<16xi32>,
      %add3A_350 = arith.constant 48 : i32
      %add3A_351 = arith.addi %mul3A_301, %add3A_350 : i32
      %get3A_352 = arith.index_cast %add3A_351 : i32 to index
      %get3A_353 = tpu.vector_load %arg9[%get3A_352] {strides = array<i32>} : memref<8192xi32, #tpu.memory_space<vmem>>, vector<16xi32>,
      %swap3A_354 = arith.constant 48 : index
      %swap3A_355 = tpu.vector_load %arg13[%swap3A_354] {strides = array<i32>} : memref<256xi32, #tpu.memory_space<vmem>>, vector<16xi32>,
      %swap3A_356 = vector.shape_cast %swap3A_355 : vector<16xi32> to vector<16xi32>
      %swap3A_357 = vector.shape_cast %get3A_353 : vector<16xi32> to vector<16xi32>
      tpu.vector_store %arg13[%swap3A_354], %swap3A_357 {strides = array<i32>} : memref<256xi32, #tpu.memory_space<vmem>>, vector<16xi32>,
      %add3A_358 = arith.constant 48 : i32
      %add3A_359 = arith.addi %mul3A_301, %add3A_358 : i32
      %get3A_360 = arith.index_cast %add3A_359 : i32 to index
      %get3A_361 = tpu.vector_load %arg10[%get3A_360] {strides = array<i32>} : memref<8192xi32, #tpu.memory_space<vmem>>, vector<16xi32>,
      %swap3A_362 = arith.constant 48 : index
      %swap3A_363 = tpu.vector_load %arg14[%swap3A_362] {strides = array<i32>} : memref<256xi32, #tpu.memory_space<vmem>>, vector<16xi32>,
      %swap3A_364 = vector.shape_cast %swap3A_363 : vector<16xi32> to vector<16xi32>
      %swap3A_365 = vector.shape_cast %get3A_361 : vector<16xi32> to vector<16xi32>
      tpu.vector_store %arg14[%swap3A_362], %swap3A_365 {strides = array<i32>} : memref<256xi32, #tpu.memory_space<vmem>>, vector<16xi32>,
      %add3A_366 = arith.constant 64 : i32
      %add3A_367 = arith.addi %mul3A_301, %add3A_366 : i32
      %get3A_368 = arith.index_cast %add3A_367 : i32 to index
      %get3A_369 = tpu.vector_load %arg9[%get3A_368] {strides = array<i32>} : memref<8192xi32, #tpu.memory_space<vmem>>, vector<16xi32>,
      %swap3A_370 = arith.constant 64 : index
      %swap3A_371 = tpu.vector_load %arg13[%swap3A_370] {strides = array<i32>} : memref<256xi32, #tpu.memory_space<vmem>>, vector<16xi32>,
      %swap3A_372 = vector.shape_cast %swap3A_371 : vector<16xi32> to vector<16xi32>
      %swap3A_373 = vector.shape_cast %get3A_369 : vector<16xi32> to vector<16xi32>
      tpu.vector_store %arg13[%swap3A_370], %swap3A_373 {strides = array<i32>} : memref<256xi32, #tpu.memory_space<vmem>>, vector<16xi32>,
      %add3A_374 = arith.constant 64 : i32
      %add3A_375 = arith.addi %mul3A_301, %add3A_374 : i32
      %get3A_376 = arith.index_cast %add3A_375 : i32 to index
      %get3A_377 = tpu.vector_load %arg10[%get3A_376] {strides = array<i32>} : memref<8192xi32, #tpu.memory_space<vmem>>, vector<16xi32>,
      %swap3A_378 = arith.constant 64 : index
      %swap3A_379 = tpu.vector_load %arg14[%swap3A_378] {strides = array<i32>} : memref<256xi32, #tpu.memory_space<vmem>>, vector<16xi32>,
      %swap3A_380 = vector.shape_cast %swap3A_379 : vector<16xi32> to vector<16xi32>
      %swap3A_381 = vector.shape_cast %get3A_377 : vector<16xi32> to vector<16xi32>
      tpu.vector_store %arg14[%swap3A_378], %swap3A_381 {strides = array<i32>} : memref<256xi32, #tpu.memory_space<vmem>>, vector<16xi32>,
      %add3A_382 = arith.constant 80 : i32
      %add3A_383 = arith.addi %mul3A_301, %add3A_382 : i32
      %get3A_384 = arith.index_cast %add3A_383 : i32 to index
      %get3A_385 = tpu.vector_load %arg9[%get3A_384] {strides = array<i32>} : memref<8192xi32, #tpu.memory_space<vmem>>, vector<16xi32>,
      %swap3A_386 = arith.constant 80 : index
      %swap3A_387 = tpu.vector_load %arg13[%swap3A_386] {strides = array<i32>} : memref<256xi32, #tpu.memory_space<vmem>>, vector<16xi32>,
      %swap3A_388 = vector.shape_cast %swap3A_387 : vector<16xi32> to vector<16xi32>
      %swap3A_389 = vector.shape_cast %get3A_385 : vector<16xi32> to vector<16xi32>
      tpu.vector_store %arg13[%swap3A_386], %swap3A_389 {strides = array<i32>} : memref<256xi32, #tpu.memory_space<vmem>>, vector<16xi32>,
      %add3A_390 = arith.constant 80 : i32
      %add3A_391 = arith.addi %mul3A_301, %add3A_390 : i32
      %get3A_392 = arith.index_cast %add3A_391 : i32 to index
      %get3A_393 = tpu.vector_load %arg10[%get3A_392] {strides = array<i32>} : memref<8192xi32, #tpu.memory_space<vmem>>, vector<16xi32>,
      %swap3A_394 = arith.constant 80 : index
      %swap3A_395 = tpu.vector_load %arg14[%swap3A_394] {strides = array<i32>} : memref<256xi32, #tpu.memory_space<vmem>>, vector<16xi32>,
      %swap3A_396 = vector.shape_cast %swap3A_395 : vector<16xi32> to vector<16xi32>
      %swap3A_397 = vector.shape_cast %get3A_393 : vector<16xi32> to vector<16xi32>
      tpu.vector_store %arg14[%swap3A_394], %swap3A_397 {strides = array<i32>} : memref<256xi32, #tpu.memory_space<vmem>>, vector<16xi32>,
      %add3A_398 = arith.constant 96 : i32
      %add3A_399 = arith.addi %mul3A_301, %add3A_398 : i32
      %get3A_400 = arith.index_cast %add3A_399 : i32 to index
      %get3A_401 = tpu.vector_load %arg9[%get3A_400] {strides = array<i32>} : memref<8192xi32, #tpu.memory_space<vmem>>, vector<16xi32>,
      %swap3A_402 = arith.constant 96 : index
      %swap3A_403 = tpu.vector_load %arg13[%swap3A_402] {strides = array<i32>} : memref<256xi32, #tpu.memory_space<vmem>>, vector<16xi32>,
      %swap3A_404 = vector.shape_cast %swap3A_403 : vector<16xi32> to vector<16xi32>
      %swap3A_405 = vector.shape_cast %get3A_401 : vector<16xi32> to vector<16xi32>
      tpu.vector_store %arg13[%swap3A_402], %swap3A_405 {strides = array<i32>} : memref<256xi32, #tpu.memory_space<vmem>>, vector<16xi32>,
      %add3A_406 = arith.constant 96 : i32
      %add3A_407 = arith.addi %mul3A_301, %add3A_406 : i32
      %get3A_408 = arith.index_cast %add3A_407 : i32 to index
      %get3A_409 = tpu.vector_load %arg10[%get3A_408] {strides = array<i32>} : memref<8192xi32, #tpu.memory_space<vmem>>, vector<16xi32>,
      %swap3A_410 = arith.constant 96 : index
      %swap3A_411 = tpu.vector_load %arg14[%swap3A_410] {strides = array<i32>} : memref<256xi32, #tpu.memory_space<vmem>>, vector<16xi32>,
      %swap3A_412 = vector.shape_cast %swap3A_411 : vector<16xi32> to vector<16xi32>
      %swap3A_413 = vector.shape_cast %get3A_409 : vector<16xi32> to vector<16xi32>
      tpu.vector_store %arg14[%swap3A_410], %swap3A_413 {strides = array<i32>} : memref<256xi32, #tpu.memory_space<vmem>>, vector<16xi32>,
      %add3A_414 = arith.constant 112 : i32
      %add3A_415 = arith.addi %mul3A_301, %add3A_414 : i32
      %get3A_416 = arith.index_cast %add3A_415 : i32 to index
      %get3A_417 = tpu.vector_load %arg9[%get3A_416] {strides = array<i32>} : memref<8192xi32, #tpu.memory_space<vmem>>, vector<16xi32>,
      %swap3A_418 = arith.constant 112 : index
      %swap3A_419 = tpu.vector_load %arg13[%swap3A_418] {strides = array<i32>} : memref<256xi32, #tpu.memory_space<vmem>>, vector<16xi32>,
      %swap3A_420 = vector.shape_cast %swap3A_419 : vector<16xi32> to vector<16xi32>
      %swap3A_421 = vector.shape_cast %get3A_417 : vector<16xi32> to vector<16xi32>
      tpu.vector_store %arg13[%swap3A_418], %swap3A_421 {strides = array<i32>} : memref<256xi32, #tpu.memory_space<vmem>>, vector<16xi32>,
      %add3A_422 = arith.constant 112 : i32
      %add3A_423 = arith.addi %mul3A_301, %add3A_422 : i32
      %get3A_424 = arith.index_cast %add3A_423 : i32 to index
      %get3A_425 = tpu.vector_load %arg10[%get3A_424] {strides = array<i32>} : memref<8192xi32, #tpu.memory_space<vmem>>, vector<16xi32>,
      %swap3A_426 = arith.constant 112 : index
      %swap3A_427 = tpu.vector_load %arg14[%swap3A_426] {strides = array<i32>} : memref<256xi32, #tpu.memory_space<vmem>>, vector<16xi32>,
      %swap3A_428 = vector.shape_cast %swap3A_427 : vector<16xi32> to vector<16xi32>
      %swap3A_429 = vector.shape_cast %get3A_425 : vector<16xi32> to vector<16xi32>
      tpu.vector_store %arg14[%swap3A_426], %swap3A_429 {strides = array<i32>} : memref<256xi32, #tpu.memory_space<vmem>>, vector<16xi32>,
      %add3A_430 = arith.constant 128 : i32
      %add3A_431 = arith.addi %mul3A_301, %add3A_430 : i32
      %get3A_432 = arith.index_cast %add3A_431 : i32 to index
      %get3A_433 = tpu.vector_load %arg9[%get3A_432] {strides = array<i32>} : memref<8192xi32, #tpu.memory_space<vmem>>, vector<16xi32>,
      %swap3A_434 = arith.constant 128 : index
      %swap3A_435 = tpu.vector_load %arg13[%swap3A_434] {strides = array<i32>} : memref<256xi32, #tpu.memory_space<vmem>>, vector<16xi32>,
      %swap3A_436 = vector.shape_cast %swap3A_435 : vector<16xi32> to vector<16xi32>
      %swap3A_437 = vector.shape_cast %get3A_433 : vector<16xi32> to vector<16xi32>
      tpu.vector_store %arg13[%swap3A_434], %swap3A_437 {strides = array<i32>} : memref<256xi32, #tpu.memory_space<vmem>>, vector<16xi32>,
      %add3A_438 = arith.constant 128 : i32
      %add3A_439 = arith.addi %mul3A_301, %add3A_438 : i32
      %get3A_440 = arith.index_cast %add3A_439 : i32 to index
      %get3A_441 = tpu.vector_load %arg10[%get3A_440] {strides = array<i32>} : memref<8192xi32, #tpu.memory_space<vmem>>, vector<16xi32>,
      %swap3A_442 = arith.constant 128 : index
      %swap3A_443 = tpu.vector_load %arg14[%swap3A_442] {strides = array<i32>} : memref<256xi32, #tpu.memory_space<vmem>>, vector<16xi32>,
      %swap3A_444 = vector.shape_cast %swap3A_443 : vector<16xi32> to vector<16xi32>
      %swap3A_445 = vector.shape_cast %get3A_441 : vector<16xi32> to vector<16xi32>
      tpu.vector_store %arg14[%swap3A_442], %swap3A_445 {strides = array<i32>} : memref<256xi32, #tpu.memory_space<vmem>>, vector<16xi32>,
      %add3A_446 = arith.constant 144 : i32
      %add3A_447 = arith.addi %mul3A_301, %add3A_446 : i32
      %get3A_448 = arith.index_cast %add3A_447 : i32 to index
      %get3A_449 = tpu.vector_load %arg9[%get3A_448] {strides = array<i32>} : memref<8192xi32, #tpu.memory_space<vmem>>, vector<16xi32>,
      %swap3A_450 = arith.constant 144 : index
      %swap3A_451 = tpu.vector_load %arg13[%swap3A_450] {strides = array<i32>} : memref<256xi32, #tpu.memory_space<vmem>>, vector<16xi32>,
      %swap3A_452 = vector.shape_cast %swap3A_451 : vector<16xi32> to vector<16xi32>
      %swap3A_453 = vector.shape_cast %get3A_449 : vector<16xi32> to vector<16xi32>
      tpu.vector_store %arg13[%swap3A_450], %swap3A_453 {strides = array<i32>} : memref<256xi32, #tpu.memory_space<vmem>>, vector<16xi32>,
      %add3A_454 = arith.constant 144 : i32
      %add3A_455 = arith.addi %mul3A_301, %add3A_454 : i32
      %get3A_456 = arith.index_cast %add3A_455 : i32 to index
      %get3A_457 = tpu.vector_load %arg10[%get3A_456] {strides = array<i32>} : memref<8192xi32, #tpu.memory_space<vmem>>, vector<16xi32>,
      %swap3A_458 = arith.constant 144 : index
      %swap3A_459 = tpu.vector_load %arg14[%swap3A_458] {strides = array<i32>} : memref<256xi32, #tpu.memory_space<vmem>>, vector<16xi32>,
      %swap3A_460 = vector.shape_cast %swap3A_459 : vector<16xi32> to vector<16xi32>
      %swap3A_461 = vector.shape_cast %get3A_457 : vector<16xi32> to vector<16xi32>
      tpu.vector_store %arg14[%swap3A_458], %swap3A_461 {strides = array<i32>} : memref<256xi32, #tpu.memory_space<vmem>>, vector<16xi32>,
      %add3A_462 = arith.constant 160 : i32
      %add3A_463 = arith.addi %mul3A_301, %add3A_462 : i32
      %get3A_464 = arith.index_cast %add3A_463 : i32 to index
      %get3A_465 = tpu.vector_load %arg9[%get3A_464] {strides = array<i32>} : memref<8192xi32, #tpu.memory_space<vmem>>, vector<16xi32>,
      %swap3A_466 = arith.constant 160 : index
      %swap3A_467 = tpu.vector_load %arg13[%swap3A_466] {strides = array<i32>} : memref<256xi32, #tpu.memory_space<vmem>>, vector<16xi32>,
      %swap3A_468 = vector.shape_cast %swap3A_467 : vector<16xi32> to vector<16xi32>
      %swap3A_469 = vector.shape_cast %get3A_465 : vector<16xi32> to vector<16xi32>
      tpu.vector_store %arg13[%swap3A_466], %swap3A_469 {strides = array<i32>} : memref<256xi32, #tpu.memory_space<vmem>>, vector<16xi32>,
      %add3A_470 = arith.constant 160 : i32
      %add3A_471 = arith.addi %mul3A_301, %add3A_470 : i32
      %get3A_472 = arith.index_cast %add3A_471 : i32 to index
      %get3A_473 = tpu.vector_load %arg10[%get3A_472] {strides = array<i32>} : memref<8192xi32, #tpu.memory_space<vmem>>, vector<16xi32>,
      %swap3A_474 = arith.constant 160 : index
      %swap3A_475 = tpu.vector_load %arg14[%swap3A_474] {strides = array<i32>} : memref<256xi32, #tpu.memory_space<vmem>>, vector<16xi32>,
      %swap3A_476 = vector.shape_cast %swap3A_475 : vector<16xi32> to vector<16xi32>
      %swap3A_477 = vector.shape_cast %get3A_473 : vector<16xi32> to vector<16xi32>
      tpu.vector_store %arg14[%swap3A_474], %swap3A_477 {strides = array<i32>} : memref<256xi32, #tpu.memory_space<vmem>>, vector<16xi32>,
      %add3A_478 = arith.constant 176 : i32
      %add3A_479 = arith.addi %mul3A_301, %add3A_478 : i32
      %get3A_480 = arith.index_cast %add3A_479 : i32 to index
      %get3A_481 = tpu.vector_load %arg9[%get3A_480] {strides = array<i32>} : memref<8192xi32, #tpu.memory_space<vmem>>, vector<16xi32>,
      %swap3A_482 = arith.constant 176 : index
      %swap3A_483 = tpu.vector_load %arg13[%swap3A_482] {strides = array<i32>} : memref<256xi32, #tpu.memory_space<vmem>>, vector<16xi32>,
      %swap3A_484 = vector.shape_cast %swap3A_483 : vector<16xi32> to vector<16xi32>
      %swap3A_485 = vector.shape_cast %get3A_481 : vector<16xi32> to vector<16xi32>
      tpu.vector_store %arg13[%swap3A_482], %swap3A_485 {strides = array<i32>} : memref<256xi32, #tpu.memory_space<vmem>>, vector<16xi32>,
      %add3A_486 = arith.constant 176 : i32
      %add3A_487 = arith.addi %mul3A_301, %add3A_486 : i32
      %get3A_488 = arith.index_cast %add3A_487 : i32 to index
      %get3A_489 = tpu.vector_load %arg10[%get3A_488] {strides = array<i32>} : memref<8192xi32, #tpu.memory_space<vmem>>, vector<16xi32>,
      %swap3A_490 = arith.constant 176 : index
      %swap3A_491 = tpu.vector_load %arg14[%swap3A_490] {strides = array<i32>} : memref<256xi32, #tpu.memory_space<vmem>>, vector<16xi32>,
      %swap3A_492 = vector.shape_cast %swap3A_491 : vector<16xi32> to vector<16xi32>
      %swap3A_493 = vector.shape_cast %get3A_489 : vector<16xi32> to vector<16xi32>
      tpu.vector_store %arg14[%swap3A_490], %swap3A_493 {strides = array<i32>} : memref<256xi32, #tpu.memory_space<vmem>>, vector<16xi32>,
      %add3A_494 = arith.constant 192 : i32
      %add3A_495 = arith.addi %mul3A_301, %add3A_494 : i32
      %get3A_496 = arith.index_cast %add3A_495 : i32 to index
      %get3A_497 = tpu.vector_load %arg9[%get3A_496] {strides = array<i32>} : memref<8192xi32, #tpu.memory_space<vmem>>, vector<16xi32>,
      %swap3A_498 = arith.constant 192 : index
      %swap3A_499 = tpu.vector_load %arg13[%swap3A_498] {strides = array<i32>} : memref<256xi32, #tpu.memory_space<vmem>>, vector<16xi32>,
      %swap3A_500 = vector.shape_cast %swap3A_499 : vector<16xi32> to vector<16xi32>
      %swap3A_501 = vector.shape_cast %get3A_497 : vector<16xi32> to vector<16xi32>
      tpu.vector_store %arg13[%swap3A_498], %swap3A_501 {strides = array<i32>} : memref<256xi32, #tpu.memory_space<vmem>>, vector<16xi32>,
      %add3A_502 = arith.constant 192 : i32
      %add3A_503 = arith.addi %mul3A_301, %add3A_502 : i32
      %get3A_504 = arith.index_cast %add3A_503 : i32 to index
      %get3A_505 = tpu.vector_load %arg10[%get3A_504] {strides = array<i32>} : memref<8192xi32, #tpu.memory_space<vmem>>, vector<16xi32>,
      %swap3A_506 = arith.constant 192 : index
      %swap3A_507 = tpu.vector_load %arg14[%swap3A_506] {strides = array<i32>} : memref<256xi32, #tpu.memory_space<vmem>>, vector<16xi32>,
      %swap3A_508 = vector.shape_cast %swap3A_507 : vector<16xi32> to vector<16xi32>
      %swap3A_509 = vector.shape_cast %get3A_505 : vector<16xi32> to vector<16xi32>
      tpu.vector_store %arg14[%swap3A_506], %swap3A_509 {strides = array<i32>} : memref<256xi32, #tpu.memory_space<vmem>>, vector<16xi32>,
      %add3A_510 = arith.constant 208 : i32
      %add3A_511 = arith.addi %mul3A_301, %add3A_510 : i32
      %get3A_512 = arith.index_cast %add3A_511 : i32 to index
      %get3A_513 = tpu.vector_load %arg9[%get3A_512] {strides = array<i32>} : memref<8192xi32, #tpu.memory_space<vmem>>, vector<16xi32>,
      %swap3A_514 = arith.constant 208 : index
      %swap3A_515 = tpu.vector_load %arg13[%swap3A_514] {strides = array<i32>} : memref<256xi32, #tpu.memory_space<vmem>>, vector<16xi32>,
      %swap3A_516 = vector.shape_cast %swap3A_515 : vector<16xi32> to vector<16xi32>
      %swap3A_517 = vector.shape_cast %get3A_513 : vector<16xi32> to vector<16xi32>
      tpu.vector_store %arg13[%swap3A_514], %swap3A_517 {strides = array<i32>} : memref<256xi32, #tpu.memory_space<vmem>>, vector<16xi32>,
      %add3A_518 = arith.constant 208 : i32
      %add3A_519 = arith.addi %mul3A_301, %add3A_518 : i32
      %get3A_520 = arith.index_cast %add3A_519 : i32 to index
      %get3A_521 = tpu.vector_load %arg10[%get3A_520] {strides = array<i32>} : memref<8192xi32, #tpu.memory_space<vmem>>, vector<16xi32>,
      %swap3A_522 = arith.constant 208 : index
      %swap3A_523 = tpu.vector_load %arg14[%swap3A_522] {strides = array<i32>} : memref<256xi32, #tpu.memory_space<vmem>>, vector<16xi32>,
      %swap3A_524 = vector.shape_cast %swap3A_523 : vector<16xi32> to vector<16xi32>
      %swap3A_525 = vector.shape_cast %get3A_521 : vector<16xi32> to vector<16xi32>
      tpu.vector_store %arg14[%swap3A_522], %swap3A_525 {strides = array<i32>} : memref<256xi32, #tpu.memory_space<vmem>>, vector<16xi32>,
      %add3A_526 = arith.constant 224 : i32
      %add3A_527 = arith.addi %mul3A_301, %add3A_526 : i32
      %get3A_528 = arith.index_cast %add3A_527 : i32 to index
      %get3A_529 = tpu.vector_load %arg9[%get3A_528] {strides = array<i32>} : memref<8192xi32, #tpu.memory_space<vmem>>, vector<16xi32>,
      %swap3A_530 = arith.constant 224 : index
      %swap3A_531 = tpu.vector_load %arg13[%swap3A_530] {strides = array<i32>} : memref<256xi32, #tpu.memory_space<vmem>>, vector<16xi32>,
      %swap3A_532 = vector.shape_cast %swap3A_531 : vector<16xi32> to vector<16xi32>
      %swap3A_533 = vector.shape_cast %get3A_529 : vector<16xi32> to vector<16xi32>
      tpu.vector_store %arg13[%swap3A_530], %swap3A_533 {strides = array<i32>} : memref<256xi32, #tpu.memory_space<vmem>>, vector<16xi32>,
      %add3A_534 = arith.constant 224 : i32
      %add3A_535 = arith.addi %mul3A_301, %add3A_534 : i32
      %get3A_536 = arith.index_cast %add3A_535 : i32 to index
      %get3A_537 = tpu.vector_load %arg10[%get3A_536] {strides = array<i32>} : memref<8192xi32, #tpu.memory_space<vmem>>, vector<16xi32>,
      %swap3A_538 = arith.constant 224 : index
      %swap3A_539 = tpu.vector_load %arg14[%swap3A_538] {strides = array<i32>} : memref<256xi32, #tpu.memory_space<vmem>>, vector<16xi32>,
      %swap3A_540 = vector.shape_cast %swap3A_539 : vector<16xi32> to vector<16xi32>
      %swap3A_541 = vector.shape_cast %get3A_537 : vector<16xi32> to vector<16xi32>
      tpu.vector_store %arg14[%swap3A_538], %swap3A_541 {strides = array<i32>} : memref<256xi32, #tpu.memory_space<vmem>>, vector<16xi32>,
      %add3A_542 = arith.constant 240 : i32
      %add3A_543 = arith.addi %mul3A_301, %add3A_542 : i32
      %get3A_544 = arith.index_cast %add3A_543 : i32 to index
      %get3A_545 = tpu.vector_load %arg9[%get3A_544] {strides = array<i32>} : memref<8192xi32, #tpu.memory_space<vmem>>, vector<16xi32>,
      %swap3A_546 = arith.constant 240 : index
      %swap3A_547 = tpu.vector_load %arg13[%swap3A_546] {strides = array<i32>} : memref<256xi32, #tpu.memory_space<vmem>>, vector<16xi32>,
      %swap3A_548 = vector.shape_cast %swap3A_547 : vector<16xi32> to vector<16xi32>
      %swap3A_549 = vector.shape_cast %get3A_545 : vector<16xi32> to vector<16xi32>
      tpu.vector_store %arg13[%swap3A_546], %swap3A_549 {strides = array<i32>} : memref<256xi32, #tpu.memory_space<vmem>>, vector<16xi32>,
      %add3A_550 = arith.constant 240 : i32
      %add3A_551 = arith.addi %mul3A_301, %add3A_550 : i32
      %get3A_552 = arith.index_cast %add3A_551 : i32 to index
      %get3A_553 = tpu.vector_load %arg10[%get3A_552] {strides = array<i32>} : memref<8192xi32, #tpu.memory_space<vmem>>, vector<16xi32>,
      %swap3A_554 = arith.constant 240 : index
      %swap3A_555 = tpu.vector_load %arg14[%swap3A_554] {strides = array<i32>} : memref<256xi32, #tpu.memory_space<vmem>>, vector<16xi32>,
      %swap3A_556 = vector.shape_cast %swap3A_555 : vector<16xi32> to vector<16xi32>
      %swap3A_557 = vector.shape_cast %get3A_553 : vector<16xi32> to vector<16xi32>
      tpu.vector_store %arg14[%swap3A_554], %swap3A_557 {strides = array<i32>} : memref<256xi32, #tpu.memory_space<vmem>>, vector<16xi32>,
      %dma_start3A_558 = arith.constant 0 : i32
      %dma_start3A_559 = arith.constant 0 : i32
      %dma_start3A_560 = tpu.memref_slice %arg2[%dma_start3A_558, %dma_start3A_559] : memref<16384x64xf32, #tpu.memory_space<hbm>> -> memref<16384x64xf32, #tpu.memory_space<hbm>>
      tpu.enqueue_indirect_dma source(%dma_start3A_560 : memref<16384x64xf32, #tpu.memory_space<hbm>>) target(%arg16 : memref<256x64xf32, #tpu.memory_space<vmem>>) offsets(%arg13 : memref<256xi32, #tpu.memory_space<vmem>>) semaphore(%arg19 : memref<!tpu.dma_semaphore, #tpu.memory_space<semaphore_mem>>)
      %dma_wait3A = arith.constant 0 : i32
      %dma_wait3A_561 = arith.constant 0 : i32
      %dma_wait3A_562 = tpu.memref_slice %arg2[%dma_wait3A, %dma_wait3A_561] : memref<16384x64xf32, #tpu.memory_space<hbm>> -> memref<16384x64xf32, #tpu.memory_space<hbm>>
      tpu.wait_indirect_dma semaphore(%arg18 : memref<!tpu.dma_semaphore, #tpu.memory_space<semaphore_mem>>) src(%dma_wait3A_562 : memref<16384x64xf32, #tpu.memory_space<hbm>>) dst(%arg15 : memref<256x64xf32, #tpu.memory_space<vmem>>)
      %dma_start3A_563 = arith.constant 0 : i32
      %dma_start3A_564 = arith.constant 0 : i32
      %dma_start3A_565 = tpu.memref_slice %arg17[%dma_start3A_563, %dma_start3A_564] : memref<16384x64xf32, #tpu.memory_space<vmem_shared>> -> memref<16384x64xf32, #tpu.memory_space<vmem_shared>>
      tpu.enqueue_indirect_dma source(%arg15 : memref<256x64xf32, #tpu.memory_space<vmem>>) target(%dma_start3A_565 : memref<16384x64xf32, #tpu.memory_space<vmem_shared>>) offsets(%arg12 : memref<256xi32, #tpu.memory_space<vmem>>) semaphore(%arg20 : memref<!tpu.dma_semaphore, #tpu.memory_space<semaphore_mem>>) {add = true}
      %dma_wait3A_566 = arith.constant 0 : i32
      %dma_wait3A_567 = arith.constant 0 : i32
      %dma_wait3A_568 = tpu.memref_slice %arg2[%dma_wait3A_566, %dma_wait3A_567] : memref<16384x64xf32, #tpu.memory_space<hbm>> -> memref<16384x64xf32, #tpu.memory_space<hbm>>
      tpu.wait_indirect_dma semaphore(%arg19 : memref<!tpu.dma_semaphore, #tpu.memory_space<semaphore_mem>>) src(%dma_wait3A_568 : memref<16384x64xf32, #tpu.memory_space<hbm>>) dst(%arg16 : memref<256x64xf32, #tpu.memory_space<vmem>>)
      %dma_start3A_569 = arith.constant 0 : i32
      %dma_start3A_570 = arith.constant 0 : i32
      %dma_start3A_571 = tpu.memref_slice %arg17[%dma_start3A_569, %dma_start3A_570] : memref<16384x64xf32, #tpu.memory_space<vmem_shared>> -> memref<16384x64xf32, #tpu.memory_space<vmem_shared>>
      tpu.enqueue_indirect_dma source(%arg16 : memref<256x64xf32, #tpu.memory_space<vmem>>) target(%dma_start3A_571 : memref<16384x64xf32, #tpu.memory_space<vmem_shared>>) offsets(%arg14 : memref<256xi32, #tpu.memory_space<vmem>>) semaphore(%arg20 : memref<!tpu.dma_semaphore, #tpu.memory_space<semaphore_mem>>) {add = true}
      %dma_wait3A_572 = arith.constant 0 : i32
      %dma_wait3A_573 = arith.constant 0 : i32
      %dma_wait3A_574 = tpu.memref_slice %arg17[%dma_wait3A_572, %dma_wait3A_573] : memref<16384x64xf32, #tpu.memory_space<vmem_shared>> -> memref<16384x64xf32, #tpu.memory_space<vmem_shared>>
      tpu.wait_indirect_dma semaphore(%arg20 : memref<!tpu.dma_semaphore, #tpu.memory_space<semaphore_mem>>) src(%arg15 : memref<256x64xf32, #tpu.memory_space<vmem>>) dst(%dma_wait3A_574 : memref<16384x64xf32, #tpu.memory_space<vmem_shared>>)
      %dma_wait3A_575 = arith.constant 0 : i32
      %dma_wait3A_576 = arith.constant 0 : i32
      %dma_wait3A_577 = tpu.memref_slice %arg17[%dma_wait3A_575, %dma_wait3A_576] : memref<16384x64xf32, #tpu.memory_space<vmem_shared>> -> memref<16384x64xf32, #tpu.memory_space<vmem_shared>>
      tpu.wait_indirect_dma semaphore(%arg20 : memref<!tpu.dma_semaphore, #tpu.memory_space<semaphore_mem>>) src(%arg16 : memref<256x64xf32, #tpu.memory_space<vmem>>) dst(%dma_wait3A_577 : memref<16384x64xf32, #tpu.memory_space<vmem_shared>>)
    }
    %scan3A_9 = arith.constant 16 : i32
    %barrier3A_10 = arith.constant 0 : index
    tpu.barrier barrier_id(%barrier3A_10)
    %mul3A_11 = arith.constant 1024 : i32
    %mul3A_12 = arith.muli %arg1, %mul3A_11 : i32
    %mul3A_13 = arith.constant 16384 : i32
    %mul3A_14 = arith.muli %arg0, %mul3A_13 : i32
    %mul3A_15 = arith.constant 1024 : i32
    %mul3A_16 = arith.muli %arg1, %mul3A_15 : i32
    %add3A_17 = arith.addi %mul3A_14, %mul3A_16 : i32
    "tpu.region"() ({
      %run_scoped3A = tpu.sem_alloc : memref<!tpu.dma_semaphore, #tpu.memory_space<semaphore_mem>>
      %dma_start3A = arith.constant 0 : i32
      %dma_start3A_35 = tpu.memref_slice %arg7[%add3A_17, %dma_start3A] : memref<32768x64xf32, #tpu.memory_space<hbm>> -> memref<1024x64xf32, #tpu.memory_space<hbm>>
      %dma_start3A_36 = arith.constant 0 : i32
      %dma_start3A_37 = tpu.memref_slice %arg17[%mul3A_12, %dma_start3A_36] : memref<16384x64xf32, #tpu.memory_space<vmem_shared>> -> memref<1024x64xf32, #tpu.memory_space<vmem_shared>>
      tpu.enqueue_dma source(%dma_start3A_37 : memref<1024x64xf32, #tpu.memory_space<vmem_shared>>) target(%dma_start3A_35 : memref<1024x64xf32, #tpu.memory_space<hbm>>) target_semaphore(%run_scoped3A : memref<!tpu.dma_semaphore, #tpu.memory_space<semaphore_mem>>)
      %dma_wait3A = arith.constant 0 : i32
      %dma_wait3A_38 = tpu.memref_slice %arg7[%add3A_17, %dma_wait3A] : memref<32768x64xf32, #tpu.memory_space<hbm>> -> memref<1024x64xf32, #tpu.memory_space<hbm>>
      %dma_wait3A_39 = arith.constant 0 : i32
      %dma_wait3A_40 = tpu.memref_slice %arg17[%mul3A_12, %dma_wait3A_39] : memref<16384x64xf32, #tpu.memory_space<vmem_shared>> -> memref<1024x64xf32, #tpu.memory_space<vmem_shared>>
      tpu.wait_dma2 semaphore(%run_scoped3A : memref<!tpu.dma_semaphore, #tpu.memory_space<semaphore_mem>>) src(%dma_wait3A_40 : memref<1024x64xf32, #tpu.memory_space<vmem_shared>>) dst(%dma_wait3A_38 : memref<1024x64xf32, #tpu.memory_space<hbm>>)
      tpu.yield
    }) : () -> ()
    %mul3A_18 = arith.constant 1024 : i32
    %mul3A_19 = arith.muli %arg1, %mul3A_18 : i32
    "tpu.region"() ({
      %run_scoped3A = tpu.sem_alloc : memref<!tpu.dma_semaphore, #tpu.memory_space<semaphore_mem>>
      %dma_start3A = arith.constant 0 : i32
      %dma_start3A_35 = tpu.memref_slice %arg17[%mul3A_19, %dma_start3A] : memref<16384x64xf32, #tpu.memory_space<vmem_shared>> -> memref<1024x64xf32, #tpu.memory_space<vmem_shared>>
      tpu.enqueue_dma source(%arg6 : memref<1024x64xf32, #tpu.memory_space<hbm>>) target(%dma_start3A_35 : memref<1024x64xf32, #tpu.memory_space<vmem_shared>>) target_semaphore(%run_scoped3A : memref<!tpu.dma_semaphore, #tpu.memory_space<semaphore_mem>>)
      %dma_wait3A = arith.constant 0 : i32
      %dma_wait3A_36 = tpu.memref_slice %arg17[%mul3A_19, %dma_wait3A] : memref<16384x64xf32, #tpu.memory_space<vmem_shared>> -> memref<1024x64xf32, #tpu.memory_space<vmem_shared>>
      tpu.wait_dma2 semaphore(%run_scoped3A : memref<!tpu.dma_semaphore, #tpu.memory_space<semaphore_mem>>) src(%arg6 : memref<1024x64xf32, #tpu.memory_space<hbm>>) dst(%dma_wait3A_36 : memref<1024x64xf32, #tpu.memory_space<vmem_shared>>)
      tpu.yield
    }) : () -> ()
    %barrier3A_20 = arith.constant 0 : index
    tpu.barrier barrier_id(%barrier3A_20)
    %scan3A_21 = arith.constant 0 : i32
    %scan3A_22 = arith.constant 0 : i32
    %scan3A_23 = arith.constant 16 : i32
    %scan3A_24 = arith.addi %scan3A_22, %scan3A_23 : i32
    %scan3A_25 = arith.constant 1 : i32
    scf.for %scan3A_35 = %scan3A_22 to %scan3A_24 step %scan3A_25  : i32 {
      %mul3A_36 = arith.constant 2 : i32
      %mul3A_37 = arith.muli %mul3A_36, %scan3A_35 : i32
      %mul3A_38 = arith.constant 256 : i32
      %mul3A_39 = arith.muli %mul3A_37, %mul3A_38 : i32
      %add3A_40 = arith.constant 0 : i32
      %add3A_41 = arith.addi %mul3A_39, %add3A_40 : i32
      %get3A = arith.index_cast %add3A_41 : i32 to index
      %get3A_42 = tpu.vector_load %arg9[%get3A] {strides = array<i32>} : memref<8192xi32, #tpu.memory_space<vmem>>, vector<16xi32>,
      %swap3A = arith.constant 0 : index
      %swap3A_43 = tpu.vector_load %arg11[%swap3A] {strides = array<i32>} : memref<256xi32, #tpu.memory_space<vmem>>, vector<16xi32>,
      %swap3A_44 = vector.shape_cast %swap3A_43 : vector<16xi32> to vector<16xi32>
      %swap3A_45 = vector.shape_cast %get3A_42 : vector<16xi32> to vector<16xi32>
      tpu.vector_store %arg11[%swap3A], %swap3A_45 {strides = array<i32>} : memref<256xi32, #tpu.memory_space<vmem>>, vector<16xi32>,
      %add3A_46 = arith.constant 0 : i32
      %add3A_47 = arith.addi %mul3A_39, %add3A_46 : i32
      %get3A_48 = arith.index_cast %add3A_47 : i32 to index
      %get3A_49 = tpu.vector_load %arg10[%get3A_48] {strides = array<i32>} : memref<8192xi32, #tpu.memory_space<vmem>>, vector<16xi32>,
      %swap3A_50 = arith.constant 0 : index
      %swap3A_51 = tpu.vector_load %arg12[%swap3A_50] {strides = array<i32>} : memref<256xi32, #tpu.memory_space<vmem>>, vector<16xi32>,
      %swap3A_52 = vector.shape_cast %swap3A_51 : vector<16xi32> to vector<16xi32>
      %swap3A_53 = vector.shape_cast %get3A_49 : vector<16xi32> to vector<16xi32>
      tpu.vector_store %arg12[%swap3A_50], %swap3A_53 {strides = array<i32>} : memref<256xi32, #tpu.memory_space<vmem>>, vector<16xi32>,
      %add3A_54 = arith.constant 16 : i32
      %add3A_55 = arith.addi %mul3A_39, %add3A_54 : i32
      %get3A_56 = arith.index_cast %add3A_55 : i32 to index
      %get3A_57 = tpu.vector_load %arg9[%get3A_56] {strides = array<i32>} : memref<8192xi32, #tpu.memory_space<vmem>>, vector<16xi32>,
      %swap3A_58 = arith.constant 16 : index
      %swap3A_59 = tpu.vector_load %arg11[%swap3A_58] {strides = array<i32>} : memref<256xi32, #tpu.memory_space<vmem>>, vector<16xi32>,
      %swap3A_60 = vector.shape_cast %swap3A_59 : vector<16xi32> to vector<16xi32>
      %swap3A_61 = vector.shape_cast %get3A_57 : vector<16xi32> to vector<16xi32>
      tpu.vector_store %arg11[%swap3A_58], %swap3A_61 {strides = array<i32>} : memref<256xi32, #tpu.memory_space<vmem>>, vector<16xi32>,
      %add3A_62 = arith.constant 16 : i32
      %add3A_63 = arith.addi %mul3A_39, %add3A_62 : i32
      %get3A_64 = arith.index_cast %add3A_63 : i32 to index
      %get3A_65 = tpu.vector_load %arg10[%get3A_64] {strides = array<i32>} : memref<8192xi32, #tpu.memory_space<vmem>>, vector<16xi32>,
      %swap3A_66 = arith.constant 16 : index
      %swap3A_67 = tpu.vector_load %arg12[%swap3A_66] {strides = array<i32>} : memref<256xi32, #tpu.memory_space<vmem>>, vector<16xi32>,
      %swap3A_68 = vector.shape_cast %swap3A_67 : vector<16xi32> to vector<16xi32>
      %swap3A_69 = vector.shape_cast %get3A_65 : vector<16xi32> to vector<16xi32>
      tpu.vector_store %arg12[%swap3A_66], %swap3A_69 {strides = array<i32>} : memref<256xi32, #tpu.memory_space<vmem>>, vector<16xi32>,
      %add3A_70 = arith.constant 32 : i32
      %add3A_71 = arith.addi %mul3A_39, %add3A_70 : i32
      %get3A_72 = arith.index_cast %add3A_71 : i32 to index
      %get3A_73 = tpu.vector_load %arg9[%get3A_72] {strides = array<i32>} : memref<8192xi32, #tpu.memory_space<vmem>>, vector<16xi32>,
      %swap3A_74 = arith.constant 32 : index
      %swap3A_75 = tpu.vector_load %arg11[%swap3A_74] {strides = array<i32>} : memref<256xi32, #tpu.memory_space<vmem>>, vector<16xi32>,
      %swap3A_76 = vector.shape_cast %swap3A_75 : vector<16xi32> to vector<16xi32>
      %swap3A_77 = vector.shape_cast %get3A_73 : vector<16xi32> to vector<16xi32>
      tpu.vector_store %arg11[%swap3A_74], %swap3A_77 {strides = array<i32>} : memref<256xi32, #tpu.memory_space<vmem>>, vector<16xi32>,
      %add3A_78 = arith.constant 32 : i32
      %add3A_79 = arith.addi %mul3A_39, %add3A_78 : i32
      %get3A_80 = arith.index_cast %add3A_79 : i32 to index
      %get3A_81 = tpu.vector_load %arg10[%get3A_80] {strides = array<i32>} : memref<8192xi32, #tpu.memory_space<vmem>>, vector<16xi32>,
      %swap3A_82 = arith.constant 32 : index
      %swap3A_83 = tpu.vector_load %arg12[%swap3A_82] {strides = array<i32>} : memref<256xi32, #tpu.memory_space<vmem>>, vector<16xi32>,
      %swap3A_84 = vector.shape_cast %swap3A_83 : vector<16xi32> to vector<16xi32>
      %swap3A_85 = vector.shape_cast %get3A_81 : vector<16xi32> to vector<16xi32>
      tpu.vector_store %arg12[%swap3A_82], %swap3A_85 {strides = array<i32>} : memref<256xi32, #tpu.memory_space<vmem>>, vector<16xi32>,
      %add3A_86 = arith.constant 48 : i32
      %add3A_87 = arith.addi %mul3A_39, %add3A_86 : i32
      %get3A_88 = arith.index_cast %add3A_87 : i32 to index
      %get3A_89 = tpu.vector_load %arg9[%get3A_88] {strides = array<i32>} : memref<8192xi32, #tpu.memory_space<vmem>>, vector<16xi32>,
      %swap3A_90 = arith.constant 48 : index
      %swap3A_91 = tpu.vector_load %arg11[%swap3A_90] {strides = array<i32>} : memref<256xi32, #tpu.memory_space<vmem>>, vector<16xi32>,
      %swap3A_92 = vector.shape_cast %swap3A_91 : vector<16xi32> to vector<16xi32>
      %swap3A_93 = vector.shape_cast %get3A_89 : vector<16xi32> to vector<16xi32>
      tpu.vector_store %arg11[%swap3A_90], %swap3A_93 {strides = array<i32>} : memref<256xi32, #tpu.memory_space<vmem>>, vector<16xi32>,
      %add3A_94 = arith.constant 48 : i32
      %add3A_95 = arith.addi %mul3A_39, %add3A_94 : i32
      %get3A_96 = arith.index_cast %add3A_95 : i32 to index
      %get3A_97 = tpu.vector_load %arg10[%get3A_96] {strides = array<i32>} : memref<8192xi32, #tpu.memory_space<vmem>>, vector<16xi32>,
      %swap3A_98 = arith.constant 48 : index
      %swap3A_99 = tpu.vector_load %arg12[%swap3A_98] {strides = array<i32>} : memref<256xi32, #tpu.memory_space<vmem>>, vector<16xi32>,
      %swap3A_100 = vector.shape_cast %swap3A_99 : vector<16xi32> to vector<16xi32>
      %swap3A_101 = vector.shape_cast %get3A_97 : vector<16xi32> to vector<16xi32>
      tpu.vector_store %arg12[%swap3A_98], %swap3A_101 {strides = array<i32>} : memref<256xi32, #tpu.memory_space<vmem>>, vector<16xi32>,
      %add3A_102 = arith.constant 64 : i32
      %add3A_103 = arith.addi %mul3A_39, %add3A_102 : i32
      %get3A_104 = arith.index_cast %add3A_103 : i32 to index
      %get3A_105 = tpu.vector_load %arg9[%get3A_104] {strides = array<i32>} : memref<8192xi32, #tpu.memory_space<vmem>>, vector<16xi32>,
      %swap3A_106 = arith.constant 64 : index
      %swap3A_107 = tpu.vector_load %arg11[%swap3A_106] {strides = array<i32>} : memref<256xi32, #tpu.memory_space<vmem>>, vector<16xi32>,
      %swap3A_108 = vector.shape_cast %swap3A_107 : vector<16xi32> to vector<16xi32>
      %swap3A_109 = vector.shape_cast %get3A_105 : vector<16xi32> to vector<16xi32>
      tpu.vector_store %arg11[%swap3A_106], %swap3A_109 {strides = array<i32>} : memref<256xi32, #tpu.memory_space<vmem>>, vector<16xi32>,
      %add3A_110 = arith.constant 64 : i32
      %add3A_111 = arith.addi %mul3A_39, %add3A_110 : i32
      %get3A_112 = arith.index_cast %add3A_111 : i32 to index
      %get3A_113 = tpu.vector_load %arg10[%get3A_112] {strides = array<i32>} : memref<8192xi32, #tpu.memory_space<vmem>>, vector<16xi32>,
      %swap3A_114 = arith.constant 64 : index
      %swap3A_115 = tpu.vector_load %arg12[%swap3A_114] {strides = array<i32>} : memref<256xi32, #tpu.memory_space<vmem>>, vector<16xi32>,
      %swap3A_116 = vector.shape_cast %swap3A_115 : vector<16xi32> to vector<16xi32>
      %swap3A_117 = vector.shape_cast %get3A_113 : vector<16xi32> to vector<16xi32>
      tpu.vector_store %arg12[%swap3A_114], %swap3A_117 {strides = array<i32>} : memref<256xi32, #tpu.memory_space<vmem>>, vector<16xi32>,
      %add3A_118 = arith.constant 80 : i32
      %add3A_119 = arith.addi %mul3A_39, %add3A_118 : i32
      %get3A_120 = arith.index_cast %add3A_119 : i32 to index
      %get3A_121 = tpu.vector_load %arg9[%get3A_120] {strides = array<i32>} : memref<8192xi32, #tpu.memory_space<vmem>>, vector<16xi32>,
      %swap3A_122 = arith.constant 80 : index
      %swap3A_123 = tpu.vector_load %arg11[%swap3A_122] {strides = array<i32>} : memref<256xi32, #tpu.memory_space<vmem>>, vector<16xi32>,
      %swap3A_124 = vector.shape_cast %swap3A_123 : vector<16xi32> to vector<16xi32>
      %swap3A_125 = vector.shape_cast %get3A_121 : vector<16xi32> to vector<16xi32>
      tpu.vector_store %arg11[%swap3A_122], %swap3A_125 {strides = array<i32>} : memref<256xi32, #tpu.memory_space<vmem>>, vector<16xi32>,
      %add3A_126 = arith.constant 80 : i32
      %add3A_127 = arith.addi %mul3A_39, %add3A_126 : i32
      %get3A_128 = arith.index_cast %add3A_127 : i32 to index
      %get3A_129 = tpu.vector_load %arg10[%get3A_128] {strides = array<i32>} : memref<8192xi32, #tpu.memory_space<vmem>>, vector<16xi32>,
      %swap3A_130 = arith.constant 80 : index
      %swap3A_131 = tpu.vector_load %arg12[%swap3A_130] {strides = array<i32>} : memref<256xi32, #tpu.memory_space<vmem>>, vector<16xi32>,
      %swap3A_132 = vector.shape_cast %swap3A_131 : vector<16xi32> to vector<16xi32>
      %swap3A_133 = vector.shape_cast %get3A_129 : vector<16xi32> to vector<16xi32>
      tpu.vector_store %arg12[%swap3A_130], %swap3A_133 {strides = array<i32>} : memref<256xi32, #tpu.memory_space<vmem>>, vector<16xi32>,
      %add3A_134 = arith.constant 96 : i32
      %add3A_135 = arith.addi %mul3A_39, %add3A_134 : i32
      %get3A_136 = arith.index_cast %add3A_135 : i32 to index
      %get3A_137 = tpu.vector_load %arg9[%get3A_136] {strides = array<i32>} : memref<8192xi32, #tpu.memory_space<vmem>>, vector<16xi32>,
      %swap3A_138 = arith.constant 96 : index
      %swap3A_139 = tpu.vector_load %arg11[%swap3A_138] {strides = array<i32>} : memref<256xi32, #tpu.memory_space<vmem>>, vector<16xi32>,
      %swap3A_140 = vector.shape_cast %swap3A_139 : vector<16xi32> to vector<16xi32>
      %swap3A_141 = vector.shape_cast %get3A_137 : vector<16xi32> to vector<16xi32>
      tpu.vector_store %arg11[%swap3A_138], %swap3A_141 {strides = array<i32>} : memref<256xi32, #tpu.memory_space<vmem>>, vector<16xi32>,
      %add3A_142 = arith.constant 96 : i32
      %add3A_143 = arith.addi %mul3A_39, %add3A_142 : i32
      %get3A_144 = arith.index_cast %add3A_143 : i32 to index
      %get3A_145 = tpu.vector_load %arg10[%get3A_144] {strides = array<i32>} : memref<8192xi32, #tpu.memory_space<vmem>>, vector<16xi32>,
      %swap3A_146 = arith.constant 96 : index
      %swap3A_147 = tpu.vector_load %arg12[%swap3A_146] {strides = array<i32>} : memref<256xi32, #tpu.memory_space<vmem>>, vector<16xi32>,
      %swap3A_148 = vector.shape_cast %swap3A_147 : vector<16xi32> to vector<16xi32>
      %swap3A_149 = vector.shape_cast %get3A_145 : vector<16xi32> to vector<16xi32>
      tpu.vector_store %arg12[%swap3A_146], %swap3A_149 {strides = array<i32>} : memref<256xi32, #tpu.memory_space<vmem>>, vector<16xi32>,
      %add3A_150 = arith.constant 112 : i32
      %add3A_151 = arith.addi %mul3A_39, %add3A_150 : i32
      %get3A_152 = arith.index_cast %add3A_151 : i32 to index
      %get3A_153 = tpu.vector_load %arg9[%get3A_152] {strides = array<i32>} : memref<8192xi32, #tpu.memory_space<vmem>>, vector<16xi32>,
      %swap3A_154 = arith.constant 112 : index
      %swap3A_155 = tpu.vector_load %arg11[%swap3A_154] {strides = array<i32>} : memref<256xi32, #tpu.memory_space<vmem>>, vector<16xi32>,
      %swap3A_156 = vector.shape_cast %swap3A_155 : vector<16xi32> to vector<16xi32>
      %swap3A_157 = vector.shape_cast %get3A_153 : vector<16xi32> to vector<16xi32>
      tpu.vector_store %arg11[%swap3A_154], %swap3A_157 {strides = array<i32>} : memref<256xi32, #tpu.memory_space<vmem>>, vector<16xi32>,
      %add3A_158 = arith.constant 112 : i32
      %add3A_159 = arith.addi %mul3A_39, %add3A_158 : i32
      %get3A_160 = arith.index_cast %add3A_159 : i32 to index
      %get3A_161 = tpu.vector_load %arg10[%get3A_160] {strides = array<i32>} : memref<8192xi32, #tpu.memory_space<vmem>>, vector<16xi32>,
      %swap3A_162 = arith.constant 112 : index
      %swap3A_163 = tpu.vector_load %arg12[%swap3A_162] {strides = array<i32>} : memref<256xi32, #tpu.memory_space<vmem>>, vector<16xi32>,
      %swap3A_164 = vector.shape_cast %swap3A_163 : vector<16xi32> to vector<16xi32>
      %swap3A_165 = vector.shape_cast %get3A_161 : vector<16xi32> to vector<16xi32>
      tpu.vector_store %arg12[%swap3A_162], %swap3A_165 {strides = array<i32>} : memref<256xi32, #tpu.memory_space<vmem>>, vector<16xi32>,
      %add3A_166 = arith.constant 128 : i32
      %add3A_167 = arith.addi %mul3A_39, %add3A_166 : i32
      %get3A_168 = arith.index_cast %add3A_167 : i32 to index
      %get3A_169 = tpu.vector_load %arg9[%get3A_168] {strides = array<i32>} : memref<8192xi32, #tpu.memory_space<vmem>>, vector<16xi32>,
      %swap3A_170 = arith.constant 128 : index
      %swap3A_171 = tpu.vector_load %arg11[%swap3A_170] {strides = array<i32>} : memref<256xi32, #tpu.memory_space<vmem>>, vector<16xi32>,
      %swap3A_172 = vector.shape_cast %swap3A_171 : vector<16xi32> to vector<16xi32>
      %swap3A_173 = vector.shape_cast %get3A_169 : vector<16xi32> to vector<16xi32>
      tpu.vector_store %arg11[%swap3A_170], %swap3A_173 {strides = array<i32>} : memref<256xi32, #tpu.memory_space<vmem>>, vector<16xi32>,
      %add3A_174 = arith.constant 128 : i32
      %add3A_175 = arith.addi %mul3A_39, %add3A_174 : i32
      %get3A_176 = arith.index_cast %add3A_175 : i32 to index
      %get3A_177 = tpu.vector_load %arg10[%get3A_176] {strides = array<i32>} : memref<8192xi32, #tpu.memory_space<vmem>>, vector<16xi32>,
      %swap3A_178 = arith.constant 128 : index
      %swap3A_179 = tpu.vector_load %arg12[%swap3A_178] {strides = array<i32>} : memref<256xi32, #tpu.memory_space<vmem>>, vector<16xi32>,
      %swap3A_180 = vector.shape_cast %swap3A_179 : vector<16xi32> to vector<16xi32>
      %swap3A_181 = vector.shape_cast %get3A_177 : vector<16xi32> to vector<16xi32>
      tpu.vector_store %arg12[%swap3A_178], %swap3A_181 {strides = array<i32>} : memref<256xi32, #tpu.memory_space<vmem>>, vector<16xi32>,
      %add3A_182 = arith.constant 144 : i32
      %add3A_183 = arith.addi %mul3A_39, %add3A_182 : i32
      %get3A_184 = arith.index_cast %add3A_183 : i32 to index
      %get3A_185 = tpu.vector_load %arg9[%get3A_184] {strides = array<i32>} : memref<8192xi32, #tpu.memory_space<vmem>>, vector<16xi32>,
      %swap3A_186 = arith.constant 144 : index
      %swap3A_187 = tpu.vector_load %arg11[%swap3A_186] {strides = array<i32>} : memref<256xi32, #tpu.memory_space<vmem>>, vector<16xi32>,
      %swap3A_188 = vector.shape_cast %swap3A_187 : vector<16xi32> to vector<16xi32>
      %swap3A_189 = vector.shape_cast %get3A_185 : vector<16xi32> to vector<16xi32>
      tpu.vector_store %arg11[%swap3A_186], %swap3A_189 {strides = array<i32>} : memref<256xi32, #tpu.memory_space<vmem>>, vector<16xi32>,
      %add3A_190 = arith.constant 144 : i32
      %add3A_191 = arith.addi %mul3A_39, %add3A_190 : i32
      %get3A_192 = arith.index_cast %add3A_191 : i32 to index
      %get3A_193 = tpu.vector_load %arg10[%get3A_192] {strides = array<i32>} : memref<8192xi32, #tpu.memory_space<vmem>>, vector<16xi32>,
      %swap3A_194 = arith.constant 144 : index
      %swap3A_195 = tpu.vector_load %arg12[%swap3A_194] {strides = array<i32>} : memref<256xi32, #tpu.memory_space<vmem>>, vector<16xi32>,
      %swap3A_196 = vector.shape_cast %swap3A_195 : vector<16xi32> to vector<16xi32>
      %swap3A_197 = vector.shape_cast %get3A_193 : vector<16xi32> to vector<16xi32>
      tpu.vector_store %arg12[%swap3A_194], %swap3A_197 {strides = array<i32>} : memref<256xi32, #tpu.memory_space<vmem>>, vector<16xi32>,
      %add3A_198 = arith.constant 160 : i32
      %add3A_199 = arith.addi %mul3A_39, %add3A_198 : i32
      %get3A_200 = arith.index_cast %add3A_199 : i32 to index
      %get3A_201 = tpu.vector_load %arg9[%get3A_200] {strides = array<i32>} : memref<8192xi32, #tpu.memory_space<vmem>>, vector<16xi32>,
      %swap3A_202 = arith.constant 160 : index
      %swap3A_203 = tpu.vector_load %arg11[%swap3A_202] {strides = array<i32>} : memref<256xi32, #tpu.memory_space<vmem>>, vector<16xi32>,
      %swap3A_204 = vector.shape_cast %swap3A_203 : vector<16xi32> to vector<16xi32>
      %swap3A_205 = vector.shape_cast %get3A_201 : vector<16xi32> to vector<16xi32>
      tpu.vector_store %arg11[%swap3A_202], %swap3A_205 {strides = array<i32>} : memref<256xi32, #tpu.memory_space<vmem>>, vector<16xi32>,
      %add3A_206 = arith.constant 160 : i32
      %add3A_207 = arith.addi %mul3A_39, %add3A_206 : i32
      %get3A_208 = arith.index_cast %add3A_207 : i32 to index
      %get3A_209 = tpu.vector_load %arg10[%get3A_208] {strides = array<i32>} : memref<8192xi32, #tpu.memory_space<vmem>>, vector<16xi32>,
      %swap3A_210 = arith.constant 160 : index
      %swap3A_211 = tpu.vector_load %arg12[%swap3A_210] {strides = array<i32>} : memref<256xi32, #tpu.memory_space<vmem>>, vector<16xi32>,
      %swap3A_212 = vector.shape_cast %swap3A_211 : vector<16xi32> to vector<16xi32>
      %swap3A_213 = vector.shape_cast %get3A_209 : vector<16xi32> to vector<16xi32>
      tpu.vector_store %arg12[%swap3A_210], %swap3A_213 {strides = array<i32>} : memref<256xi32, #tpu.memory_space<vmem>>, vector<16xi32>,
      %add3A_214 = arith.constant 176 : i32
      %add3A_215 = arith.addi %mul3A_39, %add3A_214 : i32
      %get3A_216 = arith.index_cast %add3A_215 : i32 to index
      %get3A_217 = tpu.vector_load %arg9[%get3A_216] {strides = array<i32>} : memref<8192xi32, #tpu.memory_space<vmem>>, vector<16xi32>,
      %swap3A_218 = arith.constant 176 : index
      %swap3A_219 = tpu.vector_load %arg11[%swap3A_218] {strides = array<i32>} : memref<256xi32, #tpu.memory_space<vmem>>, vector<16xi32>,
      %swap3A_220 = vector.shape_cast %swap3A_219 : vector<16xi32> to vector<16xi32>
      %swap3A_221 = vector.shape_cast %get3A_217 : vector<16xi32> to vector<16xi32>
      tpu.vector_store %arg11[%swap3A_218], %swap3A_221 {strides = array<i32>} : memref<256xi32, #tpu.memory_space<vmem>>, vector<16xi32>,
      %add3A_222 = arith.constant 176 : i32
      %add3A_223 = arith.addi %mul3A_39, %add3A_222 : i32
      %get3A_224 = arith.index_cast %add3A_223 : i32 to index
      %get3A_225 = tpu.vector_load %arg10[%get3A_224] {strides = array<i32>} : memref<8192xi32, #tpu.memory_space<vmem>>, vector<16xi32>,
      %swap3A_226 = arith.constant 176 : index
      %swap3A_227 = tpu.vector_load %arg12[%swap3A_226] {strides = array<i32>} : memref<256xi32, #tpu.memory_space<vmem>>, vector<16xi32>,
      %swap3A_228 = vector.shape_cast %swap3A_227 : vector<16xi32> to vector<16xi32>
      %swap3A_229 = vector.shape_cast %get3A_225 : vector<16xi32> to vector<16xi32>
      tpu.vector_store %arg12[%swap3A_226], %swap3A_229 {strides = array<i32>} : memref<256xi32, #tpu.memory_space<vmem>>, vector<16xi32>,
      %add3A_230 = arith.constant 192 : i32
      %add3A_231 = arith.addi %mul3A_39, %add3A_230 : i32
      %get3A_232 = arith.index_cast %add3A_231 : i32 to index
      %get3A_233 = tpu.vector_load %arg9[%get3A_232] {strides = array<i32>} : memref<8192xi32, #tpu.memory_space<vmem>>, vector<16xi32>,
      %swap3A_234 = arith.constant 192 : index
      %swap3A_235 = tpu.vector_load %arg11[%swap3A_234] {strides = array<i32>} : memref<256xi32, #tpu.memory_space<vmem>>, vector<16xi32>,
      %swap3A_236 = vector.shape_cast %swap3A_235 : vector<16xi32> to vector<16xi32>
      %swap3A_237 = vector.shape_cast %get3A_233 : vector<16xi32> to vector<16xi32>
      tpu.vector_store %arg11[%swap3A_234], %swap3A_237 {strides = array<i32>} : memref<256xi32, #tpu.memory_space<vmem>>, vector<16xi32>,
      %add3A_238 = arith.constant 192 : i32
      %add3A_239 = arith.addi %mul3A_39, %add3A_238 : i32
      %get3A_240 = arith.index_cast %add3A_239 : i32 to index
      %get3A_241 = tpu.vector_load %arg10[%get3A_240] {strides = array<i32>} : memref<8192xi32, #tpu.memory_space<vmem>>, vector<16xi32>,
      %swap3A_242 = arith.constant 192 : index
      %swap3A_243 = tpu.vector_load %arg12[%swap3A_242] {strides = array<i32>} : memref<256xi32, #tpu.memory_space<vmem>>, vector<16xi32>,
      %swap3A_244 = vector.shape_cast %swap3A_243 : vector<16xi32> to vector<16xi32>
      %swap3A_245 = vector.shape_cast %get3A_241 : vector<16xi32> to vector<16xi32>
      tpu.vector_store %arg12[%swap3A_242], %swap3A_245 {strides = array<i32>} : memref<256xi32, #tpu.memory_space<vmem>>, vector<16xi32>,
      %add3A_246 = arith.constant 208 : i32
      %add3A_247 = arith.addi %mul3A_39, %add3A_246 : i32
      %get3A_248 = arith.index_cast %add3A_247 : i32 to index
      %get3A_249 = tpu.vector_load %arg9[%get3A_248] {strides = array<i32>} : memref<8192xi32, #tpu.memory_space<vmem>>, vector<16xi32>,
      %swap3A_250 = arith.constant 208 : index
      %swap3A_251 = tpu.vector_load %arg11[%swap3A_250] {strides = array<i32>} : memref<256xi32, #tpu.memory_space<vmem>>, vector<16xi32>,
      %swap3A_252 = vector.shape_cast %swap3A_251 : vector<16xi32> to vector<16xi32>
      %swap3A_253 = vector.shape_cast %get3A_249 : vector<16xi32> to vector<16xi32>
      tpu.vector_store %arg11[%swap3A_250], %swap3A_253 {strides = array<i32>} : memref<256xi32, #tpu.memory_space<vmem>>, vector<16xi32>,
      %add3A_254 = arith.constant 208 : i32
      %add3A_255 = arith.addi %mul3A_39, %add3A_254 : i32
      %get3A_256 = arith.index_cast %add3A_255 : i32 to index
      %get3A_257 = tpu.vector_load %arg10[%get3A_256] {strides = array<i32>} : memref<8192xi32, #tpu.memory_space<vmem>>, vector<16xi32>,
      %swap3A_258 = arith.constant 208 : index
      %swap3A_259 = tpu.vector_load %arg12[%swap3A_258] {strides = array<i32>} : memref<256xi32, #tpu.memory_space<vmem>>, vector<16xi32>,
      %swap3A_260 = vector.shape_cast %swap3A_259 : vector<16xi32> to vector<16xi32>
      %swap3A_261 = vector.shape_cast %get3A_257 : vector<16xi32> to vector<16xi32>
      tpu.vector_store %arg12[%swap3A_258], %swap3A_261 {strides = array<i32>} : memref<256xi32, #tpu.memory_space<vmem>>, vector<16xi32>,
      %add3A_262 = arith.constant 224 : i32
      %add3A_263 = arith.addi %mul3A_39, %add3A_262 : i32
      %get3A_264 = arith.index_cast %add3A_263 : i32 to index
      %get3A_265 = tpu.vector_load %arg9[%get3A_264] {strides = array<i32>} : memref<8192xi32, #tpu.memory_space<vmem>>, vector<16xi32>,
      %swap3A_266 = arith.constant 224 : index
      %swap3A_267 = tpu.vector_load %arg11[%swap3A_266] {strides = array<i32>} : memref<256xi32, #tpu.memory_space<vmem>>, vector<16xi32>,
      %swap3A_268 = vector.shape_cast %swap3A_267 : vector<16xi32> to vector<16xi32>
      %swap3A_269 = vector.shape_cast %get3A_265 : vector<16xi32> to vector<16xi32>
      tpu.vector_store %arg11[%swap3A_266], %swap3A_269 {strides = array<i32>} : memref<256xi32, #tpu.memory_space<vmem>>, vector<16xi32>,
      %add3A_270 = arith.constant 224 : i32
      %add3A_271 = arith.addi %mul3A_39, %add3A_270 : i32
      %get3A_272 = arith.index_cast %add3A_271 : i32 to index
      %get3A_273 = tpu.vector_load %arg10[%get3A_272] {strides = array<i32>} : memref<8192xi32, #tpu.memory_space<vmem>>, vector<16xi32>,
      %swap3A_274 = arith.constant 224 : index
      %swap3A_275 = tpu.vector_load %arg12[%swap3A_274] {strides = array<i32>} : memref<256xi32, #tpu.memory_space<vmem>>, vector<16xi32>,
      %swap3A_276 = vector.shape_cast %swap3A_275 : vector<16xi32> to vector<16xi32>
      %swap3A_277 = vector.shape_cast %get3A_273 : vector<16xi32> to vector<16xi32>
      tpu.vector_store %arg12[%swap3A_274], %swap3A_277 {strides = array<i32>} : memref<256xi32, #tpu.memory_space<vmem>>, vector<16xi32>,
      %add3A_278 = arith.constant 240 : i32
      %add3A_279 = arith.addi %mul3A_39, %add3A_278 : i32
      %get3A_280 = arith.index_cast %add3A_279 : i32 to index
      %get3A_281 = tpu.vector_load %arg9[%get3A_280] {strides = array<i32>} : memref<8192xi32, #tpu.memory_space<vmem>>, vector<16xi32>,
      %swap3A_282 = arith.constant 240 : index
      %swap3A_283 = tpu.vector_load %arg11[%swap3A_282] {strides = array<i32>} : memref<256xi32, #tpu.memory_space<vmem>>, vector<16xi32>,
      %swap3A_284 = vector.shape_cast %swap3A_283 : vector<16xi32> to vector<16xi32>
      %swap3A_285 = vector.shape_cast %get3A_281 : vector<16xi32> to vector<16xi32>
      tpu.vector_store %arg11[%swap3A_282], %swap3A_285 {strides = array<i32>} : memref<256xi32, #tpu.memory_space<vmem>>, vector<16xi32>,
      %add3A_286 = arith.constant 240 : i32
      %add3A_287 = arith.addi %mul3A_39, %add3A_286 : i32
      %get3A_288 = arith.index_cast %add3A_287 : i32 to index
      %get3A_289 = tpu.vector_load %arg10[%get3A_288] {strides = array<i32>} : memref<8192xi32, #tpu.memory_space<vmem>>, vector<16xi32>,
      %swap3A_290 = arith.constant 240 : index
      %swap3A_291 = tpu.vector_load %arg12[%swap3A_290] {strides = array<i32>} : memref<256xi32, #tpu.memory_space<vmem>>, vector<16xi32>,
      %swap3A_292 = vector.shape_cast %swap3A_291 : vector<16xi32> to vector<16xi32>
      %swap3A_293 = vector.shape_cast %get3A_289 : vector<16xi32> to vector<16xi32>
      tpu.vector_store %arg12[%swap3A_290], %swap3A_293 {strides = array<i32>} : memref<256xi32, #tpu.memory_space<vmem>>, vector<16xi32>,
      %dma_start3A = arith.constant 0 : i32
      %dma_start3A_294 = arith.constant 0 : i32
      %dma_start3A_295 = tpu.memref_slice %arg3[%dma_start3A, %dma_start3A_294] : memref<16384x64xf32, #tpu.memory_space<hbm>> -> memref<16384x64xf32, #tpu.memory_space<hbm>>
      tpu.enqueue_indirect_dma source(%dma_start3A_295 : memref<16384x64xf32, #tpu.memory_space<hbm>>) target(%arg15 : memref<256x64xf32, #tpu.memory_space<vmem>>) offsets(%arg11 : memref<256xi32, #tpu.memory_space<vmem>>) semaphore(%arg18 : memref<!tpu.dma_semaphore, #tpu.memory_space<semaphore_mem>>)
      %mul3A_296 = arith.constant 2 : i32
      %mul3A_297 = arith.muli %mul3A_296, %scan3A_35 : i32
      %add3A_298 = arith.constant 1 : i32
      %add3A_299 = arith.addi %mul3A_297, %add3A_298 : i32
      %mul3A_300 = arith.constant 256 : i32
      %mul3A_301 = arith.muli %add3A_299, %mul3A_300 : i32
      %add3A_302 = arith.constant 0 : i32
      %add3A_303 = arith.addi %mul3A_301, %add3A_302 : i32
      %get3A_304 = arith.index_cast %add3A_303 : i32 to index
      %get3A_305 = tpu.vector_load %arg9[%get3A_304] {strides = array<i32>} : memref<8192xi32, #tpu.memory_space<vmem>>, vector<16xi32>,
      %swap3A_306 = arith.constant 0 : index
      %swap3A_307 = tpu.vector_load %arg13[%swap3A_306] {strides = array<i32>} : memref<256xi32, #tpu.memory_space<vmem>>, vector<16xi32>,
      %swap3A_308 = vector.shape_cast %swap3A_307 : vector<16xi32> to vector<16xi32>
      %swap3A_309 = vector.shape_cast %get3A_305 : vector<16xi32> to vector<16xi32>
      tpu.vector_store %arg13[%swap3A_306], %swap3A_309 {strides = array<i32>} : memref<256xi32, #tpu.memory_space<vmem>>, vector<16xi32>,
      %add3A_310 = arith.constant 0 : i32
      %add3A_311 = arith.addi %mul3A_301, %add3A_310 : i32
      %get3A_312 = arith.index_cast %add3A_311 : i32 to index
      %get3A_313 = tpu.vector_load %arg10[%get3A_312] {strides = array<i32>} : memref<8192xi32, #tpu.memory_space<vmem>>, vector<16xi32>,
      %swap3A_314 = arith.constant 0 : index
      %swap3A_315 = tpu.vector_load %arg14[%swap3A_314] {strides = array<i32>} : memref<256xi32, #tpu.memory_space<vmem>>, vector<16xi32>,
      %swap3A_316 = vector.shape_cast %swap3A_315 : vector<16xi32> to vector<16xi32>
      %swap3A_317 = vector.shape_cast %get3A_313 : vector<16xi32> to vector<16xi32>
      tpu.vector_store %arg14[%swap3A_314], %swap3A_317 {strides = array<i32>} : memref<256xi32, #tpu.memory_space<vmem>>, vector<16xi32>,
      %add3A_318 = arith.constant 16 : i32
      %add3A_319 = arith.addi %mul3A_301, %add3A_318 : i32
      %get3A_320 = arith.index_cast %add3A_319 : i32 to index
      %get3A_321 = tpu.vector_load %arg9[%get3A_320] {strides = array<i32>} : memref<8192xi32, #tpu.memory_space<vmem>>, vector<16xi32>,
      %swap3A_322 = arith.constant 16 : index
      %swap3A_323 = tpu.vector_load %arg13[%swap3A_322] {strides = array<i32>} : memref<256xi32, #tpu.memory_space<vmem>>, vector<16xi32>,
      %swap3A_324 = vector.shape_cast %swap3A_323 : vector<16xi32> to vector<16xi32>
      %swap3A_325 = vector.shape_cast %get3A_321 : vector<16xi32> to vector<16xi32>
      tpu.vector_store %arg13[%swap3A_322], %swap3A_325 {strides = array<i32>} : memref<256xi32, #tpu.memory_space<vmem>>, vector<16xi32>,
      %add3A_326 = arith.constant 16 : i32
      %add3A_327 = arith.addi %mul3A_301, %add3A_326 : i32
      %get3A_328 = arith.index_cast %add3A_327 : i32 to index
      %get3A_329 = tpu.vector_load %arg10[%get3A_328] {strides = array<i32>} : memref<8192xi32, #tpu.memory_space<vmem>>, vector<16xi32>,
      %swap3A_330 = arith.constant 16 : index
      %swap3A_331 = tpu.vector_load %arg14[%swap3A_330] {strides = array<i32>} : memref<256xi32, #tpu.memory_space<vmem>>, vector<16xi32>,
      %swap3A_332 = vector.shape_cast %swap3A_331 : vector<16xi32> to vector<16xi32>
      %swap3A_333 = vector.shape_cast %get3A_329 : vector<16xi32> to vector<16xi32>
      tpu.vector_store %arg14[%swap3A_330], %swap3A_333 {strides = array<i32>} : memref<256xi32, #tpu.memory_space<vmem>>, vector<16xi32>,
      %add3A_334 = arith.constant 32 : i32
      %add3A_335 = arith.addi %mul3A_301, %add3A_334 : i32
      %get3A_336 = arith.index_cast %add3A_335 : i32 to index
      %get3A_337 = tpu.vector_load %arg9[%get3A_336] {strides = array<i32>} : memref<8192xi32, #tpu.memory_space<vmem>>, vector<16xi32>,
      %swap3A_338 = arith.constant 32 : index
      %swap3A_339 = tpu.vector_load %arg13[%swap3A_338] {strides = array<i32>} : memref<256xi32, #tpu.memory_space<vmem>>, vector<16xi32>,
      %swap3A_340 = vector.shape_cast %swap3A_339 : vector<16xi32> to vector<16xi32>
      %swap3A_341 = vector.shape_cast %get3A_337 : vector<16xi32> to vector<16xi32>
      tpu.vector_store %arg13[%swap3A_338], %swap3A_341 {strides = array<i32>} : memref<256xi32, #tpu.memory_space<vmem>>, vector<16xi32>,
      %add3A_342 = arith.constant 32 : i32
      %add3A_343 = arith.addi %mul3A_301, %add3A_342 : i32
      %get3A_344 = arith.index_cast %add3A_343 : i32 to index
      %get3A_345 = tpu.vector_load %arg10[%get3A_344] {strides = array<i32>} : memref<8192xi32, #tpu.memory_space<vmem>>, vector<16xi32>,
      %swap3A_346 = arith.constant 32 : index
      %swap3A_347 = tpu.vector_load %arg14[%swap3A_346] {strides = array<i32>} : memref<256xi32, #tpu.memory_space<vmem>>, vector<16xi32>,
      %swap3A_348 = vector.shape_cast %swap3A_347 : vector<16xi32> to vector<16xi32>
      %swap3A_349 = vector.shape_cast %get3A_345 : vector<16xi32> to vector<16xi32>
      tpu.vector_store %arg14[%swap3A_346], %swap3A_349 {strides = array<i32>} : memref<256xi32, #tpu.memory_space<vmem>>, vector<16xi32>,
      %add3A_350 = arith.constant 48 : i32
      %add3A_351 = arith.addi %mul3A_301, %add3A_350 : i32
      %get3A_352 = arith.index_cast %add3A_351 : i32 to index
      %get3A_353 = tpu.vector_load %arg9[%get3A_352] {strides = array<i32>} : memref<8192xi32, #tpu.memory_space<vmem>>, vector<16xi32>,
      %swap3A_354 = arith.constant 48 : index
      %swap3A_355 = tpu.vector_load %arg13[%swap3A_354] {strides = array<i32>} : memref<256xi32, #tpu.memory_space<vmem>>, vector<16xi32>,
      %swap3A_356 = vector.shape_cast %swap3A_355 : vector<16xi32> to vector<16xi32>
      %swap3A_357 = vector.shape_cast %get3A_353 : vector<16xi32> to vector<16xi32>
      tpu.vector_store %arg13[%swap3A_354], %swap3A_357 {strides = array<i32>} : memref<256xi32, #tpu.memory_space<vmem>>, vector<16xi32>,
      %add3A_358 = arith.constant 48 : i32
      %add3A_359 = arith.addi %mul3A_301, %add3A_358 : i32
      %get3A_360 = arith.index_cast %add3A_359 : i32 to index
      %get3A_361 = tpu.vector_load %arg10[%get3A_360] {strides = array<i32>} : memref<8192xi32, #tpu.memory_space<vmem>>, vector<16xi32>,
      %swap3A_362 = arith.constant 48 : index
      %swap3A_363 = tpu.vector_load %arg14[%swap3A_362] {strides = array<i32>} : memref<256xi32, #tpu.memory_space<vmem>>, vector<16xi32>,
      %swap3A_364 = vector.shape_cast %swap3A_363 : vector<16xi32> to vector<16xi32>
      %swap3A_365 = vector.shape_cast %get3A_361 : vector<16xi32> to vector<16xi32>
      tpu.vector_store %arg14[%swap3A_362], %swap3A_365 {strides = array<i32>} : memref<256xi32, #tpu.memory_space<vmem>>, vector<16xi32>,
      %add3A_366 = arith.constant 64 : i32
      %add3A_367 = arith.addi %mul3A_301, %add3A_366 : i32
      %get3A_368 = arith.index_cast %add3A_367 : i32 to index
      %get3A_369 = tpu.vector_load %arg9[%get3A_368] {strides = array<i32>} : memref<8192xi32, #tpu.memory_space<vmem>>, vector<16xi32>,
      %swap3A_370 = arith.constant 64 : index
      %swap3A_371 = tpu.vector_load %arg13[%swap3A_370] {strides = array<i32>} : memref<256xi32, #tpu.memory_space<vmem>>, vector<16xi32>,
      %swap3A_372 = vector.shape_cast %swap3A_371 : vector<16xi32> to vector<16xi32>
      %swap3A_373 = vector.shape_cast %get3A_369 : vector<16xi32> to vector<16xi32>
      tpu.vector_store %arg13[%swap3A_370], %swap3A_373 {strides = array<i32>} : memref<256xi32, #tpu.memory_space<vmem>>, vector<16xi32>,
      %add3A_374 = arith.constant 64 : i32
      %add3A_375 = arith.addi %mul3A_301, %add3A_374 : i32
      %get3A_376 = arith.index_cast %add3A_375 : i32 to index
      %get3A_377 = tpu.vector_load %arg10[%get3A_376] {strides = array<i32>} : memref<8192xi32, #tpu.memory_space<vmem>>, vector<16xi32>,
      %swap3A_378 = arith.constant 64 : index
      %swap3A_379 = tpu.vector_load %arg14[%swap3A_378] {strides = array<i32>} : memref<256xi32, #tpu.memory_space<vmem>>, vector<16xi32>,
      %swap3A_380 = vector.shape_cast %swap3A_379 : vector<16xi32> to vector<16xi32>
      %swap3A_381 = vector.shape_cast %get3A_377 : vector<16xi32> to vector<16xi32>
      tpu.vector_store %arg14[%swap3A_378], %swap3A_381 {strides = array<i32>} : memref<256xi32, #tpu.memory_space<vmem>>, vector<16xi32>,
      %add3A_382 = arith.constant 80 : i32
      %add3A_383 = arith.addi %mul3A_301, %add3A_382 : i32
      %get3A_384 = arith.index_cast %add3A_383 : i32 to index
      %get3A_385 = tpu.vector_load %arg9[%get3A_384] {strides = array<i32>} : memref<8192xi32, #tpu.memory_space<vmem>>, vector<16xi32>,
      %swap3A_386 = arith.constant 80 : index
      %swap3A_387 = tpu.vector_load %arg13[%swap3A_386] {strides = array<i32>} : memref<256xi32, #tpu.memory_space<vmem>>, vector<16xi32>,
      %swap3A_388 = vector.shape_cast %swap3A_387 : vector<16xi32> to vector<16xi32>
      %swap3A_389 = vector.shape_cast %get3A_385 : vector<16xi32> to vector<16xi32>
      tpu.vector_store %arg13[%swap3A_386], %swap3A_389 {strides = array<i32>} : memref<256xi32, #tpu.memory_space<vmem>>, vector<16xi32>,
      %add3A_390 = arith.constant 80 : i32
      %add3A_391 = arith.addi %mul3A_301, %add3A_390 : i32
      %get3A_392 = arith.index_cast %add3A_391 : i32 to index
      %get3A_393 = tpu.vector_load %arg10[%get3A_392] {strides = array<i32>} : memref<8192xi32, #tpu.memory_space<vmem>>, vector<16xi32>,
      %swap3A_394 = arith.constant 80 : index
      %swap3A_395 = tpu.vector_load %arg14[%swap3A_394] {strides = array<i32>} : memref<256xi32, #tpu.memory_space<vmem>>, vector<16xi32>,
      %swap3A_396 = vector.shape_cast %swap3A_395 : vector<16xi32> to vector<16xi32>
      %swap3A_397 = vector.shape_cast %get3A_393 : vector<16xi32> to vector<16xi32>
      tpu.vector_store %arg14[%swap3A_394], %swap3A_397 {strides = array<i32>} : memref<256xi32, #tpu.memory_space<vmem>>, vector<16xi32>,
      %add3A_398 = arith.constant 96 : i32
      %add3A_399 = arith.addi %mul3A_301, %add3A_398 : i32
      %get3A_400 = arith.index_cast %add3A_399 : i32 to index
      %get3A_401 = tpu.vector_load %arg9[%get3A_400] {strides = array<i32>} : memref<8192xi32, #tpu.memory_space<vmem>>, vector<16xi32>,
      %swap3A_402 = arith.constant 96 : index
      %swap3A_403 = tpu.vector_load %arg13[%swap3A_402] {strides = array<i32>} : memref<256xi32, #tpu.memory_space<vmem>>, vector<16xi32>,
      %swap3A_404 = vector.shape_cast %swap3A_403 : vector<16xi32> to vector<16xi32>
      %swap3A_405 = vector.shape_cast %get3A_401 : vector<16xi32> to vector<16xi32>
      tpu.vector_store %arg13[%swap3A_402], %swap3A_405 {strides = array<i32>} : memref<256xi32, #tpu.memory_space<vmem>>, vector<16xi32>,
      %add3A_406 = arith.constant 96 : i32
      %add3A_407 = arith.addi %mul3A_301, %add3A_406 : i32
      %get3A_408 = arith.index_cast %add3A_407 : i32 to index
      %get3A_409 = tpu.vector_load %arg10[%get3A_408] {strides = array<i32>} : memref<8192xi32, #tpu.memory_space<vmem>>, vector<16xi32>,
      %swap3A_410 = arith.constant 96 : index
      %swap3A_411 = tpu.vector_load %arg14[%swap3A_410] {strides = array<i32>} : memref<256xi32, #tpu.memory_space<vmem>>, vector<16xi32>,
      %swap3A_412 = vector.shape_cast %swap3A_411 : vector<16xi32> to vector<16xi32>
      %swap3A_413 = vector.shape_cast %get3A_409 : vector<16xi32> to vector<16xi32>
      tpu.vector_store %arg14[%swap3A_410], %swap3A_413 {strides = array<i32>} : memref<256xi32, #tpu.memory_space<vmem>>, vector<16xi32>,
      %add3A_414 = arith.constant 112 : i32
      %add3A_415 = arith.addi %mul3A_301, %add3A_414 : i32
      %get3A_416 = arith.index_cast %add3A_415 : i32 to index
      %get3A_417 = tpu.vector_load %arg9[%get3A_416] {strides = array<i32>} : memref<8192xi32, #tpu.memory_space<vmem>>, vector<16xi32>,
      %swap3A_418 = arith.constant 112 : index
      %swap3A_419 = tpu.vector_load %arg13[%swap3A_418] {strides = array<i32>} : memref<256xi32, #tpu.memory_space<vmem>>, vector<16xi32>,
      %swap3A_420 = vector.shape_cast %swap3A_419 : vector<16xi32> to vector<16xi32>
      %swap3A_421 = vector.shape_cast %get3A_417 : vector<16xi32> to vector<16xi32>
      tpu.vector_store %arg13[%swap3A_418], %swap3A_421 {strides = array<i32>} : memref<256xi32, #tpu.memory_space<vmem>>, vector<16xi32>,
      %add3A_422 = arith.constant 112 : i32
      %add3A_423 = arith.addi %mul3A_301, %add3A_422 : i32
      %get3A_424 = arith.index_cast %add3A_423 : i32 to index
      %get3A_425 = tpu.vector_load %arg10[%get3A_424] {strides = array<i32>} : memref<8192xi32, #tpu.memory_space<vmem>>, vector<16xi32>,
      %swap3A_426 = arith.constant 112 : index
      %swap3A_427 = tpu.vector_load %arg14[%swap3A_426] {strides = array<i32>} : memref<256xi32, #tpu.memory_space<vmem>>, vector<16xi32>,
      %swap3A_428 = vector.shape_cast %swap3A_427 : vector<16xi32> to vector<16xi32>
      %swap3A_429 = vector.shape_cast %get3A_425 : vector<16xi32> to vector<16xi32>
      tpu.vector_store %arg14[%swap3A_426], %swap3A_429 {strides = array<i32>} : memref<256xi32, #tpu.memory_space<vmem>>, vector<16xi32>,
      %add3A_430 = arith.constant 128 : i32
      %add3A_431 = arith.addi %mul3A_301, %add3A_430 : i32
      %get3A_432 = arith.index_cast %add3A_431 : i32 to index
      %get3A_433 = tpu.vector_load %arg9[%get3A_432] {strides = array<i32>} : memref<8192xi32, #tpu.memory_space<vmem>>, vector<16xi32>,
      %swap3A_434 = arith.constant 128 : index
      %swap3A_435 = tpu.vector_load %arg13[%swap3A_434] {strides = array<i32>} : memref<256xi32, #tpu.memory_space<vmem>>, vector<16xi32>,
      %swap3A_436 = vector.shape_cast %swap3A_435 : vector<16xi32> to vector<16xi32>
      %swap3A_437 = vector.shape_cast %get3A_433 : vector<16xi32> to vector<16xi32>
      tpu.vector_store %arg13[%swap3A_434], %swap3A_437 {strides = array<i32>} : memref<256xi32, #tpu.memory_space<vmem>>, vector<16xi32>,
      %add3A_438 = arith.constant 128 : i32
      %add3A_439 = arith.addi %mul3A_301, %add3A_438 : i32
      %get3A_440 = arith.index_cast %add3A_439 : i32 to index
      %get3A_441 = tpu.vector_load %arg10[%get3A_440] {strides = array<i32>} : memref<8192xi32, #tpu.memory_space<vmem>>, vector<16xi32>,
      %swap3A_442 = arith.constant 128 : index
      %swap3A_443 = tpu.vector_load %arg14[%swap3A_442] {strides = array<i32>} : memref<256xi32, #tpu.memory_space<vmem>>, vector<16xi32>,
      %swap3A_444 = vector.shape_cast %swap3A_443 : vector<16xi32> to vector<16xi32>
      %swap3A_445 = vector.shape_cast %get3A_441 : vector<16xi32> to vector<16xi32>
      tpu.vector_store %arg14[%swap3A_442], %swap3A_445 {strides = array<i32>} : memref<256xi32, #tpu.memory_space<vmem>>, vector<16xi32>,
      %add3A_446 = arith.constant 144 : i32
      %add3A_447 = arith.addi %mul3A_301, %add3A_446 : i32
      %get3A_448 = arith.index_cast %add3A_447 : i32 to index
      %get3A_449 = tpu.vector_load %arg9[%get3A_448] {strides = array<i32>} : memref<8192xi32, #tpu.memory_space<vmem>>, vector<16xi32>,
      %swap3A_450 = arith.constant 144 : index
      %swap3A_451 = tpu.vector_load %arg13[%swap3A_450] {strides = array<i32>} : memref<256xi32, #tpu.memory_space<vmem>>, vector<16xi32>,
      %swap3A_452 = vector.shape_cast %swap3A_451 : vector<16xi32> to vector<16xi32>
      %swap3A_453 = vector.shape_cast %get3A_449 : vector<16xi32> to vector<16xi32>
      tpu.vector_store %arg13[%swap3A_450], %swap3A_453 {strides = array<i32>} : memref<256xi32, #tpu.memory_space<vmem>>, vector<16xi32>,
      %add3A_454 = arith.constant 144 : i32
      %add3A_455 = arith.addi %mul3A_301, %add3A_454 : i32
      %get3A_456 = arith.index_cast %add3A_455 : i32 to index
      %get3A_457 = tpu.vector_load %arg10[%get3A_456] {strides = array<i32>} : memref<8192xi32, #tpu.memory_space<vmem>>, vector<16xi32>,
      %swap3A_458 = arith.constant 144 : index
      %swap3A_459 = tpu.vector_load %arg14[%swap3A_458] {strides = array<i32>} : memref<256xi32, #tpu.memory_space<vmem>>, vector<16xi32>,
      %swap3A_460 = vector.shape_cast %swap3A_459 : vector<16xi32> to vector<16xi32>
      %swap3A_461 = vector.shape_cast %get3A_457 : vector<16xi32> to vector<16xi32>
      tpu.vector_store %arg14[%swap3A_458], %swap3A_461 {strides = array<i32>} : memref<256xi32, #tpu.memory_space<vmem>>, vector<16xi32>,
      %add3A_462 = arith.constant 160 : i32
      %add3A_463 = arith.addi %mul3A_301, %add3A_462 : i32
      %get3A_464 = arith.index_cast %add3A_463 : i32 to index
      %get3A_465 = tpu.vector_load %arg9[%get3A_464] {strides = array<i32>} : memref<8192xi32, #tpu.memory_space<vmem>>, vector<16xi32>,
      %swap3A_466 = arith.constant 160 : index
      %swap3A_467 = tpu.vector_load %arg13[%swap3A_466] {strides = array<i32>} : memref<256xi32, #tpu.memory_space<vmem>>, vector<16xi32>,
      %swap3A_468 = vector.shape_cast %swap3A_467 : vector<16xi32> to vector<16xi32>
      %swap3A_469 = vector.shape_cast %get3A_465 : vector<16xi32> to vector<16xi32>
      tpu.vector_store %arg13[%swap3A_466], %swap3A_469 {strides = array<i32>} : memref<256xi32, #tpu.memory_space<vmem>>, vector<16xi32>,
      %add3A_470 = arith.constant 160 : i32
      %add3A_471 = arith.addi %mul3A_301, %add3A_470 : i32
      %get3A_472 = arith.index_cast %add3A_471 : i32 to index
      %get3A_473 = tpu.vector_load %arg10[%get3A_472] {strides = array<i32>} : memref<8192xi32, #tpu.memory_space<vmem>>, vector<16xi32>,
      %swap3A_474 = arith.constant 160 : index
      %swap3A_475 = tpu.vector_load %arg14[%swap3A_474] {strides = array<i32>} : memref<256xi32, #tpu.memory_space<vmem>>, vector<16xi32>,
      %swap3A_476 = vector.shape_cast %swap3A_475 : vector<16xi32> to vector<16xi32>
      %swap3A_477 = vector.shape_cast %get3A_473 : vector<16xi32> to vector<16xi32>
      tpu.vector_store %arg14[%swap3A_474], %swap3A_477 {strides = array<i32>} : memref<256xi32, #tpu.memory_space<vmem>>, vector<16xi32>,
      %add3A_478 = arith.constant 176 : i32
      %add3A_479 = arith.addi %mul3A_301, %add3A_478 : i32
      %get3A_480 = arith.index_cast %add3A_479 : i32 to index
      %get3A_481 = tpu.vector_load %arg9[%get3A_480] {strides = array<i32>} : memref<8192xi32, #tpu.memory_space<vmem>>, vector<16xi32>,
      %swap3A_482 = arith.constant 176 : index
      %swap3A_483 = tpu.vector_load %arg13[%swap3A_482] {strides = array<i32>} : memref<256xi32, #tpu.memory_space<vmem>>, vector<16xi32>,
      %swap3A_484 = vector.shape_cast %swap3A_483 : vector<16xi32> to vector<16xi32>
      %swap3A_485 = vector.shape_cast %get3A_481 : vector<16xi32> to vector<16xi32>
      tpu.vector_store %arg13[%swap3A_482], %swap3A_485 {strides = array<i32>} : memref<256xi32, #tpu.memory_space<vmem>>, vector<16xi32>,
      %add3A_486 = arith.constant 176 : i32
      %add3A_487 = arith.addi %mul3A_301, %add3A_486 : i32
      %get3A_488 = arith.index_cast %add3A_487 : i32 to index
      %get3A_489 = tpu.vector_load %arg10[%get3A_488] {strides = array<i32>} : memref<8192xi32, #tpu.memory_space<vmem>>, vector<16xi32>,
      %swap3A_490 = arith.constant 176 : index
      %swap3A_491 = tpu.vector_load %arg14[%swap3A_490] {strides = array<i32>} : memref<256xi32, #tpu.memory_space<vmem>>, vector<16xi32>,
      %swap3A_492 = vector.shape_cast %swap3A_491 : vector<16xi32> to vector<16xi32>
      %swap3A_493 = vector.shape_cast %get3A_489 : vector<16xi32> to vector<16xi32>
      tpu.vector_store %arg14[%swap3A_490], %swap3A_493 {strides = array<i32>} : memref<256xi32, #tpu.memory_space<vmem>>, vector<16xi32>,
      %add3A_494 = arith.constant 192 : i32
      %add3A_495 = arith.addi %mul3A_301, %add3A_494 : i32
      %get3A_496 = arith.index_cast %add3A_495 : i32 to index
      %get3A_497 = tpu.vector_load %arg9[%get3A_496] {strides = array<i32>} : memref<8192xi32, #tpu.memory_space<vmem>>, vector<16xi32>,
      %swap3A_498 = arith.constant 192 : index
      %swap3A_499 = tpu.vector_load %arg13[%swap3A_498] {strides = array<i32>} : memref<256xi32, #tpu.memory_space<vmem>>, vector<16xi32>,
      %swap3A_500 = vector.shape_cast %swap3A_499 : vector<16xi32> to vector<16xi32>
      %swap3A_501 = vector.shape_cast %get3A_497 : vector<16xi32> to vector<16xi32>
      tpu.vector_store %arg13[%swap3A_498], %swap3A_501 {strides = array<i32>} : memref<256xi32, #tpu.memory_space<vmem>>, vector<16xi32>,
      %add3A_502 = arith.constant 192 : i32
      %add3A_503 = arith.addi %mul3A_301, %add3A_502 : i32
      %get3A_504 = arith.index_cast %add3A_503 : i32 to index
      %get3A_505 = tpu.vector_load %arg10[%get3A_504] {strides = array<i32>} : memref<8192xi32, #tpu.memory_space<vmem>>, vector<16xi32>,
      %swap3A_506 = arith.constant 192 : index
      %swap3A_507 = tpu.vector_load %arg14[%swap3A_506] {strides = array<i32>} : memref<256xi32, #tpu.memory_space<vmem>>, vector<16xi32>,
      %swap3A_508 = vector.shape_cast %swap3A_507 : vector<16xi32> to vector<16xi32>
      %swap3A_509 = vector.shape_cast %get3A_505 : vector<16xi32> to vector<16xi32>
      tpu.vector_store %arg14[%swap3A_506], %swap3A_509 {strides = array<i32>} : memref<256xi32, #tpu.memory_space<vmem>>, vector<16xi32>,
      %add3A_510 = arith.constant 208 : i32
      %add3A_511 = arith.addi %mul3A_301, %add3A_510 : i32
      %get3A_512 = arith.index_cast %add3A_511 : i32 to index
      %get3A_513 = tpu.vector_load %arg9[%get3A_512] {strides = array<i32>} : memref<8192xi32, #tpu.memory_space<vmem>>, vector<16xi32>,
      %swap3A_514 = arith.constant 208 : index
      %swap3A_515 = tpu.vector_load %arg13[%swap3A_514] {strides = array<i32>} : memref<256xi32, #tpu.memory_space<vmem>>, vector<16xi32>,
      %swap3A_516 = vector.shape_cast %swap3A_515 : vector<16xi32> to vector<16xi32>
      %swap3A_517 = vector.shape_cast %get3A_513 : vector<16xi32> to vector<16xi32>
      tpu.vector_store %arg13[%swap3A_514], %swap3A_517 {strides = array<i32>} : memref<256xi32, #tpu.memory_space<vmem>>, vector<16xi32>,
      %add3A_518 = arith.constant 208 : i32
      %add3A_519 = arith.addi %mul3A_301, %add3A_518 : i32
      %get3A_520 = arith.index_cast %add3A_519 : i32 to index
      %get3A_521 = tpu.vector_load %arg10[%get3A_520] {strides = array<i32>} : memref<8192xi32, #tpu.memory_space<vmem>>, vector<16xi32>,
      %swap3A_522 = arith.constant 208 : index
      %swap3A_523 = tpu.vector_load %arg14[%swap3A_522] {strides = array<i32>} : memref<256xi32, #tpu.memory_space<vmem>>, vector<16xi32>,
      %swap3A_524 = vector.shape_cast %swap3A_523 : vector<16xi32> to vector<16xi32>
      %swap3A_525 = vector.shape_cast %get3A_521 : vector<16xi32> to vector<16xi32>
      tpu.vector_store %arg14[%swap3A_522], %swap3A_525 {strides = array<i32>} : memref<256xi32, #tpu.memory_space<vmem>>, vector<16xi32>,
      %add3A_526 = arith.constant 224 : i32
      %add3A_527 = arith.addi %mul3A_301, %add3A_526 : i32
      %get3A_528 = arith.index_cast %add3A_527 : i32 to index
      %get3A_529 = tpu.vector_load %arg9[%get3A_528] {strides = array<i32>} : memref<8192xi32, #tpu.memory_space<vmem>>, vector<16xi32>,
      %swap3A_530 = arith.constant 224 : index
      %swap3A_531 = tpu.vector_load %arg13[%swap3A_530] {strides = array<i32>} : memref<256xi32, #tpu.memory_space<vmem>>, vector<16xi32>,
      %swap3A_532 = vector.shape_cast %swap3A_531 : vector<16xi32> to vector<16xi32>
      %swap3A_533 = vector.shape_cast %get3A_529 : vector<16xi32> to vector<16xi32>
      tpu.vector_store %arg13[%swap3A_530], %swap3A_533 {strides = array<i32>} : memref<256xi32, #tpu.memory_space<vmem>>, vector<16xi32>,
      %add3A_534 = arith.constant 224 : i32
      %add3A_535 = arith.addi %mul3A_301, %add3A_534 : i32
      %get3A_536 = arith.index_cast %add3A_535 : i32 to index
      %get3A_537 = tpu.vector_load %arg10[%get3A_536] {strides = array<i32>} : memref<8192xi32, #tpu.memory_space<vmem>>, vector<16xi32>,
      %swap3A_538 = arith.constant 224 : index
      %swap3A_539 = tpu.vector_load %arg14[%swap3A_538] {strides = array<i32>} : memref<256xi32, #tpu.memory_space<vmem>>, vector<16xi32>,
      %swap3A_540 = vector.shape_cast %swap3A_539 : vector<16xi32> to vector<16xi32>
      %swap3A_541 = vector.shape_cast %get3A_537 : vector<16xi32> to vector<16xi32>
      tpu.vector_store %arg14[%swap3A_538], %swap3A_541 {strides = array<i32>} : memref<256xi32, #tpu.memory_space<vmem>>, vector<16xi32>,
      %add3A_542 = arith.constant 240 : i32
      %add3A_543 = arith.addi %mul3A_301, %add3A_542 : i32
      %get3A_544 = arith.index_cast %add3A_543 : i32 to index
      %get3A_545 = tpu.vector_load %arg9[%get3A_544] {strides = array<i32>} : memref<8192xi32, #tpu.memory_space<vmem>>, vector<16xi32>,
      %swap3A_546 = arith.constant 240 : index
      %swap3A_547 = tpu.vector_load %arg13[%swap3A_546] {strides = array<i32>} : memref<256xi32, #tpu.memory_space<vmem>>, vector<16xi32>,
      %swap3A_548 = vector.shape_cast %swap3A_547 : vector<16xi32> to vector<16xi32>
      %swap3A_549 = vector.shape_cast %get3A_545 : vector<16xi32> to vector<16xi32>
      tpu.vector_store %arg13[%swap3A_546], %swap3A_549 {strides = array<i32>} : memref<256xi32, #tpu.memory_space<vmem>>, vector<16xi32>,
      %add3A_550 = arith.constant 240 : i32
      %add3A_551 = arith.addi %mul3A_301, %add3A_550 : i32
      %get3A_552 = arith.index_cast %add3A_551 : i32 to index
      %get3A_553 = tpu.vector_load %arg10[%get3A_552] {strides = array<i32>} : memref<8192xi32, #tpu.memory_space<vmem>>, vector<16xi32>,
      %swap3A_554 = arith.constant 240 : index
      %swap3A_555 = tpu.vector_load %arg14[%swap3A_554] {strides = array<i32>} : memref<256xi32, #tpu.memory_space<vmem>>, vector<16xi32>,
      %swap3A_556 = vector.shape_cast %swap3A_555 : vector<16xi32> to vector<16xi32>
      %swap3A_557 = vector.shape_cast %get3A_553 : vector<16xi32> to vector<16xi32>
      tpu.vector_store %arg14[%swap3A_554], %swap3A_557 {strides = array<i32>} : memref<256xi32, #tpu.memory_space<vmem>>, vector<16xi32>,
      %dma_start3A_558 = arith.constant 0 : i32
      %dma_start3A_559 = arith.constant 0 : i32
      %dma_start3A_560 = tpu.memref_slice %arg3[%dma_start3A_558, %dma_start3A_559] : memref<16384x64xf32, #tpu.memory_space<hbm>> -> memref<16384x64xf32, #tpu.memory_space<hbm>>
      tpu.enqueue_indirect_dma source(%dma_start3A_560 : memref<16384x64xf32, #tpu.memory_space<hbm>>) target(%arg16 : memref<256x64xf32, #tpu.memory_space<vmem>>) offsets(%arg13 : memref<256xi32, #tpu.memory_space<vmem>>) semaphore(%arg19 : memref<!tpu.dma_semaphore, #tpu.memory_space<semaphore_mem>>)
      %dma_wait3A = arith.constant 0 : i32
      %dma_wait3A_561 = arith.constant 0 : i32
      %dma_wait3A_562 = tpu.memref_slice %arg3[%dma_wait3A, %dma_wait3A_561] : memref<16384x64xf32, #tpu.memory_space<hbm>> -> memref<16384x64xf32, #tpu.memory_space<hbm>>
      tpu.wait_indirect_dma semaphore(%arg18 : memref<!tpu.dma_semaphore, #tpu.memory_space<semaphore_mem>>) src(%dma_wait3A_562 : memref<16384x64xf32, #tpu.memory_space<hbm>>) dst(%arg15 : memref<256x64xf32, #tpu.memory_space<vmem>>)
      %dma_start3A_563 = arith.constant 0 : i32
      %dma_start3A_564 = arith.constant 0 : i32
      %dma_start3A_565 = tpu.memref_slice %arg17[%dma_start3A_563, %dma_start3A_564] : memref<16384x64xf32, #tpu.memory_space<vmem_shared>> -> memref<16384x64xf32, #tpu.memory_space<vmem_shared>>
      tpu.enqueue_indirect_dma source(%arg15 : memref<256x64xf32, #tpu.memory_space<vmem>>) target(%dma_start3A_565 : memref<16384x64xf32, #tpu.memory_space<vmem_shared>>) offsets(%arg12 : memref<256xi32, #tpu.memory_space<vmem>>) semaphore(%arg20 : memref<!tpu.dma_semaphore, #tpu.memory_space<semaphore_mem>>) {add = true}
      %dma_wait3A_566 = arith.constant 0 : i32
      %dma_wait3A_567 = arith.constant 0 : i32
      %dma_wait3A_568 = tpu.memref_slice %arg3[%dma_wait3A_566, %dma_wait3A_567] : memref<16384x64xf32, #tpu.memory_space<hbm>> -> memref<16384x64xf32, #tpu.memory_space<hbm>>
      tpu.wait_indirect_dma semaphore(%arg19 : memref<!tpu.dma_semaphore, #tpu.memory_space<semaphore_mem>>) src(%dma_wait3A_568 : memref<16384x64xf32, #tpu.memory_space<hbm>>) dst(%arg16 : memref<256x64xf32, #tpu.memory_space<vmem>>)
      %dma_start3A_569 = arith.constant 0 : i32
      %dma_start3A_570 = arith.constant 0 : i32
      %dma_start3A_571 = tpu.memref_slice %arg17[%dma_start3A_569, %dma_start3A_570] : memref<16384x64xf32, #tpu.memory_space<vmem_shared>> -> memref<16384x64xf32, #tpu.memory_space<vmem_shared>>
      tpu.enqueue_indirect_dma source(%arg16 : memref<256x64xf32, #tpu.memory_space<vmem>>) target(%dma_start3A_571 : memref<16384x64xf32, #tpu.memory_space<vmem_shared>>) offsets(%arg14 : memref<256xi32, #tpu.memory_space<vmem>>) semaphore(%arg20 : memref<!tpu.dma_semaphore, #tpu.memory_space<semaphore_mem>>) {add = true}
      %dma_wait3A_572 = arith.constant 0 : i32
      %dma_wait3A_573 = arith.constant 0 : i32
      %dma_wait3A_574 = tpu.memref_slice %arg17[%dma_wait3A_572, %dma_wait3A_573] : memref<16384x64xf32, #tpu.memory_space<vmem_shared>> -> memref<16384x64xf32, #tpu.memory_space<vmem_shared>>
      tpu.wait_indirect_dma semaphore(%arg20 : memref<!tpu.dma_semaphore, #tpu.memory_space<semaphore_mem>>) src(%arg15 : memref<256x64xf32, #tpu.memory_space<vmem>>) dst(%dma_wait3A_574 : memref<16384x64xf32, #tpu.memory_space<vmem_shared>>)
      %dma_wait3A_575 = arith.constant 0 : i32
      %dma_wait3A_576 = arith.constant 0 : i32
      %dma_wait3A_577 = tpu.memref_slice %arg17[%dma_wait3A_575, %dma_wait3A_576] : memref<16384x64xf32, #tpu.memory_space<vmem_shared>> -> memref<16384x64xf32, #tpu.memory_space<vmem_shared>>
      tpu.wait_indirect_dma semaphore(%arg20 : memref<!tpu.dma_semaphore, #tpu.memory_space<semaphore_mem>>) src(%arg16 : memref<256x64xf32, #tpu.memory_space<vmem>>) dst(%dma_wait3A_577 : memref<16384x64xf32, #tpu.memory_space<vmem_shared>>)
    }
    %scan3A_26 = arith.constant 16 : i32
    %barrier3A_27 = arith.constant 0 : index
    tpu.barrier barrier_id(%barrier3A_27)
    %mul3A_28 = arith.constant 1024 : i32
    %mul3A_29 = arith.muli %arg1, %mul3A_28 : i32
    %mul3A_30 = arith.constant 16384 : i32
    %mul3A_31 = arith.muli %arg0, %mul3A_30 : i32
    %mul3A_32 = arith.constant 1024 : i32
    %mul3A_33 = arith.muli %arg1, %mul3A_32 : i32
    %add3A_34 = arith.addi %mul3A_31, %mul3A_33 : i32
    "tpu.region"() ({
      %run_scoped3A = tpu.sem_alloc : memref<!tpu.dma_semaphore, #tpu.memory_space<semaphore_mem>>
      %dma_start3A = arith.constant 0 : i32
      %dma_start3A_35 = tpu.memref_slice %arg8[%add3A_34, %dma_start3A] : memref<32768x64xf32, #tpu.memory_space<hbm>> -> memref<1024x64xf32, #tpu.memory_space<hbm>>
      %dma_start3A_36 = arith.constant 0 : i32
      %dma_start3A_37 = tpu.memref_slice %arg17[%mul3A_29, %dma_start3A_36] : memref<16384x64xf32, #tpu.memory_space<vmem_shared>> -> memref<1024x64xf32, #tpu.memory_space<vmem_shared>>
      tpu.enqueue_dma source(%dma_start3A_37 : memref<1024x64xf32, #tpu.memory_space<vmem_shared>>) target(%dma_start3A_35 : memref<1024x64xf32, #tpu.memory_space<hbm>>) target_semaphore(%run_scoped3A : memref<!tpu.dma_semaphore, #tpu.memory_space<semaphore_mem>>)
      %dma_wait3A = arith.constant 0 : i32
      %dma_wait3A_38 = tpu.memref_slice %arg8[%add3A_34, %dma_wait3A] : memref<32768x64xf32, #tpu.memory_space<hbm>> -> memref<1024x64xf32, #tpu.memory_space<hbm>>
      %dma_wait3A_39 = arith.constant 0 : i32
      %dma_wait3A_40 = tpu.memref_slice %arg17[%mul3A_29, %dma_wait3A_39] : memref<16384x64xf32, #tpu.memory_space<vmem_shared>> -> memref<1024x64xf32, #tpu.memory_space<vmem_shared>>
      tpu.wait_dma2 semaphore(%run_scoped3A : memref<!tpu.dma_semaphore, #tpu.memory_space<semaphore_mem>>) src(%dma_wait3A_40 : memref<1024x64xf32, #tpu.memory_space<vmem_shared>>) dst(%dma_wait3A_38 : memref<1024x64xf32, #tpu.memory_space<hbm>>)
      tpu.yield
    }) : () -> ()
    return
  }
}

module attributes {stable_mosaic.version = 14 : i64} {
  func.func @_mm_body(%arg0: i32, %arg1: i32, %arg2: memref<2048x512xf32, #tpu.memory_space<vmem>>, %arg3: memref<512x384xbf16, #tpu.memory_space<vmem>>, %arg4: memref<2048x128xf32, #tpu.memory_space<vmem>>, %arg5: memref<128x256xf32, #tpu.memory_space<vmem>>, %arg6: memref<2048x1xf32, #tpu.memory_space<vmem>>, %arg7: memref<2048x64xf32, #tpu.memory_space<vmem>>, %arg8: memref<2048x64xf32, #tpu.memory_space<vmem>>, %arg9: memref<2048x64xf32, #tpu.memory_space<vmem>>, %arg10: memref<2048x64xf32, #tpu.memory_space<vmem>>, %arg11: memref<2048x128xf32, #tpu.memory_space<vmem>>, %arg12: memref<2048x384xf32, #tpu.memory_space<vmem>>) attributes {dimension_semantics = [#tpu.dimension_semantics<parallel>, #tpu.dimension_semantics<arbitrary>], iteration_bounds = array<i64: 8, 8>, scalar_prefetch = 0 : i64, scratch_operands = 1 : i64, tpu.core_type = #tpu.core_type<tc>, window_params = [{transform_indices = @transform_0, window_bounds = array<i64: 2048, 512>}, {transform_indices = @transform_1, window_bounds = array<i64: 512, 384>}, {transform_indices = @transform_2, window_bounds = array<i64: 2048, 128>}, {pipeline_mode = #tpu.pipeline_mode<synchronous>, transform_indices = @transform_3, window_bounds = array<i64: 128, 256>}, {transform_indices = @transform_4, window_bounds = array<i64: 2048, 1>}, {transform_indices = @transform_5, window_bounds = array<i64: 2048, 64>}, {transform_indices = @transform_6, window_bounds = array<i64: 2048, 64>}, {transform_indices = @transform_7, window_bounds = array<i64: 2048, 64>}, {transform_indices = @transform_8, window_bounds = array<i64: 2048, 64>}, {transform_indices = @transform_9, window_bounds = array<i64: 2048, 128>}]} {
    %eq3A = arith.constant 0 : i32
    %eq3A_0 = arith.cmpi eq, %arg1, %eq3A : i32
    %convert_element_type3A = arith.extui %eq3A_0 : i1 to i32
    %cond3A = arith.constant 0 : i32
    %cond3A_1 = arith.cmpi ne, %convert_element_type3A, %cond3A : i32
    scf.if %cond3A_1 {
      %broadcast_in_dim3A = arith.constant 0.000000e+00 : f32
      %broadcast_in_dim3A_19 = vector.broadcast %broadcast_in_dim3A : f32 to vector<2048x384xf32>
      %swap3A_20 = arith.constant 0 : index
      %swap3A_21 = arith.constant 0 : index
      %swap3A_22 = vector.load %arg12[%swap3A_20, %swap3A_21] : memref<2048x384xf32, #tpu.memory_space<vmem>>, vector<2048x384xf32>
      tpu.vector_store %arg12[%swap3A_20, %swap3A_21], %broadcast_in_dim3A_19 {strides = array<i32>} : memref<2048x384xf32, #tpu.memory_space<vmem>>, vector<2048x384xf32>,
    } else {
    }
    %get3A = arith.constant 0 : index
    %get3A_2 = arith.constant 0 : index
    %get3A_3 = vector.load %arg12[%get3A, %get3A_2] : memref<2048x384xf32, #tpu.memory_space<vmem>>, vector<2048x384xf32>
    %get3A_4 = arith.constant 0 : index
    %get3A_5 = arith.constant 0 : index
    %get3A_6 = vector.load %arg2[%get3A_4, %get3A_5] : memref<2048x512xf32, #tpu.memory_space<vmem>>, vector<2048x512xf32>
    %convert_element_type3A_7 = arith.truncf %get3A_6 : vector<2048x512xf32> to vector<2048x512xbf16>
    %get3A_8 = arith.constant 0 : index
    %get3A_9 = arith.constant 0 : index
    %get3A_10 = vector.load %arg3[%get3A_8, %get3A_9] : memref<512x384xbf16, #tpu.memory_space<vmem>>, vector<512x384xbf16>
    %dot_general3A = arith.constant dense<0.000000e+00> : vector<2048x384xf32>
    %dot_general3A_11 = tpu.matmul %convert_element_type3A_7, %get3A_10, %dot_general3A {dimension_numbers = #tpu.dot_dimension_numbers<[1], [0], [0], [1], [0, 0, 1, 1], [], []>, transpose_lhs_hint = false} : vector<2048x512xbf16>, vector<512x384xbf16>, vector<2048x384xf32> -> vector<2048x384xf32>
    %add3A = arith.addf %get3A_3, %dot_general3A_11 : vector<2048x384xf32>
    %swap3A = arith.constant 0 : index
    %swap3A_12 = arith.constant 0 : index
    %swap3A_13 = vector.load %arg12[%swap3A, %swap3A_12] : memref<2048x384xf32, #tpu.memory_space<vmem>>, vector<2048x384xf32>
    tpu.vector_store %arg12[%swap3A, %swap3A_12], %add3A {strides = array<i32>} : memref<2048x384xf32, #tpu.memory_space<vmem>>, vector<2048x384xf32>,
    %eq3A_14 = arith.constant 7 : i32
    %eq3A_15 = arith.cmpi eq, %arg1, %eq3A_14 : i32
    %convert_element_type3A_16 = arith.extui %eq3A_15 : i1 to i32
    %cond3A_17 = arith.constant 0 : i32
    %cond3A_18 = arith.cmpi ne, %convert_element_type3A_16, %cond3A_17 : i32
    scf.if %cond3A_18 {
      %get3A_19 = arith.constant 0 : index
      %get3A_20 = arith.constant 0 : index
      %get3A_21 = vector.load %arg6[%get3A_19, %get3A_20] : memref<2048x1xf32, #tpu.memory_space<vmem>>, vector<2048x1xf32>
      %get3A_22 = arith.constant 0 : index
      %get3A_23 = arith.constant 0 : index
      %get3A_24 = vector.load %arg12[%get3A_22, %get3A_23] : memref<2048x384xf32, #tpu.memory_space<vmem>>, vector<2048x256xf32>
      %get3A_25 = arith.constant 0 : index
      %get3A_26 = arith.constant 0 : index
      %get3A_27 = vector.load %arg4[%get3A_25, %get3A_26] : memref<2048x128xf32, #tpu.memory_space<vmem>>, vector<2048x128xf32>
      %get3A_28 = arith.constant 0 : index
      %get3A_29 = arith.constant 0 : index
      %get3A_30 = vector.load %arg5[%get3A_28, %get3A_29] : memref<128x256xf32, #tpu.memory_space<vmem>>, vector<128x256xf32>
      %dot_general3A_31 = arith.constant dense<0.000000e+00> : vector<2048x256xf32>
      %dot_general3A_32 = tpu.matmul %get3A_27, %get3A_30, %dot_general3A_31 {dimension_numbers = #tpu.dot_dimension_numbers<[1], [0], [0], [1], [0, 0, 1, 1], [], []>, transpose_lhs_hint = false} : vector<2048x128xf32>, vector<128x256xf32>, vector<2048x256xf32> -> vector<2048x256xf32>
      %add3A_33 = arith.addf %get3A_24, %dot_general3A_32 : vector<2048x256xf32>
      %mul3A = vector.broadcast %get3A_21 : vector<2048x1xf32> to vector<2048x256xf32>
      %mul3A_34 = arith.mulf %add3A_33, %mul3A : vector<2048x256xf32>
      %slice3A = vector.extract_strided_slice %mul3A_34 {offsets = [0, 0], sizes = [2048, 64], strides = [1, 1]} : vector<2048x256xf32> to vector<2048x64xf32>
      %swap3A_35 = arith.constant 0 : index
      %swap3A_36 = arith.constant 0 : index
      %swap3A_37 = vector.load %arg7[%swap3A_35, %swap3A_36] : memref<2048x64xf32, #tpu.memory_space<vmem>>, vector<2048x64xf32>
      tpu.vector_store %arg7[%swap3A_35, %swap3A_36], %slice3A {strides = array<i32>} : memref<2048x64xf32, #tpu.memory_space<vmem>>, vector<2048x64xf32>,
      %slice3A_38 = vector.extract_strided_slice %mul3A_34 {offsets = [0, 64], sizes = [2048, 64], strides = [1, 1]} : vector<2048x256xf32> to vector<2048x64xf32>
      %swap3A_39 = arith.constant 0 : index
      %swap3A_40 = arith.constant 0 : index
      %swap3A_41 = vector.load %arg8[%swap3A_39, %swap3A_40] : memref<2048x64xf32, #tpu.memory_space<vmem>>, vector<2048x64xf32>
      tpu.vector_store %arg8[%swap3A_39, %swap3A_40], %slice3A_38 {strides = array<i32>} : memref<2048x64xf32, #tpu.memory_space<vmem>>, vector<2048x64xf32>,
      %slice3A_42 = vector.extract_strided_slice %mul3A_34 {offsets = [0, 128], sizes = [2048, 64], strides = [1, 1]} : vector<2048x256xf32> to vector<2048x64xf32>
      %swap3A_43 = arith.constant 0 : index
      %swap3A_44 = arith.constant 0 : index
      %swap3A_45 = vector.load %arg9[%swap3A_43, %swap3A_44] : memref<2048x64xf32, #tpu.memory_space<vmem>>, vector<2048x64xf32>
      tpu.vector_store %arg9[%swap3A_43, %swap3A_44], %slice3A_42 {strides = array<i32>} : memref<2048x64xf32, #tpu.memory_space<vmem>>, vector<2048x64xf32>,
      %slice3A_46 = vector.extract_strided_slice %mul3A_34 {offsets = [0, 192], sizes = [2048, 64], strides = [1, 1]} : vector<2048x256xf32> to vector<2048x64xf32>
      %swap3A_47 = arith.constant 0 : index
      %swap3A_48 = arith.constant 0 : index
      %swap3A_49 = vector.load %arg10[%swap3A_47, %swap3A_48] : memref<2048x64xf32, #tpu.memory_space<vmem>>, vector<2048x64xf32>
      tpu.vector_store %arg10[%swap3A_47, %swap3A_48], %slice3A_46 {strides = array<i32>} : memref<2048x64xf32, #tpu.memory_space<vmem>>, vector<2048x64xf32>,
      %get3A_50 = arith.constant 0 : index
      %get3A_51 = arith.constant 256 : index
      %get3A_52 = vector.load %arg12[%get3A_50, %get3A_51] : memref<2048x384xf32, #tpu.memory_space<vmem>>, vector<2048x128xf32>
      %mul3A_53 = vector.broadcast %get3A_21 : vector<2048x1xf32> to vector<2048x128xf32>
      %mul3A_54 = arith.mulf %get3A_52, %mul3A_53 : vector<2048x128xf32>
      %swap3A_55 = arith.constant 0 : index
      %swap3A_56 = arith.constant 0 : index
      %swap3A_57 = vector.load %arg11[%swap3A_55, %swap3A_56] : memref<2048x128xf32, #tpu.memory_space<vmem>>, vector<2048x128xf32>
      tpu.vector_store %arg11[%swap3A_55, %swap3A_56], %mul3A_54 {strides = array<i32>} : memref<2048x128xf32, #tpu.memory_space<vmem>>, vector<2048x128xf32>,
    } else {
    }
    return
  }
  func.func @transform_0(%arg0: i32, %arg1: i32) -> (i32, i32) {
    %c0_i32 = arith.constant 0 : i32
    return %arg0, %arg1 : i32, i32
  }
  func.func @transform_1(%arg0: i32, %arg1: i32) -> (i32, i32) {
    %c0_i32 = arith.constant 0 : i32
    %c0_i32_0 = arith.constant 0 : i32
    return %arg1, %c0_i32 : i32, i32
  }
  func.func @transform_2(%arg0: i32, %arg1: i32) -> (i32, i32) {
    %c0_i32 = arith.constant 0 : i32
    %c0_i32_0 = arith.constant 0 : i32
    return %arg0, %c0_i32 : i32, i32
  }
  func.func @transform_3(%arg0: i32, %arg1: i32) -> (i32, i32) {
    %c0_i32 = arith.constant 0 : i32
    %c0_i32_0 = arith.constant 0 : i32
    %c0_i32_1 = arith.constant 0 : i32
    return %c0_i32, %c0_i32_0 : i32, i32
  }
  func.func @transform_4(%arg0: i32, %arg1: i32) -> (i32, i32) {
    %c0_i32 = arith.constant 0 : i32
    %c0_i32_0 = arith.constant 0 : i32
    return %arg0, %c0_i32 : i32, i32
  }
  func.func @transform_5(%arg0: i32, %arg1: i32) -> (i32, i32) {
    %c0_i32 = arith.constant 0 : i32
    %c0_i32_0 = arith.constant 0 : i32
    return %arg0, %c0_i32 : i32, i32
  }
  func.func @transform_6(%arg0: i32, %arg1: i32) -> (i32, i32) {
    %c0_i32 = arith.constant 0 : i32
    %c0_i32_0 = arith.constant 0 : i32
    return %arg0, %c0_i32 : i32, i32
  }
  func.func @transform_7(%arg0: i32, %arg1: i32) -> (i32, i32) {
    %c0_i32 = arith.constant 0 : i32
    %c0_i32_0 = arith.constant 0 : i32
    return %arg0, %c0_i32 : i32, i32
  }
  func.func @transform_8(%arg0: i32, %arg1: i32) -> (i32, i32) {
    %c0_i32 = arith.constant 0 : i32
    %c0_i32_0 = arith.constant 0 : i32
    return %arg0, %c0_i32 : i32, i32
  }
  func.func @transform_9(%arg0: i32, %arg1: i32) -> (i32, i32) {
    %c0_i32 = arith.constant 0 : i32
    %c0_i32_0 = arith.constant 0 : i32
    return %arg0, %c0_i32 : i32, i32
  }
}

module attributes {stable_mosaic.version = 14 : i64} {
  func.func @_gate1_body(%arg0: i32, %arg1: memref<512x64xf32, #tpu.memory_space<vmem>>, %arg2: memref<512x64xf32, #tpu.memory_space<vmem>>, %arg3: memref<512x64xf32, #tpu.memory_space<vmem>>, %arg4: memref<512x64xf32, #tpu.memory_space<vmem>>, %arg5: memref<512x64xf32, #tpu.memory_space<vmem>>, %arg6: memref<512x64xf32, #tpu.memory_space<vmem>>, %arg7: memref<512x64xf32, #tpu.memory_space<vmem>>, %arg8: memref<512x64xf32, #tpu.memory_space<vmem>>, %arg9: memref<512x64xf32, #tpu.memory_space<vmem>>, %arg10: memref<512x64xf32, #tpu.memory_space<vmem>>, %arg11: memref<512x64xf32, #tpu.memory_space<vmem>>, %arg12: memref<512x64xf32, #tpu.memory_space<vmem>>, %arg13: memref<512x1xf32, #tpu.memory_space<vmem>>, %arg14: memref<1x256xf32, #tpu.memory_space<vmem>>, %arg15: memref<512x256xf32, #tpu.memory_space<vmem>>) attributes {dimension_semantics = [#tpu.dimension_semantics<parallel>], iteration_bounds = array<i64: 32>, scalar_prefetch = 0 : i64, scratch_operands = 0 : i64, tpu.core_type = #tpu.core_type<tc>, window_params = [{transform_indices = @transform_0, window_bounds = array<i64: 512, 64>}, {transform_indices = @transform_1, window_bounds = array<i64: 512, 64>}, {transform_indices = @transform_2, window_bounds = array<i64: 512, 64>}, {transform_indices = @transform_3, window_bounds = array<i64: 512, 64>}, {transform_indices = @transform_4, window_bounds = array<i64: 512, 64>}, {transform_indices = @transform_5, window_bounds = array<i64: 512, 64>}, {transform_indices = @transform_6, window_bounds = array<i64: 512, 64>}, {transform_indices = @transform_7, window_bounds = array<i64: 512, 64>}, {transform_indices = @transform_8, window_bounds = array<i64: 512, 64>}, {transform_indices = @transform_9, window_bounds = array<i64: 512, 64>}, {transform_indices = @transform_10, window_bounds = array<i64: 512, 64>}, {transform_indices = @transform_11, window_bounds = array<i64: 512, 64>}, {transform_indices = @transform_12, window_bounds = array<i64: 512, 1>}, {pipeline_mode = #tpu.pipeline_mode<synchronous>, transform_indices = @transform_13, window_bounds = array<i64: 1, 256>}, {transform_indices = @transform_14, window_bounds = array<i64: 512, 256>}]} {
    %get3A = arith.constant 0 : index
    %get3A_0 = arith.constant 0 : index
    %get3A_1 = vector.load %arg13[%get3A, %get3A_0] : memref<512x1xf32, #tpu.memory_space<vmem>>, vector<512x1xf32>
    %get3A_2 = arith.constant 0 : index
    %get3A_3 = arith.constant 0 : index
    %get3A_4 = vector.load %arg1[%get3A_2, %get3A_3] : memref<512x64xf32, #tpu.memory_space<vmem>>, vector<512x64xf32>
    %get3A_5 = arith.constant 0 : index
    %get3A_6 = arith.constant 0 : index
    %get3A_7 = vector.load %arg5[%get3A_5, %get3A_6] : memref<512x64xf32, #tpu.memory_space<vmem>>, vector<512x64xf32>
    %add3A = arith.addf %get3A_4, %get3A_7 : vector<512x64xf32>
    %get3A_8 = arith.constant 0 : index
    %get3A_9 = arith.constant 0 : index
    %get3A_10 = vector.load %arg9[%get3A_8, %get3A_9] : memref<512x64xf32, #tpu.memory_space<vmem>>, vector<512x64xf32>
    %add3A_11 = arith.addf %add3A, %get3A_10 : vector<512x64xf32>
    %mul3A = vector.broadcast %get3A_1 : vector<512x1xf32> to vector<512x64xf32>
    %mul3A_12 = arith.mulf %add3A_11, %mul3A : vector<512x64xf32>
    %get3A_13 = arith.constant 0 : index
    %get3A_14 = arith.constant 0 : index
    %get3A_15 = vector.load %arg14[%get3A_13, %get3A_14] : memref<1x256xf32, #tpu.memory_space<vmem>>, vector<1x64xf32>
    %get3A_16 = vector.shape_cast %get3A_15 : vector<1x64xf32> to vector<64xf32>
    %broadcast_in_dim3A = vector.shape_cast %get3A_16 : vector<64xf32> to vector<1x64xf32>
    %add3A_17 = vector.broadcast %broadcast_in_dim3A : vector<1x64xf32> to vector<512x64xf32>
    %add3A_18 = arith.addf %mul3A_12, %add3A_17 : vector<512x64xf32>
    %logistic3A = arith.negf %add3A_18 : vector<512x64xf32>
    %logistic3A_19 = math.exp %logistic3A : vector<512x64xf32>
    %logistic3A_20 = arith.constant 1.000000e+00 : f32
    %logistic3A_21 = vector.broadcast %logistic3A_20 : f32 to vector<512x64xf32>
    %logistic3A_22 = arith.addf %logistic3A_21, %logistic3A_19 : vector<512x64xf32>
    %logistic3A_23 = arith.divf %logistic3A_21, %logistic3A_22 : vector<512x64xf32>
    %swap3A = arith.constant 0 : index
    %swap3A_24 = arith.constant 0 : index
    %swap3A_25 = vector.load %arg15[%swap3A, %swap3A_24] : memref<512x256xf32, #tpu.memory_space<vmem>>, vector<512x64xf32>
    tpu.vector_store %arg15[%swap3A, %swap3A_24], %logistic3A_23 {strides = array<i32>} : memref<512x256xf32, #tpu.memory_space<vmem>>, vector<512x64xf32>,
    %get3A_26 = arith.constant 0 : index
    %get3A_27 = arith.constant 0 : index
    %get3A_28 = vector.load %arg2[%get3A_26, %get3A_27] : memref<512x64xf32, #tpu.memory_space<vmem>>, vector<512x64xf32>
    %get3A_29 = arith.constant 0 : index
    %get3A_30 = arith.constant 0 : index
    %get3A_31 = vector.load %arg6[%get3A_29, %get3A_30] : memref<512x64xf32, #tpu.memory_space<vmem>>, vector<512x64xf32>
    %add3A_32 = arith.addf %get3A_28, %get3A_31 : vector<512x64xf32>
    %get3A_33 = arith.constant 0 : index
    %get3A_34 = arith.constant 0 : index
    %get3A_35 = vector.load %arg10[%get3A_33, %get3A_34] : memref<512x64xf32, #tpu.memory_space<vmem>>, vector<512x64xf32>
    %add3A_36 = arith.addf %add3A_32, %get3A_35 : vector<512x64xf32>
    %mul3A_37 = vector.broadcast %get3A_1 : vector<512x1xf32> to vector<512x64xf32>
    %mul3A_38 = arith.mulf %add3A_36, %mul3A_37 : vector<512x64xf32>
    %get3A_39 = arith.constant 0 : index
    %get3A_40 = arith.constant 64 : index
    %get3A_41 = vector.load %arg14[%get3A_39, %get3A_40] : memref<1x256xf32, #tpu.memory_space<vmem>>, vector<1x64xf32>
    %get3A_42 = vector.shape_cast %get3A_41 : vector<1x64xf32> to vector<64xf32>
    %broadcast_in_dim3A_43 = vector.shape_cast %get3A_42 : vector<64xf32> to vector<1x64xf32>
    %add3A_44 = vector.broadcast %broadcast_in_dim3A_43 : vector<1x64xf32> to vector<512x64xf32>
    %add3A_45 = arith.addf %mul3A_38, %add3A_44 : vector<512x64xf32>
    %logistic3A_46 = arith.negf %add3A_45 : vector<512x64xf32>
    %logistic3A_47 = math.exp %logistic3A_46 : vector<512x64xf32>
    %logistic3A_48 = arith.constant 1.000000e+00 : f32
    %logistic3A_49 = vector.broadcast %logistic3A_48 : f32 to vector<512x64xf32>
    %logistic3A_50 = arith.addf %logistic3A_49, %logistic3A_47 : vector<512x64xf32>
    %logistic3A_51 = arith.divf %logistic3A_49, %logistic3A_50 : vector<512x64xf32>
    %swap3A_52 = arith.constant 0 : index
    %swap3A_53 = arith.constant 64 : index
    %swap3A_54 = vector.load %arg15[%swap3A_52, %swap3A_53] : memref<512x256xf32, #tpu.memory_space<vmem>>, vector<512x64xf32>
    tpu.vector_store %arg15[%swap3A_52, %swap3A_53], %logistic3A_51 {strides = array<i32>} : memref<512x256xf32, #tpu.memory_space<vmem>>, vector<512x64xf32>,
    %get3A_55 = arith.constant 0 : index
    %get3A_56 = arith.constant 0 : index
    %get3A_57 = vector.load %arg3[%get3A_55, %get3A_56] : memref<512x64xf32, #tpu.memory_space<vmem>>, vector<512x64xf32>
    %get3A_58 = arith.constant 0 : index
    %get3A_59 = arith.constant 0 : index
    %get3A_60 = vector.load %arg7[%get3A_58, %get3A_59] : memref<512x64xf32, #tpu.memory_space<vmem>>, vector<512x64xf32>
    %add3A_61 = arith.addf %get3A_57, %get3A_60 : vector<512x64xf32>
    %get3A_62 = arith.constant 0 : index
    %get3A_63 = arith.constant 0 : index
    %get3A_64 = vector.load %arg11[%get3A_62, %get3A_63] : memref<512x64xf32, #tpu.memory_space<vmem>>, vector<512x64xf32>
    %add3A_65 = arith.addf %add3A_61, %get3A_64 : vector<512x64xf32>
    %mul3A_66 = vector.broadcast %get3A_1 : vector<512x1xf32> to vector<512x64xf32>
    %mul3A_67 = arith.mulf %add3A_65, %mul3A_66 : vector<512x64xf32>
    %get3A_68 = arith.constant 0 : index
    %get3A_69 = arith.constant 128 : index
    %get3A_70 = vector.load %arg14[%get3A_68, %get3A_69] : memref<1x256xf32, #tpu.memory_space<vmem>>, vector<1x64xf32>
    %get3A_71 = vector.shape_cast %get3A_70 : vector<1x64xf32> to vector<64xf32>
    %broadcast_in_dim3A_72 = vector.shape_cast %get3A_71 : vector<64xf32> to vector<1x64xf32>
    %add3A_73 = vector.broadcast %broadcast_in_dim3A_72 : vector<1x64xf32> to vector<512x64xf32>
    %add3A_74 = arith.addf %mul3A_67, %add3A_73 : vector<512x64xf32>
    %logistic3A_75 = arith.negf %add3A_74 : vector<512x64xf32>
    %logistic3A_76 = math.exp %logistic3A_75 : vector<512x64xf32>
    %logistic3A_77 = arith.constant 1.000000e+00 : f32
    %logistic3A_78 = vector.broadcast %logistic3A_77 : f32 to vector<512x64xf32>
    %logistic3A_79 = arith.addf %logistic3A_78, %logistic3A_76 : vector<512x64xf32>
    %logistic3A_80 = arith.divf %logistic3A_78, %logistic3A_79 : vector<512x64xf32>
    %swap3A_81 = arith.constant 0 : index
    %swap3A_82 = arith.constant 128 : index
    %swap3A_83 = vector.load %arg15[%swap3A_81, %swap3A_82] : memref<512x256xf32, #tpu.memory_space<vmem>>, vector<512x64xf32>
    tpu.vector_store %arg15[%swap3A_81, %swap3A_82], %logistic3A_80 {strides = array<i32>} : memref<512x256xf32, #tpu.memory_space<vmem>>, vector<512x64xf32>,
    %get3A_84 = arith.constant 0 : index
    %get3A_85 = arith.constant 0 : index
    %get3A_86 = vector.load %arg4[%get3A_84, %get3A_85] : memref<512x64xf32, #tpu.memory_space<vmem>>, vector<512x64xf32>
    %get3A_87 = arith.constant 0 : index
    %get3A_88 = arith.constant 0 : index
    %get3A_89 = vector.load %arg8[%get3A_87, %get3A_88] : memref<512x64xf32, #tpu.memory_space<vmem>>, vector<512x64xf32>
    %add3A_90 = arith.addf %get3A_86, %get3A_89 : vector<512x64xf32>
    %get3A_91 = arith.constant 0 : index
    %get3A_92 = arith.constant 0 : index
    %get3A_93 = vector.load %arg12[%get3A_91, %get3A_92] : memref<512x64xf32, #tpu.memory_space<vmem>>, vector<512x64xf32>
    %add3A_94 = arith.addf %add3A_90, %get3A_93 : vector<512x64xf32>
    %mul3A_95 = vector.broadcast %get3A_1 : vector<512x1xf32> to vector<512x64xf32>
    %mul3A_96 = arith.mulf %add3A_94, %mul3A_95 : vector<512x64xf32>
    %get3A_97 = arith.constant 0 : index
    %get3A_98 = arith.constant 192 : index
    %get3A_99 = vector.load %arg14[%get3A_97, %get3A_98] : memref<1x256xf32, #tpu.memory_space<vmem>>, vector<1x64xf32>
    %get3A_100 = vector.shape_cast %get3A_99 : vector<1x64xf32> to vector<64xf32>
    %broadcast_in_dim3A_101 = vector.shape_cast %get3A_100 : vector<64xf32> to vector<1x64xf32>
    %add3A_102 = vector.broadcast %broadcast_in_dim3A_101 : vector<1x64xf32> to vector<512x64xf32>
    %add3A_103 = arith.addf %mul3A_96, %add3A_102 : vector<512x64xf32>
    %logistic3A_104 = arith.negf %add3A_103 : vector<512x64xf32>
    %logistic3A_105 = math.exp %logistic3A_104 : vector<512x64xf32>
    %logistic3A_106 = arith.constant 1.000000e+00 : f32
    %logistic3A_107 = vector.broadcast %logistic3A_106 : f32 to vector<512x64xf32>
    %logistic3A_108 = arith.addf %logistic3A_107, %logistic3A_105 : vector<512x64xf32>
    %logistic3A_109 = arith.divf %logistic3A_107, %logistic3A_108 : vector<512x64xf32>
    %swap3A_110 = arith.constant 0 : index
    %swap3A_111 = arith.constant 192 : index
    %swap3A_112 = vector.load %arg15[%swap3A_110, %swap3A_111] : memref<512x256xf32, #tpu.memory_space<vmem>>, vector<512x64xf32>
    tpu.vector_store %arg15[%swap3A_110, %swap3A_111], %logistic3A_109 {strides = array<i32>} : memref<512x256xf32, #tpu.memory_space<vmem>>, vector<512x64xf32>,
    return
  }
  func.func @transform_0(%arg0: i32) -> (i32, i32) {
    %c0_i32 = arith.constant 0 : i32
    %c0_i32_0 = arith.constant 0 : i32
    return %arg0, %c0_i32 : i32, i32
  }
  func.func @transform_1(%arg0: i32) -> (i32, i32) {
    %c0_i32 = arith.constant 0 : i32
    %c0_i32_0 = arith.constant 0 : i32
    return %arg0, %c0_i32 : i32, i32
  }
  func.func @transform_2(%arg0: i32) -> (i32, i32) {
    %c0_i32 = arith.constant 0 : i32
    %c0_i32_0 = arith.constant 0 : i32
    return %arg0, %c0_i32 : i32, i32
  }
  func.func @transform_3(%arg0: i32) -> (i32, i32) {
    %c0_i32 = arith.constant 0 : i32
    %c0_i32_0 = arith.constant 0 : i32
    return %arg0, %c0_i32 : i32, i32
  }
  func.func @transform_4(%arg0: i32) -> (i32, i32) {
    %add3A = arith.constant 32 : i32
    %add3A_0 = arith.addi %arg0, %add3A : i32
    %c0_i32 = arith.constant 0 : i32
    %c0_i32_1 = arith.constant 0 : i32
    return %add3A_0, %c0_i32 : i32, i32
  }
  func.func @transform_5(%arg0: i32) -> (i32, i32) {
    %add3A = arith.constant 32 : i32
    %add3A_0 = arith.addi %arg0, %add3A : i32
    %c0_i32 = arith.constant 0 : i32
    %c0_i32_1 = arith.constant 0 : i32
    return %add3A_0, %c0_i32 : i32, i32
  }
  func.func @transform_6(%arg0: i32) -> (i32, i32) {
    %add3A = arith.constant 32 : i32
    %add3A_0 = arith.addi %arg0, %add3A : i32
    %c0_i32 = arith.constant 0 : i32
    %c0_i32_1 = arith.constant 0 : i32
    return %add3A_0, %c0_i32 : i32, i32
  }
  func.func @transform_7(%arg0: i32) -> (i32, i32) {
    %add3A = arith.constant 32 : i32
    %add3A_0 = arith.addi %arg0, %add3A : i32
    %c0_i32 = arith.constant 0 : i32
    %c0_i32_1 = arith.constant 0 : i32
    return %add3A_0, %c0_i32 : i32, i32
  }
  func.func @transform_8(%arg0: i32) -> (i32, i32) {
    %c0_i32 = arith.constant 0 : i32
    %c0_i32_0 = arith.constant 0 : i32
    return %arg0, %c0_i32 : i32, i32
  }
  func.func @transform_9(%arg0: i32) -> (i32, i32) {
    %c0_i32 = arith.constant 0 : i32
    %c0_i32_0 = arith.constant 0 : i32
    return %arg0, %c0_i32 : i32, i32
  }
  func.func @transform_10(%arg0: i32) -> (i32, i32) {
    %c0_i32 = arith.constant 0 : i32
    %c0_i32_0 = arith.constant 0 : i32
    return %arg0, %c0_i32 : i32, i32
  }
  func.func @transform_11(%arg0: i32) -> (i32, i32) {
    %c0_i32 = arith.constant 0 : i32
    %c0_i32_0 = arith.constant 0 : i32
    return %arg0, %c0_i32 : i32, i32
  }
  func.func @transform_12(%arg0: i32) -> (i32, i32) {
    %c0_i32 = arith.constant 0 : i32
    %c0_i32_0 = arith.constant 0 : i32
    return %arg0, %c0_i32 : i32, i32
  }
  func.func @transform_13(%arg0: i32) -> (i32, i32) {
    %c0_i32 = arith.constant 0 : i32
    %c0_i32_0 = arith.constant 0 : i32
    %c0_i32_1 = arith.constant 0 : i32
    return %c0_i32, %c0_i32_0 : i32, i32
  }
  func.func @transform_14(%arg0: i32) -> (i32, i32) {
    %c0_i32 = arith.constant 0 : i32
    %c0_i32_0 = arith.constant 0 : i32
    return %arg0, %c0_i32 : i32, i32
  }
}

module attributes {stable_mosaic.version = 14 : i64} {
  func.func @_mm2_body(%arg0: i32, %arg1: memref<512x128xf32, #tpu.memory_space<vmem>>, %arg2: memref<512x128xf32, #tpu.memory_space<vmem>>, %arg3: memref<128x128xf32, #tpu.memory_space<vmem>>, %arg4: memref<512x128xf32, #tpu.memory_space<vmem>>, %arg5: memref<512x1xf32, #tpu.memory_space<vmem>>, %arg6: memref<512x64xf32, #tpu.memory_space<vmem>>, %arg7: memref<512x64xf32, #tpu.memory_space<vmem>>) attributes {dimension_semantics = [#tpu.dimension_semantics<parallel>], iteration_bounds = array<i64: 32>, scalar_prefetch = 0 : i64, scratch_operands = 0 : i64, tpu.core_type = #tpu.core_type<tc>, window_params = [{transform_indices = @transform_0, window_bounds = array<i64: 512, 128>}, {transform_indices = @transform_1, window_bounds = array<i64: 512, 128>}, {pipeline_mode = #tpu.pipeline_mode<synchronous>, transform_indices = @transform_2, window_bounds = array<i64: 128, 128>}, {transform_indices = @transform_3, window_bounds = array<i64: 512, 128>}, {transform_indices = @transform_4, window_bounds = array<i64: 512, 1>}, {transform_indices = @transform_5, window_bounds = array<i64: 512, 64>}, {transform_indices = @transform_6, window_bounds = array<i64: 512, 64>}]} {
    %get3A = arith.constant 0 : index
    %get3A_0 = arith.constant 0 : index
    %get3A_1 = vector.load %arg1[%get3A, %get3A_0] : memref<512x128xf32, #tpu.memory_space<vmem>>, vector<512x128xf32>
    %get3A_2 = arith.constant 0 : index
    %get3A_3 = arith.constant 0 : index
    %get3A_4 = vector.load %arg2[%get3A_2, %get3A_3] : memref<512x128xf32, #tpu.memory_space<vmem>>, vector<512x128xf32>
    %mul3A = arith.mulf %get3A_1, %get3A_4 : vector<512x128xf32>
    %get3A_5 = arith.constant 0 : index
    %get3A_6 = arith.constant 0 : index
    %get3A_7 = vector.load %arg3[%get3A_5, %get3A_6] : memref<128x128xf32, #tpu.memory_space<vmem>>, vector<128x128xf32>
    %dot_general3A = arith.constant dense<0.000000e+00> : vector<512x128xf32>
    %dot_general3A_8 = tpu.matmul %mul3A, %get3A_7, %dot_general3A {dimension_numbers = #tpu.dot_dimension_numbers<[1], [0], [0], [1], [0, 0, 1, 1], [], []>, transpose_lhs_hint = false} : vector<512x128xf32>, vector<128x128xf32>, vector<512x128xf32> -> vector<512x128xf32>
    %get3A_9 = arith.constant 0 : index
    %get3A_10 = arith.constant 0 : index
    %get3A_11 = vector.load %arg4[%get3A_9, %get3A_10] : memref<512x128xf32, #tpu.memory_space<vmem>>, vector<512x128xf32>
    %get3A_12 = arith.constant 0 : index
    %get3A_13 = arith.constant 0 : index
    %get3A_14 = vector.load %arg5[%get3A_12, %get3A_13] : memref<512x1xf32, #tpu.memory_space<vmem>>, vector<512x1xf32>
    %mul3A_15 = vector.broadcast %get3A_14 : vector<512x1xf32> to vector<512x128xf32>
    %mul3A_16 = arith.mulf %dot_general3A_8, %mul3A_15 : vector<512x128xf32>
    %add3A = arith.addf %get3A_11, %mul3A_16 : vector<512x128xf32>
    %slice3A = vector.extract_strided_slice %add3A {offsets = [0, 0], sizes = [512, 64], strides = [1, 1]} : vector<512x128xf32> to vector<512x64xf32>
    %swap3A = arith.constant 0 : index
    %swap3A_17 = arith.constant 0 : index
    %swap3A_18 = vector.load %arg6[%swap3A, %swap3A_17] : memref<512x64xf32, #tpu.memory_space<vmem>>, vector<512x64xf32>
    tpu.vector_store %arg6[%swap3A, %swap3A_17], %slice3A {strides = array<i32>} : memref<512x64xf32, #tpu.memory_space<vmem>>, vector<512x64xf32>,
    %slice3A_19 = vector.extract_strided_slice %add3A {offsets = [0, 64], sizes = [512, 64], strides = [1, 1]} : vector<512x128xf32> to vector<512x64xf32>
    %swap3A_20 = arith.constant 0 : index
    %swap3A_21 = arith.constant 0 : index
    %swap3A_22 = vector.load %arg7[%swap3A_20, %swap3A_21] : memref<512x64xf32, #tpu.memory_space<vmem>>, vector<512x64xf32>
    tpu.vector_store %arg7[%swap3A_20, %swap3A_21], %slice3A_19 {strides = array<i32>} : memref<512x64xf32, #tpu.memory_space<vmem>>, vector<512x64xf32>,
    return
  }
  func.func @transform_0(%arg0: i32) -> (i32, i32) {
    %c0_i32 = arith.constant 0 : i32
    %c0_i32_0 = arith.constant 0 : i32
    return %arg0, %c0_i32 : i32, i32
  }
  func.func @transform_1(%arg0: i32) -> (i32, i32) {
    %c0_i32 = arith.constant 0 : i32
    %c0_i32_0 = arith.constant 0 : i32
    return %arg0, %c0_i32 : i32, i32
  }
  func.func @transform_2(%arg0: i32) -> (i32, i32) {
    %c0_i32 = arith.constant 0 : i32
    %c0_i32_0 = arith.constant 0 : i32
    %c0_i32_1 = arith.constant 0 : i32
    return %c0_i32, %c0_i32_0 : i32, i32
  }
  func.func @transform_3(%arg0: i32) -> (i32, i32) {
    %c0_i32 = arith.constant 0 : i32
    %c0_i32_0 = arith.constant 0 : i32
    return %arg0, %c0_i32 : i32, i32
  }
  func.func @transform_4(%arg0: i32) -> (i32, i32) {
    %c0_i32 = arith.constant 0 : i32
    %c0_i32_0 = arith.constant 0 : i32
    return %arg0, %c0_i32 : i32, i32
  }
  func.func @transform_5(%arg0: i32) -> (i32, i32) {
    %c0_i32 = arith.constant 0 : i32
    %c0_i32_0 = arith.constant 0 : i32
    return %arg0, %c0_i32 : i32, i32
  }
  func.func @transform_6(%arg0: i32) -> (i32, i32) {
    %c0_i32 = arith.constant 0 : i32
    %c0_i32_0 = arith.constant 0 : i32
    return %arg0, %c0_i32 : i32, i32
  }
}

module attributes {stable_mosaic.version = 14 : i64} {
  func.func @_gate2_body(%arg0: i32, %arg1: memref<512x64xf32, #tpu.memory_space<vmem>>, %arg2: memref<512x64xf32, #tpu.memory_space<vmem>>, %arg3: memref<512x64xf32, #tpu.memory_space<vmem>>, %arg4: memref<512x64xf32, #tpu.memory_space<vmem>>, %arg5: memref<512x64xf32, #tpu.memory_space<vmem>>, %arg6: memref<512x64xf32, #tpu.memory_space<vmem>>, %arg7: memref<512x1xf32, #tpu.memory_space<vmem>>, %arg8: memref<1x128xf32, #tpu.memory_space<vmem>>, %arg9: memref<512x128xf32, #tpu.memory_space<vmem>>, %arg10: memref<512x128xf32, #tpu.memory_space<vmem>>, %arg11: memref<512x128xf32, #tpu.memory_space<vmem>>) attributes {dimension_semantics = [#tpu.dimension_semantics<parallel>], iteration_bounds = array<i64: 32>, scalar_prefetch = 0 : i64, scratch_operands = 0 : i64, tpu.core_type = #tpu.core_type<tc>, window_params = [{transform_indices = @transform_0, window_bounds = array<i64: 512, 64>}, {transform_indices = @transform_1, window_bounds = array<i64: 512, 64>}, {transform_indices = @transform_2, window_bounds = array<i64: 512, 64>}, {transform_indices = @transform_3, window_bounds = array<i64: 512, 64>}, {transform_indices = @transform_4, window_bounds = array<i64: 512, 64>}, {transform_indices = @transform_5, window_bounds = array<i64: 512, 64>}, {transform_indices = @transform_6, window_bounds = array<i64: 512, 1>}, {pipeline_mode = #tpu.pipeline_mode<synchronous>, transform_indices = @transform_7, window_bounds = array<i64: 1, 128>}, {transform_indices = @transform_8, window_bounds = array<i64: 512, 128>}, {transform_indices = @transform_9, window_bounds = array<i64: 512, 128>}, {transform_indices = @transform_10, window_bounds = array<i64: 512, 128>}]} {
    %get3A = arith.constant 0 : index
    %get3A_0 = arith.constant 0 : index
    %get3A_1 = vector.load %arg7[%get3A, %get3A_0] : memref<512x1xf32, #tpu.memory_space<vmem>>, vector<512x1xf32>
    %get3A_2 = arith.constant 0 : index
    %get3A_3 = arith.constant 0 : index
    %get3A_4 = vector.load %arg9[%get3A_2, %get3A_3] : memref<512x128xf32, #tpu.memory_space<vmem>>, vector<512x128xf32>
    %get3A_5 = arith.constant 0 : index
    %get3A_6 = arith.constant 0 : index
    %get3A_7 = vector.load %arg10[%get3A_5, %get3A_6] : memref<512x128xf32, #tpu.memory_space<vmem>>, vector<512x128xf32>
    %get3A_8 = arith.constant 0 : index
    %get3A_9 = arith.constant 0 : index
    %get3A_10 = vector.load %arg1[%get3A_8, %get3A_9] : memref<512x64xf32, #tpu.memory_space<vmem>>, vector<512x64xf32>
    %get3A_11 = arith.constant 0 : index
    %get3A_12 = arith.constant 0 : index
    %get3A_13 = vector.load %arg3[%get3A_11, %get3A_12] : memref<512x64xf32, #tpu.memory_space<vmem>>, vector<512x64xf32>
    %add3A = arith.addf %get3A_10, %get3A_13 : vector<512x64xf32>
    %get3A_14 = arith.constant 0 : index
    %get3A_15 = arith.constant 0 : index
    %get3A_16 = vector.load %arg5[%get3A_14, %get3A_15] : memref<512x64xf32, #tpu.memory_space<vmem>>, vector<512x64xf32>
    %add3A_17 = arith.addf %add3A, %get3A_16 : vector<512x64xf32>
    %mul3A = vector.broadcast %get3A_1 : vector<512x1xf32> to vector<512x64xf32>
    %mul3A_18 = arith.mulf %add3A_17, %mul3A : vector<512x64xf32>
    %get3A_19 = arith.constant 0 : index
    %get3A_20 = arith.constant 0 : index
    %get3A_21 = vector.load %arg8[%get3A_19, %get3A_20] : memref<1x128xf32, #tpu.memory_space<vmem>>, vector<1x64xf32>
    %get3A_22 = vector.shape_cast %get3A_21 : vector<1x64xf32> to vector<64xf32>
    %broadcast_in_dim3A = vector.shape_cast %get3A_22 : vector<64xf32> to vector<1x64xf32>
    %add3A_23 = vector.broadcast %broadcast_in_dim3A : vector<1x64xf32> to vector<512x64xf32>
    %add3A_24 = arith.addf %mul3A_18, %add3A_23 : vector<512x64xf32>
    %tanh3A = math.tanh %add3A_24 : vector<512x64xf32>
    %slice3A = vector.extract_strided_slice %get3A_4 {offsets = [0, 0], sizes = [512, 64], strides = [1, 1]} : vector<512x128xf32> to vector<512x64xf32>
    %slice3A_25 = vector.extract_strided_slice %get3A_7 {offsets = [0, 0], sizes = [512, 64], strides = [1, 1]} : vector<512x128xf32> to vector<512x64xf32>
    %mul3A_26 = arith.mulf %slice3A, %slice3A_25 : vector<512x64xf32>
    %slice3A_27 = vector.extract_strided_slice %get3A_4 {offsets = [0, 0], sizes = [512, 64], strides = [1, 1]} : vector<512x128xf32> to vector<512x64xf32>
    %sub3A = arith.constant 1.000000e+00 : f32
    %sub3A_28 = vector.broadcast %sub3A : f32 to vector<512x64xf32>
    %sub3A_29 = arith.subf %sub3A_28, %slice3A_27 : vector<512x64xf32>
    %mul3A_30 = arith.mulf %sub3A_29, %tanh3A : vector<512x64xf32>
    %add3A_31 = arith.addf %mul3A_26, %mul3A_30 : vector<512x64xf32>
    %swap3A = arith.constant 0 : index
    %swap3A_32 = arith.constant 0 : index
    %swap3A_33 = vector.load %arg11[%swap3A, %swap3A_32] : memref<512x128xf32, #tpu.memory_space<vmem>>, vector<512x64xf32>
    tpu.vector_store %arg11[%swap3A, %swap3A_32], %add3A_31 {strides = array<i32>} : memref<512x128xf32, #tpu.memory_space<vmem>>, vector<512x64xf32>,
    %get3A_34 = arith.constant 0 : index
    %get3A_35 = arith.constant 0 : index
    %get3A_36 = vector.load %arg2[%get3A_34, %get3A_35] : memref<512x64xf32, #tpu.memory_space<vmem>>, vector<512x64xf32>
    %get3A_37 = arith.constant 0 : index
    %get3A_38 = arith.constant 0 : index
    %get3A_39 = vector.load %arg4[%get3A_37, %get3A_38] : memref<512x64xf32, #tpu.memory_space<vmem>>, vector<512x64xf32>
    %add3A_40 = arith.addf %get3A_36, %get3A_39 : vector<512x64xf32>
    %get3A_41 = arith.constant 0 : index
    %get3A_42 = arith.constant 0 : index
    %get3A_43 = vector.load %arg6[%get3A_41, %get3A_42] : memref<512x64xf32, #tpu.memory_space<vmem>>, vector<512x64xf32>
    %add3A_44 = arith.addf %add3A_40, %get3A_43 : vector<512x64xf32>
    %mul3A_45 = vector.broadcast %get3A_1 : vector<512x1xf32> to vector<512x64xf32>
    %mul3A_46 = arith.mulf %add3A_44, %mul3A_45 : vector<512x64xf32>
    %get3A_47 = arith.constant 0 : index
    %get3A_48 = arith.constant 64 : index
    %get3A_49 = vector.load %arg8[%get3A_47, %get3A_48] : memref<1x128xf32, #tpu.memory_space<vmem>>, vector<1x64xf32>
    %get3A_50 = vector.shape_cast %get3A_49 : vector<1x64xf32> to vector<64xf32>
    %broadcast_in_dim3A_51 = vector.shape_cast %get3A_50 : vector<64xf32> to vector<1x64xf32>
    %add3A_52 = vector.broadcast %broadcast_in_dim3A_51 : vector<1x64xf32> to vector<512x64xf32>
    %add3A_53 = arith.addf %mul3A_46, %add3A_52 : vector<512x64xf32>
    %tanh3A_54 = math.tanh %add3A_53 : vector<512x64xf32>
    %slice3A_55 = vector.extract_strided_slice %get3A_4 {offsets = [0, 64], sizes = [512, 64], strides = [1, 1]} : vector<512x128xf32> to vector<512x64xf32>
    %slice3A_56 = vector.extract_strided_slice %get3A_7 {offsets = [0, 64], sizes = [512, 64], strides = [1, 1]} : vector<512x128xf32> to vector<512x64xf32>
    %mul3A_57 = arith.mulf %slice3A_55, %slice3A_56 : vector<512x64xf32>
    %slice3A_58 = vector.extract_strided_slice %get3A_4 {offsets = [0, 64], sizes = [512, 64], strides = [1, 1]} : vector<512x128xf32> to vector<512x64xf32>
    %sub3A_59 = arith.constant 1.000000e+00 : f32
    %sub3A_60 = vector.broadcast %sub3A_59 : f32 to vector<512x64xf32>
    %sub3A_61 = arith.subf %sub3A_60, %slice3A_58 : vector<512x64xf32>
    %mul3A_62 = arith.mulf %sub3A_61, %tanh3A_54 : vector<512x64xf32>
    %add3A_63 = arith.addf %mul3A_57, %mul3A_62 : vector<512x64xf32>
    %swap3A_64 = arith.constant 0 : index
    %swap3A_65 = arith.constant 64 : index
    %swap3A_66 = vector.load %arg11[%swap3A_64, %swap3A_65] : memref<512x128xf32, #tpu.memory_space<vmem>>, vector<512x64xf32>
    tpu.vector_store %arg11[%swap3A_64, %swap3A_65], %add3A_63 {strides = array<i32>} : memref<512x128xf32, #tpu.memory_space<vmem>>, vector<512x64xf32>,
    return
  }
  func.func @transform_0(%arg0: i32) -> (i32, i32) {
    %c0_i32 = arith.constant 0 : i32
    %c0_i32_0 = arith.constant 0 : i32
    return %arg0, %c0_i32 : i32, i32
  }
  func.func @transform_1(%arg0: i32) -> (i32, i32) {
    %c0_i32 = arith.constant 0 : i32
    %c0_i32_0 = arith.constant 0 : i32
    return %arg0, %c0_i32 : i32, i32
  }
  func.func @transform_2(%arg0: i32) -> (i32, i32) {
    %add3A = arith.constant 32 : i32
    %add3A_0 = arith.addi %arg0, %add3A : i32
    %c0_i32 = arith.constant 0 : i32
    %c0_i32_1 = arith.constant 0 : i32
    return %add3A_0, %c0_i32 : i32, i32
  }
  func.func @transform_3(%arg0: i32) -> (i32, i32) {
    %add3A = arith.constant 32 : i32
    %add3A_0 = arith.addi %arg0, %add3A : i32
    %c0_i32 = arith.constant 0 : i32
    %c0_i32_1 = arith.constant 0 : i32
    return %add3A_0, %c0_i32 : i32, i32
  }
  func.func @transform_4(%arg0: i32) -> (i32, i32) {
    %c0_i32 = arith.constant 0 : i32
    %c0_i32_0 = arith.constant 0 : i32
    return %arg0, %c0_i32 : i32, i32
  }
  func.func @transform_5(%arg0: i32) -> (i32, i32) {
    %c0_i32 = arith.constant 0 : i32
    %c0_i32_0 = arith.constant 0 : i32
    return %arg0, %c0_i32 : i32, i32
  }
  func.func @transform_6(%arg0: i32) -> (i32, i32) {
    %c0_i32 = arith.constant 0 : i32
    %c0_i32_0 = arith.constant 0 : i32
    return %arg0, %c0_i32 : i32, i32
  }
  func.func @transform_7(%arg0: i32) -> (i32, i32) {
    %c0_i32 = arith.constant 0 : i32
    %c0_i32_0 = arith.constant 0 : i32
    %c0_i32_1 = arith.constant 0 : i32
    return %c0_i32, %c0_i32_0 : i32, i32
  }
  func.func @transform_8(%arg0: i32) -> (i32, i32) {
    %c0_i32 = arith.constant 0 : i32
    %c0_i32_0 = arith.constant 0 : i32
    return %arg0, %c0_i32 : i32, i32
  }
  func.func @transform_9(%arg0: i32) -> (i32, i32) {
    %c0_i32 = arith.constant 0 : i32
    %c0_i32_0 = arith.constant 0 : i32
    return %arg0, %c0_i32 : i32, i32
  }
  func.func @transform_10(%arg0: i32) -> (i32, i32) {
    %c0_i32 = arith.constant 0 : i32
    %c0_i32_0 = arith.constant 0 : i32
    return %arg0, %c0_i32 : i32, i32
  }
}

</mosaic_0001>

<sc_bundles>
// kernel: kernel.12.cloned.1.call-start
scs
__scs_entry_jumppad:
0x0: {  	(pc) =	sbr.rel $0x88, $3  }
0x1: {  	(tag) =	ssettag $0x0;
	lr =	simm.s32 $0x1  }
0x2: {  	[smem:$0x3F9A] =	sst lr;
	_ =	strace $0xD0000000  }
0x3: {  	_ = 	snop  }
0x4: {  	_ = 	snop  }
0x5: {  	_ = 	snop  }
0x6: {  	_ = 	snop  }
0x7: {  	_ = 	snop  }
__scs_overlays_trampoline_lowered:
0x8: {  	[smem:$0x3FA9] =	sst s0  }
0x9: {  	[smem:$0x3FAA] =	sst s1  }
0xa: {  	[smem:$0x3FAB] =	sst s2  }
0xb: {  	[smem:$0x3FAC] =	sst s3  }
0xc: {  	[smem:$0x3FAD] =	sst s4  }
0xd: {  	[smem:$0x3FAE] =	sst s5  }
0xe: {  	[smem:$0x3FAF] =	sst s6  }
0xf: {  	[smem:$0x3FB0] =	sst s7  }
0x10: {  	[smem:$0x3FB1] =	sst s8  }
0x11: {  	[smem:$0x3FB2] =	sst s9;
	s0 =	simm.s32 @!p0 $0x0  }
0x12: {  	s1 =	sld [smem:$0x3F98];
	s0 =	simm.s32 @p0 $0x1  }
0x13: {  	[smem:$0x3FB3] =	sst s0;
	s0 =	simm.s32 @!p1 $0x0  }
0x14: {  	s2 =	sld [smem:$0x3F97];
	s0 =	simm.s32 @p1 $0x1  }
0x15: {  	[smem:$0x3FB4] =	sst s0;
	s0 =	simm.s32 @!p2 $0x0  }
0x16: {  	s3 =	sld [smem:$0x3FDB];
	s0 =	simm.s32 @p2 $0x1  }
0x17: {  	s4 =	simm.s32 $0x1BF5;
	[smem:$0x3FB6] =	sst s0  }
0x18: {  	s0 =	sld [smem:$0x3F99];
	_ =	swait.ge [sflag:s4], $0x0  }
0x19: {  	s7 =	sld [smem:$0x3F9A]  }
0x1a: {  	s8 =	sadd.s32 $0xFFFFE003, lr  }
0x1b: {  	s9 =	sadd.s32 $0xFFFFFEF7, lr;
	s5 =	simm.s32 $0xFFFFFFFF;
	p2 =	slt.u32 s8, $0xFFFFF086  }
0x1c: {  	p1 =	slt.u32 s9, $0xF7A;
	s5 =	simm.s32 @!p2 $0x0  }
0x1d: {  	s5 =	simm.s32 @p1 $0x1;
	p0 =	seq.s32 s7, s2  }
0x1e: {  	s7 =	smul.u32 @!p0 $0xF7A, s2;
	p2 =	seq.s32 @!p0 s5, $0x0  }
0x1f: {  	s9 =	smul.u32 $0xF7A, s1;
	s8 =	simm.s32 @!p0 $0x1BF5;
	p2 =	por !p2, p0  }
0x20: {  	[sflag:s8] =	ssyncset.s32 @!p0 $0xFFFFF086;
	s6 =	sadd.s32 @!p0 s3, s7;
	s7 =	simm.s32 @!p0 $0x108  }
0x21: {  	s3 =	sadd.s32 s3, s9;
	s6 =	sadd.s32 @!p0 $0x88, s6;
	s7 =	simm.s32 @p2 $0x1082  }
0x22: {  	[simem:s7], [sflag:s8] =	dma.local @!p0 [hbm:s6], $0xF7A  }
0x23: {  	s9 =	sor.u32 $0xD0000000, s2;
	s6 =	simm.s32 $0x108;
	_ =	swait.ge @!p0 [sflag:s8], $0x0  }
0x24: {  	s3 =	sadd.s32 $0x88, s3;
	s6 =	simm.s32 @!p1 $0x1082;
	[sflag:s4] =	ssyncset.s32 $0xFFFFF086  }
0x25: {  	[simem:s6], [sflag:s4] =	dma.local [hbm:s3], $0xF7A  }
0x26: {  	[smem:$0x3F9A] =	sst s1;
	(tag) =	ssettag s2;
	_ =	strace s9  }
0x27: {  	s1 =	sld [smem:$0x3FAA]  }
0x28: {  	s2 =	sld [smem:$0x3FAB]  }
0x29: {  	s4 =	sld [smem:$0x3FAD]  }
0x2a: {  	p0 =	seq.s32 s5, $0x0;
	s5 =	sld [smem:$0x3FAE]  }
0x2b: {  	s6 =	sld [smem:$0x3FAF]  }
0x2c: {  	s7 =	sld [smem:$0x3FB0]  }
0x2d: {  	s3 =	simm.s32 $0x108;
	s8 =	sld [smem:$0x3FB1]  }
0x2e: {  	s3 =	simm.s32 @!p0 $0x1082;
	s9 =	sld [smem:$0x3FB2]  }
0x2f: {  	lr =	sadd.s32 s0, s3;
	s0 =	sld [smem:$0x3FA9]  }
0x30: {  	s3 =	sld [smem:$0x3FAC]  }
0x31: {  	[smem:$0x3FB5] =	sst s10  }
0x32: {  	s10 =	sld [smem:$0x3FB3];
	_ =	sdelay $0x3  }
0x33: {  	p0 =	seq.s32 s10, $0x1;
	s10 =	sld [smem:$0x3FB5];
	_ =	sdelay $0x3  }
0x34: {  	[smem:$0x3FB5] =	sst s10  }
0x35: {  	s10 =	sld [smem:$0x3FB4];
	_ =	sdelay $0x3  }
0x36: {  	p1 =	seq.s32 s10, $0x1;
	s10 =	sld [smem:$0x3FB5];
	_ =	sdelay $0x3  }
0x37: {  	[smem:$0x3FB5] =	sst s10  }
0x38: {  	s10 =	sld [smem:$0x3FB6]  }
0x39: {  	_ = 	snop;
	(pc) =	sbr.ind lr, $3  }
0x3a: {  	_ = 	snop  }
0x3b: {  	_ = 	snop  }
0x3c: {  	p2 =	seq.s32 s10, $0x1;
	s10 =	sld [smem:$0x3FB5]  }
0x3d: {  	_ =	shalt  }
0x3e: {  	_ =	shalt  }
0x3f: {  	_ =	shalt  }
0x40: {  	_ =	shalt  }
0x41: {  	_ =	shalt  }
0x42: {  	_ =	shalt  }
0x43: {  	_ =	shalt  }
0x44: {  	_ =	shalt  }
0x45: {  	_ =	shalt  }
0x46: {  	_ =	shalt  }
0x47: {  	_ =	shalt  }
0x48: {  	_ =	shalt  }
0x49: {  	_ =	shalt  }
0x4a: {  	_ =	shalt  }
0x4b: {  	_ =	shalt  }
0x4c: {  	_ =	shalt  }
0x4d: {  	_ =	shalt  }
0x4e: {  	_ =	shalt  }
0x4f: {  	_ =	shalt  }
0x50: {  	_ =	shalt  }
0x51: {  	_ =	shalt  }
0x52: {  	_ =	shalt  }
0x53: {  	_ =	shalt  }
0x54: {  	_ =	shalt  }
0x55: {  	_ =	shalt  }
0x56: {  	_ =	shalt  }
0x57: {  	_ =	shalt  }
0x58: {  	_ =	shalt  }
0x59: {  	_ =	shalt  }
0x5a: {  	_ =	shalt  }
0x5b: {  	_ =	shalt  }
0x5c: {  	_ =	shalt  }
0x5d: {  	_ =	shalt  }
0x5e: {  	_ =	shalt  }
0x5f: {  	_ =	shalt  }
0x60: {  	_ =	shalt  }
0x61: {  	_ =	shalt  }
0x62: {  	_ =	shalt  }
0x63: {  	_ =	shalt  }
0x64: {  	_ =	shalt  }
0x65: {  	_ =	shalt  }
0x66: {  	_ =	shalt  }
0x67: {  	_ =	shalt  }
0x68: {  	_ =	shalt  }
0x69: {  	_ =	shalt  }
0x6a: {  	_ =	shalt  }
0x6b: {  	_ =	shalt  }
0x6c: {  	_ =	shalt  }
0x6d: {  	_ =	shalt  }
0x6e: {  	_ =	shalt  }
0x6f: {  	_ =	shalt  }
0x70: {  	_ =	shalt  }
0x71: {  	_ =	shalt  }
0x72: {  	_ =	shalt  }
0x73: {  	_ =	shalt  }
0x74: {  	_ =	shalt  }
0x75: {  	_ =	shalt  }
0x76: {  	_ =	shalt  }
0x77: {  	_ =	shalt  }
0x78: {  	_ =	shalt  }
0x79: {  	_ =	shalt  }
0x7a: {  	_ =	shalt  }
0x7b: {  	_ =	shalt  }
0x7c: {  	_ =	shalt  }
0x7d: {  	_ =	shalt  }
0x7e: {  	_ =	shalt  }
0x7f: {  	_ =	shalt  }
0x80: {  	_ =	shalt  }
0x81: {  	_ =	shalt  }
0x82: {  	_ =	shalt  }
0x83: {  	_ =	shalt  }
0x84: {  	_ =	shalt  }
0x85: {  	_ =	shalt  }
0x86: {  	_ =	shalt  }
0x87: {  	_ =	shalt  }
.Lfunc_end0:
.L_simem_size_0:
called_computation.1_lowered:
.L_overlay_start_0:
0x88: {  	s2 =	sld [smem:$0x3FD9]  }
0x89: {  	s3 =	sld [smem:$0x3FFE];
	_ =	sdelay $0x1  }
0x8a: {  	s1 =	srdreg.scid  }
0x8b: {  	s0 =	sand.u32 $0x1, s1  }
0x8c: {  	s16 =	sshll.u32 s0, $0xA;
	s2 =	sadd.s32 s3, s2  }
0x8d: {  	s2 =	sadd.s32 s2, s16  }
0x8e: {  	[smem:$0x3FC1] =	sst s2  }
0x8f: {  	_ = 	snop  }
0x90: {  	(tm) =	ssettm $0x1  }
0x91: {  	s17 =	sld [smem:$0x3FFB];
	_ =	sdelay $0x3  }
0x92: {  	_ =	strace s17  }
0x93: {  	s2 =	sld [smem:$0x3FFC];
	_ =	sdelay $0x3  }
0x94: {  	_ =	strace s2  }
0x95: {  	s2 =	sld [smem:$0x3FFD];
	_ =	sdelay $0x3  }
0x96: {  	_ =	strace s2  }
0x97: {  	_ =	strace $0x8FFFFFFF  }
0x98: {  	s18 =	sld [smem:$0x3FDB];
	_ =	sdelay $0x1  }
0x99: {  	s19 =	simm.s32 $_scs_section_size  }
0x9a: {  	s4 =	simm.s32 $_size__tile_overlayer_lowered;
	s5 =	simm.s32 $_tile_overlayer_lowered  }
0x9b: {  	s22 =	simm.s32 $0x1BFF;
	s21 =	sshll.u32 s5, $0x1;
	s2 =	sadd.s32 s19, s18  }
0x9c: {  	s6 =	simm.s32 $0x0;
	s20 =	sshll.u32 s4, $0x1;
	s4 =	sadd.s32 s21, s2  }
0x9d: {  	[timem:s6], [sflag:s22] =	dma.local [hbm:s4], s20  }
0x9e: {  	_ =	swait.ge [sflag:s22], s20  }
0x9f: {  	s3 =	ssub.s32 $0x0, s20;
	[sflag:s22] =	ssyncset.done $0x0  }
0xa0: {  	[sflag:s22] =	ssyncadd.s32 s3;
	_ =	sdelay $0x1  }
0xa1: {  	s23 =	simm.s32 $0x1B8B  }
0xa2: {  	_ =	swait.ge [sflag:s23], $0x1  }
0xa3: {  	[sflag:s23] =	ssyncset.done $0x0  }
0xa4: {  	s25 =	simm.s32 $0x1B8E;
	s24 =	sld [smem:$0x3FFE];
	[sflag:s23] =	ssyncadd.s32 $0xFFFFFFFF  }
0xa5: {  	s26 =	simm.s32 $execute0_lowered;
	[smem:$0x3FD2] =	sst s25  }
0xa6: {  	s4 =	sshll.u32 s26, $0x1;
	_ =	strace $0x80000049;
	[dreg:$0x1] =	wrdreg $0xFFFFFFFF  }
0xa7: {  	s28 =	simm.s32 $_size_execute0_lowered;
	s2 =	sadd.s32 s2, s4;
	[dreg:$0x0] =	wrdreg $0x0  }
0xa8: {  	s4 =	sshll.u32 s28, $0x1;
	[dreg:$0x2] =	wrdreg s2  }
0xa9: {  	[dreg:$0x3] =	wrdreg s4  }
0xaa: {  	[dreg:$0x4] =	wrdreg $0xC0  }
0xab: {  	_ =	task [dreg:s6], $0x5FFFF  }
0xac: {  	[dreg:$0x1] =	wrdreg $0xFFFFFFFF  }
0xad: {  	[dreg:$0x0] =	wrdreg $0x60  }
0xae: {  	[dreg:$0x2] =	wrdreg s24  }
0xaf: {  	[dreg:$0x3] =	wrdreg $0xC4000  }
0xb0: {  	[dreg:$0x4] =	wrdreg $0x9  }
0xb1: {  	_ =	task.clear_ibuf [dreg:s6], $0x5FFFF;
	_ =	strace $0x90000049  }
0xb2: {  	s29 =	simm.s32 $0x9;
	_ =	strace $0x8000004B  }
0xb3: {  	_ =	swait.ge [sflag:s29], $0x1  }
0xb4: {  	[sflag:s29] =	ssyncadd.s32 $0xFFFFFFFF  }
0xb5: {  	_ =	strace $0x9000004B  }
0xb6: {  	_ =	sfence  }
0xb7: {  	s30 =	sld [smem:$0x0];
	_ =	sdelay $0x2  }
0xb8: {  	s31 =	sshll.u32 s1, $0xD;
	s1 =	sshrl.u32 s1, $0x2  }
0xb9: {  	s3 =	sand.u32 $0x4000, s31;
	s1 =	sadd.s32 s1, s30  }
0xba: {  	s0 =	sor.u32 s3, s0;
	s1 =	sshll.u32 s1, $0x11  }
0xbb: {  	s0 =	sor.u32 s1, s0  }
0xbc: {  	s0 =	sadd.s32 $0x8F2B, s0  }
0xbd: {  	[sflag:s0] =	ssyncadd.remote.s32 $0x1  }
0xbe: {  	_ =	sfence.sel $0xFFFF  }
0xbf: {  	[dreg:$0x0] =	wrdreg $0xFFFFFFFF;
	(pc) =	sbr.abs _section_cstart, $3  }
0xc0: {  	[dreg:$0x1] =	wrdreg $0xFFFFFFFF  }
0xc1: {  	_ =	task.clear_ibuf [dreg:s6], $0x2FFFF;
	_ =	strace $0x9FFFFFFF  }
0xc2: {  	(tm) =	ssettm $0x7FFFFFFF  }
0xc3: {  	_ =	shalt  }
tec
execute0_lowered:
.L_overlay_start_1:
0x0: {  	(tag) =	ssettag $0x1  }
0x1: {  	s0 =	rddreg [dreg:$0x0]  }
0x2: {  	s1 =	rddreg [dreg:$0x1];
	s3 =	simm.s32 $0x0;
	s2 =	srdreg.scid  }
0x3: {  	s16 =	stileid.u32;
	s17 =	simm.s32 $0x2000;
	s20 =	simm.s32 $0x100  }
0x4: {  	s21 =	simm.s32 $0x4000;
	s22 =	simm.s32 $0x4400;
	s23 =	simm.s32 $0x4200  }
0x5: {  	s24 =	simm.s32 $0x8400;
	s28 =	simm.s32 $0x2;
	s29 =	simm.s32 $0x4300  }
0x6: {  	s30 =	simm.s32 $0x3;
	s31 =	simm.s32 $0x0;
	[smem:$0x7FF] =	sst s3  }
0x7: {  	s2 =	sand.u32 $0x1, s2;
	s7 =	sshll.u32 s16, $0xA;
	s4 =	sadd.s32 $0x133200, s0  }
0x8: {  	s5 =	sadd.s32 $0x113200, s0;
	s9 =	sshll.u32 s16, $0xD;
	s12 =	sshll.u32 s16, $0x10  }
0x9: {  	s26 =	sshll.u32 s16, $0x6;
	s16 =	simm.s32 $0x4;
	_ =	strace $0x8000004A  }
0xa: {  	s6 =	sshll.u32 s2, $0xE;
	s11 =	sshll.u32 s2, $0x11;
	s2 =	ssub.s32 $0x2, s2  }
0xb: {  	s19 =	sadd.s32 s12, s1;
	s18 =	sor.u32 $0x1C04, s26;
	s26 =	simm.s32 $0x4100  }
0xc: {  	s8 =	sor.u32 s7, s6;
	s6 =	sadd.s32 $0xF3200, s0;
	s7 =	sadd.s32 $0xD3200, s0  }
0xd: {  	s9 =	sor.u32 s9, s11;
	s25 =	sshrl.u32 s2, $0x1;
	s19 =	sshrl.u32 s19, $0x3  }
0xe: {  	s10 =	sadd.s32 s8, s0;
	s8 =	sadd.s32 $0x153200, s0;
	s0 =	sadd.s32 s9, s0  }
0xf: {  	s2 =	ssub.s32 s2, s25;
	s9 =	sadd.s32 $0x3200, s10;
	s10 =	sadd.s32 $0xB200, s10  }
0x10: {  	s25 =	simm.s32 $0x1;
	s11 =	sadd.s32 $0x1D5200, s0;
	s12 =	sadd.s32 $0x195200, s0  }
0x11: {  	s13 =	sadd.s32 $0x155200, s0;
	s14 =	sadd.s32 $0x215200, s0;
	s15 =	smax.u32 s2, $0x1  }
.LBB2_1:
0x12: {  	[tilespmem:s3], [sflag:$0x4] =	stream.linear.gather [hbm4b:s9+s3], $0x2000, $0x38;
	[tilespmem:$0x1C400] =	vst v63  }
0x13: {  	_ =	swait.ge [sflag:s16], $0x2000  }
0x14: {  	[sflag:s16] =	ssyncset.done $0x0  }
0x15: {  	[sflag:s16] =	ssyncadd.s32 $0xFFFFE000  }
0x16: {  	[tilespmem:s17], [sflag:$0x4] =	stream.linear.gather [hbm4b:s10+s3], $0x2000, $0x38;
	[tilespmem:$0x1C400] =	vst v63  }
0x17: {  	_ =	swait.ge [sflag:s16], $0x2000  }
0x18: {  	[sflag:s16] =	ssyncset.done $0x0  }
0x19: {  	[sflag:s16] =	ssyncadd.s32 $0xFFFFE000  }
0x1a: {  	[spmem:s19], [sflag:s18] =	dma.local [hbm:s8], $0x2000  }
0x1b: {  	_ =	swait.ge [sflag:s16], $0x2000  }
0x1c: {  	[sflag:s16] =	ssyncset.done $0x0  }
0x1d: {  	[sflag:s16] =	ssyncadd.s32 $0xFFFFE000  }
0x1e: {  	s0 =	simm.s32 $0x0;
	[bflag:$0x0] =	sbarrier.arrive $0xFFFF  }
.LBB2_2:
0x1f: {  	s2 =	sshra.s32 s0, $0x2  }
0x20: {  	v0 =	vld [tilespmem:s2+$0x0];
	_ =	sdelay $0x4  }
0x21: {  	[tilespmem:$0x4000] =	vst v0  }
0x22: {  	v0 =	vld [tilespmem:s2+$0x2000];
	_ =	sdelay $0x4  }
0x23: {  	[tilespmem:$0x4100] =	vst v0  }
0x24: {  	v0 =	vld [tilespmem:s2+$0x10];
	_ =	sdelay $0x4  }
0x25: {  	[tilespmem:$0x4010] =	vst v0  }
0x26: {  	v0 =	vld [tilespmem:s2+$0x2010];
	_ =	sdelay $0x4  }
0x27: {  	[tilespmem:$0x4110] =	vst v0  }
0x28: {  	v0 =	vld [tilespmem:s2+$0x20];
	_ =	sdelay $0x4  }
0x29: {  	[tilespmem:$0x4020] =	vst v0  }
0x2a: {  	v0 =	vld [tilespmem:s2+$0x2020];
	_ =	sdelay $0x4  }
0x2b: {  	[tilespmem:$0x4120] =	vst v0  }
0x2c: {  	v0 =	vld [tilespmem:s2+$0x30];
	_ =	sdelay $0x4  }
0x2d: {  	[tilespmem:$0x4030] =	vst v0  }
0x2e: {  	v0 =	vld [tilespmem:s2+$0x2030];
	_ =	sdelay $0x4  }
0x2f: {  	[tilespmem:$0x4130] =	vst v0  }
0x30: {  	v0 =	vld [tilespmem:s2+$0x40];
	_ =	sdelay $0x4  }
0x31: {  	[tilespmem:$0x4040] =	vst v0  }
0x32: {  	v0 =	vld [tilespmem:s2+$0x2040];
	_ =	sdelay $0x4  }
0x33: {  	[tilespmem:$0x4140] =	vst v0  }
0x34: {  	v0 =	vld [tilespmem:s2+$0x50];
	_ =	sdelay $0x4  }
0x35: {  	[tilespmem:$0x4050] =	vst v0  }
0x36: {  	v0 =	vld [tilespmem:s2+$0x2050];
	_ =	sdelay $0x4  }
0x37: {  	[tilespmem:$0x4150] =	vst v0  }
0x38: {  	v0 =	vld [tilespmem:s2+$0x60];
	_ =	sdelay $0x4  }
0x39: {  	[tilespmem:$0x4060] =	vst v0  }
0x3a: {  	v0 =	vld [tilespmem:s2+$0x2060];
	_ =	sdelay $0x4  }
0x3b: {  	[tilespmem:$0x4160] =	vst v0  }
0x3c: {  	v0 =	vld [tilespmem:s2+$0x70];
	_ =	sdelay $0x4  }
0x3d: {  	[tilespmem:$0x4070] =	vst v0  }
0x3e: {  	v0 =	vld [tilespmem:s2+$0x2070];
	_ =	sdelay $0x4  }
0x3f: {  	[tilespmem:$0x4170] =	vst v0  }
0x40: {  	v0 =	vld [tilespmem:s2+$0x80];
	_ =	sdelay $0x4  }
0x41: {  	[tilespmem:$0x4080] =	vst v0  }
0x42: {  	v0 =	vld [tilespmem:s2+$0x2080];
	_ =	sdelay $0x4  }
0x43: {  	[tilespmem:$0x4180] =	vst v0  }
0x44: {  	v0 =	vld [tilespmem:s2+$0x90];
	_ =	sdelay $0x4  }
0x45: {  	[tilespmem:$0x4090] =	vst v0  }
0x46: {  	v0 =	vld [tilespmem:s2+$0x2090];
	_ =	sdelay $0x4  }
0x47: {  	[tilespmem:$0x4190] =	vst v0  }
0x48: {  	v0 =	vld [tilespmem:s2+$0xA0];
	_ =	sdelay $0x4  }
0x49: {  	[tilespmem:$0x40A0] =	vst v0  }
0x4a: {  	v0 =	vld [tilespmem:s2+$0x20A0];
	_ =	sdelay $0x4  }
0x4b: {  	[tilespmem:$0x41A0] =	vst v0  }
0x4c: {  	v0 =	vld [tilespmem:s2+$0xB0];
	_ =	sdelay $0x4  }
0x4d: {  	[tilespmem:$0x40B0] =	vst v0  }
0x4e: {  	v0 =	vld [tilespmem:s2+$0x20B0];
	_ =	sdelay $0x4  }
0x4f: {  	[tilespmem:$0x41B0] =	vst v0  }
0x50: {  	v0 =	vld [tilespmem:s2+$0xC0];
	_ =	sdelay $0x4  }
0x51: {  	[tilespmem:$0x40C0] =	vst v0  }
0x52: {  	v0 =	vld [tilespmem:s2+$0x20C0];
	_ =	sdelay $0x4  }
0x53: {  	[tilespmem:$0x41C0] =	vst v0  }
0x54: {  	v0 =	vld [tilespmem:s2+$0xD0];
	_ =	sdelay $0x4  }
0x55: {  	[tilespmem:$0x40D0] =	vst v0  }
0x56: {  	v0 =	vld [tilespmem:s2+$0x20D0];
	_ =	sdelay $0x4  }
0x57: {  	[tilespmem:$0x41D0] =	vst v0  }
0x58: {  	v0 =	vld [tilespmem:s2+$0xE0];
	_ =	sdelay $0x4  }
0x59: {  	[tilespmem:$0x40E0] =	vst v0  }
0x5a: {  	v0 =	vld [tilespmem:s2+$0x20E0];
	_ =	sdelay $0x4  }
0x5b: {  	[tilespmem:$0x41E0] =	vst v0  }
0x5c: {  	v0 =	vld [tilespmem:s2+$0xF0];
	_ =	sdelay $0x4  }
0x5d: {  	[tilespmem:$0x40F0] =	vst v0  }
0x5e: {  	v0 =	vld [tilespmem:s2+$0x20F0];
	_ =	sdelay $0x4  }
0x5f: {  	[tilespmem:$0x41F0] =	vst v0  }
0x60: {  	[tilespmem:s22], [sflag:$0x1] =	stream.indirect.gather [hbm4b:s4+s20], $0x40, s21, s20, $0xb8;
	[tilespmem:$0x1C400] =	vst v63  }
0x61: {  	v0 =	vld [tilespmem:s2+$0x100];
	_ =	sdelay $0x4  }
0x62: {  	[tilespmem:$0x4200] =	vst v0  }
0x63: {  	v0 =	vld [tilespmem:s2+$0x2100];
	_ =	sdelay $0x4  }
0x64: {  	[tilespmem:$0x4300] =	vst v0  }
0x65: {  	v0 =	vld [tilespmem:s2+$0x110];
	_ =	sdelay $0x4  }
0x66: {  	[tilespmem:$0x4210] =	vst v0  }
0x67: {  	v0 =	vld [tilespmem:s2+$0x2110];
	_ =	sdelay $0x4  }
0x68: {  	[tilespmem:$0x4310] =	vst v0  }
0x69: {  	v0 =	vld [tilespmem:s2+$0x120];
	_ =	sdelay $0x4  }
0x6a: {  	[tilespmem:$0x4220] =	vst v0  }
0x6b: {  	v0 =	vld [tilespmem:s2+$0x2120];
	_ =	sdelay $0x4  }
0x6c: {  	[tilespmem:$0x4320] =	vst v0  }
0x6d: {  	v0 =	vld [tilespmem:s2+$0x130];
	_ =	sdelay $0x4  }
0x6e: {  	[tilespmem:$0x4230] =	vst v0  }
0x6f: {  	v0 =	vld [tilespmem:s2+$0x2130];
	_ =	sdelay $0x4  }
0x70: {  	[tilespmem:$0x4330] =	vst v0  }
0x71: {  	v0 =	vld [tilespmem:s2+$0x140];
	_ =	sdelay $0x4  }
0x72: {  	[tilespmem:$0x4240] =	vst v0  }
0x73: {  	v0 =	vld [tilespmem:s2+$0x2140];
	_ =	sdelay $0x4  }
0x74: {  	[tilespmem:$0x4340] =	vst v0  }
0x75: {  	v0 =	vld [tilespmem:s2+$0x150];
	_ =	sdelay $0x4  }
0x76: {  	[tilespmem:$0x4250] =	vst v0  }
0x77: {  	v0 =	vld [tilespmem:s2+$0x2150];
	_ =	sdelay $0x4  }
0x78: {  	[tilespmem:$0x4350] =	vst v0  }
0x79: {  	v0 =	vld [tilespmem:s2+$0x160];
	_ =	sdelay $0x4  }
0x7a: {  	[tilespmem:$0x4260] =	vst v0  }
0x7b: {  	v0 =	vld [tilespmem:s2+$0x2160];
	_ =	sdelay $0x4  }
0x7c: {  	[tilespmem:$0x4360] =	vst v0  }
0x7d: {  	v0 =	vld [tilespmem:s2+$0x170];
	_ =	sdelay $0x4  }
0x7e: {  	[tilespmem:$0x4270] =	vst v0  }
0x7f: {  	v0 =	vld [tilespmem:s2+$0x2170];
	_ =	sdelay $0x4  }
0x80: {  	[tilespmem:$0x4370] =	vst v0  }
0x81: {  	v0 =	vld [tilespmem:s2+$0x180];
	_ =	sdelay $0x4  }
0x82: {  	[tilespmem:$0x4280] =	vst v0  }
0x83: {  	v0 =	vld [tilespmem:s2+$0x2180];
	_ =	sdelay $0x4  }
0x84: {  	[tilespmem:$0x4380] =	vst v0  }
0x85: {  	v0 =	vld [tilespmem:s2+$0x190];
	_ =	sdelay $0x4  }
0x86: {  	[tilespmem:$0x4290] =	vst v0  }
0x87: {  	v0 =	vld [tilespmem:s2+$0x2190];
	_ =	sdelay $0x4  }
0x88: {  	[tilespmem:$0x4390] =	vst v0  }
0x89: {  	v0 =	vld [tilespmem:s2+$0x1A0];
	_ =	sdelay $0x4  }
0x8a: {  	[tilespmem:$0x42A0] =	vst v0  }
0x8b: {  	v0 =	vld [tilespmem:s2+$0x21A0];
	_ =	sdelay $0x4  }
0x8c: {  	[tilespmem:$0x43A0] =	vst v0  }
0x8d: {  	v0 =	vld [tilespmem:s2+$0x1B0];
	_ =	sdelay $0x4  }
0x8e: {  	[tilespmem:$0x42B0] =	vst v0  }
0x8f: {  	v0 =	vld [tilespmem:s2+$0x21B0];
	_ =	sdelay $0x4  }
0x90: {  	[tilespmem:$0x43B0] =	vst v0  }
0x91: {  	v0 =	vld [tilespmem:s2+$0x1C0];
	_ =	sdelay $0x4  }
0x92: {  	[tilespmem:$0x42C0] =	vst v0  }
0x93: {  	v0 =	vld [tilespmem:s2+$0x21C0];
	_ =	sdelay $0x4  }
0x94: {  	[tilespmem:$0x43C0] =	vst v0  }
0x95: {  	v0 =	vld [tilespmem:s2+$0x1D0];
	_ =	sdelay $0x4  }
0x96: {  	[tilespmem:$0x42D0] =	vst v0  }
0x97: {  	v0 =	vld [tilespmem:s2+$0x21D0];
	_ =	sdelay $0x4  }
0x98: {  	[tilespmem:$0x43D0] =	vst v0  }
0x99: {  	v0 =	vld [tilespmem:s2+$0x1E0];
	_ =	sdelay $0x4  }
0x9a: {  	[tilespmem:$0x42E0] =	vst v0  }
0x9b: {  	v0 =	vld [tilespmem:s2+$0x21E0];
	_ =	sdelay $0x4  }
0x9c: {  	[tilespmem:$0x43E0] =	vst v0  }
0x9d: {  	v0 =	vld [tilespmem:s2+$0x1F0];
	_ =	sdelay $0x4  }
0x9e: {  	[tilespmem:$0x42F0] =	vst v0  }
0x9f: {  	v0 =	vld [tilespmem:s2+$0x21F0];
	_ =	sdelay $0x4  }
0xa0: {  	[tilespmem:$0x43F0] =	vst v0  }
0xa1: {  	[tilespmem:s24], [sflag:$0x2] =	stream.indirect.gather [hbm4b:s4+s20], $0x40, s23, s20, $0xb8;
	[tilespmem:$0x1C400] =	vst v63  }
0xa2: {  	_ =	swait.ge [sflag:s25], $0x4000  }
0xa3: {  	[sflag:s25] =	ssyncset.done $0x0  }
0xa4: {  	[sflag:s25] =	ssyncadd.s32 $0xFFFFC000  }
0xa5: {  	[spmem:s1] =	stream.indirect.scatter.add.f32 [tilespmem:s22], [sflag:$0x3], $0x40, s26, s20, $0xb8;
	[tilespmem:$0x1C400] =	vst v63  }
0xa6: {  	_ =	swait.ge [sflag:s28], $0x4000  }
0xa7: {  	[sflag:s28] =	ssyncset.done $0x0  }
0xa8: {  	[sflag:s28] =	ssyncadd.s32 $0xFFFFC000  }
0xa9: {  	[spmem:s1] =	stream.indirect.scatter.add.f32 [tilespmem:s24], [sflag:$0x3], $0x40, s29, s20, $0xb8;
	[tilespmem:$0x1C400] =	vst v63  }
0xaa: {  	p0 =	sne.s32 s0, $0x7800;
	_ =	swait.ge [sflag:s30], $0x4000  }
.Ltmp0:
0xab: {  	[sflag:s30] =	ssyncset.done $0x0;
	(pc) =	sbr.rel @p0 .LBB2_2-.Ltmp0, $4  }
0xac: {  	[sflag:s30] =	ssyncadd.s32 $0xFFFFC000  }
0xad: {  	_ =	swait.ge [sflag:s30], $0x4000  }
0xae: {  	[sflag:s30] =	ssyncset.done $0x0  }
0xaf: {  	s0 =	sadd.s32 $0x800, s0;
	[sflag:s30] =	ssyncadd.s32 $0xFFFFC000  }
0xb0: {  	[bflag:$0x0] =	sbarrier.arrive $0xFFFF  }
0xb1: {  	[hbm:s11], [sflag:s18] =	dma.local [spmem:s19], $0x2000  }
0xb2: {  	_ =	swait.ge [sflag:s16], $0x2000  }
0xb3: {  	[sflag:s16] =	ssyncset.done $0x0  }
0xb4: {  	[sflag:s16] =	ssyncadd.s32 $0xFFFFE000  }
0xb5: {  	[spmem:s19], [sflag:s18] =	dma.local [hbm:s8], $0x2000  }
0xb6: {  	_ =	swait.ge [sflag:s16], $0x2000  }
0xb7: {  	[sflag:s16] =	ssyncset.done $0x0  }
0xb8: {  	[sflag:s16] =	ssyncadd.s32 $0xFFFFE000  }
0xb9: {  	s0 =	simm.s32 $0x0;
	[bflag:$0x0] =	sbarrier.arrive $0xFFFF  }
.LBB2_4:
0xba: {  	s2 =	sshra.s32 s0, $0x2  }
0xbb: {  	v0 =	vld [tilespmem:s2+$0x0];
	_ =	sdelay $0x4  }
0xbc: {  	[tilespmem:$0x4000] =	vst v0  }
0xbd: {  	v0 =	vld [tilespmem:s2+$0x2000];
	_ =	sdelay $0x4  }
0xbe: {  	[tilespmem:$0x4100] =	vst v0  }
0xbf: {  	v0 =	vld [tilespmem:s2+$0x10];
	_ =	sdelay $0x4  }
0xc0: {  	[tilespmem:$0x4010] =	vst v0  }
0xc1: {  	v0 =	vld [tilespmem:s2+$0x2010];
	_ =	sdelay $0x4  }
0xc2: {  	[tilespmem:$0x4110] =	vst v0  }
0xc3: {  	v0 =	vld [tilespmem:s2+$0x20];
	_ =	sdelay $0x4  }
0xc4: {  	[tilespmem:$0x4020] =	vst v0  }
0xc5: {  	v0 =	vld [tilespmem:s2+$0x2020];
	_ =	sdelay $0x4  }
0xc6: {  	[tilespmem:$0x4120] =	vst v0  }
0xc7: {  	v0 =	vld [tilespmem:s2+$0x30];
	_ =	sdelay $0x4  }
0xc8: {  	[tilespmem:$0x4030] =	vst v0  }
0xc9: {  	v0 =	vld [tilespmem:s2+$0x2030];
	_ =	sdelay $0x4  }
0xca: {  	[tilespmem:$0x4130] =	vst v0  }
0xcb: {  	v0 =	vld [tilespmem:s2+$0x40];
	_ =	sdelay $0x4  }
0xcc: {  	[tilespmem:$0x4040] =	vst v0  }
0xcd: {  	v0 =	vld [tilespmem:s2+$0x2040];
	_ =	sdelay $0x4  }
0xce: {  	[tilespmem:$0x4140] =	vst v0  }
0xcf: {  	v0 =	vld [tilespmem:s2+$0x50];
	_ =	sdelay $0x4  }
0xd0: {  	[tilespmem:$0x4050] =	vst v0  }
0xd1: {  	v0 =	vld [tilespmem:s2+$0x2050];
	_ =	sdelay $0x4  }
0xd2: {  	[tilespmem:$0x4150] =	vst v0  }
0xd3: {  	v0 =	vld [tilespmem:s2+$0x60];
	_ =	sdelay $0x4  }
0xd4: {  	[tilespmem:$0x4060] =	vst v0  }
0xd5: {  	v0 =	vld [tilespmem:s2+$0x2060];
	_ =	sdelay $0x4  }
0xd6: {  	[tilespmem:$0x4160] =	vst v0  }
0xd7: {  	v0 =	vld [tilespmem:s2+$0x70];
	_ =	sdelay $0x4  }
0xd8: {  	[tilespmem:$0x4070] =	vst v0  }
0xd9: {  	v0 =	vld [tilespmem:s2+$0x2070];
	_ =	sdelay $0x4  }
0xda: {  	[tilespmem:$0x4170] =	vst v0  }
0xdb: {  	v0 =	vld [tilespmem:s2+$0x80];
	_ =	sdelay $0x4  }
0xdc: {  	[tilespmem:$0x4080] =	vst v0  }
0xdd: {  	v0 =	vld [tilespmem:s2+$0x2080];
	_ =	sdelay $0x4  }
0xde: {  	[tilespmem:$0x4180] =	vst v0  }
0xdf: {  	v0 =	vld [tilespmem:s2+$0x90];
	_ =	sdelay $0x4  }
0xe0: {  	[tilespmem:$0x4090] =	vst v0  }
0xe1: {  	v0 =	vld [tilespmem:s2+$0x2090];
	_ =	sdelay $0x4  }
0xe2: {  	[tilespmem:$0x4190] =	vst v0  }
0xe3: {  	v0 =	vld [tilespmem:s2+$0xA0];
	_ =	sdelay $0x4  }
0xe4: {  	[tilespmem:$0x40A0] =	vst v0  }
0xe5: {  	v0 =	vld [tilespmem:s2+$0x20A0];
	_ =	sdelay $0x4  }
0xe6: {  	[tilespmem:$0x41A0] =	vst v0  }
0xe7: {  	v0 =	vld [tilespmem:s2+$0xB0];
	_ =	sdelay $0x4  }
0xe8: {  	[tilespmem:$0x40B0] =	vst v0  }
0xe9: {  	v0 =	vld [tilespmem:s2+$0x20B0];
	_ =	sdelay $0x4  }
0xea: {  	[tilespmem:$0x41B0] =	vst v0  }
0xeb: {  	v0 =	vld [tilespmem:s2+$0xC0];
	_ =	sdelay $0x4  }
0xec: {  	[tilespmem:$0x40C0] =	vst v0  }
0xed: {  	v0 =	vld [tilespmem:s2+$0x20C0];
	_ =	sdelay $0x4  }
0xee: {  	[tilespmem:$0x41C0] =	vst v0  }
0xef: {  	v0 =	vld [tilespmem:s2+$0xD0];
	_ =	sdelay $0x4  }
0xf0: {  	[tilespmem:$0x40D0] =	vst v0  }
0xf1: {  	v0 =	vld [tilespmem:s2+$0x20D0];
	_ =	sdelay $0x4  }
0xf2: {  	[tilespmem:$0x41D0] =	vst v0  }
0xf3: {  	v0 =	vld [tilespmem:s2+$0xE0];
	_ =	sdelay $0x4  }
0xf4: {  	[tilespmem:$0x40E0] =	vst v0  }
0xf5: {  	v0 =	vld [tilespmem:s2+$0x20E0];
	_ =	sdelay $0x4  }
0xf6: {  	[tilespmem:$0x41E0] =	vst v0  }
0xf7: {  	v0 =	vld [tilespmem:s2+$0xF0];
	_ =	sdelay $0x4  }
0xf8: {  	[tilespmem:$0x40F0] =	vst v0  }
0xf9: {  	v0 =	vld [tilespmem:s2+$0x20F0];
	_ =	sdelay $0x4  }
0xfa: {  	[tilespmem:$0x41F0] =	vst v0  }
0xfb: {  	[tilespmem:s22], [sflag:$0x1] =	stream.indirect.gather [hbm4b:s5+s20], $0x40, s21, s20, $0xb8;
	[tilespmem:$0x1C400] =	vst v63  }
0xfc: {  	v0 =	vld [tilespmem:s2+$0x100];
	_ =	sdelay $0x4  }
0xfd: {  	[tilespmem:$0x4200] =	vst v0  }
0xfe: {  	v0 =	vld [tilespmem:s2+$0x2100];
	_ =	sdelay $0x4  }
0xff: {  	[tilespmem:$0x4300] =	vst v0  }
0x100: {  	v0 =	vld [tilespmem:s2+$0x110];
	_ =	sdelay $0x4  }
0x101: {  	[tilespmem:$0x4210] =	vst v0  }
0x102: {  	v0 =	vld [tilespmem:s2+$0x2110];
	_ =	sdelay $0x4  }
0x103: {  	[tilespmem:$0x4310] =	vst v0  }
0x104: {  	v0 =	vld [tilespmem:s2+$0x120];
	_ =	sdelay $0x4  }
0x105: {  	[tilespmem:$0x4220] =	vst v0  }
0x106: {  	v0 =	vld [tilespmem:s2+$0x2120];
	_ =	sdelay $0x4  }
0x107: {  	[tilespmem:$0x4320] =	vst v0  }
0x108: {  	v0 =	vld [tilespmem:s2+$0x130];
	_ =	sdelay $0x4  }
0x109: {  	[tilespmem:$0x4230] =	vst v0  }
0x10a: {  	v0 =	vld [tilespmem:s2+$0x2130];
	_ =	sdelay $0x4  }
0x10b: {  	[tilespmem:$0x4330] =	vst v0  }
0x10c: {  	v0 =	vld [tilespmem:s2+$0x140];
	_ =	sdelay $0x4  }
0x10d: {  	[tilespmem:$0x4240] =	vst v0  }
0x10e: {  	v0 =	vld [tilespmem:s2+$0x2140];
	_ =	sdelay $0x4  }
0x10f: {  	[tilespmem:$0x4340] =	vst v0  }
0x110: {  	v0 =	vld [tilespmem:s2+$0x150];
	_ =	sdelay $0x4  }
0x111: {  	[tilespmem:$0x4250] =	vst v0  }
0x112: {  	v0 =	vld [tilespmem:s2+$0x2150];
	_ =	sdelay $0x4  }
0x113: {  	[tilespmem:$0x4350] =	vst v0  }
0x114: {  	v0 =	vld [tilespmem:s2+$0x160];
	_ =	sdelay $0x4  }
0x115: {  	[tilespmem:$0x4260] =	vst v0  }
0x116: {  	v0 =	vld [tilespmem:s2+$0x2160];
	_ =	sdelay $0x4  }
0x117: {  	[tilespmem:$0x4360] =	vst v0  }
0x118: {  	v0 =	vld [tilespmem:s2+$0x170];
	_ =	sdelay $0x4  }
0x119: {  	[tilespmem:$0x4270] =	vst v0  }
0x11a: {  	v0 =	vld [tilespmem:s2+$0x2170];
	_ =	sdelay $0x4  }
0x11b: {  	[tilespmem:$0x4370] =	vst v0  }
0x11c: {  	v0 =	vld [tilespmem:s2+$0x180];
	_ =	sdelay $0x4  }
0x11d: {  	[tilespmem:$0x4280] =	vst v0  }
0x11e: {  	v0 =	vld [tilespmem:s2+$0x2180];
	_ =	sdelay $0x4  }
0x11f: {  	[tilespmem:$0x4380] =	vst v0  }
0x120: {  	v0 =	vld [tilespmem:s2+$0x190];
	_ =	sdelay $0x4  }
0x121: {  	[tilespmem:$0x4290] =	vst v0  }
0x122: {  	v0 =	vld [tilespmem:s2+$0x2190];
	_ =	sdelay $0x4  }
0x123: {  	[tilespmem:$0x4390] =	vst v0  }
0x124: {  	v0 =	vld [tilespmem:s2+$0x1A0];
	_ =	sdelay $0x4  }
0x125: {  	[tilespmem:$0x42A0] =	vst v0  }
0x126: {  	v0 =	vld [tilespmem:s2+$0x21A0];
	_ =	sdelay $0x4  }
0x127: {  	[tilespmem:$0x43A0] =	vst v0  }
0x128: {  	v0 =	vld [tilespmem:s2+$0x1B0];
	_ =	sdelay $0x4  }
0x129: {  	[tilespmem:$0x42B0] =	vst v0  }
0x12a: {  	v0 =	vld [tilespmem:s2+$0x21B0];
	_ =	sdelay $0x4  }
0x12b: {  	[tilespmem:$0x43B0] =	vst v0  }
0x12c: {  	v0 =	vld [tilespmem:s2+$0x1C0];
	_ =	sdelay $0x4  }
0x12d: {  	[tilespmem:$0x42C0] =	vst v0  }
0x12e: {  	v0 =	vld [tilespmem:s2+$0x21C0];
	_ =	sdelay $0x4  }
0x12f: {  	[tilespmem:$0x43C0] =	vst v0  }
0x130: {  	v0 =	vld [tilespmem:s2+$0x1D0];
	_ =	sdelay $0x4  }
0x131: {  	[tilespmem:$0x42D0] =	vst v0  }
0x132: {  	v0 =	vld [tilespmem:s2+$0x21D0];
	_ =	sdelay $0x4  }
0x133: {  	[tilespmem:$0x43D0] =	vst v0  }
0x134: {  	v0 =	vld [tilespmem:s2+$0x1E0];
	_ =	sdelay $0x4  }
0x135: {  	[tilespmem:$0x42E0] =	vst v0  }
0x136: {  	v0 =	vld [tilespmem:s2+$0x21E0];
	_ =	sdelay $0x4  }
0x137: {  	[tilespmem:$0x43E0] =	vst v0  }
0x138: {  	v0 =	vld [tilespmem:s2+$0x1F0];
	_ =	sdelay $0x4  }
0x139: {  	[tilespmem:$0x42F0] =	vst v0  }
0x13a: {  	v0 =	vld [tilespmem:s2+$0x21F0];
	_ =	sdelay $0x4  }
0x13b: {  	[tilespmem:$0x43F0] =	vst v0  }
0x13c: {  	[tilespmem:s24], [sflag:$0x2] =	stream.indirect.gather [hbm4b:s5+s20], $0x40, s23, s20, $0xb8;
	[tilespmem:$0x1C400] =	vst v63  }
0x13d: {  	_ =	swait.ge [sflag:s25], $0x4000  }
0x13e: {  	[sflag:s25] =	ssyncset.done $0x0  }
0x13f: {  	[sflag:s25] =	ssyncadd.s32 $0xFFFFC000  }
0x140: {  	[spmem:s1] =	stream.indirect.scatter.add.f32 [tilespmem:s22], [sflag:$0x3], $0x40, s26, s20, $0xb8;
	[tilespmem:$0x1C400] =	vst v63  }
0x141: {  	_ =	swait.ge [sflag:s28], $0x4000  }
0x142: {  	[sflag:s28] =	ssyncset.done $0x0  }
0x143: {  	[sflag:s28] =	ssyncadd.s32 $0xFFFFC000  }
0x144: {  	[spmem:s1] =	stream.indirect.scatter.add.f32 [tilespmem:s24], [sflag:$0x3], $0x40, s29, s20, $0xb8;
	[tilespmem:$0x1C400] =	vst v63  }
0x145: {  	p0 =	sne.s32 s0, $0x7800;
	_ =	swait.ge [sflag:s30], $0x4000  }
.Ltmp1:
0x146: {  	[sflag:s30] =	ssyncset.done $0x0;
	(pc) =	sbr.rel @p0 .LBB2_4-.Ltmp1, $4  }
0x147: {  	[sflag:s30] =	ssyncadd.s32 $0xFFFFC000  }
0x148: {  	_ =	swait.ge [sflag:s30], $0x4000  }
0x149: {  	[sflag:s30] =	ssyncset.done $0x0  }
0x14a: {  	s0 =	sadd.s32 $0x800, s0;
	[sflag:s30] =	ssyncadd.s32 $0xFFFFC000  }
0x14b: {  	[bflag:$0x0] =	sbarrier.arrive $0xFFFF  }
0x14c: {  	[hbm:s12], [sflag:s18] =	dma.local [spmem:s19], $0x2000  }
0x14d: {  	_ =	swait.ge [sflag:s16], $0x2000  }
0x14e: {  	[sflag:s16] =	ssyncset.done $0x0  }
0x14f: {  	[sflag:s16] =	ssyncadd.s32 $0xFFFFE000  }
0x150: {  	[spmem:s19], [sflag:s18] =	dma.local [hbm:s8], $0x2000  }
0x151: {  	_ =	swait.ge [sflag:s16], $0x2000  }
0x152: {  	[sflag:s16] =	ssyncset.done $0x0  }
0x153: {  	[sflag:s16] =	ssyncadd.s32 $0xFFFFE000  }
0x154: {  	s0 =	simm.s32 $0x0;
	[bflag:$0x0] =	sbarrier.arrive $0xFFFF  }
.LBB2_6:
0x155: {  	s2 =	sshra.s32 s0, $0x2  }
0x156: {  	v0 =	vld [tilespmem:s2+$0x0];
	_ =	sdelay $0x4  }
0x157: {  	[tilespmem:$0x4000] =	vst v0  }
0x158: {  	v0 =	vld [tilespmem:s2+$0x2000];
	_ =	sdelay $0x4  }
0x159: {  	[tilespmem:$0x4100] =	vst v0  }
0x15a: {  	v0 =	vld [tilespmem:s2+$0x10];
	_ =	sdelay $0x4  }
0x15b: {  	[tilespmem:$0x4010] =	vst v0  }
0x15c: {  	v0 =	vld [tilespmem:s2+$0x2010];
	_ =	sdelay $0x4  }
0x15d: {  	[tilespmem:$0x4110] =	vst v0  }
0x15e: {  	v0 =	vld [tilespmem:s2+$0x20];
	_ =	sdelay $0x4  }
0x15f: {  	[tilespmem:$0x4020] =	vst v0  }
0x160: {  	v0 =	vld [tilespmem:s2+$0x2020];
	_ =	sdelay $0x4  }
0x161: {  	[tilespmem:$0x4120] =	vst v0  }
0x162: {  	v0 =	vld [tilespmem:s2+$0x30];
	_ =	sdelay $0x4  }
0x163: {  	[tilespmem:$0x4030] =	vst v0  }
0x164: {  	v0 =	vld [tilespmem:s2+$0x2030];
	_ =	sdelay $0x4  }
0x165: {  	[tilespmem:$0x4130] =	vst v0  }
0x166: {  	v0 =	vld [tilespmem:s2+$0x40];
	_ =	sdelay $0x4  }
0x167: {  	[tilespmem:$0x4040] =	vst v0  }
0x168: {  	v0 =	vld [tilespmem:s2+$0x2040];
	_ =	sdelay $0x4  }
0x169: {  	[tilespmem:$0x4140] =	vst v0  }
0x16a: {  	v0 =	vld [tilespmem:s2+$0x50];
	_ =	sdelay $0x4  }
0x16b: {  	[tilespmem:$0x4050] =	vst v0  }
0x16c: {  	v0 =	vld [tilespmem:s2+$0x2050];
	_ =	sdelay $0x4  }
0x16d: {  	[tilespmem:$0x4150] =	vst v0  }
0x16e: {  	v0 =	vld [tilespmem:s2+$0x60];
	_ =	sdelay $0x4  }
0x16f: {  	[tilespmem:$0x4060] =	vst v0  }
0x170: {  	v0 =	vld [tilespmem:s2+$0x2060];
	_ =	sdelay $0x4  }
0x171: {  	[tilespmem:$0x4160] =	vst v0  }
0x172: {  	v0 =	vld [tilespmem:s2+$0x70];
	_ =	sdelay $0x4  }
0x173: {  	[tilespmem:$0x4070] =	vst v0  }
0x174: {  	v0 =	vld [tilespmem:s2+$0x2070];
	_ =	sdelay $0x4  }
0x175: {  	[tilespmem:$0x4170] =	vst v0  }
0x176: {  	v0 =	vld [tilespmem:s2+$0x80];
	_ =	sdelay $0x4  }
0x177: {  	[tilespmem:$0x4080] =	vst v0  }
0x178: {  	v0 =	vld [tilespmem:s2+$0x2080];
	_ =	sdelay $0x4  }
0x179: {  	[tilespmem:$0x4180] =	vst v0  }
0x17a: {  	v0 =	vld [tilespmem:s2+$0x90];
	_ =	sdelay $0x4  }
0x17b: {  	[tilespmem:$0x4090] =	vst v0  }
0x17c: {  	v0 =	vld [tilespmem:s2+$0x2090];
	_ =	sdelay $0x4  }
0x17d: {  	[tilespmem:$0x4190] =	vst v0  }
0x17e: {  	v0 =	vld [tilespmem:s2+$0xA0];
	_ =	sdelay $0x4  }
0x17f: {  	[tilespmem:$0x40A0] =	vst v0  }
0x180: {  	v0 =	vld [tilespmem:s2+$0x20A0];
	_ =	sdelay $0x4  }
0x181: {  	[tilespmem:$0x41A0] =	vst v0  }
0x182: {  	v0 =	vld [tilespmem:s2+$0xB0];
	_ =	sdelay $0x4  }
0x183: {  	[tilespmem:$0x40B0] =	vst v0  }
0x184: {  	v0 =	vld [tilespmem:s2+$0x20B0];
	_ =	sdelay $0x4  }
0x185: {  	[tilespmem:$0x41B0] =	vst v0  }
0x186: {  	v0 =	vld [tilespmem:s2+$0xC0];
	_ =	sdelay $0x4  }
0x187: {  	[tilespmem:$0x40C0] =	vst v0  }
0x188: {  	v0 =	vld [tilespmem:s2+$0x20C0];
	_ =	sdelay $0x4  }
0x189: {  	[tilespmem:$0x41C0] =	vst v0  }
0x18a: {  	v0 =	vld [tilespmem:s2+$0xD0];
	_ =	sdelay $0x4  }
0x18b: {  	[tilespmem:$0x40D0] =	vst v0  }
0x18c: {  	v0 =	vld [tilespmem:s2+$0x20D0];
	_ =	sdelay $0x4  }
0x18d: {  	[tilespmem:$0x41D0] =	vst v0  }
0x18e: {  	v0 =	vld [tilespmem:s2+$0xE0];
	_ =	sdelay $0x4  }
0x18f: {  	[tilespmem:$0x40E0] =	vst v0  }
0x190: {  	v0 =	vld [tilespmem:s2+$0x20E0];
	_ =	sdelay $0x4  }
0x191: {  	[tilespmem:$0x41E0] =	vst v0  }
0x192: {  	v0 =	vld [tilespmem:s2+$0xF0];
	_ =	sdelay $0x4  }
0x193: {  	[tilespmem:$0x40F0] =	vst v0  }
0x194: {  	v0 =	vld [tilespmem:s2+$0x20F0];
	_ =	sdelay $0x4  }
0x195: {  	[tilespmem:$0x41F0] =	vst v0  }
0x196: {  	[tilespmem:s22], [sflag:$0x1] =	stream.indirect.gather [hbm4b:s6+s20], $0x40, s21, s20, $0xb8;
	[tilespmem:$0x1C400] =	vst v63  }
0x197: {  	v0 =	vld [tilespmem:s2+$0x100];
	_ =	sdelay $0x4  }
0x198: {  	[tilespmem:$0x4200] =	vst v0  }
0x199: {  	v0 =	vld [tilespmem:s2+$0x2100];
	_ =	sdelay $0x4  }
0x19a: {  	[tilespmem:$0x4300] =	vst v0  }
0x19b: {  	v0 =	vld [tilespmem:s2+$0x110];
	_ =	sdelay $0x4  }
0x19c: {  	[tilespmem:$0x4210] =	vst v0  }
0x19d: {  	v0 =	vld [tilespmem:s2+$0x2110];
	_ =	sdelay $0x4  }
0x19e: {  	[tilespmem:$0x4310] =	vst v0  }
0x19f: {  	v0 =	vld [tilespmem:s2+$0x120];
	_ =	sdelay $0x4  }
0x1a0: {  	[tilespmem:$0x4220] =	vst v0  }
0x1a1: {  	v0 =	vld [tilespmem:s2+$0x2120];
	_ =	sdelay $0x4  }
0x1a2: {  	[tilespmem:$0x4320] =	vst v0  }
0x1a3: {  	v0 =	vld [tilespmem:s2+$0x130];
	_ =	sdelay $0x4  }
0x1a4: {  	[tilespmem:$0x4230] =	vst v0  }
0x1a5: {  	v0 =	vld [tilespmem:s2+$0x2130];
	_ =	sdelay $0x4  }
0x1a6: {  	[tilespmem:$0x4330] =	vst v0  }
0x1a7: {  	v0 =	vld [tilespmem:s2+$0x140];
	_ =	sdelay $0x4  }
0x1a8: {  	[tilespmem:$0x4240] =	vst v0  }
0x1a9: {  	v0 =	vld [tilespmem:s2+$0x2140];
	_ =	sdelay $0x4  }
0x1aa: {  	[tilespmem:$0x4340] =	vst v0  }
0x1ab: {  	v0 =	vld [tilespmem:s2+$0x150];
	_ =	sdelay $0x4  }
0x1ac: {  	[tilespmem:$0x4250] =	vst v0  }
0x1ad: {  	v0 =	vld [tilespmem:s2+$0x2150];
	_ =	sdelay $0x4  }
0x1ae: {  	[tilespmem:$0x4350] =	vst v0  }
0x1af: {  	v0 =	vld [tilespmem:s2+$0x160];
	_ =	sdelay $0x4  }
0x1b0: {  	[tilespmem:$0x4260] =	vst v0  }
0x1b1: {  	v0 =	vld [tilespmem:s2+$0x2160];
	_ =	sdelay $0x4  }
0x1b2: {  	[tilespmem:$0x4360] =	vst v0  }
0x1b3: {  	v0 =	vld [tilespmem:s2+$0x170];
	_ =	sdelay $0x4  }
0x1b4: {  	[tilespmem:$0x4270] =	vst v0  }
0x1b5: {  	v0 =	vld [tilespmem:s2+$0x2170];
	_ =	sdelay $0x4  }
0x1b6: {  	[tilespmem:$0x4370] =	vst v0  }
0x1b7: {  	v0 =	vld [tilespmem:s2+$0x180];
	_ =	sdelay $0x4  }
0x1b8: {  	[tilespmem:$0x4280] =	vst v0  }
0x1b9: {  	v0 =	vld [tilespmem:s2+$0x2180];
	_ =	sdelay $0x4  }
0x1ba: {  	[tilespmem:$0x4380] =	vst v0  }
0x1bb: {  	v0 =	vld [tilespmem:s2+$0x190];
	_ =	sdelay $0x4  }
0x1bc: {  	[tilespmem:$0x4290] =	vst v0  }
0x1bd: {  	v0 =	vld [tilespmem:s2+$0x2190];
	_ =	sdelay $0x4  }
0x1be: {  	[tilespmem:$0x4390] =	vst v0  }
0x1bf: {  	v0 =	vld [tilespmem:s2+$0x1A0];
	_ =	sdelay $0x4  }
0x1c0: {  	[tilespmem:$0x42A0] =	vst v0  }
0x1c1: {  	v0 =	vld [tilespmem:s2+$0x21A0];
	_ =	sdelay $0x4  }
0x1c2: {  	[tilespmem:$0x43A0] =	vst v0  }
0x1c3: {  	v0 =	vld [tilespmem:s2+$0x1B0];
	_ =	sdelay $0x4  }
0x1c4: {  	[tilespmem:$0x42B0] =	vst v0  }
0x1c5: {  	v0 =	vld [tilespmem:s2+$0x21B0];
	_ =	sdelay $0x4  }
0x1c6: {  	[tilespmem:$0x43B0] =	vst v0  }
0x1c7: {  	v0 =	vld [tilespmem:s2+$0x1C0];
	_ =	sdelay $0x4  }
0x1c8: {  	[tilespmem:$0x42C0] =	vst v0  }
0x1c9: {  	v0 =	vld [tilespmem:s2+$0x21C0];
	_ =	sdelay $0x4  }
0x1ca: {  	[tilespmem:$0x43C0] =	vst v0  }
0x1cb: {  	v0 =	vld [tilespmem:s2+$0x1D0];
	_ =	sdelay $0x4  }
0x1cc: {  	[tilespmem:$0x42D0] =	vst v0  }
0x1cd: {  	v0 =	vld [tilespmem:s2+$0x21D0];
	_ =	sdelay $0x4  }
0x1ce: {  	[tilespmem:$0x43D0] =	vst v0  }
0x1cf: {  	v0 =	vld [tilespmem:s2+$0x1E0];
	_ =	sdelay $0x4  }
0x1d0: {  	[tilespmem:$0x42E0] =	vst v0  }
0x1d1: {  	v0 =	vld [tilespmem:s2+$0x21E0];
	_ =	sdelay $0x4  }
0x1d2: {  	[tilespmem:$0x43E0] =	vst v0  }
0x1d3: {  	v0 =	vld [tilespmem:s2+$0x1F0];
	_ =	sdelay $0x4  }
0x1d4: {  	[tilespmem:$0x42F0] =	vst v0  }
0x1d5: {  	v0 =	vld [tilespmem:s2+$0x21F0];
	_ =	sdelay $0x4  }
0x1d6: {  	[tilespmem:$0x43F0] =	vst v0  }
0x1d7: {  	[tilespmem:s24], [sflag:$0x2] =	stream.indirect.gather [hbm4b:s6+s20], $0x40, s23, s20, $0xb8;
	[tilespmem:$0x1C400] =	vst v63  }
0x1d8: {  	_ =	swait.ge [sflag:s25], $0x4000  }
0x1d9: {  	[sflag:s25] =	ssyncset.done $0x0  }
0x1da: {  	[sflag:s25] =	ssyncadd.s32 $0xFFFFC000  }
0x1db: {  	[spmem:s1] =	stream.indirect.scatter.add.f32 [tilespmem:s22], [sflag:$0x3], $0x40, s26, s20, $0xb8;
	[tilespmem:$0x1C400] =	vst v63  }
0x1dc: {  	_ =	swait.ge [sflag:s28], $0x4000  }
0x1dd: {  	[sflag:s28] =	ssyncset.done $0x0  }
0x1de: {  	[sflag:s28] =	ssyncadd.s32 $0xFFFFC000  }
0x1df: {  	[spmem:s1] =	stream.indirect.scatter.add.f32 [tilespmem:s24], [sflag:$0x3], $0x40, s29, s20, $0xb8;
	[tilespmem:$0x1C400] =	vst v63  }
0x1e0: {  	p0 =	sne.s32 s0, $0x7800;
	_ =	swait.ge [sflag:s30], $0x4000  }
.Ltmp2:
0x1e1: {  	[sflag:s30] =	ssyncset.done $0x0;
	(pc) =	sbr.rel @p0 .LBB2_6-.Ltmp2, $4  }
0x1e2: {  	[sflag:s30] =	ssyncadd.s32 $0xFFFFC000  }
0x1e3: {  	_ =	swait.ge [sflag:s30], $0x4000  }
0x1e4: {  	[sflag:s30] =	ssyncset.done $0x0  }
0x1e5: {  	s0 =	sadd.s32 $0x800, s0;
	[sflag:s30] =	ssyncadd.s32 $0xFFFFC000  }
0x1e6: {  	[bflag:$0x0] =	sbarrier.arrive $0xFFFF  }
0x1e7: {  	[hbm:s13], [sflag:s18] =	dma.local [spmem:s19], $0x2000  }
0x1e8: {  	_ =	swait.ge [sflag:s16], $0x2000  }
0x1e9: {  	[sflag:s16] =	ssyncset.done $0x0  }
0x1ea: {  	[sflag:s16] =	ssyncadd.s32 $0xFFFFE000  }
0x1eb: {  	[spmem:s19], [sflag:s18] =	dma.local [hbm:s8], $0x2000  }
0x1ec: {  	_ =	swait.ge [sflag:s16], $0x2000  }
0x1ed: {  	[sflag:s16] =	ssyncset.done $0x0  }
0x1ee: {  	[sflag:s16] =	ssyncadd.s32 $0xFFFFE000  }
0x1ef: {  	s0 =	simm.s32 $0x0;
	[bflag:$0x0] =	sbarrier.arrive $0xFFFF  }
.LBB2_8:
0x1f0: {  	s2 =	sshra.s32 s0, $0x2  }
0x1f1: {  	v0 =	vld [tilespmem:s2+$0x0];
	_ =	sdelay $0x4  }
0x1f2: {  	[tilespmem:$0x4000] =	vst v0  }
0x1f3: {  	v0 =	vld [tilespmem:s2+$0x2000];
	_ =	sdelay $0x4  }
0x1f4: {  	[tilespmem:$0x4100] =	vst v0  }
0x1f5: {  	v0 =	vld [tilespmem:s2+$0x10];
	_ =	sdelay $0x4  }
0x1f6: {  	[tilespmem:$0x4010] =	vst v0  }
0x1f7: {  	v0 =	vld [tilespmem:s2+$0x2010];
	_ =	sdelay $0x4  }
0x1f8: {  	[tilespmem:$0x4110] =	vst v0  }
0x1f9: {  	v0 =	vld [tilespmem:s2+$0x20];
	_ =	sdelay $0x4  }
0x1fa: {  	[tilespmem:$0x4020] =	vst v0  }
0x1fb: {  	v0 =	vld [tilespmem:s2+$0x2020];
	_ =	sdelay $0x4  }
0x1fc: {  	[tilespmem:$0x4120] =	vst v0  }
0x1fd: {  	v0 =	vld [tilespmem:s2+$0x30];
	_ =	sdelay $0x4  }
0x1fe: {  	[tilespmem:$0x4030] =	vst v0  }
0x1ff: {  	v0 =	vld [tilespmem:s2+$0x2030];
	_ =	sdelay $0x4  }
0x200: {  	[tilespmem:$0x4130] =	vst v0  }
0x201: {  	v0 =	vld [tilespmem:s2+$0x40];
	_ =	sdelay $0x4  }
0x202: {  	[tilespmem:$0x4040] =	vst v0  }
0x203: {  	v0 =	vld [tilespmem:s2+$0x2040];
	_ =	sdelay $0x4  }
0x204: {  	[tilespmem:$0x4140] =	vst v0  }
0x205: {  	v0 =	vld [tilespmem:s2+$0x50];
	_ =	sdelay $0x4  }
0x206: {  	[tilespmem:$0x4050] =	vst v0  }
0x207: {  	v0 =	vld [tilespmem:s2+$0x2050];
	_ =	sdelay $0x4  }
0x208: {  	[tilespmem:$0x4150] =	vst v0  }
0x209: {  	v0 =	vld [tilespmem:s2+$0x60];
	_ =	sdelay $0x4  }
0x20a: {  	[tilespmem:$0x4060] =	vst v0  }
0x20b: {  	v0 =	vld [tilespmem:s2+$0x2060];
	_ =	sdelay $0x4  }
0x20c: {  	[tilespmem:$0x4160] =	vst v0  }
0x20d: {  	v0 =	vld [tilespmem:s2+$0x70];
	_ =	sdelay $0x4  }
0x20e: {  	[tilespmem:$0x4070] =	vst v0  }
0x20f: {  	v0 =	vld [tilespmem:s2+$0x2070];
	_ =	sdelay $0x4  }
0x210: {  	[tilespmem:$0x4170] =	vst v0  }
0x211: {  	v0 =	vld [tilespmem:s2+$0x80];
	_ =	sdelay $0x4  }
0x212: {  	[tilespmem:$0x4080] =	vst v0  }
0x213: {  	v0 =	vld [tilespmem:s2+$0x2080];
	_ =	sdelay $0x4  }
0x214: {  	[tilespmem:$0x4180] =	vst v0  }
0x215: {  	v0 =	vld [tilespmem:s2+$0x90];
	_ =	sdelay $0x4  }
0x216: {  	[tilespmem:$0x4090] =	vst v0  }
0x217: {  	v0 =	vld [tilespmem:s2+$0x2090];
	_ =	sdelay $0x4  }
0x218: {  	[tilespmem:$0x4190] =	vst v0  }
0x219: {  	v0 =	vld [tilespmem:s2+$0xA0];
	_ =	sdelay $0x4  }
0x21a: {  	[tilespmem:$0x40A0] =	vst v0  }
0x21b: {  	v0 =	vld [tilespmem:s2+$0x20A0];
	_ =	sdelay $0x4  }
0x21c: {  	[tilespmem:$0x41A0] =	vst v0  }
0x21d: {  	v0 =	vld [tilespmem:s2+$0xB0];
	_ =	sdelay $0x4  }
0x21e: {  	[tilespmem:$0x40B0] =	vst v0  }
0x21f: {  	v0 =	vld [tilespmem:s2+$0x20B0];
	_ =	sdelay $0x4  }
0x220: {  	[tilespmem:$0x41B0] =	vst v0  }
0x221: {  	v0 =	vld [tilespmem:s2+$0xC0];
	_ =	sdelay $0x4  }
0x222: {  	[tilespmem:$0x40C0] =	vst v0  }
0x223: {  	v0 =	vld [tilespmem:s2+$0x20C0];
	_ =	sdelay $0x4  }
0x224: {  	[tilespmem:$0x41C0] =	vst v0  }
0x225: {  	v0 =	vld [tilespmem:s2+$0xD0];
	_ =	sdelay $0x4  }
0x226: {  	[tilespmem:$0x40D0] =	vst v0  }
0x227: {  	v0 =	vld [tilespmem:s2+$0x20D0];
	_ =	sdelay $0x4  }
0x228: {  	[tilespmem:$0x41D0] =	vst v0  }
0x229: {  	v0 =	vld [tilespmem:s2+$0xE0];
	_ =	sdelay $0x4  }
0x22a: {  	[tilespmem:$0x40E0] =	vst v0  }
0x22b: {  	v0 =	vld [tilespmem:s2+$0x20E0];
	_ =	sdelay $0x4  }
0x22c: {  	[tilespmem:$0x41E0] =	vst v0  }
0x22d: {  	v0 =	vld [tilespmem:s2+$0xF0];
	_ =	sdelay $0x4  }
0x22e: {  	[tilespmem:$0x40F0] =	vst v0  }
0x22f: {  	v0 =	vld [tilespmem:s2+$0x20F0];
	_ =	sdelay $0x4  }
0x230: {  	[tilespmem:$0x41F0] =	vst v0  }
0x231: {  	[tilespmem:s22], [sflag:$0x1] =	stream.indirect.gather [hbm4b:s7+s20], $0x40, s21, s20, $0xb8;
	[tilespmem:$0x1C400] =	vst v63  }
0x232: {  	v0 =	vld [tilespmem:s2+$0x100];
	_ =	sdelay $0x4  }
0x233: {  	[tilespmem:$0x4200] =	vst v0  }
0x234: {  	v0 =	vld [tilespmem:s2+$0x2100];
	_ =	sdelay $0x4  }
0x235: {  	[tilespmem:$0x4300] =	vst v0  }
0x236: {  	v0 =	vld [tilespmem:s2+$0x110];
	_ =	sdelay $0x4  }
0x237: {  	[tilespmem:$0x4210] =	vst v0  }
0x238: {  	v0 =	vld [tilespmem:s2+$0x2110];
	_ =	sdelay $0x4  }
0x239: {  	[tilespmem:$0x4310] =	vst v0  }
0x23a: {  	v0 =	vld [tilespmem:s2+$0x120];
	_ =	sdelay $0x4  }
0x23b: {  	[tilespmem:$0x4220] =	vst v0  }
0x23c: {  	v0 =	vld [tilespmem:s2+$0x2120];
	_ =	sdelay $0x4  }
0x23d: {  	[tilespmem:$0x4320] =	vst v0  }
0x23e: {  	v0 =	vld [tilespmem:s2+$0x130];
	_ =	sdelay $0x4  }
0x23f: {  	[tilespmem:$0x4230] =	vst v0  }
0x240: {  	v0 =	vld [tilespmem:s2+$0x2130];
	_ =	sdelay $0x4  }
0x241: {  	[tilespmem:$0x4330] =	vst v0  }
0x242: {  	v0 =	vld [tilespmem:s2+$0x140];
	_ =	sdelay $0x4  }
0x243: {  	[tilespmem:$0x4240] =	vst v0  }
0x244: {  	v0 =	vld [tilespmem:s2+$0x2140];
	_ =	sdelay $0x4  }
0x245: {  	[tilespmem:$0x4340] =	vst v0  }
0x246: {  	v0 =	vld [tilespmem:s2+$0x150];
	_ =	sdelay $0x4  }
0x247: {  	[tilespmem:$0x4250] =	vst v0  }
0x248: {  	v0 =	vld [tilespmem:s2+$0x2150];
	_ =	sdelay $0x4  }
0x249: {  	[tilespmem:$0x4350] =	vst v0  }
0x24a: {  	v0 =	vld [tilespmem:s2+$0x160];
	_ =	sdelay $0x4  }
0x24b: {  	[tilespmem:$0x4260] =	vst v0  }
0x24c: {  	v0 =	vld [tilespmem:s2+$0x2160];
	_ =	sdelay $0x4  }
0x24d: {  	[tilespmem:$0x4360] =	vst v0  }
0x24e: {  	v0 =	vld [tilespmem:s2+$0x170];
	_ =	sdelay $0x4  }
0x24f: {  	[tilespmem:$0x4270] =	vst v0  }
0x250: {  	v0 =	vld [tilespmem:s2+$0x2170];
	_ =	sdelay $0x4  }
0x251: {  	[tilespmem:$0x4370] =	vst v0  }
0x252: {  	v0 =	vld [tilespmem:s2+$0x180];
	_ =	sdelay $0x4  }
0x253: {  	[tilespmem:$0x4280] =	vst v0  }
0x254: {  	v0 =	vld [tilespmem:s2+$0x2180];
	_ =	sdelay $0x4  }
0x255: {  	[tilespmem:$0x4380] =	vst v0  }
0x256: {  	v0 =	vld [tilespmem:s2+$0x190];
	_ =	sdelay $0x4  }
0x257: {  	[tilespmem:$0x4290] =	vst v0  }
0x258: {  	v0 =	vld [tilespmem:s2+$0x2190];
	_ =	sdelay $0x4  }
0x259: {  	[tilespmem:$0x4390] =	vst v0  }
0x25a: {  	v0 =	vld [tilespmem:s2+$0x1A0];
	_ =	sdelay $0x4  }
0x25b: {  	[tilespmem:$0x42A0] =	vst v0  }
0x25c: {  	v0 =	vld [tilespmem:s2+$0x21A0];
	_ =	sdelay $0x4  }
0x25d: {  	[tilespmem:$0x43A0] =	vst v0  }
0x25e: {  	v0 =	vld [tilespmem:s2+$0x1B0];
	_ =	sdelay $0x4  }
0x25f: {  	[tilespmem:$0x42B0] =	vst v0  }
0x260: {  	v0 =	vld [tilespmem:s2+$0x21B0];
	_ =	sdelay $0x4  }
0x261: {  	[tilespmem:$0x43B0] =	vst v0  }
0x262: {  	v0 =	vld [tilespmem:s2+$0x1C0];
	_ =	sdelay $0x4  }
0x263: {  	[tilespmem:$0x42C0] =	vst v0  }
0x264: {  	v0 =	vld [tilespmem:s2+$0x21C0];
	_ =	sdelay $0x4  }
0x265: {  	[tilespmem:$0x43C0] =	vst v0  }
0x266: {  	v0 =	vld [tilespmem:s2+$0x1D0];
	_ =	sdelay $0x4  }
0x267: {  	[tilespmem:$0x42D0] =	vst v0  }
0x268: {  	v0 =	vld [tilespmem:s2+$0x21D0];
	_ =	sdelay $0x4  }
0x269: {  	[tilespmem:$0x43D0] =	vst v0  }
0x26a: {  	v0 =	vld [tilespmem:s2+$0x1E0];
	_ =	sdelay $0x4  }
0x26b: {  	[tilespmem:$0x42E0] =	vst v0  }
0x26c: {  	v0 =	vld [tilespmem:s2+$0x21E0];
	_ =	sdelay $0x4  }
0x26d: {  	[tilespmem:$0x43E0] =	vst v0  }
0x26e: {  	v0 =	vld [tilespmem:s2+$0x1F0];
	_ =	sdelay $0x4  }
0x26f: {  	[tilespmem:$0x42F0] =	vst v0  }
0x270: {  	v0 =	vld [tilespmem:s2+$0x21F0];
	_ =	sdelay $0x4  }
0x271: {  	[tilespmem:$0x43F0] =	vst v0  }
0x272: {  	[tilespmem:s24], [sflag:$0x2] =	stream.indirect.gather [hbm4b:s7+s20], $0x40, s23, s20, $0xb8;
	[tilespmem:$0x1C400] =	vst v63  }
0x273: {  	_ =	swait.ge [sflag:s25], $0x4000  }
0x274: {  	[sflag:s25] =	ssyncset.done $0x0  }
0x275: {  	[sflag:s25] =	ssyncadd.s32 $0xFFFFC000  }
0x276: {  	[spmem:s1] =	stream.indirect.scatter.add.f32 [tilespmem:s22], [sflag:$0x3], $0x40, s26, s20, $0xb8;
	[tilespmem:$0x1C400] =	vst v63  }
0x277: {  	_ =	swait.ge [sflag:s28], $0x4000  }
0x278: {  	[sflag:s28] =	ssyncset.done $0x0  }
0x279: {  	[sflag:s28] =	ssyncadd.s32 $0xFFFFC000  }
0x27a: {  	[spmem:s1] =	stream.indirect.scatter.add.f32 [tilespmem:s24], [sflag:$0x3], $0x40, s29, s20, $0xb8;
	[tilespmem:$0x1C400] =	vst v63  }
0x27b: {  	p0 =	sne.s32 s0, $0x7800;
	_ =	swait.ge [sflag:s30], $0x4000  }
.Ltmp3:
0x27c: {  	[sflag:s30] =	ssyncset.done $0x0;
	(pc) =	sbr.rel @p0 .LBB2_8-.Ltmp3, $4  }
0x27d: {  	[sflag:s30] =	ssyncadd.s32 $0xFFFFC000  }
0x27e: {  	_ =	swait.ge [sflag:s30], $0x4000  }
0x27f: {  	[sflag:s30] =	ssyncset.done $0x0  }
0x280: {  	s0 =	sadd.s32 $0x800, s0;
	[sflag:s30] =	ssyncadd.s32 $0xFFFFC000  }
0x281: {  	s31 =	sadd.s32 $0x1, s31  }
0x282: {  	p0 =	sne.s32 s31, s15  }
.Ltmp4:
0x283: {  	[bflag:$0x0] =	sbarrier.arrive $0xFFFF;
	(pc) =	sbr.rel @p0 .LBB2_1-.Ltmp4, $4  }
0x284: {  	[hbm:s14], [sflag:s18] =	dma.local [spmem:s19], $0x2000  }
0x285: {  	_ =	swait.ge [sflag:s16], $0x2000  }
0x286: {  	[sflag:s16] =	ssyncset.done $0x0  }
0x287: {  	[sflag:s16] =	ssyncadd.s32 $0xFFFFE000  }
0x288: {  	_ =	sfence.sel $0x180000  }
0x289: {  	[bflag:$0x0] =	sbarrier.arrive $0xFFFF  }
0x28a: {  	_ =	strace $0x9000004A  }
0x28b: {  	s0 =	stileid.u32;
	[bflag:$0x2] =	sbarrier.arrive $0xFFFF  }
0x28c: {  	p0 =	sne.s32 s0, $0x0;
	s0 =	rddreg [dreg:$0x2]  }
0x28d: {  	s0 =	sadd.s32 @!p0 $0x100000, s0  }
0x28e: {  	[sflag:s0] =	ssyncadd.tile.s32 @!p0 $0x1;
	_ =	shalt  }
.Lfunc_end2:
_tile_overlayer_lowered:
.L_overlay_start_2:
0x28f: {  	(tag) =	ssettag $0x2  }
0x290: {  	s0 =	rddreg [dreg:$0x0];
	s2 =	stileid.u32  }
0x291: {  	s1 =	rddreg [dreg:$0x1];
	p0 =	sne.s32 s2, $0x0  }
0x292: {  	s3 =	rddreg [dreg:$0x2];
	[bflag:$0x3] =	sbarrier.arrive $0xFFFF;
	s2 =	simm.s32 @!p0 $0x1C04  }
0x293: {  	[timem:s3], [sflag:s2] =	dma.local @!p0 [hbm:s0], s1  }
0x294: {  	s0 =	simm.s32 @!p0 $0x4  }
0x295: {  	_ =	swait.ge @!p0 [sflag:s0], s1  }
0x296: {  	s1 =	ssub.s32 @!p0 $0x0, s1;
	[sflag:s0] =	ssyncset.done @!p0 $0x0  }
0x297: {  	[sflag:s0] =	ssyncadd.s32 @!p0 s1  }
0x298: {  	[bflag:$0x3] =	sbarrier.arrive $0xFFFF  }
0x299: {  	_ =	shalt  }

// kernel: kernel.15.cloned.1.call-start
scs
__scs_entry_jumppad:
0x0: {  	(pc) =	sbr.rel $0x88, $3  }
0x1: {  	(tag) =	ssettag $0x0;
	lr =	simm.s32 $0x1  }
0x2: {  	[smem:$0x3F9A] =	sst lr;
	_ =	strace $0xD0000000  }
0x3: {  	_ = 	snop  }
0x4: {  	_ = 	snop  }
0x5: {  	_ = 	snop  }
0x6: {  	_ = 	snop  }
0x7: {  	_ = 	snop  }
__scs_overlays_trampoline_lowered:
0x8: {  	[smem:$0x3FA9] =	sst s0  }
0x9: {  	[smem:$0x3FAA] =	sst s1  }
0xa: {  	[smem:$0x3FAB] =	sst s2  }
0xb: {  	[smem:$0x3FAC] =	sst s3  }
0xc: {  	[smem:$0x3FAD] =	sst s4  }
0xd: {  	[smem:$0x3FAE] =	sst s5  }
0xe: {  	[smem:$0x3FAF] =	sst s6  }
0xf: {  	[smem:$0x3FB0] =	sst s7  }
0x10: {  	[smem:$0x3FB1] =	sst s8  }
0x11: {  	[smem:$0x3FB2] =	sst s9;
	s0 =	simm.s32 @!p0 $0x0  }
0x12: {  	s1 =	sld [smem:$0x3F98];
	s0 =	simm.s32 @p0 $0x1  }
0x13: {  	[smem:$0x3FB3] =	sst s0;
	s0 =	simm.s32 @!p1 $0x0  }
0x14: {  	s2 =	sld [smem:$0x3F97];
	s0 =	simm.s32 @p1 $0x1  }
0x15: {  	[smem:$0x3FB4] =	sst s0;
	s0 =	simm.s32 @!p2 $0x0  }
0x16: {  	s3 =	sld [smem:$0x3FDB];
	s0 =	simm.s32 @p2 $0x1  }
0x17: {  	s4 =	simm.s32 $0x1BF5;
	[smem:$0x3FB6] =	sst s0  }
0x18: {  	s0 =	sld [smem:$0x3F99];
	_ =	swait.ge [sflag:s4], $0x0  }
0x19: {  	s7 =	sld [smem:$0x3F9A]  }
0x1a: {  	s8 =	sadd.s32 $0xFFFFE003, lr  }
0x1b: {  	s9 =	sadd.s32 $0xFFFFFEF7, lr;
	s5 =	simm.s32 $0xFFFFFFFF;
	p2 =	slt.u32 s8, $0xFFFFF086  }
0x1c: {  	p1 =	slt.u32 s9, $0xF7A;
	s5 =	simm.s32 @!p2 $0x0  }
0x1d: {  	s5 =	simm.s32 @p1 $0x1;
	p0 =	seq.s32 s7, s2  }
0x1e: {  	s7 =	smul.u32 @!p0 $0xF7A, s2;
	p2 =	seq.s32 @!p0 s5, $0x0  }
0x1f: {  	s9 =	smul.u32 $0xF7A, s1;
	s8 =	simm.s32 @!p0 $0x1BF5;
	p2 =	por !p2, p0  }
0x20: {  	[sflag:s8] =	ssyncset.s32 @!p0 $0xFFFFF086;
	s6 =	sadd.s32 @!p0 s3, s7;
	s7 =	simm.s32 @!p0 $0x108  }
0x21: {  	s3 =	sadd.s32 s3, s9;
	s6 =	sadd.s32 @!p0 $0x88, s6;
	s7 =	simm.s32 @p2 $0x1082  }
0x22: {  	[simem:s7], [sflag:s8] =	dma.local @!p0 [hbm:s6], $0xF7A  }
0x23: {  	s9 =	sor.u32 $0xD0000000, s2;
	s6 =	simm.s32 $0x108;
	_ =	swait.ge @!p0 [sflag:s8], $0x0  }
0x24: {  	s3 =	sadd.s32 $0x88, s3;
	s6 =	simm.s32 @!p1 $0x1082;
	[sflag:s4] =	ssyncset.s32 $0xFFFFF086  }
0x25: {  	[simem:s6], [sflag:s4] =	dma.local [hbm:s3], $0xF7A  }
0x26: {  	[smem:$0x3F9A] =	sst s1;
	(tag) =	ssettag s2;
	_ =	strace s9  }
0x27: {  	s1 =	sld [smem:$0x3FAA]  }
0x28: {  	s2 =	sld [smem:$0x3FAB]  }
0x29: {  	s4 =	sld [smem:$0x3FAD]  }
0x2a: {  	p0 =	seq.s32 s5, $0x0;
	s5 =	sld [smem:$0x3FAE]  }
0x2b: {  	s6 =	sld [smem:$0x3FAF]  }
0x2c: {  	s7 =	sld [smem:$0x3FB0]  }
0x2d: {  	s3 =	simm.s32 $0x108;
	s8 =	sld [smem:$0x3FB1]  }
0x2e: {  	s3 =	simm.s32 @!p0 $0x1082;
	s9 =	sld [smem:$0x3FB2]  }
0x2f: {  	lr =	sadd.s32 s0, s3;
	s0 =	sld [smem:$0x3FA9]  }
0x30: {  	s3 =	sld [smem:$0x3FAC]  }
0x31: {  	[smem:$0x3FB5] =	sst s10  }
0x32: {  	s10 =	sld [smem:$0x3FB3];
	_ =	sdelay $0x3  }
0x33: {  	p0 =	seq.s32 s10, $0x1;
	s10 =	sld [smem:$0x3FB5];
	_ =	sdelay $0x3  }
0x34: {  	[smem:$0x3FB5] =	sst s10  }
0x35: {  	s10 =	sld [smem:$0x3FB4];
	_ =	sdelay $0x3  }
0x36: {  	p1 =	seq.s32 s10, $0x1;
	s10 =	sld [smem:$0x3FB5];
	_ =	sdelay $0x3  }
0x37: {  	[smem:$0x3FB5] =	sst s10  }
0x38: {  	s10 =	sld [smem:$0x3FB6]  }
0x39: {  	_ = 	snop;
	(pc) =	sbr.ind lr, $3  }
0x3a: {  	_ = 	snop  }
0x3b: {  	_ = 	snop  }
0x3c: {  	p2 =	seq.s32 s10, $0x1;
	s10 =	sld [smem:$0x3FB5]  }
0x3d: {  	_ =	shalt  }
0x3e: {  	_ =	shalt  }
0x3f: {  	_ =	shalt  }
0x40: {  	_ =	shalt  }
0x41: {  	_ =	shalt  }
0x42: {  	_ =	shalt  }
0x43: {  	_ =	shalt  }
0x44: {  	_ =	shalt  }
0x45: {  	_ =	shalt  }
0x46: {  	_ =	shalt  }
0x47: {  	_ =	shalt  }
0x48: {  	_ =	shalt  }
0x49: {  	_ =	shalt  }
0x4a: {  	_ =	shalt  }
0x4b: {  	_ =	shalt  }
0x4c: {  	_ =	shalt  }
0x4d: {  	_ =	shalt  }
0x4e: {  	_ =	shalt  }
0x4f: {  	_ =	shalt  }
0x50: {  	_ =	shalt  }
0x51: {  	_ =	shalt  }
0x52: {  	_ =	shalt  }
0x53: {  	_ =	shalt  }
0x54: {  	_ =	shalt  }
0x55: {  	_ =	shalt  }
0x56: {  	_ =	shalt  }
0x57: {  	_ =	shalt  }
0x58: {  	_ =	shalt  }
0x59: {  	_ =	shalt  }
0x5a: {  	_ =	shalt  }
0x5b: {  	_ =	shalt  }
0x5c: {  	_ =	shalt  }
0x5d: {  	_ =	shalt  }
0x5e: {  	_ =	shalt  }
0x5f: {  	_ =	shalt  }
0x60: {  	_ =	shalt  }
0x61: {  	_ =	shalt  }
0x62: {  	_ =	shalt  }
0x63: {  	_ =	shalt  }
0x64: {  	_ =	shalt  }
0x65: {  	_ =	shalt  }
0x66: {  	_ =	shalt  }
0x67: {  	_ =	shalt  }
0x68: {  	_ =	shalt  }
0x69: {  	_ =	shalt  }
0x6a: {  	_ =	shalt  }
0x6b: {  	_ =	shalt  }
0x6c: {  	_ =	shalt  }
0x6d: {  	_ =	shalt  }
0x6e: {  	_ =	shalt  }
0x6f: {  	_ =	shalt  }
0x70: {  	_ =	shalt  }
0x71: {  	_ =	shalt  }
0x72: {  	_ =	shalt  }
0x73: {  	_ =	shalt  }
0x74: {  	_ =	shalt  }
0x75: {  	_ =	shalt  }
0x76: {  	_ =	shalt  }
0x77: {  	_ =	shalt  }
0x78: {  	_ =	shalt  }
0x79: {  	_ =	shalt  }
0x7a: {  	_ =	shalt  }
0x7b: {  	_ =	shalt  }
0x7c: {  	_ =	shalt  }
0x7d: {  	_ =	shalt  }
0x7e: {  	_ =	shalt  }
0x7f: {  	_ =	shalt  }
0x80: {  	_ =	shalt  }
0x81: {  	_ =	shalt  }
0x82: {  	_ =	shalt  }
0x83: {  	_ =	shalt  }
0x84: {  	_ =	shalt  }
0x85: {  	_ =	shalt  }
0x86: {  	_ =	shalt  }
0x87: {  	_ =	shalt  }
.Lfunc_end0:
.L_simem_size_0:
called_computation.2_lowered:
.L_overlay_start_0:
0x88: {  	s2 =	sld [smem:$0x3FD9]  }
0x89: {  	s3 =	sld [smem:$0x3FFE];
	_ =	sdelay $0x1  }
0x8a: {  	s1 =	srdreg.scid  }
0x8b: {  	s0 =	sand.u32 $0x1, s1  }
0x8c: {  	s17 =	sshll.u32 s0, $0xA;
	s2 =	sadd.s32 s3, s2  }
0x8d: {  	s2 =	sadd.s32 s2, s17  }
0x8e: {  	[smem:$0x3FC1] =	sst s2  }
0x8f: {  	_ = 	snop  }
0x90: {  	s2 =	sld [smem:$0x3FD0];
	(tm) =	ssettm $0x1  }
0x91: {  	s18 =	sld [smem:$0x3FFB];
	_ =	sdelay $0x3  }
0x92: {  	_ =	strace s18  }
0x93: {  	s3 =	sld [smem:$0x3FFC];
	_ =	sdelay $0x3  }
0x94: {  	_ =	strace s3  }
0x95: {  	s3 =	sld [smem:$0x3FFD];
	_ =	sdelay $0x3  }
0x96: {  	_ =	strace s3  }
0x97: {  	_ =	strace $0x8FFFFFFF  }
0x98: {  	s19 =	sld [smem:$0x3FDB];
	_ =	sdelay $0x1  }
0x99: {  	s4 =	simm.s32 $_scs_section_size  }
0x9a: {  	s5 =	simm.s32 $_size__tile_overlayer_lowered;
	s6 =	simm.s32 $_tile_overlayer_lowered  }
0x9b: {  	s22 =	simm.s32 $0x1BFF;
	s21 =	sshll.u32 s6, $0x1;
	s3 =	sadd.s32 s4, s19  }
0x9c: {  	s7 =	simm.s32 $0x0;
	s20 =	sshll.u32 s5, $0x1;
	s5 =	sadd.s32 s21, s3  }
0x9d: {  	[timem:s7], [sflag:s22] =	dma.local [hbm:s5], s20  }
0x9e: {  	_ =	swait.ge [sflag:s22], s20  }
0x9f: {  	s4 =	ssub.s32 $0x0, s20;
	[sflag:s22] =	ssyncset.done $0x0  }
0xa0: {  	[sflag:s22] =	ssyncadd.s32 s4;
	_ =	sdelay $0x1  }
0xa1: {  	s23 =	simm.s32 $0x1B8B  }
0xa2: {  	_ =	swait.ge [sflag:s23], $0x1  }
0xa3: {  	[sflag:s23] =	ssyncset.done $0x0  }
0xa4: {  	s25 =	simm.s32 $0x1B8E;
	s24 =	sld [smem:$0x3FFE];
	[sflag:s23] =	ssyncadd.s32 $0xFFFFFFFF  }
0xa5: {  	s26 =	simm.s32 $execute0_lowered;
	[smem:$0x3FD2] =	sst s25  }
0xa6: {  	s5 =	sshll.u32 s26, $0x1;
	_ =	strace $0x8000004C;
	[dreg:$0x1] =	wrdreg $0xFFFFFFFF  }
0xa7: {  	s28 =	simm.s32 $_size_execute0_lowered;
	s3 =	sadd.s32 s3, s5;
	[dreg:$0x0] =	wrdreg $0x0  }
0xa8: {  	s5 =	sshll.u32 s28, $0x1;
	[dreg:$0x2] =	wrdreg s3  }
0xa9: {  	[dreg:$0x3] =	wrdreg s5  }
0xaa: {  	[dreg:$0x4] =	wrdreg $0xC0  }
0xab: {  	_ =	task [dreg:s7], $0x5FFFF  }
0xac: {  	[dreg:$0x1] =	wrdreg $0xFFFFFFFF  }
0xad: {  	[dreg:$0x0] =	wrdreg $0x60  }
0xae: {  	[dreg:$0x2] =	wrdreg s24  }
0xaf: {  	[dreg:$0x3] =	wrdreg s2  }
0xb0: {  	[dreg:$0x4] =	wrdreg $0xC4000  }
0xb1: {  	[dreg:$0x5] =	wrdreg $0x9  }
0xb2: {  	_ =	task.clear_ibuf [dreg:s7], $0x6FFFF;
	_ =	strace $0x9000004C  }
0xb3: {  	s29 =	simm.s32 $0x9;
	_ =	strace $0x8000004E  }
0xb4: {  	_ =	swait.ge [sflag:s29], $0x1  }
0xb5: {  	[sflag:s29] =	ssyncadd.s32 $0xFFFFFFFF  }
0xb6: {  	_ =	strace $0x9000004E  }
0xb7: {  	_ =	sfence  }
0xb8: {  	s30 =	sld [smem:$0x0];
	_ =	sdelay $0x2  }
0xb9: {  	s31 =	sshll.u32 s1, $0xD;
	s1 =	sshrl.u32 s1, $0x2  }
0xba: {  	s3 =	sand.u32 $0x4000, s31;
	s1 =	sadd.s32 s1, s30  }
0xbb: {  	s0 =	sor.u32 s3, s0;
	s1 =	sshll.u32 s1, $0x11  }
0xbc: {  	s0 =	sor.u32 s1, s0  }
0xbd: {  	s0 =	sadd.s32 $0x8F2B, s0  }
0xbe: {  	[sflag:s0] =	ssyncadd.remote.s32 $0x1  }
0xbf: {  	_ =	sfence.sel $0xFFFF  }
0xc0: {  	[dreg:$0x0] =	wrdreg $0xFFFFFFFF;
	(pc) =	sbr.abs _section_cstart, $3  }
0xc1: {  	[dreg:$0x1] =	wrdreg $0xFFFFFFFF  }
0xc2: {  	_ =	task.clear_ibuf [dreg:s7], $0x2FFFF;
	_ =	strace $0x9FFFFFFF  }
0xc3: {  	(tm) =	ssettm $0x7FFFFFFF  }
tec
execute0_lowered:
.L_overlay_start_1:
0x0: {  	(tag) =	ssettag $0x1  }
0x1: {  	s7 =	rddreg [dreg:$0x0]  }
0x2: {  	s9 =	rddreg [dreg:$0x1]  }
0x3: {  	s1 =	rddreg [dreg:$0x2]  }
0x4: {  	s0 =	rddreg [dreg:$0x3];
	s2 =	simm.s32 $0x0  }
0x5: {  	s5 =	srdreg.scid;
	s3 =	stileid.u32;
	s16 =	simm.s32 $0x100  }
0x6: {  	s17 =	simm.s32 $0x4000;
	s18 =	simm.s32 $0x4400;
	s19 =	simm.s32 $0x4200  }
0x7: {  	s20 =	simm.s32 $0x8400;
	s21 =	simm.s32 $0x1;
	s22 =	simm.s32 $0x4100  }
0x8: {  	s23 =	simm.s32 $0x2;
	s24 =	simm.s32 $0x4300;
	s25 =	simm.s32 $0x3  }
0x9: {  	s26 =	simm.s32 $0x0;
	[smem:$0x7FF] =	sst s2;
	s4 =	sadd.s32 $0xB3200, s7  }
0xa: {  	s6 =	sand.u32 $0x1, s5;
	s5 =	sadd.s32 $0x93200, s7;
	s10 =	sshll.u32 s3, $0xA  }
0xb: {  	s29 =	sshll.u32 s3, $0xD;
	s13 =	sshll.u32 s3, $0x10;
	s14 =	sshll.u32 s3, $0x6  }
0xc: {  	_ =	strace $0x8000004D;
	s8 =	sshll.u32 s6, $0xE;
	s11 =	sshll.u32 s6, $0x11  }
0xd: {  	s30 =	ssub.s32 $0x2, s6;
	s6 =	sadd.s32 $0x153200, s7;
	s15 =	sadd.s32 s13, s1  }
0xe: {  	s13 =	simm.s32 $0x2000;
	s14 =	sor.u32 $0x1C04, s14;
	s8 =	sor.u32 s10, s8  }
0xf: {  	s10 =	sor.u32 s29, s11;
	s31 =	sshrl.u32 s30, $0x1;
	s15 =	sshrl.u32 s15, $0x3  }
0x10: {  	s8 =	sadd.s32 s8, s7;
	s12 =	sadd.s32 s10, s7;
	s11 =	ssub.s32 s30, s31  }
0x11: {  	s9 =	sadd.s32 s9, s10;
	s7 =	sadd.s32 $0x3200, s8;
	s8 =	sadd.s32 $0xB200, s8  }
0x12: {  	s10 =	sadd.s32 $0xD3200, s12;
	s11 =	smax.u32 s11, $0x1;
	s12 =	simm.s32 $0x4  }
.LBB2_1:
0x13: {  	[tilespmem:s2], [sflag:$0x4] =	stream.linear.gather [hbm4b:s7+s2], $0x2000, $0x38;
	[tilespmem:$0x1C400] =	vst v63  }
0x14: {  	_ =	swait.ge [sflag:s12], $0x2000  }
0x15: {  	[sflag:s12] =	ssyncset.done $0x0  }
0x16: {  	[sflag:s12] =	ssyncadd.s32 $0xFFFFE000  }
0x17: {  	[tilespmem:s13], [sflag:$0x4] =	stream.linear.gather [hbm4b:s8+s2], $0x2000, $0x38;
	[tilespmem:$0x1C400] =	vst v63  }
0x18: {  	_ =	swait.ge [sflag:s12], $0x2000  }
0x19: {  	[sflag:s12] =	ssyncset.done $0x0  }
0x1a: {  	[sflag:s12] =	ssyncadd.s32 $0xFFFFE000  }
0x1b: {  	[spmem:s15], [sflag:s14] =	dma.local [hbm:s6], $0x2000  }
0x1c: {  	_ =	swait.ge [sflag:s12], $0x2000  }
0x1d: {  	[sflag:s12] =	ssyncset.done $0x0  }
0x1e: {  	[sflag:s12] =	ssyncadd.s32 $0xFFFFE000  }
0x1f: {  	s28 =	simm.s32 $0x0;
	[bflag:$0x0] =	sbarrier.arrive $0xFFFF  }
.LBB2_2:
0x20: {  	s29 =	sshra.s32 s28, $0x2  }
0x21: {  	v0 =	vld [tilespmem:s29+$0x0];
	_ =	sdelay $0x4  }
0x22: {  	[tilespmem:$0x4000] =	vst v0  }
0x23: {  	v0 =	vld [tilespmem:s29+$0x2000];
	_ =	sdelay $0x4  }
0x24: {  	[tilespmem:$0x4100] =	vst v0  }
0x25: {  	v0 =	vld [tilespmem:s29+$0x10];
	_ =	sdelay $0x4  }
0x26: {  	[tilespmem:$0x4010] =	vst v0  }
0x27: {  	v0 =	vld [tilespmem:s29+$0x2010];
	_ =	sdelay $0x4  }
0x28: {  	[tilespmem:$0x4110] =	vst v0  }
0x29: {  	v0 =	vld [tilespmem:s29+$0x20];
	_ =	sdelay $0x4  }
0x2a: {  	[tilespmem:$0x4020] =	vst v0  }
0x2b: {  	v0 =	vld [tilespmem:s29+$0x2020];
	_ =	sdelay $0x4  }
0x2c: {  	[tilespmem:$0x4120] =	vst v0  }
0x2d: {  	v0 =	vld [tilespmem:s29+$0x30];
	_ =	sdelay $0x4  }
0x2e: {  	[tilespmem:$0x4030] =	vst v0  }
0x2f: {  	v0 =	vld [tilespmem:s29+$0x2030];
	_ =	sdelay $0x4  }
0x30: {  	[tilespmem:$0x4130] =	vst v0  }
0x31: {  	v0 =	vld [tilespmem:s29+$0x40];
	_ =	sdelay $0x4  }
0x32: {  	[tilespmem:$0x4040] =	vst v0  }
0x33: {  	v0 =	vld [tilespmem:s29+$0x2040];
	_ =	sdelay $0x4  }
0x34: {  	[tilespmem:$0x4140] =	vst v0  }
0x35: {  	v0 =	vld [tilespmem:s29+$0x50];
	_ =	sdelay $0x4  }
0x36: {  	[tilespmem:$0x4050] =	vst v0  }
0x37: {  	v0 =	vld [tilespmem:s29+$0x2050];
	_ =	sdelay $0x4  }
0x38: {  	[tilespmem:$0x4150] =	vst v0  }
0x39: {  	v0 =	vld [tilespmem:s29+$0x60];
	_ =	sdelay $0x4  }
0x3a: {  	[tilespmem:$0x4060] =	vst v0  }
0x3b: {  	v0 =	vld [tilespmem:s29+$0x2060];
	_ =	sdelay $0x4  }
0x3c: {  	[tilespmem:$0x4160] =	vst v0  }
0x3d: {  	v0 =	vld [tilespmem:s29+$0x70];
	_ =	sdelay $0x4  }
0x3e: {  	[tilespmem:$0x4070] =	vst v0  }
0x3f: {  	v0 =	vld [tilespmem:s29+$0x2070];
	_ =	sdelay $0x4  }
0x40: {  	[tilespmem:$0x4170] =	vst v0  }
0x41: {  	v0 =	vld [tilespmem:s29+$0x80];
	_ =	sdelay $0x4  }
0x42: {  	[tilespmem:$0x4080] =	vst v0  }
0x43: {  	v0 =	vld [tilespmem:s29+$0x2080];
	_ =	sdelay $0x4  }
0x44: {  	[tilespmem:$0x4180] =	vst v0  }
0x45: {  	v0 =	vld [tilespmem:s29+$0x90];
	_ =	sdelay $0x4  }
0x46: {  	[tilespmem:$0x4090] =	vst v0  }
0x47: {  	v0 =	vld [tilespmem:s29+$0x2090];
	_ =	sdelay $0x4  }
0x48: {  	[tilespmem:$0x4190] =	vst v0  }
0x49: {  	v0 =	vld [tilespmem:s29+$0xA0];
	_ =	sdelay $0x4  }
0x4a: {  	[tilespmem:$0x40A0] =	vst v0  }
0x4b: {  	v0 =	vld [tilespmem:s29+$0x20A0];
	_ =	sdelay $0x4  }
0x4c: {  	[tilespmem:$0x41A0] =	vst v0  }
0x4d: {  	v0 =	vld [tilespmem:s29+$0xB0];
	_ =	sdelay $0x4  }
0x4e: {  	[tilespmem:$0x40B0] =	vst v0  }
0x4f: {  	v0 =	vld [tilespmem:s29+$0x20B0];
	_ =	sdelay $0x4  }
0x50: {  	[tilespmem:$0x41B0] =	vst v0  }
0x51: {  	v0 =	vld [tilespmem:s29+$0xC0];
	_ =	sdelay $0x4  }
0x52: {  	[tilespmem:$0x40C0] =	vst v0  }
0x53: {  	v0 =	vld [tilespmem:s29+$0x20C0];
	_ =	sdelay $0x4  }
0x54: {  	[tilespmem:$0x41C0] =	vst v0  }
0x55: {  	v0 =	vld [tilespmem:s29+$0xD0];
	_ =	sdelay $0x4  }
0x56: {  	[tilespmem:$0x40D0] =	vst v0  }
0x57: {  	v0 =	vld [tilespmem:s29+$0x20D0];
	_ =	sdelay $0x4  }
0x58: {  	[tilespmem:$0x41D0] =	vst v0  }
0x59: {  	v0 =	vld [tilespmem:s29+$0xE0];
	_ =	sdelay $0x4  }
0x5a: {  	[tilespmem:$0x40E0] =	vst v0  }
0x5b: {  	v0 =	vld [tilespmem:s29+$0x20E0];
	_ =	sdelay $0x4  }
0x5c: {  	[tilespmem:$0x41E0] =	vst v0  }
0x5d: {  	v0 =	vld [tilespmem:s29+$0xF0];
	_ =	sdelay $0x4  }
0x5e: {  	[tilespmem:$0x40F0] =	vst v0  }
0x5f: {  	v0 =	vld [tilespmem:s29+$0x20F0];
	_ =	sdelay $0x4  }
0x60: {  	[tilespmem:$0x41F0] =	vst v0  }
0x61: {  	[tilespmem:s18], [sflag:$0x1] =	stream.indirect.gather [hbm4b:s4+s16], $0x40, s17, s16, $0xb8;
	[tilespmem:$0x1C400] =	vst v63  }
0x62: {  	v0 =	vld [tilespmem:s29+$0x100];
	_ =	sdelay $0x4  }
0x63: {  	[tilespmem:$0x4200] =	vst v0  }
0x64: {  	v0 =	vld [tilespmem:s29+$0x2100];
	_ =	sdelay $0x4  }
0x65: {  	[tilespmem:$0x4300] =	vst v0  }
0x66: {  	v0 =	vld [tilespmem:s29+$0x110];
	_ =	sdelay $0x4  }
0x67: {  	[tilespmem:$0x4210] =	vst v0  }
0x68: {  	v0 =	vld [tilespmem:s29+$0x2110];
	_ =	sdelay $0x4  }
0x69: {  	[tilespmem:$0x4310] =	vst v0  }
0x6a: {  	v0 =	vld [tilespmem:s29+$0x120];
	_ =	sdelay $0x4  }
0x6b: {  	[tilespmem:$0x4220] =	vst v0  }
0x6c: {  	v0 =	vld [tilespmem:s29+$0x2120];
	_ =	sdelay $0x4  }
0x6d: {  	[tilespmem:$0x4320] =	vst v0  }
0x6e: {  	v0 =	vld [tilespmem:s29+$0x130];
	_ =	sdelay $0x4  }
0x6f: {  	[tilespmem:$0x4230] =	vst v0  }
0x70: {  	v0 =	vld [tilespmem:s29+$0x2130];
	_ =	sdelay $0x4  }
0x71: {  	[tilespmem:$0x4330] =	vst v0  }
0x72: {  	v0 =	vld [tilespmem:s29+$0x140];
	_ =	sdelay $0x4  }
0x73: {  	[tilespmem:$0x4240] =	vst v0  }
0x74: {  	v0 =	vld [tilespmem:s29+$0x2140];
	_ =	sdelay $0x4  }
0x75: {  	[tilespmem:$0x4340] =	vst v0  }
0x76: {  	v0 =	vld [tilespmem:s29+$0x150];
	_ =	sdelay $0x4  }
0x77: {  	[tilespmem:$0x4250] =	vst v0  }
0x78: {  	v0 =	vld [tilespmem:s29+$0x2150];
	_ =	sdelay $0x4  }
0x79: {  	[tilespmem:$0x4350] =	vst v0  }
0x7a: {  	v0 =	vld [tilespmem:s29+$0x160];
	_ =	sdelay $0x4  }
0x7b: {  	[tilespmem:$0x4260] =	vst v0  }
0x7c: {  	v0 =	vld [tilespmem:s29+$0x2160];
	_ =	sdelay $0x4  }
0x7d: {  	[tilespmem:$0x4360] =	vst v0  }
0x7e: {  	v0 =	vld [tilespmem:s29+$0x170];
	_ =	sdelay $0x4  }
0x7f: {  	[tilespmem:$0x4270] =	vst v0  }
0x80: {  	v0 =	vld [tilespmem:s29+$0x2170];
	_ =	sdelay $0x4  }
0x81: {  	[tilespmem:$0x4370] =	vst v0  }
0x82: {  	v0 =	vld [tilespmem:s29+$0x180];
	_ =	sdelay $0x4  }
0x83: {  	[tilespmem:$0x4280] =	vst v0  }
0x84: {  	v0 =	vld [tilespmem:s29+$0x2180];
	_ =	sdelay $0x4  }
0x85: {  	[tilespmem:$0x4380] =	vst v0  }
0x86: {  	v0 =	vld [tilespmem:s29+$0x190];
	_ =	sdelay $0x4  }
0x87: {  	[tilespmem:$0x4290] =	vst v0  }
0x88: {  	v0 =	vld [tilespmem:s29+$0x2190];
	_ =	sdelay $0x4  }
0x89: {  	[tilespmem:$0x4390] =	vst v0  }
0x8a: {  	v0 =	vld [tilespmem:s29+$0x1A0];
	_ =	sdelay $0x4  }
0x8b: {  	[tilespmem:$0x42A0] =	vst v0  }
0x8c: {  	v0 =	vld [tilespmem:s29+$0x21A0];
	_ =	sdelay $0x4  }
0x8d: {  	[tilespmem:$0x43A0] =	vst v0  }
0x8e: {  	v0 =	vld [tilespmem:s29+$0x1B0];
	_ =	sdelay $0x4  }
0x8f: {  	[tilespmem:$0x42B0] =	vst v0  }
0x90: {  	v0 =	vld [tilespmem:s29+$0x21B0];
	_ =	sdelay $0x4  }
0x91: {  	[tilespmem:$0x43B0] =	vst v0  }
0x92: {  	v0 =	vld [tilespmem:s29+$0x1C0];
	_ =	sdelay $0x4  }
0x93: {  	[tilespmem:$0x42C0] =	vst v0  }
0x94: {  	v0 =	vld [tilespmem:s29+$0x21C0];
	_ =	sdelay $0x4  }
0x95: {  	[tilespmem:$0x43C0] =	vst v0  }
0x96: {  	v0 =	vld [tilespmem:s29+$0x1D0];
	_ =	sdelay $0x4  }
0x97: {  	[tilespmem:$0x42D0] =	vst v0  }
0x98: {  	v0 =	vld [tilespmem:s29+$0x21D0];
	_ =	sdelay $0x4  }
0x99: {  	[tilespmem:$0x43D0] =	vst v0  }
0x9a: {  	v0 =	vld [tilespmem:s29+$0x1E0];
	_ =	sdelay $0x4  }
0x9b: {  	[tilespmem:$0x42E0] =	vst v0  }
0x9c: {  	v0 =	vld [tilespmem:s29+$0x21E0];
	_ =	sdelay $0x4  }
0x9d: {  	[tilespmem:$0x43E0] =	vst v0  }
0x9e: {  	v0 =	vld [tilespmem:s29+$0x1F0];
	_ =	sdelay $0x4  }
0x9f: {  	[tilespmem:$0x42F0] =	vst v0  }
0xa0: {  	v0 =	vld [tilespmem:s29+$0x21F0];
	_ =	sdelay $0x4  }
0xa1: {  	[tilespmem:$0x43F0] =	vst v0  }
0xa2: {  	[tilespmem:s20], [sflag:$0x2] =	stream.indirect.gather [hbm4b:s4+s16], $0x40, s19, s16, $0xb8;
	[tilespmem:$0x1C400] =	vst v63  }
0xa3: {  	_ =	swait.ge [sflag:s21], $0x4000  }
0xa4: {  	[sflag:s21] =	ssyncset.done $0x0  }
0xa5: {  	[sflag:s21] =	ssyncadd.s32 $0xFFFFC000  }
0xa6: {  	[spmem:s1] =	stream.indirect.scatter.add.f32 [tilespmem:s18], [sflag:$0x3], $0x40, s22, s16, $0xb8;
	[tilespmem:$0x1C400] =	vst v63  }
0xa7: {  	_ =	swait.ge [sflag:s23], $0x4000  }
0xa8: {  	[sflag:s23] =	ssyncset.done $0x0  }
0xa9: {  	[sflag:s23] =	ssyncadd.s32 $0xFFFFC000  }
0xaa: {  	[spmem:s1] =	stream.indirect.scatter.add.f32 [tilespmem:s20], [sflag:$0x3], $0x40, s24, s16, $0xb8;
	[tilespmem:$0x1C400] =	vst v63  }
0xab: {  	p0 =	sne.s32 s28, $0x7800;
	_ =	swait.ge [sflag:s25], $0x4000  }
.Ltmp0:
0xac: {  	[sflag:s25] =	ssyncset.done $0x0;
	(pc) =	sbr.rel @p0 .LBB2_2-.Ltmp0, $4  }
0xad: {  	[sflag:s25] =	ssyncadd.s32 $0xFFFFC000  }
0xae: {  	_ =	swait.ge [sflag:s25], $0x4000  }
0xaf: {  	[sflag:s25] =	ssyncset.done $0x0  }
0xb0: {  	s28 =	sadd.s32 $0x800, s28;
	[sflag:s25] =	ssyncadd.s32 $0xFFFFC000  }
0xb1: {  	[bflag:$0x0] =	sbarrier.arrive $0xFFFF  }
0xb2: {  	[hbm:s9], [sflag:s14] =	dma.local [spmem:s15], $0x2000  }
0xb3: {  	_ =	swait.ge [sflag:s12], $0x2000  }
0xb4: {  	[sflag:s12] =	ssyncset.done $0x0  }
0xb5: {  	[sflag:s12] =	ssyncadd.s32 $0xFFFFE000  }
0xb6: {  	[spmem:s15], [sflag:s14] =	dma.local [hbm:s6], $0x2000  }
0xb7: {  	_ =	swait.ge [sflag:s12], $0x2000  }
0xb8: {  	[sflag:s12] =	ssyncset.done $0x0  }
0xb9: {  	[sflag:s12] =	ssyncadd.s32 $0xFFFFE000  }
0xba: {  	s28 =	simm.s32 $0x0;
	[bflag:$0x0] =	sbarrier.arrive $0xFFFF  }
.LBB2_4:
0xbb: {  	s29 =	sshra.s32 s28, $0x2  }
0xbc: {  	v0 =	vld [tilespmem:s29+$0x0];
	_ =	sdelay $0x4  }
0xbd: {  	[tilespmem:$0x4000] =	vst v0  }
0xbe: {  	v0 =	vld [tilespmem:s29+$0x2000];
	_ =	sdelay $0x4  }
0xbf: {  	[tilespmem:$0x4100] =	vst v0  }
0xc0: {  	v0 =	vld [tilespmem:s29+$0x10];
	_ =	sdelay $0x4  }
0xc1: {  	[tilespmem:$0x4010] =	vst v0  }
0xc2: {  	v0 =	vld [tilespmem:s29+$0x2010];
	_ =	sdelay $0x4  }
0xc3: {  	[tilespmem:$0x4110] =	vst v0  }
0xc4: {  	v0 =	vld [tilespmem:s29+$0x20];
	_ =	sdelay $0x4  }
0xc5: {  	[tilespmem:$0x4020] =	vst v0  }
0xc6: {  	v0 =	vld [tilespmem:s29+$0x2020];
	_ =	sdelay $0x4  }
0xc7: {  	[tilespmem:$0x4120] =	vst v0  }
0xc8: {  	v0 =	vld [tilespmem:s29+$0x30];
	_ =	sdelay $0x4  }
0xc9: {  	[tilespmem:$0x4030] =	vst v0  }
0xca: {  	v0 =	vld [tilespmem:s29+$0x2030];
	_ =	sdelay $0x4  }
0xcb: {  	[tilespmem:$0x4130] =	vst v0  }
0xcc: {  	v0 =	vld [tilespmem:s29+$0x40];
	_ =	sdelay $0x4  }
0xcd: {  	[tilespmem:$0x4040] =	vst v0  }
0xce: {  	v0 =	vld [tilespmem:s29+$0x2040];
	_ =	sdelay $0x4  }
0xcf: {  	[tilespmem:$0x4140] =	vst v0  }
0xd0: {  	v0 =	vld [tilespmem:s29+$0x50];
	_ =	sdelay $0x4  }
0xd1: {  	[tilespmem:$0x4050] =	vst v0  }
0xd2: {  	v0 =	vld [tilespmem:s29+$0x2050];
	_ =	sdelay $0x4  }
0xd3: {  	[tilespmem:$0x4150] =	vst v0  }
0xd4: {  	v0 =	vld [tilespmem:s29+$0x60];
	_ =	sdelay $0x4  }
0xd5: {  	[tilespmem:$0x4060] =	vst v0  }
0xd6: {  	v0 =	vld [tilespmem:s29+$0x2060];
	_ =	sdelay $0x4  }
0xd7: {  	[tilespmem:$0x4160] =	vst v0  }
0xd8: {  	v0 =	vld [tilespmem:s29+$0x70];
	_ =	sdelay $0x4  }
0xd9: {  	[tilespmem:$0x4070] =	vst v0  }
0xda: {  	v0 =	vld [tilespmem:s29+$0x2070];
	_ =	sdelay $0x4  }
0xdb: {  	[tilespmem:$0x4170] =	vst v0  }
0xdc: {  	v0 =	vld [tilespmem:s29+$0x80];
	_ =	sdelay $0x4  }
0xdd: {  	[tilespmem:$0x4080] =	vst v0  }
0xde: {  	v0 =	vld [tilespmem:s29+$0x2080];
	_ =	sdelay $0x4  }
0xdf: {  	[tilespmem:$0x4180] =	vst v0  }
0xe0: {  	v0 =	vld [tilespmem:s29+$0x90];
	_ =	sdelay $0x4  }
0xe1: {  	[tilespmem:$0x4090] =	vst v0  }
0xe2: {  	v0 =	vld [tilespmem:s29+$0x2090];
	_ =	sdelay $0x4  }
0xe3: {  	[tilespmem:$0x4190] =	vst v0  }
0xe4: {  	v0 =	vld [tilespmem:s29+$0xA0];
	_ =	sdelay $0x4  }
0xe5: {  	[tilespmem:$0x40A0] =	vst v0  }
0xe6: {  	v0 =	vld [tilespmem:s29+$0x20A0];
	_ =	sdelay $0x4  }
0xe7: {  	[tilespmem:$0x41A0] =	vst v0  }
0xe8: {  	v0 =	vld [tilespmem:s29+$0xB0];
	_ =	sdelay $0x4  }
0xe9: {  	[tilespmem:$0x40B0] =	vst v0  }
0xea: {  	v0 =	vld [tilespmem:s29+$0x20B0];
	_ =	sdelay $0x4  }
0xeb: {  	[tilespmem:$0x41B0] =	vst v0  }
0xec: {  	v0 =	vld [tilespmem:s29+$0xC0];
	_ =	sdelay $0x4  }
0xed: {  	[tilespmem:$0x40C0] =	vst v0  }
0xee: {  	v0 =	vld [tilespmem:s29+$0x20C0];
	_ =	sdelay $0x4  }
0xef: {  	[tilespmem:$0x41C0] =	vst v0  }
0xf0: {  	v0 =	vld [tilespmem:s29+$0xD0];
	_ =	sdelay $0x4  }
0xf1: {  	[tilespmem:$0x40D0] =	vst v0  }
0xf2: {  	v0 =	vld [tilespmem:s29+$0x20D0];
	_ =	sdelay $0x4  }
0xf3: {  	[tilespmem:$0x41D0] =	vst v0  }
0xf4: {  	v0 =	vld [tilespmem:s29+$0xE0];
	_ =	sdelay $0x4  }
0xf5: {  	[tilespmem:$0x40E0] =	vst v0  }
0xf6: {  	v0 =	vld [tilespmem:s29+$0x20E0];
	_ =	sdelay $0x4  }
0xf7: {  	[tilespmem:$0x41E0] =	vst v0  }
0xf8: {  	v0 =	vld [tilespmem:s29+$0xF0];
	_ =	sdelay $0x4  }
0xf9: {  	[tilespmem:$0x40F0] =	vst v0  }
0xfa: {  	v0 =	vld [tilespmem:s29+$0x20F0];
	_ =	sdelay $0x4  }
0xfb: {  	[tilespmem:$0x41F0] =	vst v0  }
0xfc: {  	[tilespmem:s18], [sflag:$0x1] =	stream.indirect.gather [hbm4b:s5+s16], $0x40, s17, s16, $0xb8;
	[tilespmem:$0x1C400] =	vst v63  }
0xfd: {  	v0 =	vld [tilespmem:s29+$0x100];
	_ =	sdelay $0x4  }
0xfe: {  	[tilespmem:$0x4200] =	vst v0  }
0xff: {  	v0 =	vld [tilespmem:s29+$0x2100];
	_ =	sdelay $0x4  }
0x100: {  	[tilespmem:$0x4300] =	vst v0  }
0x101: {  	v0 =	vld [tilespmem:s29+$0x110];
	_ =	sdelay $0x4  }
0x102: {  	[tilespmem:$0x4210] =	vst v0  }
0x103: {  	v0 =	vld [tilespmem:s29+$0x2110];
	_ =	sdelay $0x4  }
0x104: {  	[tilespmem:$0x4310] =	vst v0  }
0x105: {  	v0 =	vld [tilespmem:s29+$0x120];
	_ =	sdelay $0x4  }
0x106: {  	[tilespmem:$0x4220] =	vst v0  }
0x107: {  	v0 =	vld [tilespmem:s29+$0x2120];
	_ =	sdelay $0x4  }
0x108: {  	[tilespmem:$0x4320] =	vst v0  }
0x109: {  	v0 =	vld [tilespmem:s29+$0x130];
	_ =	sdelay $0x4  }
0x10a: {  	[tilespmem:$0x4230] =	vst v0  }
0x10b: {  	v0 =	vld [tilespmem:s29+$0x2130];
	_ =	sdelay $0x4  }
0x10c: {  	[tilespmem:$0x4330] =	vst v0  }
0x10d: {  	v0 =	vld [tilespmem:s29+$0x140];
	_ =	sdelay $0x4  }
0x10e: {  	[tilespmem:$0x4240] =	vst v0  }
0x10f: {  	v0 =	vld [tilespmem:s29+$0x2140];
	_ =	sdelay $0x4  }
0x110: {  	[tilespmem:$0x4340] =	vst v0  }
0x111: {  	v0 =	vld [tilespmem:s29+$0x150];
	_ =	sdelay $0x4  }
0x112: {  	[tilespmem:$0x4250] =	vst v0  }
0x113: {  	v0 =	vld [tilespmem:s29+$0x2150];
	_ =	sdelay $0x4  }
0x114: {  	[tilespmem:$0x4350] =	vst v0  }
0x115: {  	v0 =	vld [tilespmem:s29+$0x160];
	_ =	sdelay $0x4  }
0x116: {  	[tilespmem:$0x4260] =	vst v0  }
0x117: {  	v0 =	vld [tilespmem:s29+$0x2160];
	_ =	sdelay $0x4  }
0x118: {  	[tilespmem:$0x4360] =	vst v0  }
0x119: {  	v0 =	vld [tilespmem:s29+$0x170];
	_ =	sdelay $0x4  }
0x11a: {  	[tilespmem:$0x4270] =	vst v0  }
0x11b: {  	v0 =	vld [tilespmem:s29+$0x2170];
	_ =	sdelay $0x4  }
0x11c: {  	[tilespmem:$0x4370] =	vst v0  }
0x11d: {  	v0 =	vld [tilespmem:s29+$0x180];
	_ =	sdelay $0x4  }
0x11e: {  	[tilespmem:$0x4280] =	vst v0  }
0x11f: {  	v0 =	vld [tilespmem:s29+$0x2180];
	_ =	sdelay $0x4  }
0x120: {  	[tilespmem:$0x4380] =	vst v0  }
0x121: {  	v0 =	vld [tilespmem:s29+$0x190];
	_ =	sdelay $0x4  }
0x122: {  	[tilespmem:$0x4290] =	vst v0  }
0x123: {  	v0 =	vld [tilespmem:s29+$0x2190];
	_ =	sdelay $0x4  }
0x124: {  	[tilespmem:$0x4390] =	vst v0  }
0x125: {  	v0 =	vld [tilespmem:s29+$0x1A0];
	_ =	sdelay $0x4  }
0x126: {  	[tilespmem:$0x42A0] =	vst v0  }
0x127: {  	v0 =	vld [tilespmem:s29+$0x21A0];
	_ =	sdelay $0x4  }
0x128: {  	[tilespmem:$0x43A0] =	vst v0  }
0x129: {  	v0 =	vld [tilespmem:s29+$0x1B0];
	_ =	sdelay $0x4  }
0x12a: {  	[tilespmem:$0x42B0] =	vst v0  }
0x12b: {  	v0 =	vld [tilespmem:s29+$0x21B0];
	_ =	sdelay $0x4  }
0x12c: {  	[tilespmem:$0x43B0] =	vst v0  }
0x12d: {  	v0 =	vld [tilespmem:s29+$0x1C0];
	_ =	sdelay $0x4  }
0x12e: {  	[tilespmem:$0x42C0] =	vst v0  }
0x12f: {  	v0 =	vld [tilespmem:s29+$0x21C0];
	_ =	sdelay $0x4  }
0x130: {  	[tilespmem:$0x43C0] =	vst v0  }
0x131: {  	v0 =	vld [tilespmem:s29+$0x1D0];
	_ =	sdelay $0x4  }
0x132: {  	[tilespmem:$0x42D0] =	vst v0  }
0x133: {  	v0 =	vld [tilespmem:s29+$0x21D0];
	_ =	sdelay $0x4  }
0x134: {  	[tilespmem:$0x43D0] =	vst v0  }
0x135: {  	v0 =	vld [tilespmem:s29+$0x1E0];
	_ =	sdelay $0x4  }
0x136: {  	[tilespmem:$0x42E0] =	vst v0  }
0x137: {  	v0 =	vld [tilespmem:s29+$0x21E0];
	_ =	sdelay $0x4  }
0x138: {  	[tilespmem:$0x43E0] =	vst v0  }
0x139: {  	v0 =	vld [tilespmem:s29+$0x1F0];
	_ =	sdelay $0x4  }
0x13a: {  	[tilespmem:$0x42F0] =	vst v0  }
0x13b: {  	v0 =	vld [tilespmem:s29+$0x21F0];
	_ =	sdelay $0x4  }
0x13c: {  	[tilespmem:$0x43F0] =	vst v0  }
0x13d: {  	[tilespmem:s20], [sflag:$0x2] =	stream.indirect.gather [hbm4b:s5+s16], $0x40, s19, s16, $0xb8;
	[tilespmem:$0x1C400] =	vst v63  }
0x13e: {  	_ =	swait.ge [sflag:s21], $0x4000  }
0x13f: {  	[sflag:s21] =	ssyncset.done $0x0  }
0x140: {  	[sflag:s21] =	ssyncadd.s32 $0xFFFFC000  }
0x141: {  	[spmem:s1] =	stream.indirect.scatter.add.f32 [tilespmem:s18], [sflag:$0x3], $0x40, s22, s16, $0xb8;
	[tilespmem:$0x1C400] =	vst v63  }
0x142: {  	_ =	swait.ge [sflag:s23], $0x4000  }
0x143: {  	[sflag:s23] =	ssyncset.done $0x0  }
0x144: {  	[sflag:s23] =	ssyncadd.s32 $0xFFFFC000  }
0x145: {  	[spmem:s1] =	stream.indirect.scatter.add.f32 [tilespmem:s20], [sflag:$0x3], $0x40, s24, s16, $0xb8;
	[tilespmem:$0x1C400] =	vst v63  }
0x146: {  	p0 =	sne.s32 s28, $0x7800;
	_ =	swait.ge [sflag:s25], $0x4000  }
.Ltmp1:
0x147: {  	[sflag:s25] =	ssyncset.done $0x0;
	(pc) =	sbr.rel @p0 .LBB2_4-.Ltmp1, $4  }
0x148: {  	[sflag:s25] =	ssyncadd.s32 $0xFFFFC000  }
0x149: {  	_ =	swait.ge [sflag:s25], $0x4000  }
0x14a: {  	[sflag:s25] =	ssyncset.done $0x0  }
0x14b: {  	s28 =	sadd.s32 $0x800, s28;
	[sflag:s25] =	ssyncadd.s32 $0xFFFFC000  }
0x14c: {  	s26 =	sadd.s32 $0x1, s26  }
0x14d: {  	p0 =	sne.s32 s26, s11  }
.Ltmp2:
0x14e: {  	[bflag:$0x0] =	sbarrier.arrive $0xFFFF;
	(pc) =	sbr.rel @p0 .LBB2_1-.Ltmp2, $4  }
0x14f: {  	[hbm:s10], [sflag:s14] =	dma.local [spmem:s15], $0x2000  }
0x150: {  	_ =	swait.ge [sflag:s12], $0x2000  }
0x151: {  	[sflag:s12] =	ssyncset.done $0x0  }
0x152: {  	[sflag:s12] =	ssyncadd.s32 $0xFFFFE000  }
0x153: {  	_ =	sfence.sel $0x180000  }
0x154: {  	[bflag:$0x0] =	sbarrier.arrive $0xFFFF  }
0x155: {  	p0 =	sne.s32 s3, $0x0;
	_ =	strace $0x9000004D  }
0x156: {  	s0 =	sadd.s32 @!p0 $0x100000, s0;
	[bflag:$0x2] =	sbarrier.arrive $0xFFFF  }
0x157: {  	[sflag:s0] =	ssyncadd.tile.s32 @!p0 $0x1;
	_ =	shalt  }
.Lfunc_end2:
_tile_overlayer_lowered:
.L_overlay_start_2:
0x158: {  	(tag) =	ssettag $0x2  }
0x159: {  	s0 =	rddreg [dreg:$0x0];
	s2 =	stileid.u32  }
0x15a: {  	s1 =	rddreg [dreg:$0x1];
	p0 =	sne.s32 s2, $0x0  }
0x15b: {  	s3 =	rddreg [dreg:$0x2];
	[bflag:$0x3] =	sbarrier.arrive $0xFFFF;
	s2 =	simm.s32 @!p0 $0x1C04  }
0x15c: {  	[timem:s3], [sflag:s2] =	dma.local @!p0 [hbm:s0], s1  }
0x15d: {  	s0 =	simm.s32 @!p0 $0x4  }
0x15e: {  	_ =	swait.ge @!p0 [sflag:s0], s1  }
0x15f: {  	s1 =	ssub.s32 @!p0 $0x0, s1;
	[sflag:s0] =	ssyncset.done @!p0 $0x0  }
0x160: {  	[sflag:s0] =	ssyncadd.s32 @!p0 s1  }
0x161: {  	[bflag:$0x3] =	sbarrier.arrive $0xFFFF  }
0x162: {  	_ =	shalt  }

// kernel: kernel.9.cloned.1.call-start
scs
__scs_entry_jumppad:
0x0: {  	(pc) =	sbr.rel $0x88, $3  }
0x1: {  	(tag) =	ssettag $0x0;
	lr =	simm.s32 $0x1  }
0x2: {  	[smem:$0x3F9A] =	sst lr;
	_ =	strace $0xD0000000  }
0x3: {  	_ = 	snop  }
0x4: {  	_ = 	snop  }
0x5: {  	_ = 	snop  }
0x6: {  	_ = 	snop  }
0x7: {  	_ = 	snop  }
__scs_overlays_trampoline_lowered:
0x8: {  	[smem:$0x3FA9] =	sst s0  }
0x9: {  	[smem:$0x3FAA] =	sst s1  }
0xa: {  	[smem:$0x3FAB] =	sst s2  }
0xb: {  	[smem:$0x3FAC] =	sst s3  }
0xc: {  	[smem:$0x3FAD] =	sst s4  }
0xd: {  	[smem:$0x3FAE] =	sst s5  }
0xe: {  	[smem:$0x3FAF] =	sst s6  }
0xf: {  	[smem:$0x3FB0] =	sst s7  }
0x10: {  	[smem:$0x3FB1] =	sst s8  }
0x11: {  	[smem:$0x3FB2] =	sst s9;
	s0 =	simm.s32 @!p0 $0x0  }
0x12: {  	s1 =	sld [smem:$0x3F98];
	s0 =	simm.s32 @p0 $0x1  }
0x13: {  	[smem:$0x3FB3] =	sst s0;
	s0 =	simm.s32 @!p1 $0x0  }
0x14: {  	s2 =	sld [smem:$0x3F97];
	s0 =	simm.s32 @p1 $0x1  }
0x15: {  	[smem:$0x3FB4] =	sst s0;
	s0 =	simm.s32 @!p2 $0x0  }
0x16: {  	s3 =	sld [smem:$0x3FDB];
	s0 =	simm.s32 @p2 $0x1  }
0x17: {  	s4 =	simm.s32 $0x1BF5;
	[smem:$0x3FB6] =	sst s0  }
0x18: {  	s0 =	sld [smem:$0x3F99];
	_ =	swait.ge [sflag:s4], $0x0  }
0x19: {  	s7 =	sld [smem:$0x3F9A]  }
0x1a: {  	s8 =	sadd.s32 $0xFFFFE003, lr  }
0x1b: {  	s9 =	sadd.s32 $0xFFFFFEF7, lr;
	s5 =	simm.s32 $0xFFFFFFFF;
	p2 =	slt.u32 s8, $0xFFFFF086  }
0x1c: {  	p1 =	slt.u32 s9, $0xF7A;
	s5 =	simm.s32 @!p2 $0x0  }
0x1d: {  	s5 =	simm.s32 @p1 $0x1;
	p0 =	seq.s32 s7, s2  }
0x1e: {  	s7 =	smul.u32 @!p0 $0xF7A, s2;
	p2 =	seq.s32 @!p0 s5, $0x0  }
0x1f: {  	s9 =	smul.u32 $0xF7A, s1;
	s8 =	simm.s32 @!p0 $0x1BF5;
	p2 =	por !p2, p0  }
0x20: {  	[sflag:s8] =	ssyncset.s32 @!p0 $0xFFFFF086;
	s6 =	sadd.s32 @!p0 s3, s7;
	s7 =	simm.s32 @!p0 $0x108  }
0x21: {  	s3 =	sadd.s32 s3, s9;
	s6 =	sadd.s32 @!p0 $0x88, s6;
	s7 =	simm.s32 @p2 $0x1082  }
0x22: {  	[simem:s7], [sflag:s8] =	dma.local @!p0 [hbm:s6], $0xF7A  }
0x23: {  	s9 =	sor.u32 $0xD0000000, s2;
	s6 =	simm.s32 $0x108;
	_ =	swait.ge @!p0 [sflag:s8], $0x0  }
0x24: {  	s3 =	sadd.s32 $0x88, s3;
	s6 =	simm.s32 @!p1 $0x1082;
	[sflag:s4] =	ssyncset.s32 $0xFFFFF086  }
0x25: {  	[simem:s6], [sflag:s4] =	dma.local [hbm:s3], $0xF7A  }
0x26: {  	[smem:$0x3F9A] =	sst s1;
	(tag) =	ssettag s2;
	_ =	strace s9  }
0x27: {  	s1 =	sld [smem:$0x3FAA]  }
0x28: {  	s2 =	sld [smem:$0x3FAB]  }
0x29: {  	s4 =	sld [smem:$0x3FAD]  }
0x2a: {  	p0 =	seq.s32 s5, $0x0;
	s5 =	sld [smem:$0x3FAE]  }
0x2b: {  	s6 =	sld [smem:$0x3FAF]  }
0x2c: {  	s7 =	sld [smem:$0x3FB0]  }
0x2d: {  	s3 =	simm.s32 $0x108;
	s8 =	sld [smem:$0x3FB1]  }
0x2e: {  	s3 =	simm.s32 @!p0 $0x1082;
	s9 =	sld [smem:$0x3FB2]  }
0x2f: {  	lr =	sadd.s32 s0, s3;
	s0 =	sld [smem:$0x3FA9]  }
0x30: {  	s3 =	sld [smem:$0x3FAC]  }
0x31: {  	[smem:$0x3FB5] =	sst s10  }
0x32: {  	s10 =	sld [smem:$0x3FB3];
	_ =	sdelay $0x3  }
0x33: {  	p0 =	seq.s32 s10, $0x1;
	s10 =	sld [smem:$0x3FB5];
	_ =	sdelay $0x3  }
0x34: {  	[smem:$0x3FB5] =	sst s10  }
0x35: {  	s10 =	sld [smem:$0x3FB4];
	_ =	sdelay $0x3  }
0x36: {  	p1 =	seq.s32 s10, $0x1;
	s10 =	sld [smem:$0x3FB5];
	_ =	sdelay $0x3  }
0x37: {  	[smem:$0x3FB5] =	sst s10  }
0x38: {  	s10 =	sld [smem:$0x3FB6]  }
0x39: {  	_ = 	snop;
	(pc) =	sbr.ind lr, $3  }
0x3a: {  	_ = 	snop  }
0x3b: {  	_ = 	snop  }
0x3c: {  	p2 =	seq.s32 s10, $0x1;
	s10 =	sld [smem:$0x3FB5]  }
0x3d: {  	_ =	shalt  }
0x3e: {  	_ =	shalt  }
0x3f: {  	_ =	shalt  }
0x40: {  	_ =	shalt  }
0x41: {  	_ =	shalt  }
0x42: {  	_ =	shalt  }
0x43: {  	_ =	shalt  }
0x44: {  	_ =	shalt  }
0x45: {  	_ =	shalt  }
0x46: {  	_ =	shalt  }
0x47: {  	_ =	shalt  }
0x48: {  	_ =	shalt  }
0x49: {  	_ =	shalt  }
0x4a: {  	_ =	shalt  }
0x4b: {  	_ =	shalt  }
0x4c: {  	_ =	shalt  }
0x4d: {  	_ =	shalt  }
0x4e: {  	_ =	shalt  }
0x4f: {  	_ =	shalt  }
0x50: {  	_ =	shalt  }
0x51: {  	_ =	shalt  }
0x52: {  	_ =	shalt  }
0x53: {  	_ =	shalt  }
0x54: {  	_ =	shalt  }
0x55: {  	_ =	shalt  }
0x56: {  	_ =	shalt  }
0x57: {  	_ =	shalt  }
0x58: {  	_ =	shalt  }
0x59: {  	_ =	shalt  }
0x5a: {  	_ =	shalt  }
0x5b: {  	_ =	shalt  }
0x5c: {  	_ =	shalt  }
0x5d: {  	_ =	shalt  }
0x5e: {  	_ =	shalt  }
0x5f: {  	_ =	shalt  }
0x60: {  	_ =	shalt  }
0x61: {  	_ =	shalt  }
0x62: {  	_ =	shalt  }
0x63: {  	_ =	shalt  }
0x64: {  	_ =	shalt  }
0x65: {  	_ =	shalt  }
0x66: {  	_ =	shalt  }
0x67: {  	_ =	shalt  }
0x68: {  	_ =	shalt  }
0x69: {  	_ =	shalt  }
0x6a: {  	_ =	shalt  }
0x6b: {  	_ =	shalt  }
0x6c: {  	_ =	shalt  }
0x6d: {  	_ =	shalt  }
0x6e: {  	_ =	shalt  }
0x6f: {  	_ =	shalt  }
0x70: {  	_ =	shalt  }
0x71: {  	_ =	shalt  }
0x72: {  	_ =	shalt  }
0x73: {  	_ =	shalt  }
0x74: {  	_ =	shalt  }
0x75: {  	_ =	shalt  }
0x76: {  	_ =	shalt  }
0x77: {  	_ =	shalt  }
0x78: {  	_ =	shalt  }
0x79: {  	_ =	shalt  }
0x7a: {  	_ =	shalt  }
0x7b: {  	_ =	shalt  }
0x7c: {  	_ =	shalt  }
0x7d: {  	_ =	shalt  }
0x7e: {  	_ =	shalt  }
0x7f: {  	_ =	shalt  }
0x80: {  	_ =	shalt  }
0x81: {  	_ =	shalt  }
0x82: {  	_ =	shalt  }
0x83: {  	_ =	shalt  }
0x84: {  	_ =	shalt  }
0x85: {  	_ =	shalt  }
0x86: {  	_ =	shalt  }
0x87: {  	_ =	shalt  }
.Lfunc_end0:
.L_simem_size_0:
called_computation_lowered:
.L_overlay_start_0:
0x88: {  	s2 =	sld [smem:$0x3FD9]  }
0x89: {  	s3 =	sld [smem:$0x3FFE];
	_ =	sdelay $0x1  }
0x8a: {  	s1 =	srdreg.scid  }
0x8b: {  	s0 =	sand.u32 $0x1, s1  }
0x8c: {  	s17 =	sshll.u32 s0, $0xA;
	s2 =	sadd.s32 s3, s2  }
0x8d: {  	s2 =	sadd.s32 s2, s17  }
0x8e: {  	[smem:$0x3FC1] =	sst s2  }
0x8f: {  	_ = 	snop  }
0x90: {  	s2 =	sld [smem:$0x3FD0];
	(tm) =	ssettm $0x1  }
0x91: {  	s18 =	sld [smem:$0x3FFB];
	_ =	sdelay $0x3  }
0x92: {  	_ =	strace s18  }
0x93: {  	s3 =	sld [smem:$0x3FFC];
	_ =	sdelay $0x3  }
0x94: {  	_ =	strace s3  }
0x95: {  	s3 =	sld [smem:$0x3FFD];
	_ =	sdelay $0x3  }
0x96: {  	_ =	strace s3  }
0x97: {  	_ =	strace $0x8FFFFFFF  }
0x98: {  	s19 =	sld [smem:$0x3FDB];
	_ =	sdelay $0x1  }
0x99: {  	s4 =	simm.s32 $_scs_section_size  }
0x9a: {  	s5 =	simm.s32 $_size__tile_overlayer_lowered;
	s6 =	simm.s32 $_tile_overlayer_lowered  }
0x9b: {  	s22 =	simm.s32 $0x1BFF;
	s21 =	sshll.u32 s6, $0x1;
	s3 =	sadd.s32 s4, s19  }
0x9c: {  	s7 =	simm.s32 $0x0;
	s20 =	sshll.u32 s5, $0x1;
	s5 =	sadd.s32 s21, s3  }
0x9d: {  	[timem:s7], [sflag:s22] =	dma.local [hbm:s5], s20  }
0x9e: {  	_ =	swait.ge [sflag:s22], s20  }
0x9f: {  	s4 =	ssub.s32 $0x0, s20;
	[sflag:s22] =	ssyncset.done $0x0  }
0xa0: {  	[sflag:s22] =	ssyncadd.s32 s4;
	_ =	sdelay $0x1  }
0xa1: {  	s23 =	simm.s32 $0x1B8B  }
0xa2: {  	_ =	swait.ge [sflag:s23], $0x1  }
0xa3: {  	[sflag:s23] =	ssyncset.done $0x0  }
0xa4: {  	s25 =	simm.s32 $0x1B8E;
	s24 =	sld [smem:$0x3FFE];
	[sflag:s23] =	ssyncadd.s32 $0xFFFFFFFF  }
0xa5: {  	s26 =	simm.s32 $execute0_lowered;
	[smem:$0x3FD2] =	sst s25  }
0xa6: {  	s5 =	sshll.u32 s26, $0x1;
	_ =	strace $0x80000046;
	[dreg:$0x1] =	wrdreg $0xFFFFFFFF  }
0xa7: {  	s28 =	simm.s32 $_size_execute0_lowered;
	s3 =	sadd.s32 s3, s5;
	[dreg:$0x0] =	wrdreg $0x0  }
0xa8: {  	s5 =	sshll.u32 s28, $0x1;
	[dreg:$0x2] =	wrdreg s3  }
0xa9: {  	[dreg:$0x3] =	wrdreg s5  }
0xaa: {  	[dreg:$0x4] =	wrdreg $0xC0  }
0xab: {  	_ =	task [dreg:s7], $0x5FFFF  }
0xac: {  	[dreg:$0x1] =	wrdreg $0xFFFFFFFF  }
0xad: {  	[dreg:$0x0] =	wrdreg $0x60  }
0xae: {  	[dreg:$0x2] =	wrdreg s24  }
0xaf: {  	[dreg:$0x3] =	wrdreg s2  }
0xb0: {  	[dreg:$0x4] =	wrdreg $0xA4000  }
0xb1: {  	[dreg:$0x5] =	wrdreg $0x9  }
0xb2: {  	_ =	task.clear_ibuf [dreg:s7], $0x6FFFF;
	_ =	strace $0x90000046  }
0xb3: {  	s29 =	simm.s32 $0x9;
	_ =	strace $0x80000048  }
0xb4: {  	_ =	swait.ge [sflag:s29], $0x1  }
0xb5: {  	[sflag:s29] =	ssyncadd.s32 $0xFFFFFFFF  }
0xb6: {  	_ =	strace $0x90000048  }
0xb7: {  	_ =	sfence  }
0xb8: {  	s30 =	sld [smem:$0x0];
	_ =	sdelay $0x2  }
0xb9: {  	s31 =	sshll.u32 s1, $0xD;
	s1 =	sshrl.u32 s1, $0x2  }
0xba: {  	s3 =	sand.u32 $0x4000, s31;
	s1 =	sadd.s32 s1, s30  }
0xbb: {  	s0 =	sor.u32 s3, s0;
	s1 =	sshll.u32 s1, $0x11  }
0xbc: {  	s0 =	sor.u32 s1, s0  }
0xbd: {  	s0 =	sadd.s32 $0x8F2B, s0  }
0xbe: {  	[sflag:s0] =	ssyncadd.remote.s32 $0x1  }
0xbf: {  	_ =	sfence.sel $0xFFFF  }
0xc0: {  	[dreg:$0x0] =	wrdreg $0xFFFFFFFF;
	(pc) =	sbr.abs _section_cstart, $3  }
0xc1: {  	[dreg:$0x1] =	wrdreg $0xFFFFFFFF  }
0xc2: {  	_ =	task.clear_ibuf [dreg:s7], $0x2FFFF;
	_ =	strace $0x9FFFFFFF  }
0xc3: {  	(tm) =	ssettm $0x7FFFFFFF  }
tec
execute0_lowered:
.L_overlay_start_1:
0x0: {  	(tag) =	ssettag $0x1  }
0x1: {  	s3 =	rddreg [dreg:$0x0]  }
0x2: {  	s5 =	rddreg [dreg:$0x1]  }
0x3: {  	s6 =	rddreg [dreg:$0x2]  }
0x4: {  	s0 =	rddreg [dreg:$0x3];
	s2 =	simm.s32 $0x0;
	s4 =	srdreg.scid  }
0x5: {  	s1 =	stileid.u32;
	s13 =	simm.s32 $0x20000;
	s14 =	simm.s32 $0x6000  }
0x6: {  	s15 =	simm.s32 $0xA000;
	s16 =	simm.s32 $0x0;
	[smem:$0x7FF] =	sst s2  }
0x7: {  	s7 =	sand.u32 $0x1, s4;
	s28 =	sshll.u32 s1, $0xA;
	s10 =	sshll.u32 s1, $0xE  }
0x8: {  	s31 =	sshll.u32 s1, $0x7;
	s12 =	sshll.u32 s1, $0xD;
	_ =	strace $0x80000047  }
0x9: {  	s8 =	ssub.s32 $0x2, s7;
	s4 =	sadd.s32 s28, s3;
	s3 =	sadd.s32 $0x13200, s3  }
0xa: {  	s29 =	sshll.u32 s7, $0xE;
	s30 =	sand.u32 $0x20000, s10;
	s11 =	sand.u32 $0x380, s31  }
0xb: {  	s7 =	sshll.u32 s7, $0xB;
	s10 =	sadd.s32 s5, s31;
	s9 =	sshrl.u32 s8, $0x1  }
0xc: {  	s4 =	sadd.s32 s29, s4;
	s7 =	sadd.s32 s7, s10;
	s10 =	simm.s32 $0x1  }
0xd: {  	s8 =	ssub.s32 s8, s9;
	s4 =	sadd.s32 $0xB200, s4;
	s9 =	sadd.s32 s30, s6  }
0xe: {  	s6 =	sadd.s32 s12, s6;
	s12 =	simm.s32 $0x400;
	s5 =	sadd.s32 s11, s9  }
0xf: {  	v0 =	vimm.f32 $1.000000000e+00;
	s8 =	smax.u32 s8, $0x1;
	s9 =	simm.s32 $0x2000;
	s11 =	simm.s32 $0x80  }
.LBB2_1:
0x10: {  	[tilespmem:s9], [sflag:$0x1] =	stream.linear.gather [hbm4b:s3+s2], $0x4000, $0x38;
	[tilespmem:$0xE400] =	vst v63  }
0x11: {  	_ =	swait.ge [sflag:s10], $0x4000  }
0x12: {  	[sflag:s10] =	ssyncset.done $0x0  }
0x13: {  	[sflag:s10] =	ssyncadd.s32 $0xFFFFC000  }
0x14: {  	[tilespmem:s2], [sflag:$0x1] =	stream.linear.gather [hbm4b:s4+s2], $0x2000, $0x38;
	[tilespmem:$0xE400] =	vst v63  }
0x15: {  	_ =	swait.ge [sflag:s10], $0x2000  }
0x16: {  	[sflag:s10] =	ssyncset.done $0x0  }
0x17: {  	s18 =	simm.s32 $0x0;
	s17 =	simm.s32 $0x40;
	[sflag:s10] =	ssyncadd.s32 $0xFFFFE000  }
.LBB2_2:
0x18: {  	p0 =	sne.s32 s17, $0x7FC0;
	v1 =	vld [tilespmem:s18+$0x0];
	_ =	sdelay $0x3  }
.Ltmp0:
0x19: {  	(pc) =	sbr.rel @p0 .LBB2_2-.Ltmp0, $2  }
0x1a: {  	_ =	sdelay $0x2  }
0x1b: {  	s18 =	sshra.s32 s17, $0x2;
	s17 =	sadd.s32 $0x40, s17;
	[tilespmem:v1+s9+$0x0] =	vst.idx.add.f32.msk $0xffff, v0  }
0x1c: {  	v1 =	vld [tilespmem:s18+$0x0];
	_ =	sdelay $0x7  }
0x1d: {  	[tilespmem:v1+s9+$0x0] =	vst.idx.add.f32.msk $0xffff, v0  }
0x1e: {  	[spmem:s5] =	stream.strided.scatter [tilespmem:s9], [sflag:$0x1], $0x4000, s12, s11, $0x38;
	[tilespmem:$0xE400] =	vst v63  }
0x1f: {  	_ =	swait.ge [sflag:s10], $0x4000  }
0x20: {  	[sflag:s10] =	ssyncset.done $0x0  }
0x21: {  	[sflag:s10] =	ssyncadd.s32 $0xFFFFC000  }
0x22: {  	[bflag:$0x0] =	sbarrier.arrive $0xFFFF  }
0x23: {  	[tilespmem:s14], [sflag:$0x1] =	stream.strided.gather [spmem:s6], $0x4000, s13, s9, $0x38;
	[tilespmem:$0xE400] =	vst v63  }
0x24: {  	s17 =	simm.s32 $0x0;
	_ =	swait.ge [sflag:s10], $0x4000  }
0x25: {  	s30 =	sand.u32 $0x70, s17;
	s17 =	sand.u32 $0x1C00, s17;
	[sflag:s10] =	ssyncset.done $0x0  }
0x26: {  	s17 =	sor.u32 s30, s17;
	[sflag:s10] =	ssyncadd.s32 $0xFFFFC000  }
0x27: {  	v1 =	vld [tilespmem:s17+$0x6080]  }
0x28: {  	v2 =	vld [tilespmem:s17+$0x6000];
	_ =	sdelay $0x1  }
0x29: {  	v3 =	vld [tilespmem:s17+$0x6100];
	_ =	sdelay $0x1  }
0x2a: {  	v4 =	vld [tilespmem:s17+$0x6180]  }
0x2b: {  	v1 =	vadd.f32 v1, v2  }
0x2c: {  	v2 =	vld [tilespmem:s17+$0x6200]  }
0x2d: {  	v1 =	vadd.f32 v3, v1  }
0x2e: {  	v3 =	vld [tilespmem:s17+$0x6280]  }
0x2f: {  	v1 =	vadd.f32 v4, v1  }
0x30: {  	v60 =	vld [tilespmem:s17+$0x6300]  }
0x31: {  	v1 =	vadd.f32 v2, v1  }
0x32: {  	v2 =	vld [tilespmem:s17+$0x6380]  }
0x33: {  	v1 =	vadd.f32 v3, v1  }
0x34: {  	v3 =	vld [tilespmem:s17+$0x8000]  }
0x35: {  	v1 =	vadd.f32 v60, v1  }
0x36: {  	v61 =	vld [tilespmem:s17+$0x8080]  }
0x37: {  	v1 =	vadd.f32 v2, v1  }
0x38: {  	v2 =	vld [tilespmem:s17+$0x8100]  }
0x39: {  	v1 =	vadd.f32 v3, v1  }
0x3a: {  	v3 =	vld [tilespmem:s17+$0x8180]  }
0x3b: {  	v1 =	vadd.f32 v61, v1  }
0x3c: {  	v62 =	vld [tilespmem:s17+$0x8200]  }
0x3d: {  	v1 =	vadd.f32 v2, v1  }
0x3e: {  	v2 =	vld [tilespmem:s17+$0x8280]  }
0x3f: {  	v1 =	vadd.f32 v3, v1  }
0x40: {  	v3 =	vld [tilespmem:s17+$0x8300]  }
0x41: {  	v1 =	vadd.f32 v62, v1  }
0x42: {  	v63 =	vld [tilespmem:s17+$0x8380]  }
0x43: {  	v1 =	vadd.f32 v2, v1;
	_ =	sdelay $0x1  }
0x44: {  	v1 =	vadd.f32 v3, v1;
	_ =	sdelay $0x1  }
0x45: {  	s31 =	simm.s32 $0x10;
	s19 =	simm.s32 $0x80;
	v1 =	vadd.f32 v63, v1  }
0x46: {  	s18 =	sand.u32 $0x70, s31;
	s20 =	sand.u32 $0x1C00, s19;
	s17 =	simm.s32 $0xA000  }
0x47: {  	s18 =	sor.u32 s18, s20;
	s20 =	simm.s32 $0x20;
	[tilespmem:s17+$0x0] =	vst v1  }
.LBB2_4:
0x48: {  	p0 =	sne.s32 s20, $0x3F0;
	v1 =	vld [tilespmem:s18+$0x6080]  }
0x49: {  	v2 =	vld [tilespmem:s18+$0x6000];
	_ =	sdelay $0x1  }
0x4a: {  	v3 =	vld [tilespmem:s18+$0x6100];
	_ =	sdelay $0x1  }
0x4b: {  	v4 =	vld [tilespmem:s18+$0x6180]  }
0x4c: {  	v1 =	vadd.f32 v1, v2  }
0x4d: {  	v2 =	vld [tilespmem:s18+$0x6200]  }
0x4e: {  	v1 =	vadd.f32 v3, v1  }
0x4f: {  	v3 =	vld [tilespmem:s18+$0x6280]  }
0x50: {  	v1 =	vadd.f32 v4, v1  }
0x51: {  	v4 =	vld [tilespmem:s18+$0x6300]  }
0x52: {  	v1 =	vadd.f32 v2, v1  }
0x53: {  	v2 =	vld [tilespmem:s18+$0x6380]  }
0x54: {  	v1 =	vadd.f32 v3, v1  }
0x55: {  	v3 =	vld [tilespmem:s18+$0x8000]  }
0x56: {  	v1 =	vadd.f32 v4, v1  }
0x57: {  	v4 =	vld [tilespmem:s18+$0x8080]  }
0x58: {  	v1 =	vadd.f32 v2, v1  }
0x59: {  	v2 =	vld [tilespmem:s18+$0x8100]  }
0x5a: {  	v1 =	vadd.f32 v3, v1  }
0x5b: {  	v3 =	vld [tilespmem:s18+$0x8180]  }
0x5c: {  	v1 =	vadd.f32 v4, v1  }
0x5d: {  	v4 =	vld [tilespmem:s18+$0x8200]  }
0x5e: {  	v1 =	vadd.f32 v2, v1  }
0x5f: {  	v2 =	vld [tilespmem:s18+$0x8280]  }
0x60: {  	v1 =	vadd.f32 v3, v1  }
0x61: {  	v3 =	vld [tilespmem:s18+$0x8300]  }
0x62: {  	v1 =	vadd.f32 v4, v1  }
0x63: {  	v4 =	vld [tilespmem:s18+$0x8380]  }
0x64: {  	v1 =	vadd.f32 v2, v1;
	_ =	sdelay $0x1  }
.Ltmp1:
0x65: {  	v1 =	vadd.f32 v3, v1;
	(pc) =	sbr.rel @p0 .LBB2_4-.Ltmp1, $4  }
0x66: {  	_ = 	snop  }
0x67: {  	s19 =	sadd.s32 $0x80, s19;
	v1 =	vadd.f32 v4, v1  }
0x68: {  	s17 =	sadd.s32 $0x10, s17;
	s21 =	sand.u32 $0x1C00, s19;
	s18 =	sand.u32 $0x70, s20  }
0x69: {  	s20 =	sadd.s32 $0x10, s20;
	s18 =	sor.u32 s18, s21;
	[tilespmem:s17+$0x0] =	vst v1  }
0x6a: {  	v1 =	vld [tilespmem:s18+$0x6080]  }
0x6b: {  	v2 =	vld [tilespmem:s18+$0x6000];
	_ =	sdelay $0x1  }
0x6c: {  	v3 =	vld [tilespmem:s18+$0x6100];
	_ =	sdelay $0x1  }
0x6d: {  	v4 =	vld [tilespmem:s18+$0x6180]  }
0x6e: {  	v1 =	vadd.f32 v1, v2  }
0x6f: {  	v2 =	vld [tilespmem:s18+$0x6200]  }
0x70: {  	v1 =	vadd.f32 v3, v1  }
0x71: {  	v3 =	vld [tilespmem:s18+$0x6280]  }
0x72: {  	v1 =	vadd.f32 v4, v1  }
0x73: {  	v60 =	vld [tilespmem:s18+$0x6300]  }
0x74: {  	v1 =	vadd.f32 v2, v1  }
0x75: {  	v2 =	vld [tilespmem:s18+$0x6380]  }
0x76: {  	v1 =	vadd.f32 v3, v1  }
0x77: {  	v3 =	vld [tilespmem:s18+$0x8000]  }
0x78: {  	v1 =	vadd.f32 v60, v1  }
0x79: {  	v61 =	vld [tilespmem:s18+$0x8080]  }
0x7a: {  	v1 =	vadd.f32 v2, v1  }
0x7b: {  	v2 =	vld [tilespmem:s18+$0x8100]  }
0x7c: {  	v1 =	vadd.f32 v3, v1  }
0x7d: {  	v3 =	vld [tilespmem:s18+$0x8180]  }
0x7e: {  	v1 =	vadd.f32 v61, v1  }
0x7f: {  	v62 =	vld [tilespmem:s18+$0x8200]  }
0x80: {  	v1 =	vadd.f32 v2, v1  }
0x81: {  	v2 =	vld [tilespmem:s18+$0x8280]  }
0x82: {  	v1 =	vadd.f32 v3, v1  }
0x83: {  	v3 =	vld [tilespmem:s18+$0x8300]  }
0x84: {  	v1 =	vadd.f32 v62, v1  }
0x85: {  	v63 =	vld [tilespmem:s18+$0x8380]  }
0x86: {  	v1 =	vadd.f32 v2, v1;
	_ =	sdelay $0x1  }
0x87: {  	v1 =	vadd.f32 v3, v1;
	_ =	sdelay $0x1  }
0x88: {  	s16 =	sadd.s32 $0x1, s16;
	v1 =	vadd.f32 v63, v1  }
0x89: {  	s17 =	sadd.s32 $0x10, s17;
	p0 =	sne.s32 s16, s8  }
.Ltmp2:
0x8a: {  	[tilespmem:s17+$0x0] =	vst v1;
	(pc) =	sbr.rel @p0 .LBB2_1-.Ltmp2, $4  }
0x8b: {  	[hbm4b:s7+s2] =	stream.linear.scatter [tilespmem:s15], [sflag:$0x1], $0x400, $0x38;
	[tilespmem:$0xE400] =	vst v63  }
0x8c: {  	_ =	swait.ge [sflag:s10], $0x400  }
0x8d: {  	[sflag:s10] =	ssyncset.done $0x0  }
0x8e: {  	[sflag:s10] =	ssyncadd.s32 $0xFFFFFC00  }
0x8f: {  	_ =	sfence.sel $0x180000  }
0x90: {  	[bflag:$0x0] =	sbarrier.arrive $0xFFFF  }
0x91: {  	p0 =	sne.s32 s1, $0x0;
	_ =	strace $0x90000047  }
0x92: {  	s0 =	sadd.s32 @!p0 $0x100000, s0;
	[bflag:$0x2] =	sbarrier.arrive $0xFFFF  }
0x93: {  	[sflag:s0] =	ssyncadd.tile.s32 @!p0 $0x1;
	_ =	shalt  }
.Lfunc_end2:
_tile_overlayer_lowered:
.L_overlay_start_2:
0x94: {  	(tag) =	ssettag $0x2  }
0x95: {  	s0 =	rddreg [dreg:$0x0];
	s2 =	stileid.u32  }
0x96: {  	s1 =	rddreg [dreg:$0x1];
	p0 =	sne.s32 s2, $0x0  }
0x97: {  	s3 =	rddreg [dreg:$0x2];
	[bflag:$0x3] =	sbarrier.arrive $0xFFFF;
	s2 =	simm.s32 @!p0 $0x1C01  }
0x98: {  	[timem:s3], [sflag:s2] =	dma.local @!p0 [hbm:s0], s1  }
0x99: {  	s0 =	simm.s32 @!p0 $0x1  }
0x9a: {  	_ =	swait.ge @!p0 [sflag:s0], s1  }
0x9b: {  	s1 =	ssub.s32 @!p0 $0x0, s1;
	[sflag:s0] =	ssyncset.done @!p0 $0x0  }
0x9c: {  	[sflag:s0] =	ssyncadd.s32 @!p0 s1  }
0x9d: {  	[bflag:$0x3] =	sbarrier.arrive $0xFFFF  }
0x9e: {  	_ =	shalt  }

</sc_bundles>
